<compile_context>
chip_gen: v7x
topology: tpu7x:2x2x1
jax: 0.10.2.dev20260603
libtpu: 0.0.44.dev20260713+nightly
codegen_flags: <defaults>
</compile_context>

<pallas_src>
import jax
import jax.numpy as jnp
from jax import lax
from jax.experimental import pallas as pl
from jax.experimental.pallas import tpu as pltpu
from jax.experimental.pallas import tpu_sc as plsc

B = 16384
L = 200
E = 16
V = 1000000

NC, NS = 2, 16
NW = NC * NS
TI = L // 8
TJ = B // 128
NT = TI * TJ
TILE = 1024
TPAD = TILE + 1
IDX_ROWS = 8
TPW = NT // NW

_mesh = plsc.VectorSubcoreMesh(
    core_axis_name="c", subcore_axis_name="s", num_cores=NC, num_subcores=NS
)


def _body(x_hbm, table_hbm, out_hbm,
          idx_s, rows_s, outT_s, isem_s, gsem_s, osem_s):
    wid = lax.axis_index("s") * NC + lax.axis_index("c")
    eoff = lax.iota(jnp.int32, 16)
    t_base = wid * TPW

    def fire_idx(b, t):
        pltpu.async_copy(
            x_hbm.at[pl.ds((t_base + t) * IDX_ROWS, IDX_ROWS)],
            idx_s[b], isem_s[b],
        )

    def fire_gat(b, t):
        del t
        pltpu.make_async_copy(x_hbm.at[pl.ds(0, IDX_ROWS)], idx_s[b],
                              isem_s[b]).wait()
        for j in range(IDX_ROWS):
            pltpu.async_copy(
                table_hbm.at[idx_s[b].at[j]],
                rows_s[b].at[pl.ds(j * 128, 128)],
                gsem_s[b],
            )

    def drain_gathers(b):
        pltpu.make_async_copy(table_hbm.at[pl.ds(0, TILE)], rows_s[b],
                              gsem_s[b]).wait()

    def out_slice(t):
        return out_hbm.at[:, pl.ds((t_base + t) * TILE, TILE)]

    def drain_out(ob):
        pltpu.make_async_copy(outT_s[ob].at[:, pl.ds(0, TILE)], out_slice(0),
                              osem_s[ob]).wait()

    def scat(b, ob):
        rows_v = rows_s[b]
        outT = outT_s[ob]

        @plsc.parallel_loop(0, TILE // 16, unroll=2)
        def _(k16):
            base = k16 * 16
            for kk in range(16):
                k = base + kk
                vec = rows_v[k, :]
                plsc.store_scatter(outT, [eoff, jnp.broadcast_to(k, (16,))], vec)

    for b in range(4):
        fire_idx(b, b)
    fire_gat(0, 0)
    fire_gat(1, 1)
    fire_gat(2, 2)

    def step(q, carry):
        for b in range(4):
            t = 4 * q + b
            ob = b % 2
            drain_gathers(b)

            @pl.when(t + 3 < TPW)
            def _():
                fire_gat((b + 3) % 4, t + 3)

            @pl.when(t > 1)
            def _():
                drain_out(ob)

            scat(b, ob)
            pltpu.async_copy(outT_s[ob].at[:, pl.ds(0, TILE)], out_slice(t),
                             osem_s[ob])

            @pl.when(t + 4 < TPW)
            def _():
                fire_idx(b, t + 4)
        return carry

    lax.fori_loop(0, TPW // 4, step, 0)
    drain_out(0)
    drain_out(1)


_gather_transpose = pl.kernel(
    _body,
    out_type=jax.ShapeDtypeStruct((E, NT * TILE), jnp.float32),
    mesh=_mesh,
    scratch_types=[
        [pltpu.VMEM((IDX_ROWS, 128), jnp.int32) for _ in range(4)],
        [pltpu.VMEM((TILE, E), jnp.float32) for _ in range(4)],
        [pltpu.VMEM((E, TPAD), jnp.float32) for _ in range(2)],
        [pltpu.SemaphoreType.DMA for _ in range(4)],
        [pltpu.SemaphoreType.DMA for _ in range(4)],
        [pltpu.SemaphoreType.DMA for _ in range(2)],
    ],
    compiler_params=pltpu.CompilerParams(
        needs_layout_passes=False, use_tc_tiling_on_sc=False
    ),
)


@jax.jit
def kernel(x, table):
    x_pre = (
        x.transpose(1, 0)
        .reshape(TI, 8, TJ, 128)
        .transpose(0, 2, 1, 3)
        .reshape(NT * IDX_ROWS, 128)
    )
    out2d = _gather_transpose(x_pre, table)
    out = (
        out2d.reshape(E, TI, TJ, 8, 128)
        .transpose(2, 4, 0, 1, 3)
        .reshape(B, E, L)
    )
    return out

# --- scband reference (transcript-rebuilt; emitter-appended) ---
"""Pipeline reference for scband-encode-model-23407571763852 (READ-ONLY COPY).

The authoritative reference and input builder live on the scoring server;
editing this copy changes nothing except your own understanding.
"""

import jax, jax.numpy as jnp
import numpy as np

CHAR_DIM = 1000000
EMBED_DIM = 16
BATCH = 16384
SEQ = 200

def setup_inputs(seed: int = 0) -> dict:
    key = jax.random.key(seed)
    k1, k2 = jax.random.split(key)
    x = jax.random.randint(k1, (BATCH, SEQ), 0, CHAR_DIM, dtype=jnp.int64 if jax.config.jax_enable_x64 else jnp.int32).astype(jnp.int32)
    table = jax.random.normal(k2, (CHAR_DIM, EMBED_DIM), dtype=jnp.float32)
    return {"x": x, "table": table}

def reference(x, table):
    # nn.Embedding lookup: [B, L] -> [B, L, E]
    emb = jnp.take(table, x, axis=0)
    # permute(0, 2, 1): [B, L, E] -> [B, E, L]
    out = jnp.transpose(emb, (0, 2, 1))
    return out

if __name__ == "__main__":
    import jax
    _d = setup_inputs()
    print(jax.jit(kernel)(*tuple(_d.values())))

</pallas_src>

<mosaic_0001>
#map = affine_map<(d0, d1) -> (0, 0)>
module attributes {stable_mosaic.version = 14 : i64} {
  func.func @_body(%arg0: i32, %arg1: i32, %arg2: memref<25600x128xi32, #tpu.memory_space<hbm>>, %arg3: memref<1000000x16xf32, #tpu.memory_space<hbm>>, %arg4: memref<16x3276800xf32, #tpu.memory_space<hbm>>, %arg5: memref<8x128xi32, #tpu.memory_space<vmem>>, %arg6: memref<8x128xi32, #tpu.memory_space<vmem>>, %arg7: memref<8x128xi32, #tpu.memory_space<vmem>>, %arg8: memref<8x128xi32, #tpu.memory_space<vmem>>, %arg9: memref<1024x16xf32, #tpu.memory_space<vmem>>, %arg10: memref<1024x16xf32, #tpu.memory_space<vmem>>, %arg11: memref<1024x16xf32, #tpu.memory_space<vmem>>, %arg12: memref<1024x16xf32, #tpu.memory_space<vmem>>, %arg13: memref<16x1025xf32, #tpu.memory_space<vmem>>, %arg14: memref<16x1025xf32, #tpu.memory_space<vmem>>, %arg15: memref<!tpu.dma_semaphore, #tpu.memory_space<semaphore_mem>>, %arg16: memref<!tpu.dma_semaphore, #tpu.memory_space<semaphore_mem>>, %arg17: memref<!tpu.dma_semaphore, #tpu.memory_space<semaphore_mem>>, %arg18: memref<!tpu.dma_semaphore, #tpu.memory_space<semaphore_mem>>, %arg19: memref<!tpu.dma_semaphore, #tpu.memory_space<semaphore_mem>>, %arg20: memref<!tpu.dma_semaphore, #tpu.memory_space<semaphore_mem>>, %arg21: memref<!tpu.dma_semaphore, #tpu.memory_space<semaphore_mem>>, %arg22: memref<!tpu.dma_semaphore, #tpu.memory_space<semaphore_mem>>, %arg23: memref<!tpu.dma_semaphore, #tpu.memory_space<semaphore_mem>>, %arg24: memref<!tpu.dma_semaphore, #tpu.memory_space<semaphore_mem>>) attributes {dimension_semantics = [#tpu.dimension_semantics<core_parallel>, #tpu.dimension_semantics<subcore_parallel>], iteration_bounds = array<i64: 2, 16>, scalar_prefetch = 0 : i64, scratch_operands = 20 : i64, tpu.core_type = #tpu.core_type<sc_vector_subcore>, window_params = [{transform_indices = #map}, {transform_indices = #map}, {transform_indices = #map}]} {
    %mul3A = arith.constant 2 : i32
    %mul3A_0 = arith.muli %arg1, %mul3A : i32
    %add3A = arith.addi %mul3A_0, %arg0 : i32
    %iota3A = tpu.iota {dimensions = array<i32: 0>} : vector<16xi32>
    %mul3A_1 = arith.constant 100 : i32
    %mul3A_2 = arith.muli %add3A, %mul3A_1 : i32
    %add3A_3 = arith.constant 0 : i32
    %add3A_4 = arith.addi %mul3A_2, %add3A_3 : i32
    %mul3A_5 = arith.constant 8 : i32
    %mul3A_6 = arith.muli %add3A_4, %mul3A_5 : i32
    %dma_start3A = arith.constant 0 : i32
    %dma_start3A_7 = tpu.memref_slice %arg2[%mul3A_6, %dma_start3A] : memref<25600x128xi32, #tpu.memory_space<hbm>> -> memref<8x128xi32, #tpu.memory_space<hbm>>
    %dma_start3A_8 = arith.constant 0 : i32
    %dma_start3A_9 = tpu.memref_slice %arg2[%mul3A_6, %dma_start3A_8] : memref<25600x128xi32, #tpu.memory_space<hbm>> -> memref<8x128xi32, #tpu.memory_space<hbm>>
    tpu.enqueue_dma source(%dma_start3A_9 : memref<8x128xi32, #tpu.memory_space<hbm>>) target(%arg5 : memref<8x128xi32, #tpu.memory_space<vmem>>) target_semaphore(%arg15 : memref<!tpu.dma_semaphore, #tpu.memory_space<semaphore_mem>>)
    %add3A_10 = arith.constant 1 : i32
    %add3A_11 = arith.addi %mul3A_2, %add3A_10 : i32
    %mul3A_12 = arith.constant 8 : i32
    %mul3A_13 = arith.muli %add3A_11, %mul3A_12 : i32
    %dma_start3A_14 = arith.constant 0 : i32
    %dma_start3A_15 = tpu.memref_slice %arg2[%mul3A_13, %dma_start3A_14] : memref<25600x128xi32, #tpu.memory_space<hbm>> -> memref<8x128xi32, #tpu.memory_space<hbm>>
    %dma_start3A_16 = arith.constant 0 : i32
    %dma_start3A_17 = tpu.memref_slice %arg2[%mul3A_13, %dma_start3A_16] : memref<25600x128xi32, #tpu.memory_space<hbm>> -> memref<8x128xi32, #tpu.memory_space<hbm>>
    tpu.enqueue_dma source(%dma_start3A_17 : memref<8x128xi32, #tpu.memory_space<hbm>>) target(%arg6 : memref<8x128xi32, #tpu.memory_space<vmem>>) target_semaphore(%arg16 : memref<!tpu.dma_semaphore, #tpu.memory_space<semaphore_mem>>)
    %add3A_18 = arith.constant 2 : i32
    %add3A_19 = arith.addi %mul3A_2, %add3A_18 : i32
    %mul3A_20 = arith.constant 8 : i32
    %mul3A_21 = arith.muli %add3A_19, %mul3A_20 : i32
    %dma_start3A_22 = arith.constant 0 : i32
    %dma_start3A_23 = tpu.memref_slice %arg2[%mul3A_21, %dma_start3A_22] : memref<25600x128xi32, #tpu.memory_space<hbm>> -> memref<8x128xi32, #tpu.memory_space<hbm>>
    %dma_start3A_24 = arith.constant 0 : i32
    %dma_start3A_25 = tpu.memref_slice %arg2[%mul3A_21, %dma_start3A_24] : memref<25600x128xi32, #tpu.memory_space<hbm>> -> memref<8x128xi32, #tpu.memory_space<hbm>>
    tpu.enqueue_dma source(%dma_start3A_25 : memref<8x128xi32, #tpu.memory_space<hbm>>) target(%arg7 : memref<8x128xi32, #tpu.memory_space<vmem>>) target_semaphore(%arg17 : memref<!tpu.dma_semaphore, #tpu.memory_space<semaphore_mem>>)
    %add3A_26 = arith.constant 3 : i32
    %add3A_27 = arith.addi %mul3A_2, %add3A_26 : i32
    %mul3A_28 = arith.constant 8 : i32
    %mul3A_29 = arith.muli %add3A_27, %mul3A_28 : i32
    %dma_start3A_30 = arith.constant 0 : i32
    %dma_start3A_31 = tpu.memref_slice %arg2[%mul3A_29, %dma_start3A_30] : memref<25600x128xi32, #tpu.memory_space<hbm>> -> memref<8x128xi32, #tpu.memory_space<hbm>>
    %dma_start3A_32 = arith.constant 0 : i32
    %dma_start3A_33 = tpu.memref_slice %arg2[%mul3A_29, %dma_start3A_32] : memref<25600x128xi32, #tpu.memory_space<hbm>> -> memref<8x128xi32, #tpu.memory_space<hbm>>
    tpu.enqueue_dma source(%dma_start3A_33 : memref<8x128xi32, #tpu.memory_space<hbm>>) target(%arg8 : memref<8x128xi32, #tpu.memory_space<vmem>>) target_semaphore(%arg18 : memref<!tpu.dma_semaphore, #tpu.memory_space<semaphore_mem>>)
    %dma_wait3A = arith.constant 0 : i32
    %dma_wait3A_34 = arith.constant 0 : i32
    %dma_wait3A_35 = tpu.memref_slice %arg2[%dma_wait3A, %dma_wait3A_34] : memref<25600x128xi32, #tpu.memory_space<hbm>> -> memref<8x128xi32, #tpu.memory_space<hbm>>
    %dma_wait3A_36 = arith.constant 0 : i32
    %dma_wait3A_37 = arith.constant 0 : i32
    %dma_wait3A_38 = tpu.memref_slice %arg2[%dma_wait3A_36, %dma_wait3A_37] : memref<25600x128xi32, #tpu.memory_space<hbm>> -> memref<8x128xi32, #tpu.memory_space<hbm>>
    tpu.wait_dma2 semaphore(%arg15 : memref<!tpu.dma_semaphore, #tpu.memory_space<semaphore_mem>>) src(%dma_wait3A_38 : memref<8x128xi32, #tpu.memory_space<hbm>>) dst(%arg5 : memref<8x128xi32, #tpu.memory_space<vmem>>)
    %dma_start3A_39 = arith.constant 0 : i32
    %dma_start3A_40 = arith.constant 0 : i32
    %dma_start3A_41 = arith.constant 0 : i32
    %dma_start3A_42 = tpu.memref_slice %arg9[%dma_start3A_40, %dma_start3A_41] : memref<1024x16xf32, #tpu.memory_space<vmem>> -> memref<128x16xf32, #tpu.memory_space<vmem>>
    %dma_start3A_43 = arith.constant 0 : i32
    %dma_start3A_44 = tpu.memref_slice %arg5[%dma_start3A_39, %dma_start3A_43] : memref<8x128xi32, #tpu.memory_space<vmem>> -> memref<1x128xi32, #tpu.memory_space<vmem>>
    %dma_start3A_45 = tpu.memref_squeeze %dma_start3A_44 : memref<1x128xi32, #tpu.memory_space<vmem>> -> memref<128xi32, #tpu.memory_space<vmem>>
    %dma_start3A_46 = arith.constant 0 : i32
    %dma_start3A_47 = arith.constant 0 : i32
    %dma_start3A_48 = tpu.memref_slice %arg3[%dma_start3A_46, %dma_start3A_47] : memref<1000000x16xf32, #tpu.memory_space<hbm>> -> memref<1000000x16xf32, #tpu.memory_space<hbm>>
    tpu.enqueue_indirect_dma source(%dma_start3A_48 : memref<1000000x16xf32, #tpu.memory_space<hbm>>) target(%dma_start3A_42 : memref<128x16xf32, #tpu.memory_space<vmem>>) offsets(%dma_start3A_45 : memref<128xi32, #tpu.memory_space<vmem>>) semaphore(%arg19 : memref<!tpu.dma_semaphore, #tpu.memory_space<semaphore_mem>>)
    %dma_start3A_49 = arith.constant 1 : i32
    %dma_start3A_50 = arith.constant 128 : i32
    %dma_start3A_51 = arith.constant 0 : i32
    %dma_start3A_52 = tpu.memref_slice %arg9[%dma_start3A_50, %dma_start3A_51] : memref<1024x16xf32, #tpu.memory_space<vmem>> -> memref<128x16xf32, #tpu.memory_space<vmem>>
    %dma_start3A_53 = arith.constant 0 : i32
    %dma_start3A_54 = tpu.memref_slice %arg5[%dma_start3A_49, %dma_start3A_53] : memref<8x128xi32, #tpu.memory_space<vmem>> -> memref<1x128xi32, #tpu.memory_space<vmem>>
    %dma_start3A_55 = tpu.memref_squeeze %dma_start3A_54 : memref<1x128xi32, #tpu.memory_space<vmem>> -> memref<128xi32, #tpu.memory_space<vmem>>
    %dma_start3A_56 = arith.constant 0 : i32
    %dma_start3A_57 = arith.constant 0 : i32
    %dma_start3A_58 = tpu.memref_slice %arg3[%dma_start3A_56, %dma_start3A_57] : memref<1000000x16xf32, #tpu.memory_space<hbm>> -> memref<1000000x16xf32, #tpu.memory_space<hbm>>
    tpu.enqueue_indirect_dma source(%dma_start3A_58 : memref<1000000x16xf32, #tpu.memory_space<hbm>>) target(%dma_start3A_52 : memref<128x16xf32, #tpu.memory_space<vmem>>) offsets(%dma_start3A_55 : memref<128xi32, #tpu.memory_space<vmem>>) semaphore(%arg19 : memref<!tpu.dma_semaphore, #tpu.memory_space<semaphore_mem>>)
    %dma_start3A_59 = arith.constant 2 : i32
    %dma_start3A_60 = arith.constant 256 : i32
    %dma_start3A_61 = arith.constant 0 : i32
    %dma_start3A_62 = tpu.memref_slice %arg9[%dma_start3A_60, %dma_start3A_61] : memref<1024x16xf32, #tpu.memory_space<vmem>> -> memref<128x16xf32, #tpu.memory_space<vmem>>
    %dma_start3A_63 = arith.constant 0 : i32
    %dma_start3A_64 = tpu.memref_slice %arg5[%dma_start3A_59, %dma_start3A_63] : memref<8x128xi32, #tpu.memory_space<vmem>> -> memref<1x128xi32, #tpu.memory_space<vmem>>
    %dma_start3A_65 = tpu.memref_squeeze %dma_start3A_64 : memref<1x128xi32, #tpu.memory_space<vmem>> -> memref<128xi32, #tpu.memory_space<vmem>>
    %dma_start3A_66 = arith.constant 0 : i32
    %dma_start3A_67 = arith.constant 0 : i32
    %dma_start3A_68 = tpu.memref_slice %arg3[%dma_start3A_66, %dma_start3A_67] : memref<1000000x16xf32, #tpu.memory_space<hbm>> -> memref<1000000x16xf32, #tpu.memory_space<hbm>>
    tpu.enqueue_indirect_dma source(%dma_start3A_68 : memref<1000000x16xf32, #tpu.memory_space<hbm>>) target(%dma_start3A_62 : memref<128x16xf32, #tpu.memory_space<vmem>>) offsets(%dma_start3A_65 : memref<128xi32, #tpu.memory_space<vmem>>) semaphore(%arg19 : memref<!tpu.dma_semaphore, #tpu.memory_space<semaphore_mem>>)
    %dma_start3A_69 = arith.constant 3 : i32
    %dma_start3A_70 = arith.constant 384 : i32
    %dma_start3A_71 = arith.constant 0 : i32
    %dma_start3A_72 = tpu.memref_slice %arg9[%dma_start3A_70, %dma_start3A_71] : memref<1024x16xf32, #tpu.memory_space<vmem>> -> memref<128x16xf32, #tpu.memory_space<vmem>>
    %dma_start3A_73 = arith.constant 0 : i32
    %dma_start3A_74 = tpu.memref_slice %arg5[%dma_start3A_69, %dma_start3A_73] : memref<8x128xi32, #tpu.memory_space<vmem>> -> memref<1x128xi32, #tpu.memory_space<vmem>>
    %dma_start3A_75 = tpu.memref_squeeze %dma_start3A_74 : memref<1x128xi32, #tpu.memory_space<vmem>> -> memref<128xi32, #tpu.memory_space<vmem>>
    %dma_start3A_76 = arith.constant 0 : i32
    %dma_start3A_77 = arith.constant 0 : i32
    %dma_start3A_78 = tpu.memref_slice %arg3[%dma_start3A_76, %dma_start3A_77] : memref<1000000x16xf32, #tpu.memory_space<hbm>> -> memref<1000000x16xf32, #tpu.memory_space<hbm>>
    tpu.enqueue_indirect_dma source(%dma_start3A_78 : memref<1000000x16xf32, #tpu.memory_space<hbm>>) target(%dma_start3A_72 : memref<128x16xf32, #tpu.memory_space<vmem>>) offsets(%dma_start3A_75 : memref<128xi32, #tpu.memory_space<vmem>>) semaphore(%arg19 : memref<!tpu.dma_semaphore, #tpu.memory_space<semaphore_mem>>)
    %dma_start3A_79 = arith.constant 4 : i32
    %dma_start3A_80 = arith.constant 512 : i32
    %dma_start3A_81 = arith.constant 0 : i32
    %dma_start3A_82 = tpu.memref_slice %arg9[%dma_start3A_80, %dma_start3A_81] : memref<1024x16xf32, #tpu.memory_space<vmem>> -> memref<128x16xf32, #tpu.memory_space<vmem>>
    %dma_start3A_83 = arith.constant 0 : i32
    %dma_start3A_84 = tpu.memref_slice %arg5[%dma_start3A_79, %dma_start3A_83] : memref<8x128xi32, #tpu.memory_space<vmem>> -> memref<1x128xi32, #tpu.memory_space<vmem>>
    %dma_start3A_85 = tpu.memref_squeeze %dma_start3A_84 : memref<1x128xi32, #tpu.memory_space<vmem>> -> memref<128xi32, #tpu.memory_space<vmem>>
    %dma_start3A_86 = arith.constant 0 : i32
    %dma_start3A_87 = arith.constant 0 : i32
    %dma_start3A_88 = tpu.memref_slice %arg3[%dma_start3A_86, %dma_start3A_87] : memref<1000000x16xf32, #tpu.memory_space<hbm>> -> memref<1000000x16xf32, #tpu.memory_space<hbm>>
    tpu.enqueue_indirect_dma source(%dma_start3A_88 : memref<1000000x16xf32, #tpu.memory_space<hbm>>) target(%dma_start3A_82 : memref<128x16xf32, #tpu.memory_space<vmem>>) offsets(%dma_start3A_85 : memref<128xi32, #tpu.memory_space<vmem>>) semaphore(%arg19 : memref<!tpu.dma_semaphore, #tpu.memory_space<semaphore_mem>>)
    %dma_start3A_89 = arith.constant 5 : i32
    %dma_start3A_90 = arith.constant 640 : i32
    %dma_start3A_91 = arith.constant 0 : i32
    %dma_start3A_92 = tpu.memref_slice %arg9[%dma_start3A_90, %dma_start3A_91] : memref<1024x16xf32, #tpu.memory_space<vmem>> -> memref<128x16xf32, #tpu.memory_space<vmem>>
    %dma_start3A_93 = arith.constant 0 : i32
    %dma_start3A_94 = tpu.memref_slice %arg5[%dma_start3A_89, %dma_start3A_93] : memref<8x128xi32, #tpu.memory_space<vmem>> -> memref<1x128xi32, #tpu.memory_space<vmem>>
    %dma_start3A_95 = tpu.memref_squeeze %dma_start3A_94 : memref<1x128xi32, #tpu.memory_space<vmem>> -> memref<128xi32, #tpu.memory_space<vmem>>
    %dma_start3A_96 = arith.constant 0 : i32
    %dma_start3A_97 = arith.constant 0 : i32
    %dma_start3A_98 = tpu.memref_slice %arg3[%dma_start3A_96, %dma_start3A_97] : memref<1000000x16xf32, #tpu.memory_space<hbm>> -> memref<1000000x16xf32, #tpu.memory_space<hbm>>
    tpu.enqueue_indirect_dma source(%dma_start3A_98 : memref<1000000x16xf32, #tpu.memory_space<hbm>>) target(%dma_start3A_92 : memref<128x16xf32, #tpu.memory_space<vmem>>) offsets(%dma_start3A_95 : memref<128xi32, #tpu.memory_space<vmem>>) semaphore(%arg19 : memref<!tpu.dma_semaphore, #tpu.memory_space<semaphore_mem>>)
    %dma_start3A_99 = arith.constant 6 : i32
    %dma_start3A_100 = arith.constant 768 : i32
    %dma_start3A_101 = arith.constant 0 : i32
    %dma_start3A_102 = tpu.memref_slice %arg9[%dma_start3A_100, %dma_start3A_101] : memref<1024x16xf32, #tpu.memory_space<vmem>> -> memref<128x16xf32, #tpu.memory_space<vmem>>
    %dma_start3A_103 = arith.constant 0 : i32
    %dma_start3A_104 = tpu.memref_slice %arg5[%dma_start3A_99, %dma_start3A_103] : memref<8x128xi32, #tpu.memory_space<vmem>> -> memref<1x128xi32, #tpu.memory_space<vmem>>
    %dma_start3A_105 = tpu.memref_squeeze %dma_start3A_104 : memref<1x128xi32, #tpu.memory_space<vmem>> -> memref<128xi32, #tpu.memory_space<vmem>>
    %dma_start3A_106 = arith.constant 0 : i32
    %dma_start3A_107 = arith.constant 0 : i32
    %dma_start3A_108 = tpu.memref_slice %arg3[%dma_start3A_106, %dma_start3A_107] : memref<1000000x16xf32, #tpu.memory_space<hbm>> -> memref<1000000x16xf32, #tpu.memory_space<hbm>>
    tpu.enqueue_indirect_dma source(%dma_start3A_108 : memref<1000000x16xf32, #tpu.memory_space<hbm>>) target(%dma_start3A_102 : memref<128x16xf32, #tpu.memory_space<vmem>>) offsets(%dma_start3A_105 : memref<128xi32, #tpu.memory_space<vmem>>) semaphore(%arg19 : memref<!tpu.dma_semaphore, #tpu.memory_space<semaphore_mem>>)
    %dma_start3A_109 = arith.constant 7 : i32
    %dma_start3A_110 = arith.constant 896 : i32
    %dma_start3A_111 = arith.constant 0 : i32
    %dma_start3A_112 = tpu.memref_slice %arg9[%dma_start3A_110, %dma_start3A_111] : memref<1024x16xf32, #tpu.memory_space<vmem>> -> memref<128x16xf32, #tpu.memory_space<vmem>>
    %dma_start3A_113 = arith.constant 0 : i32
    %dma_start3A_114 = tpu.memref_slice %arg5[%dma_start3A_109, %dma_start3A_113] : memref<8x128xi32, #tpu.memory_space<vmem>> -> memref<1x128xi32, #tpu.memory_space<vmem>>
    %dma_start3A_115 = tpu.memref_squeeze %dma_start3A_114 : memref<1x128xi32, #tpu.memory_space<vmem>> -> memref<128xi32, #tpu.memory_space<vmem>>
    %dma_start3A_116 = arith.constant 0 : i32
    %dma_start3A_117 = arith.constant 0 : i32
    %dma_start3A_118 = tpu.memref_slice %arg3[%dma_start3A_116, %dma_start3A_117] : memref<1000000x16xf32, #tpu.memory_space<hbm>> -> memref<1000000x16xf32, #tpu.memory_space<hbm>>
    tpu.enqueue_indirect_dma source(%dma_start3A_118 : memref<1000000x16xf32, #tpu.memory_space<hbm>>) target(%dma_start3A_112 : memref<128x16xf32, #tpu.memory_space<vmem>>) offsets(%dma_start3A_115 : memref<128xi32, #tpu.memory_space<vmem>>) semaphore(%arg19 : memref<!tpu.dma_semaphore, #tpu.memory_space<semaphore_mem>>)
    %dma_wait3A_119 = arith.constant 0 : i32
    %dma_wait3A_120 = arith.constant 0 : i32
    %dma_wait3A_121 = tpu.memref_slice %arg2[%dma_wait3A_119, %dma_wait3A_120] : memref<25600x128xi32, #tpu.memory_space<hbm>> -> memref<8x128xi32, #tpu.memory_space<hbm>>
    %dma_wait3A_122 = arith.constant 0 : i32
    %dma_wait3A_123 = arith.constant 0 : i32
    %dma_wait3A_124 = tpu.memref_slice %arg2[%dma_wait3A_122, %dma_wait3A_123] : memref<25600x128xi32, #tpu.memory_space<hbm>> -> memref<8x128xi32, #tpu.memory_space<hbm>>
    tpu.wait_dma2 semaphore(%arg16 : memref<!tpu.dma_semaphore, #tpu.memory_space<semaphore_mem>>) src(%dma_wait3A_124 : memref<8x128xi32, #tpu.memory_space<hbm>>) dst(%arg6 : memref<8x128xi32, #tpu.memory_space<vmem>>)
    %dma_start3A_125 = arith.constant 0 : i32
    %dma_start3A_126 = arith.constant 0 : i32
    %dma_start3A_127 = arith.constant 0 : i32
    %dma_start3A_128 = tpu.memref_slice %arg10[%dma_start3A_126, %dma_start3A_127] : memref<1024x16xf32, #tpu.memory_space<vmem>> -> memref<128x16xf32, #tpu.memory_space<vmem>>
    %dma_start3A_129 = arith.constant 0 : i32
    %dma_start3A_130 = tpu.memref_slice %arg6[%dma_start3A_125, %dma_start3A_129] : memref<8x128xi32, #tpu.memory_space<vmem>> -> memref<1x128xi32, #tpu.memory_space<vmem>>
    %dma_start3A_131 = tpu.memref_squeeze %dma_start3A_130 : memref<1x128xi32, #tpu.memory_space<vmem>> -> memref<128xi32, #tpu.memory_space<vmem>>
    %dma_start3A_132 = arith.constant 0 : i32
    %dma_start3A_133 = arith.constant 0 : i32
    %dma_start3A_134 = tpu.memref_slice %arg3[%dma_start3A_132, %dma_start3A_133] : memref<1000000x16xf32, #tpu.memory_space<hbm>> -> memref<1000000x16xf32, #tpu.memory_space<hbm>>
    tpu.enqueue_indirect_dma source(%dma_start3A_134 : memref<1000000x16xf32, #tpu.memory_space<hbm>>) target(%dma_start3A_128 : memref<128x16xf32, #tpu.memory_space<vmem>>) offsets(%dma_start3A_131 : memref<128xi32, #tpu.memory_space<vmem>>) semaphore(%arg20 : memref<!tpu.dma_semaphore, #tpu.memory_space<semaphore_mem>>)
    %dma_start3A_135 = arith.constant 1 : i32
    %dma_start3A_136 = arith.constant 128 : i32
    %dma_start3A_137 = arith.constant 0 : i32
    %dma_start3A_138 = tpu.memref_slice %arg10[%dma_start3A_136, %dma_start3A_137] : memref<1024x16xf32, #tpu.memory_space<vmem>> -> memref<128x16xf32, #tpu.memory_space<vmem>>
    %dma_start3A_139 = arith.constant 0 : i32
    %dma_start3A_140 = tpu.memref_slice %arg6[%dma_start3A_135, %dma_start3A_139] : memref<8x128xi32, #tpu.memory_space<vmem>> -> memref<1x128xi32, #tpu.memory_space<vmem>>
    %dma_start3A_141 = tpu.memref_squeeze %dma_start3A_140 : memref<1x128xi32, #tpu.memory_space<vmem>> -> memref<128xi32, #tpu.memory_space<vmem>>
    %dma_start3A_142 = arith.constant 0 : i32
    %dma_start3A_143 = arith.constant 0 : i32
    %dma_start3A_144 = tpu.memref_slice %arg3[%dma_start3A_142, %dma_start3A_143] : memref<1000000x16xf32, #tpu.memory_space<hbm>> -> memref<1000000x16xf32, #tpu.memory_space<hbm>>
    tpu.enqueue_indirect_dma source(%dma_start3A_144 : memref<1000000x16xf32, #tpu.memory_space<hbm>>) target(%dma_start3A_138 : memref<128x16xf32, #tpu.memory_space<vmem>>) offsets(%dma_start3A_141 : memref<128xi32, #tpu.memory_space<vmem>>) semaphore(%arg20 : memref<!tpu.dma_semaphore, #tpu.memory_space<semaphore_mem>>)
    %dma_start3A_145 = arith.constant 2 : i32
    %dma_start3A_146 = arith.constant 256 : i32
    %dma_start3A_147 = arith.constant 0 : i32
    %dma_start3A_148 = tpu.memref_slice %arg10[%dma_start3A_146, %dma_start3A_147] : memref<1024x16xf32, #tpu.memory_space<vmem>> -> memref<128x16xf32, #tpu.memory_space<vmem>>
    %dma_start3A_149 = arith.constant 0 : i32
    %dma_start3A_150 = tpu.memref_slice %arg6[%dma_start3A_145, %dma_start3A_149] : memref<8x128xi32, #tpu.memory_space<vmem>> -> memref<1x128xi32, #tpu.memory_space<vmem>>
    %dma_start3A_151 = tpu.memref_squeeze %dma_start3A_150 : memref<1x128xi32, #tpu.memory_space<vmem>> -> memref<128xi32, #tpu.memory_space<vmem>>
    %dma_start3A_152 = arith.constant 0 : i32
    %dma_start3A_153 = arith.constant 0 : i32
    %dma_start3A_154 = tpu.memref_slice %arg3[%dma_start3A_152, %dma_start3A_153] : memref<1000000x16xf32, #tpu.memory_space<hbm>> -> memref<1000000x16xf32, #tpu.memory_space<hbm>>
    tpu.enqueue_indirect_dma source(%dma_start3A_154 : memref<1000000x16xf32, #tpu.memory_space<hbm>>) target(%dma_start3A_148 : memref<128x16xf32, #tpu.memory_space<vmem>>) offsets(%dma_start3A_151 : memref<128xi32, #tpu.memory_space<vmem>>) semaphore(%arg20 : memref<!tpu.dma_semaphore, #tpu.memory_space<semaphore_mem>>)
    %dma_start3A_155 = arith.constant 3 : i32
    %dma_start3A_156 = arith.constant 384 : i32
    %dma_start3A_157 = arith.constant 0 : i32
    %dma_start3A_158 = tpu.memref_slice %arg10[%dma_start3A_156, %dma_start3A_157] : memref<1024x16xf32, #tpu.memory_space<vmem>> -> memref<128x16xf32, #tpu.memory_space<vmem>>
    %dma_start3A_159 = arith.constant 0 : i32
    %dma_start3A_160 = tpu.memref_slice %arg6[%dma_start3A_155, %dma_start3A_159] : memref<8x128xi32, #tpu.memory_space<vmem>> -> memref<1x128xi32, #tpu.memory_space<vmem>>
    %dma_start3A_161 = tpu.memref_squeeze %dma_start3A_160 : memref<1x128xi32, #tpu.memory_space<vmem>> -> memref<128xi32, #tpu.memory_space<vmem>>
    %dma_start3A_162 = arith.constant 0 : i32
    %dma_start3A_163 = arith.constant 0 : i32
    %dma_start3A_164 = tpu.memref_slice %arg3[%dma_start3A_162, %dma_start3A_163] : memref<1000000x16xf32, #tpu.memory_space<hbm>> -> memref<1000000x16xf32, #tpu.memory_space<hbm>>
    tpu.enqueue_indirect_dma source(%dma_start3A_164 : memref<1000000x16xf32, #tpu.memory_space<hbm>>) target(%dma_start3A_158 : memref<128x16xf32, #tpu.memory_space<vmem>>) offsets(%dma_start3A_161 : memref<128xi32, #tpu.memory_space<vmem>>) semaphore(%arg20 : memref<!tpu.dma_semaphore, #tpu.memory_space<semaphore_mem>>)
    %dma_start3A_165 = arith.constant 4 : i32
    %dma_start3A_166 = arith.constant 512 : i32
    %dma_start3A_167 = arith.constant 0 : i32
    %dma_start3A_168 = tpu.memref_slice %arg10[%dma_start3A_166, %dma_start3A_167] : memref<1024x16xf32, #tpu.memory_space<vmem>> -> memref<128x16xf32, #tpu.memory_space<vmem>>
    %dma_start3A_169 = arith.constant 0 : i32
    %dma_start3A_170 = tpu.memref_slice %arg6[%dma_start3A_165, %dma_start3A_169] : memref<8x128xi32, #tpu.memory_space<vmem>> -> memref<1x128xi32, #tpu.memory_space<vmem>>
    %dma_start3A_171 = tpu.memref_squeeze %dma_start3A_170 : memref<1x128xi32, #tpu.memory_space<vmem>> -> memref<128xi32, #tpu.memory_space<vmem>>
    %dma_start3A_172 = arith.constant 0 : i32
    %dma_start3A_173 = arith.constant 0 : i32
    %dma_start3A_174 = tpu.memref_slice %arg3[%dma_start3A_172, %dma_start3A_173] : memref<1000000x16xf32, #tpu.memory_space<hbm>> -> memref<1000000x16xf32, #tpu.memory_space<hbm>>
    tpu.enqueue_indirect_dma source(%dma_start3A_174 : memref<1000000x16xf32, #tpu.memory_space<hbm>>) target(%dma_start3A_168 : memref<128x16xf32, #tpu.memory_space<vmem>>) offsets(%dma_start3A_171 : memref<128xi32, #tpu.memory_space<vmem>>) semaphore(%arg20 : memref<!tpu.dma_semaphore, #tpu.memory_space<semaphore_mem>>)
    %dma_start3A_175 = arith.constant 5 : i32
    %dma_start3A_176 = arith.constant 640 : i32
    %dma_start3A_177 = arith.constant 0 : i32
    %dma_start3A_178 = tpu.memref_slice %arg10[%dma_start3A_176, %dma_start3A_177] : memref<1024x16xf32, #tpu.memory_space<vmem>> -> memref<128x16xf32, #tpu.memory_space<vmem>>
    %dma_start3A_179 = arith.constant 0 : i32
    %dma_start3A_180 = tpu.memref_slice %arg6[%dma_start3A_175, %dma_start3A_179] : memref<8x128xi32, #tpu.memory_space<vmem>> -> memref<1x128xi32, #tpu.memory_space<vmem>>
    %dma_start3A_181 = tpu.memref_squeeze %dma_start3A_180 : memref<1x128xi32, #tpu.memory_space<vmem>> -> memref<128xi32, #tpu.memory_space<vmem>>
    %dma_start3A_182 = arith.constant 0 : i32
    %dma_start3A_183 = arith.constant 0 : i32
    %dma_start3A_184 = tpu.memref_slice %arg3[%dma_start3A_182, %dma_start3A_183] : memref<1000000x16xf32, #tpu.memory_space<hbm>> -> memref<1000000x16xf32, #tpu.memory_space<hbm>>
    tpu.enqueue_indirect_dma source(%dma_start3A_184 : memref<1000000x16xf32, #tpu.memory_space<hbm>>) target(%dma_start3A_178 : memref<128x16xf32, #tpu.memory_space<vmem>>) offsets(%dma_start3A_181 : memref<128xi32, #tpu.memory_space<vmem>>) semaphore(%arg20 : memref<!tpu.dma_semaphore, #tpu.memory_space<semaphore_mem>>)
    %dma_start3A_185 = arith.constant 6 : i32
    %dma_start3A_186 = arith.constant 768 : i32
    %dma_start3A_187 = arith.constant 0 : i32
    %dma_start3A_188 = tpu.memref_slice %arg10[%dma_start3A_186, %dma_start3A_187] : memref<1024x16xf32, #tpu.memory_space<vmem>> -> memref<128x16xf32, #tpu.memory_space<vmem>>
    %dma_start3A_189 = arith.constant 0 : i32
    %dma_start3A_190 = tpu.memref_slice %arg6[%dma_start3A_185, %dma_start3A_189] : memref<8x128xi32, #tpu.memory_space<vmem>> -> memref<1x128xi32, #tpu.memory_space<vmem>>
    %dma_start3A_191 = tpu.memref_squeeze %dma_start3A_190 : memref<1x128xi32, #tpu.memory_space<vmem>> -> memref<128xi32, #tpu.memory_space<vmem>>
    %dma_start3A_192 = arith.constant 0 : i32
    %dma_start3A_193 = arith.constant 0 : i32
    %dma_start3A_194 = tpu.memref_slice %arg3[%dma_start3A_192, %dma_start3A_193] : memref<1000000x16xf32, #tpu.memory_space<hbm>> -> memref<1000000x16xf32, #tpu.memory_space<hbm>>
    tpu.enqueue_indirect_dma source(%dma_start3A_194 : memref<1000000x16xf32, #tpu.memory_space<hbm>>) target(%dma_start3A_188 : memref<128x16xf32, #tpu.memory_space<vmem>>) offsets(%dma_start3A_191 : memref<128xi32, #tpu.memory_space<vmem>>) semaphore(%arg20 : memref<!tpu.dma_semaphore, #tpu.memory_space<semaphore_mem>>)
    %dma_start3A_195 = arith.constant 7 : i32
    %dma_start3A_196 = arith.constant 896 : i32
    %dma_start3A_197 = arith.constant 0 : i32
    %dma_start3A_198 = tpu.memref_slice %arg10[%dma_start3A_196, %dma_start3A_197] : memref<1024x16xf32, #tpu.memory_space<vmem>> -> memref<128x16xf32, #tpu.memory_space<vmem>>
    %dma_start3A_199 = arith.constant 0 : i32
    %dma_start3A_200 = tpu.memref_slice %arg6[%dma_start3A_195, %dma_start3A_199] : memref<8x128xi32, #tpu.memory_space<vmem>> -> memref<1x128xi32, #tpu.memory_space<vmem>>
    %dma_start3A_201 = tpu.memref_squeeze %dma_start3A_200 : memref<1x128xi32, #tpu.memory_space<vmem>> -> memref<128xi32, #tpu.memory_space<vmem>>
    %dma_start3A_202 = arith.constant 0 : i32
    %dma_start3A_203 = arith.constant 0 : i32
    %dma_start3A_204 = tpu.memref_slice %arg3[%dma_start3A_202, %dma_start3A_203] : memref<1000000x16xf32, #tpu.memory_space<hbm>> -> memref<1000000x16xf32, #tpu.memory_space<hbm>>
    tpu.enqueue_indirect_dma source(%dma_start3A_204 : memref<1000000x16xf32, #tpu.memory_space<hbm>>) target(%dma_start3A_198 : memref<128x16xf32, #tpu.memory_space<vmem>>) offsets(%dma_start3A_201 : memref<128xi32, #tpu.memory_space<vmem>>) semaphore(%arg20 : memref<!tpu.dma_semaphore, #tpu.memory_space<semaphore_mem>>)
    %dma_wait3A_205 = arith.constant 0 : i32
    %dma_wait3A_206 = arith.constant 0 : i32
    %dma_wait3A_207 = tpu.memref_slice %arg2[%dma_wait3A_205, %dma_wait3A_206] : memref<25600x128xi32, #tpu.memory_space<hbm>> -> memref<8x128xi32, #tpu.memory_space<hbm>>
    %dma_wait3A_208 = arith.constant 0 : i32
    %dma_wait3A_209 = arith.constant 0 : i32
    %dma_wait3A_210 = tpu.memref_slice %arg2[%dma_wait3A_208, %dma_wait3A_209] : memref<25600x128xi32, #tpu.memory_space<hbm>> -> memref<8x128xi32, #tpu.memory_space<hbm>>
    tpu.wait_dma2 semaphore(%arg17 : memref<!tpu.dma_semaphore, #tpu.memory_space<semaphore_mem>>) src(%dma_wait3A_210 : memref<8x128xi32, #tpu.memory_space<hbm>>) dst(%arg7 : memref<8x128xi32, #tpu.memory_space<vmem>>)
    %dma_start3A_211 = arith.constant 0 : i32
    %dma_start3A_212 = arith.constant 0 : i32
    %dma_start3A_213 = arith.constant 0 : i32
    %dma_start3A_214 = tpu.memref_slice %arg11[%dma_start3A_212, %dma_start3A_213] : memref<1024x16xf32, #tpu.memory_space<vmem>> -> memref<128x16xf32, #tpu.memory_space<vmem>>
    %dma_start3A_215 = arith.constant 0 : i32
    %dma_start3A_216 = tpu.memref_slice %arg7[%dma_start3A_211, %dma_start3A_215] : memref<8x128xi32, #tpu.memory_space<vmem>> -> memref<1x128xi32, #tpu.memory_space<vmem>>
    %dma_start3A_217 = tpu.memref_squeeze %dma_start3A_216 : memref<1x128xi32, #tpu.memory_space<vmem>> -> memref<128xi32, #tpu.memory_space<vmem>>
    %dma_start3A_218 = arith.constant 0 : i32
    %dma_start3A_219 = arith.constant 0 : i32
    %dma_start3A_220 = tpu.memref_slice %arg3[%dma_start3A_218, %dma_start3A_219] : memref<1000000x16xf32, #tpu.memory_space<hbm>> -> memref<1000000x16xf32, #tpu.memory_space<hbm>>
    tpu.enqueue_indirect_dma source(%dma_start3A_220 : memref<1000000x16xf32, #tpu.memory_space<hbm>>) target(%dma_start3A_214 : memref<128x16xf32, #tpu.memory_space<vmem>>) offsets(%dma_start3A_217 : memref<128xi32, #tpu.memory_space<vmem>>) semaphore(%arg21 : memref<!tpu.dma_semaphore, #tpu.memory_space<semaphore_mem>>)
    %dma_start3A_221 = arith.constant 1 : i32
    %dma_start3A_222 = arith.constant 128 : i32
    %dma_start3A_223 = arith.constant 0 : i32
    %dma_start3A_224 = tpu.memref_slice %arg11[%dma_start3A_222, %dma_start3A_223] : memref<1024x16xf32, #tpu.memory_space<vmem>> -> memref<128x16xf32, #tpu.memory_space<vmem>>
    %dma_start3A_225 = arith.constant 0 : i32
    %dma_start3A_226 = tpu.memref_slice %arg7[%dma_start3A_221, %dma_start3A_225] : memref<8x128xi32, #tpu.memory_space<vmem>> -> memref<1x128xi32, #tpu.memory_space<vmem>>
    %dma_start3A_227 = tpu.memref_squeeze %dma_start3A_226 : memref<1x128xi32, #tpu.memory_space<vmem>> -> memref<128xi32, #tpu.memory_space<vmem>>
    %dma_start3A_228 = arith.constant 0 : i32
    %dma_start3A_229 = arith.constant 0 : i32
    %dma_start3A_230 = tpu.memref_slice %arg3[%dma_start3A_228, %dma_start3A_229] : memref<1000000x16xf32, #tpu.memory_space<hbm>> -> memref<1000000x16xf32, #tpu.memory_space<hbm>>
    tpu.enqueue_indirect_dma source(%dma_start3A_230 : memref<1000000x16xf32, #tpu.memory_space<hbm>>) target(%dma_start3A_224 : memref<128x16xf32, #tpu.memory_space<vmem>>) offsets(%dma_start3A_227 : memref<128xi32, #tpu.memory_space<vmem>>) semaphore(%arg21 : memref<!tpu.dma_semaphore, #tpu.memory_space<semaphore_mem>>)
    %dma_start3A_231 = arith.constant 2 : i32
    %dma_start3A_232 = arith.constant 256 : i32
    %dma_start3A_233 = arith.constant 0 : i32
    %dma_start3A_234 = tpu.memref_slice %arg11[%dma_start3A_232, %dma_start3A_233] : memref<1024x16xf32, #tpu.memory_space<vmem>> -> memref<128x16xf32, #tpu.memory_space<vmem>>
    %dma_start3A_235 = arith.constant 0 : i32
    %dma_start3A_236 = tpu.memref_slice %arg7[%dma_start3A_231, %dma_start3A_235] : memref<8x128xi32, #tpu.memory_space<vmem>> -> memref<1x128xi32, #tpu.memory_space<vmem>>
    %dma_start3A_237 = tpu.memref_squeeze %dma_start3A_236 : memref<1x128xi32, #tpu.memory_space<vmem>> -> memref<128xi32, #tpu.memory_space<vmem>>
    %dma_start3A_238 = arith.constant 0 : i32
    %dma_start3A_239 = arith.constant 0 : i32
    %dma_start3A_240 = tpu.memref_slice %arg3[%dma_start3A_238, %dma_start3A_239] : memref<1000000x16xf32, #tpu.memory_space<hbm>> -> memref<1000000x16xf32, #tpu.memory_space<hbm>>
    tpu.enqueue_indirect_dma source(%dma_start3A_240 : memref<1000000x16xf32, #tpu.memory_space<hbm>>) target(%dma_start3A_234 : memref<128x16xf32, #tpu.memory_space<vmem>>) offsets(%dma_start3A_237 : memref<128xi32, #tpu.memory_space<vmem>>) semaphore(%arg21 : memref<!tpu.dma_semaphore, #tpu.memory_space<semaphore_mem>>)
    %dma_start3A_241 = arith.constant 3 : i32
    %dma_start3A_242 = arith.constant 384 : i32
    %dma_start3A_243 = arith.constant 0 : i32
    %dma_start3A_244 = tpu.memref_slice %arg11[%dma_start3A_242, %dma_start3A_243] : memref<1024x16xf32, #tpu.memory_space<vmem>> -> memref<128x16xf32, #tpu.memory_space<vmem>>
    %dma_start3A_245 = arith.constant 0 : i32
    %dma_start3A_246 = tpu.memref_slice %arg7[%dma_start3A_241, %dma_start3A_245] : memref<8x128xi32, #tpu.memory_space<vmem>> -> memref<1x128xi32, #tpu.memory_space<vmem>>
    %dma_start3A_247 = tpu.memref_squeeze %dma_start3A_246 : memref<1x128xi32, #tpu.memory_space<vmem>> -> memref<128xi32, #tpu.memory_space<vmem>>
    %dma_start3A_248 = arith.constant 0 : i32
    %dma_start3A_249 = arith.constant 0 : i32
    %dma_start3A_250 = tpu.memref_slice %arg3[%dma_start3A_248, %dma_start3A_249] : memref<1000000x16xf32, #tpu.memory_space<hbm>> -> memref<1000000x16xf32, #tpu.memory_space<hbm>>
    tpu.enqueue_indirect_dma source(%dma_start3A_250 : memref<1000000x16xf32, #tpu.memory_space<hbm>>) target(%dma_start3A_244 : memref<128x16xf32, #tpu.memory_space<vmem>>) offsets(%dma_start3A_247 : memref<128xi32, #tpu.memory_space<vmem>>) semaphore(%arg21 : memref<!tpu.dma_semaphore, #tpu.memory_space<semaphore_mem>>)
    %dma_start3A_251 = arith.constant 4 : i32
    %dma_start3A_252 = arith.constant 512 : i32
    %dma_start3A_253 = arith.constant 0 : i32
    %dma_start3A_254 = tpu.memref_slice %arg11[%dma_start3A_252, %dma_start3A_253] : memref<1024x16xf32, #tpu.memory_space<vmem>> -> memref<128x16xf32, #tpu.memory_space<vmem>>
    %dma_start3A_255 = arith.constant 0 : i32
    %dma_start3A_256 = tpu.memref_slice %arg7[%dma_start3A_251, %dma_start3A_255] : memref<8x128xi32, #tpu.memory_space<vmem>> -> memref<1x128xi32, #tpu.memory_space<vmem>>
    %dma_start3A_257 = tpu.memref_squeeze %dma_start3A_256 : memref<1x128xi32, #tpu.memory_space<vmem>> -> memref<128xi32, #tpu.memory_space<vmem>>
    %dma_start3A_258 = arith.constant 0 : i32
    %dma_start3A_259 = arith.constant 0 : i32
    %dma_start3A_260 = tpu.memref_slice %arg3[%dma_start3A_258, %dma_start3A_259] : memref<1000000x16xf32, #tpu.memory_space<hbm>> -> memref<1000000x16xf32, #tpu.memory_space<hbm>>
    tpu.enqueue_indirect_dma source(%dma_start3A_260 : memref<1000000x16xf32, #tpu.memory_space<hbm>>) target(%dma_start3A_254 : memref<128x16xf32, #tpu.memory_space<vmem>>) offsets(%dma_start3A_257 : memref<128xi32, #tpu.memory_space<vmem>>) semaphore(%arg21 : memref<!tpu.dma_semaphore, #tpu.memory_space<semaphore_mem>>)
    %dma_start3A_261 = arith.constant 5 : i32
    %dma_start3A_262 = arith.constant 640 : i32
    %dma_start3A_263 = arith.constant 0 : i32
    %dma_start3A_264 = tpu.memref_slice %arg11[%dma_start3A_262, %dma_start3A_263] : memref<1024x16xf32, #tpu.memory_space<vmem>> -> memref<128x16xf32, #tpu.memory_space<vmem>>
    %dma_start3A_265 = arith.constant 0 : i32
    %dma_start3A_266 = tpu.memref_slice %arg7[%dma_start3A_261, %dma_start3A_265] : memref<8x128xi32, #tpu.memory_space<vmem>> -> memref<1x128xi32, #tpu.memory_space<vmem>>
    %dma_start3A_267 = tpu.memref_squeeze %dma_start3A_266 : memref<1x128xi32, #tpu.memory_space<vmem>> -> memref<128xi32, #tpu.memory_space<vmem>>
    %dma_start3A_268 = arith.constant 0 : i32
    %dma_start3A_269 = arith.constant 0 : i32
    %dma_start3A_270 = tpu.memref_slice %arg3[%dma_start3A_268, %dma_start3A_269] : memref<1000000x16xf32, #tpu.memory_space<hbm>> -> memref<1000000x16xf32, #tpu.memory_space<hbm>>
    tpu.enqueue_indirect_dma source(%dma_start3A_270 : memref<1000000x16xf32, #tpu.memory_space<hbm>>) target(%dma_start3A_264 : memref<128x16xf32, #tpu.memory_space<vmem>>) offsets(%dma_start3A_267 : memref<128xi32, #tpu.memory_space<vmem>>) semaphore(%arg21 : memref<!tpu.dma_semaphore, #tpu.memory_space<semaphore_mem>>)
    %dma_start3A_271 = arith.constant 6 : i32
    %dma_start3A_272 = arith.constant 768 : i32
    %dma_start3A_273 = arith.constant 0 : i32
    %dma_start3A_274 = tpu.memref_slice %arg11[%dma_start3A_272, %dma_start3A_273] : memref<1024x16xf32, #tpu.memory_space<vmem>> -> memref<128x16xf32, #tpu.memory_space<vmem>>
    %dma_start3A_275 = arith.constant 0 : i32
    %dma_start3A_276 = tpu.memref_slice %arg7[%dma_start3A_271, %dma_start3A_275] : memref<8x128xi32, #tpu.memory_space<vmem>> -> memref<1x128xi32, #tpu.memory_space<vmem>>
    %dma_start3A_277 = tpu.memref_squeeze %dma_start3A_276 : memref<1x128xi32, #tpu.memory_space<vmem>> -> memref<128xi32, #tpu.memory_space<vmem>>
    %dma_start3A_278 = arith.constant 0 : i32
    %dma_start3A_279 = arith.constant 0 : i32
    %dma_start3A_280 = tpu.memref_slice %arg3[%dma_start3A_278, %dma_start3A_279] : memref<1000000x16xf32, #tpu.memory_space<hbm>> -> memref<1000000x16xf32, #tpu.memory_space<hbm>>
    tpu.enqueue_indirect_dma source(%dma_start3A_280 : memref<1000000x16xf32, #tpu.memory_space<hbm>>) target(%dma_start3A_274 : memref<128x16xf32, #tpu.memory_space<vmem>>) offsets(%dma_start3A_277 : memref<128xi32, #tpu.memory_space<vmem>>) semaphore(%arg21 : memref<!tpu.dma_semaphore, #tpu.memory_space<semaphore_mem>>)
    %dma_start3A_281 = arith.constant 7 : i32
    %dma_start3A_282 = arith.constant 896 : i32
    %dma_start3A_283 = arith.constant 0 : i32
    %dma_start3A_284 = tpu.memref_slice %arg11[%dma_start3A_282, %dma_start3A_283] : memref<1024x16xf32, #tpu.memory_space<vmem>> -> memref<128x16xf32, #tpu.memory_space<vmem>>
    %dma_start3A_285 = arith.constant 0 : i32
    %dma_start3A_286 = tpu.memref_slice %arg7[%dma_start3A_281, %dma_start3A_285] : memref<8x128xi32, #tpu.memory_space<vmem>> -> memref<1x128xi32, #tpu.memory_space<vmem>>
    %dma_start3A_287 = tpu.memref_squeeze %dma_start3A_286 : memref<1x128xi32, #tpu.memory_space<vmem>> -> memref<128xi32, #tpu.memory_space<vmem>>
    %dma_start3A_288 = arith.constant 0 : i32
    %dma_start3A_289 = arith.constant 0 : i32
    %dma_start3A_290 = tpu.memref_slice %arg3[%dma_start3A_288, %dma_start3A_289] : memref<1000000x16xf32, #tpu.memory_space<hbm>> -> memref<1000000x16xf32, #tpu.memory_space<hbm>>
    tpu.enqueue_indirect_dma source(%dma_start3A_290 : memref<1000000x16xf32, #tpu.memory_space<hbm>>) target(%dma_start3A_284 : memref<128x16xf32, #tpu.memory_space<vmem>>) offsets(%dma_start3A_287 : memref<128xi32, #tpu.memory_space<vmem>>) semaphore(%arg21 : memref<!tpu.dma_semaphore, #tpu.memory_space<semaphore_mem>>)
    %scan3A = arith.constant 0 : i32
    %scan3A_291 = arith.constant 0 : i32
    %scan3A_292 = arith.constant 25 : i32
    %scan3A_293 = arith.addi %scan3A_291, %scan3A_292 : i32
    %scan3A_294 = arith.constant 1 : i32
    scf.for %scan3A_324 = %scan3A_291 to %scan3A_293 step %scan3A_294  : i32 {
      %mul3A_325 = arith.constant 4 : i32
      %mul3A_326 = arith.muli %mul3A_325, %scan3A_324 : i32
      %add3A_327 = arith.constant 0 : i32
      %add3A_328 = arith.addi %mul3A_326, %add3A_327 : i32
      %dma_wait3A_329 = arith.constant 0 : i32
      %dma_wait3A_330 = arith.constant 0 : i32
      %dma_wait3A_331 = tpu.memref_slice %arg3[%dma_wait3A_329, %dma_wait3A_330] : memref<1000000x16xf32, #tpu.memory_space<hbm>> -> memref<1024x16xf32, #tpu.memory_space<hbm>>
      %dma_wait3A_332 = arith.constant 0 : i32
      %dma_wait3A_333 = arith.constant 0 : i32
      %dma_wait3A_334 = tpu.memref_slice %arg3[%dma_wait3A_332, %dma_wait3A_333] : memref<1000000x16xf32, #tpu.memory_space<hbm>> -> memref<1024x16xf32, #tpu.memory_space<hbm>>
      tpu.wait_dma2 semaphore(%arg19 : memref<!tpu.dma_semaphore, #tpu.memory_space<semaphore_mem>>) src(%dma_wait3A_334 : memref<1024x16xf32, #tpu.memory_space<hbm>>) dst(%arg9 : memref<1024x16xf32, #tpu.memory_space<vmem>>)
      %add3A_335 = arith.constant 3 : i32
      %add3A_336 = arith.addi %add3A_328, %add3A_335 : i32
      %lt3A = arith.constant 100 : i32
      %lt3A_337 = arith.cmpi slt, %add3A_336, %lt3A : i32
      %convert_element_type3A = arith.extui %lt3A_337 : i1 to i32
      %cond3A = arith.constant 0 : i32
      %cond3A_338 = arith.cmpi ne, %convert_element_type3A, %cond3A : i32
      scf.if %cond3A_338 {
        %add3A_500 = arith.constant 3 : i32
        %add3A_501 = arith.addi %add3A_328, %add3A_500 : i32
        %dma_wait3A_502 = arith.constant 0 : i32
        %dma_wait3A_503 = arith.constant 0 : i32
        %dma_wait3A_504 = tpu.memref_slice %arg2[%dma_wait3A_502, %dma_wait3A_503] : memref<25600x128xi32, #tpu.memory_space<hbm>> -> memref<8x128xi32, #tpu.memory_space<hbm>>
        %dma_wait3A_505 = arith.constant 0 : i32
        %dma_wait3A_506 = arith.constant 0 : i32
        %dma_wait3A_507 = tpu.memref_slice %arg2[%dma_wait3A_505, %dma_wait3A_506] : memref<25600x128xi32, #tpu.memory_space<hbm>> -> memref<8x128xi32, #tpu.memory_space<hbm>>
        tpu.wait_dma2 semaphore(%arg18 : memref<!tpu.dma_semaphore, #tpu.memory_space<semaphore_mem>>) src(%dma_wait3A_507 : memref<8x128xi32, #tpu.memory_space<hbm>>) dst(%arg8 : memref<8x128xi32, #tpu.memory_space<vmem>>)
        %dma_start3A_508 = arith.constant 0 : i32
        %dma_start3A_509 = arith.constant 0 : i32
        %dma_start3A_510 = arith.constant 0 : i32
        %dma_start3A_511 = tpu.memref_slice %arg12[%dma_start3A_509, %dma_start3A_510] : memref<1024x16xf32, #tpu.memory_space<vmem>> -> memref<128x16xf32, #tpu.memory_space<vmem>>
        %dma_start3A_512 = arith.constant 0 : i32
        %dma_start3A_513 = tpu.memref_slice %arg8[%dma_start3A_508, %dma_start3A_512] : memref<8x128xi32, #tpu.memory_space<vmem>> -> memref<1x128xi32, #tpu.memory_space<vmem>>
        %dma_start3A_514 = tpu.memref_squeeze %dma_start3A_513 : memref<1x128xi32, #tpu.memory_space<vmem>> -> memref<128xi32, #tpu.memory_space<vmem>>
        %dma_start3A_515 = arith.constant 0 : i32
        %dma_start3A_516 = arith.constant 0 : i32
        %dma_start3A_517 = tpu.memref_slice %arg3[%dma_start3A_515, %dma_start3A_516] : memref<1000000x16xf32, #tpu.memory_space<hbm>> -> memref<1000000x16xf32, #tpu.memory_space<hbm>>
        tpu.enqueue_indirect_dma source(%dma_start3A_517 : memref<1000000x16xf32, #tpu.memory_space<hbm>>) target(%dma_start3A_511 : memref<128x16xf32, #tpu.memory_space<vmem>>) offsets(%dma_start3A_514 : memref<128xi32, #tpu.memory_space<vmem>>) semaphore(%arg22 : memref<!tpu.dma_semaphore, #tpu.memory_space<semaphore_mem>>)
        %dma_start3A_518 = arith.constant 1 : i32
        %dma_start3A_519 = arith.constant 128 : i32
        %dma_start3A_520 = arith.constant 0 : i32
        %dma_start3A_521 = tpu.memref_slice %arg12[%dma_start3A_519, %dma_start3A_520] : memref<1024x16xf32, #tpu.memory_space<vmem>> -> memref<128x16xf32, #tpu.memory_space<vmem>>
        %dma_start3A_522 = arith.constant 0 : i32
        %dma_start3A_523 = tpu.memref_slice %arg8[%dma_start3A_518, %dma_start3A_522] : memref<8x128xi32, #tpu.memory_space<vmem>> -> memref<1x128xi32, #tpu.memory_space<vmem>>
        %dma_start3A_524 = tpu.memref_squeeze %dma_start3A_523 : memref<1x128xi32, #tpu.memory_space<vmem>> -> memref<128xi32, #tpu.memory_space<vmem>>
        %dma_start3A_525 = arith.constant 0 : i32
        %dma_start3A_526 = arith.constant 0 : i32
        %dma_start3A_527 = tpu.memref_slice %arg3[%dma_start3A_525, %dma_start3A_526] : memref<1000000x16xf32, #tpu.memory_space<hbm>> -> memref<1000000x16xf32, #tpu.memory_space<hbm>>
        tpu.enqueue_indirect_dma source(%dma_start3A_527 : memref<1000000x16xf32, #tpu.memory_space<hbm>>) target(%dma_start3A_521 : memref<128x16xf32, #tpu.memory_space<vmem>>) offsets(%dma_start3A_524 : memref<128xi32, #tpu.memory_space<vmem>>) semaphore(%arg22 : memref<!tpu.dma_semaphore, #tpu.memory_space<semaphore_mem>>)
        %dma_start3A_528 = arith.constant 2 : i32
        %dma_start3A_529 = arith.constant 256 : i32
        %dma_start3A_530 = arith.constant 0 : i32
        %dma_start3A_531 = tpu.memref_slice %arg12[%dma_start3A_529, %dma_start3A_530] : memref<1024x16xf32, #tpu.memory_space<vmem>> -> memref<128x16xf32, #tpu.memory_space<vmem>>
        %dma_start3A_532 = arith.constant 0 : i32
        %dma_start3A_533 = tpu.memref_slice %arg8[%dma_start3A_528, %dma_start3A_532] : memref<8x128xi32, #tpu.memory_space<vmem>> -> memref<1x128xi32, #tpu.memory_space<vmem>>
        %dma_start3A_534 = tpu.memref_squeeze %dma_start3A_533 : memref<1x128xi32, #tpu.memory_space<vmem>> -> memref<128xi32, #tpu.memory_space<vmem>>
        %dma_start3A_535 = arith.constant 0 : i32
        %dma_start3A_536 = arith.constant 0 : i32
        %dma_start3A_537 = tpu.memref_slice %arg3[%dma_start3A_535, %dma_start3A_536] : memref<1000000x16xf32, #tpu.memory_space<hbm>> -> memref<1000000x16xf32, #tpu.memory_space<hbm>>
        tpu.enqueue_indirect_dma source(%dma_start3A_537 : memref<1000000x16xf32, #tpu.memory_space<hbm>>) target(%dma_start3A_531 : memref<128x16xf32, #tpu.memory_space<vmem>>) offsets(%dma_start3A_534 : memref<128xi32, #tpu.memory_space<vmem>>) semaphore(%arg22 : memref<!tpu.dma_semaphore, #tpu.memory_space<semaphore_mem>>)
        %dma_start3A_538 = arith.constant 3 : i32
        %dma_start3A_539 = arith.constant 384 : i32
        %dma_start3A_540 = arith.constant 0 : i32
        %dma_start3A_541 = tpu.memref_slice %arg12[%dma_start3A_539, %dma_start3A_540] : memref<1024x16xf32, #tpu.memory_space<vmem>> -> memref<128x16xf32, #tpu.memory_space<vmem>>
        %dma_start3A_542 = arith.constant 0 : i32
        %dma_start3A_543 = tpu.memref_slice %arg8[%dma_start3A_538, %dma_start3A_542] : memref<8x128xi32, #tpu.memory_space<vmem>> -> memref<1x128xi32, #tpu.memory_space<vmem>>
        %dma_start3A_544 = tpu.memref_squeeze %dma_start3A_543 : memref<1x128xi32, #tpu.memory_space<vmem>> -> memref<128xi32, #tpu.memory_space<vmem>>
        %dma_start3A_545 = arith.constant 0 : i32
        %dma_start3A_546 = arith.constant 0 : i32
        %dma_start3A_547 = tpu.memref_slice %arg3[%dma_start3A_545, %dma_start3A_546] : memref<1000000x16xf32, #tpu.memory_space<hbm>> -> memref<1000000x16xf32, #tpu.memory_space<hbm>>
        tpu.enqueue_indirect_dma source(%dma_start3A_547 : memref<1000000x16xf32, #tpu.memory_space<hbm>>) target(%dma_start3A_541 : memref<128x16xf32, #tpu.memory_space<vmem>>) offsets(%dma_start3A_544 : memref<128xi32, #tpu.memory_space<vmem>>) semaphore(%arg22 : memref<!tpu.dma_semaphore, #tpu.memory_space<semaphore_mem>>)
        %dma_start3A_548 = arith.constant 4 : i32
        %dma_start3A_549 = arith.constant 512 : i32
        %dma_start3A_550 = arith.constant 0 : i32
        %dma_start3A_551 = tpu.memref_slice %arg12[%dma_start3A_549, %dma_start3A_550] : memref<1024x16xf32, #tpu.memory_space<vmem>> -> memref<128x16xf32, #tpu.memory_space<vmem>>
        %dma_start3A_552 = arith.constant 0 : i32
        %dma_start3A_553 = tpu.memref_slice %arg8[%dma_start3A_548, %dma_start3A_552] : memref<8x128xi32, #tpu.memory_space<vmem>> -> memref<1x128xi32, #tpu.memory_space<vmem>>
        %dma_start3A_554 = tpu.memref_squeeze %dma_start3A_553 : memref<1x128xi32, #tpu.memory_space<vmem>> -> memref<128xi32, #tpu.memory_space<vmem>>
        %dma_start3A_555 = arith.constant 0 : i32
        %dma_start3A_556 = arith.constant 0 : i32
        %dma_start3A_557 = tpu.memref_slice %arg3[%dma_start3A_555, %dma_start3A_556] : memref<1000000x16xf32, #tpu.memory_space<hbm>> -> memref<1000000x16xf32, #tpu.memory_space<hbm>>
        tpu.enqueue_indirect_dma source(%dma_start3A_557 : memref<1000000x16xf32, #tpu.memory_space<hbm>>) target(%dma_start3A_551 : memref<128x16xf32, #tpu.memory_space<vmem>>) offsets(%dma_start3A_554 : memref<128xi32, #tpu.memory_space<vmem>>) semaphore(%arg22 : memref<!tpu.dma_semaphore, #tpu.memory_space<semaphore_mem>>)
        %dma_start3A_558 = arith.constant 5 : i32
        %dma_start3A_559 = arith.constant 640 : i32
        %dma_start3A_560 = arith.constant 0 : i32
        %dma_start3A_561 = tpu.memref_slice %arg12[%dma_start3A_559, %dma_start3A_560] : memref<1024x16xf32, #tpu.memory_space<vmem>> -> memref<128x16xf32, #tpu.memory_space<vmem>>
        %dma_start3A_562 = arith.constant 0 : i32
        %dma_start3A_563 = tpu.memref_slice %arg8[%dma_start3A_558, %dma_start3A_562] : memref<8x128xi32, #tpu.memory_space<vmem>> -> memref<1x128xi32, #tpu.memory_space<vmem>>
        %dma_start3A_564 = tpu.memref_squeeze %dma_start3A_563 : memref<1x128xi32, #tpu.memory_space<vmem>> -> memref<128xi32, #tpu.memory_space<vmem>>
        %dma_start3A_565 = arith.constant 0 : i32
        %dma_start3A_566 = arith.constant 0 : i32
        %dma_start3A_567 = tpu.memref_slice %arg3[%dma_start3A_565, %dma_start3A_566] : memref<1000000x16xf32, #tpu.memory_space<hbm>> -> memref<1000000x16xf32, #tpu.memory_space<hbm>>
        tpu.enqueue_indirect_dma source(%dma_start3A_567 : memref<1000000x16xf32, #tpu.memory_space<hbm>>) target(%dma_start3A_561 : memref<128x16xf32, #tpu.memory_space<vmem>>) offsets(%dma_start3A_564 : memref<128xi32, #tpu.memory_space<vmem>>) semaphore(%arg22 : memref<!tpu.dma_semaphore, #tpu.memory_space<semaphore_mem>>)
        %dma_start3A_568 = arith.constant 6 : i32
        %dma_start3A_569 = arith.constant 768 : i32
        %dma_start3A_570 = arith.constant 0 : i32
        %dma_start3A_571 = tpu.memref_slice %arg12[%dma_start3A_569, %dma_start3A_570] : memref<1024x16xf32, #tpu.memory_space<vmem>> -> memref<128x16xf32, #tpu.memory_space<vmem>>
        %dma_start3A_572 = arith.constant 0 : i32
        %dma_start3A_573 = tpu.memref_slice %arg8[%dma_start3A_568, %dma_start3A_572] : memref<8x128xi32, #tpu.memory_space<vmem>> -> memref<1x128xi32, #tpu.memory_space<vmem>>
        %dma_start3A_574 = tpu.memref_squeeze %dma_start3A_573 : memref<1x128xi32, #tpu.memory_space<vmem>> -> memref<128xi32, #tpu.memory_space<vmem>>
        %dma_start3A_575 = arith.constant 0 : i32
        %dma_start3A_576 = arith.constant 0 : i32
        %dma_start3A_577 = tpu.memref_slice %arg3[%dma_start3A_575, %dma_start3A_576] : memref<1000000x16xf32, #tpu.memory_space<hbm>> -> memref<1000000x16xf32, #tpu.memory_space<hbm>>
        tpu.enqueue_indirect_dma source(%dma_start3A_577 : memref<1000000x16xf32, #tpu.memory_space<hbm>>) target(%dma_start3A_571 : memref<128x16xf32, #tpu.memory_space<vmem>>) offsets(%dma_start3A_574 : memref<128xi32, #tpu.memory_space<vmem>>) semaphore(%arg22 : memref<!tpu.dma_semaphore, #tpu.memory_space<semaphore_mem>>)
        %dma_start3A_578 = arith.constant 7 : i32
        %dma_start3A_579 = arith.constant 896 : i32
        %dma_start3A_580 = arith.constant 0 : i32
        %dma_start3A_581 = tpu.memref_slice %arg12[%dma_start3A_579, %dma_start3A_580] : memref<1024x16xf32, #tpu.memory_space<vmem>> -> memref<128x16xf32, #tpu.memory_space<vmem>>
        %dma_start3A_582 = arith.constant 0 : i32
        %dma_start3A_583 = tpu.memref_slice %arg8[%dma_start3A_578, %dma_start3A_582] : memref<8x128xi32, #tpu.memory_space<vmem>> -> memref<1x128xi32, #tpu.memory_space<vmem>>
        %dma_start3A_584 = tpu.memref_squeeze %dma_start3A_583 : memref<1x128xi32, #tpu.memory_space<vmem>> -> memref<128xi32, #tpu.memory_space<vmem>>
        %dma_start3A_585 = arith.constant 0 : i32
        %dma_start3A_586 = arith.constant 0 : i32
        %dma_start3A_587 = tpu.memref_slice %arg3[%dma_start3A_585, %dma_start3A_586] : memref<1000000x16xf32, #tpu.memory_space<hbm>> -> memref<1000000x16xf32, #tpu.memory_space<hbm>>
        tpu.enqueue_indirect_dma source(%dma_start3A_587 : memref<1000000x16xf32, #tpu.memory_space<hbm>>) target(%dma_start3A_581 : memref<128x16xf32, #tpu.memory_space<vmem>>) offsets(%dma_start3A_584 : memref<128xi32, #tpu.memory_space<vmem>>) semaphore(%arg22 : memref<!tpu.dma_semaphore, #tpu.memory_space<semaphore_mem>>)
      } else {
      }
      %gt3A = arith.constant 1 : i32
      %gt3A_339 = arith.cmpi sgt, %add3A_328, %gt3A : i32
      %convert_element_type3A_340 = arith.extui %gt3A_339 : i1 to i32
      %cond3A_341 = arith.constant 0 : i32
      %cond3A_342 = arith.cmpi ne, %convert_element_type3A_340, %cond3A_341 : i32
      scf.if %cond3A_342 {
        %add3A_500 = arith.constant 0 : i32
        %add3A_501 = arith.addi %mul3A_2, %add3A_500 : i32
        %mul3A_502 = arith.constant 1024 : i32
        %mul3A_503 = arith.muli %add3A_501, %mul3A_502 : i32
        %dma_wait3A_504 = arith.constant 0 : i32
        %dma_wait3A_505 = arith.constant 0 : i32
        %dma_wait3A_506 = tpu.memref_slice %arg13[%dma_wait3A_504, %dma_wait3A_505] : memref<16x1025xf32, #tpu.memory_space<vmem>> -> memref<16x1024xf32, #tpu.memory_space<vmem>>
        %dma_wait3A_507 = arith.constant 0 : i32
        %dma_wait3A_508 = tpu.memref_slice %arg4[%dma_wait3A_507, %mul3A_503] : memref<16x3276800xf32, #tpu.memory_space<hbm>> -> memref<16x1024xf32, #tpu.memory_space<hbm>>
        %dma_wait3A_509 = arith.constant 0 : i32
        %dma_wait3A_510 = tpu.memref_slice %arg4[%dma_wait3A_509, %mul3A_503] : memref<16x3276800xf32, #tpu.memory_space<hbm>> -> memref<16x1024xf32, #tpu.memory_space<hbm>>
        %dma_wait3A_511 = arith.constant 0 : i32
        %dma_wait3A_512 = arith.constant 0 : i32
        %dma_wait3A_513 = tpu.memref_slice %arg13[%dma_wait3A_511, %dma_wait3A_512] : memref<16x1025xf32, #tpu.memory_space<vmem>> -> memref<16x1024xf32, #tpu.memory_space<vmem>>
        tpu.wait_dma2 semaphore(%arg23 : memref<!tpu.dma_semaphore, #tpu.memory_space<semaphore_mem>>) src(%dma_wait3A_513 : memref<16x1024xf32, #tpu.memory_space<vmem>>) dst(%dma_wait3A_510 : memref<16x1024xf32, #tpu.memory_space<hbm>>)
      } else {
      }
      %parallel_loop3A = arith.constant 0 : i32
      %parallel_loop3A_343 = arith.constant 64 : i32
      %parallel_loop3A_344 = arith.constant 1 : i32
      scf.for %parallel_loop3A_500 = %parallel_loop3A to %parallel_loop3A_343 step %parallel_loop3A_344  : i32 {
        %parallel_loop3A_501 = arith.constant 16 : i32
        %parallel_loop3A_502 = arith.muli %parallel_loop3A_500, %parallel_loop3A_501 : i32
        %parallel_loop3A_503 = arith.constant 0 : i32
        %parallel_loop3A_504 = arith.addi %parallel_loop3A_502, %parallel_loop3A_503 : i32
        %parallel_loop3A_505 = arith.index_cast %parallel_loop3A_504 : i32 to index
        %parallel_loop3A_506 = arith.constant 0 : index
        %parallel_loop3A_507 = tpu.vector_load %arg9[%parallel_loop3A_505, %parallel_loop3A_506] {strides = array<i32>} : memref<1024x16xf32, #tpu.memory_space<vmem>>, vector<16xf32>,
        %parallel_loop3A_508 = vector.broadcast %parallel_loop3A_504 : i32 to vector<16xi32>
        tpu.vector_store_idx %arg13[%iota3A, %parallel_loop3A_508], %parallel_loop3A_507 : memref<16x1025xf32, #tpu.memory_space<vmem>>[vector<16xi32>, vector<16xi32>], vector<16xf32>,
        %parallel_loop3A_509 = arith.constant 1 : i32
        %parallel_loop3A_510 = arith.addi %parallel_loop3A_502, %parallel_loop3A_509 : i32
        %parallel_loop3A_511 = arith.index_cast %parallel_loop3A_510 : i32 to index
        %parallel_loop3A_512 = arith.constant 0 : index
        %parallel_loop3A_513 = tpu.vector_load %arg9[%parallel_loop3A_511, %parallel_loop3A_512] {strides = array<i32>} : memref<1024x16xf32, #tpu.memory_space<vmem>>, vector<16xf32>,
        %parallel_loop3A_514 = vector.broadcast %parallel_loop3A_510 : i32 to vector<16xi32>
        tpu.vector_store_idx %arg13[%iota3A, %parallel_loop3A_514], %parallel_loop3A_513 : memref<16x1025xf32, #tpu.memory_space<vmem>>[vector<16xi32>, vector<16xi32>], vector<16xf32>,
        %parallel_loop3A_515 = arith.constant 2 : i32
        %parallel_loop3A_516 = arith.addi %parallel_loop3A_502, %parallel_loop3A_515 : i32
        %parallel_loop3A_517 = arith.index_cast %parallel_loop3A_516 : i32 to index
        %parallel_loop3A_518 = arith.constant 0 : index
        %parallel_loop3A_519 = tpu.vector_load %arg9[%parallel_loop3A_517, %parallel_loop3A_518] {strides = array<i32>} : memref<1024x16xf32, #tpu.memory_space<vmem>>, vector<16xf32>,
        %parallel_loop3A_520 = vector.broadcast %parallel_loop3A_516 : i32 to vector<16xi32>
        tpu.vector_store_idx %arg13[%iota3A, %parallel_loop3A_520], %parallel_loop3A_519 : memref<16x1025xf32, #tpu.memory_space<vmem>>[vector<16xi32>, vector<16xi32>], vector<16xf32>,
        %parallel_loop3A_521 = arith.constant 3 : i32
        %parallel_loop3A_522 = arith.addi %parallel_loop3A_502, %parallel_loop3A_521 : i32
        %parallel_loop3A_523 = arith.index_cast %parallel_loop3A_522 : i32 to index
        %parallel_loop3A_524 = arith.constant 0 : index
        %parallel_loop3A_525 = tpu.vector_load %arg9[%parallel_loop3A_523, %parallel_loop3A_524] {strides = array<i32>} : memref<1024x16xf32, #tpu.memory_space<vmem>>, vector<16xf32>,
        %parallel_loop3A_526 = vector.broadcast %parallel_loop3A_522 : i32 to vector<16xi32>
        tpu.vector_store_idx %arg13[%iota3A, %parallel_loop3A_526], %parallel_loop3A_525 : memref<16x1025xf32, #tpu.memory_space<vmem>>[vector<16xi32>, vector<16xi32>], vector<16xf32>,
        %parallel_loop3A_527 = arith.constant 4 : i32
        %parallel_loop3A_528 = arith.addi %parallel_loop3A_502, %parallel_loop3A_527 : i32
        %parallel_loop3A_529 = arith.index_cast %parallel_loop3A_528 : i32 to index
        %parallel_loop3A_530 = arith.constant 0 : index
        %parallel_loop3A_531 = tpu.vector_load %arg9[%parallel_loop3A_529, %parallel_loop3A_530] {strides = array<i32>} : memref<1024x16xf32, #tpu.memory_space<vmem>>, vector<16xf32>,
        %parallel_loop3A_532 = vector.broadcast %parallel_loop3A_528 : i32 to vector<16xi32>
        tpu.vector_store_idx %arg13[%iota3A, %parallel_loop3A_532], %parallel_loop3A_531 : memref<16x1025xf32, #tpu.memory_space<vmem>>[vector<16xi32>, vector<16xi32>], vector<16xf32>,
        %parallel_loop3A_533 = arith.constant 5 : i32
        %parallel_loop3A_534 = arith.addi %parallel_loop3A_502, %parallel_loop3A_533 : i32
        %parallel_loop3A_535 = arith.index_cast %parallel_loop3A_534 : i32 to index
        %parallel_loop3A_536 = arith.constant 0 : index
        %parallel_loop3A_537 = tpu.vector_load %arg9[%parallel_loop3A_535, %parallel_loop3A_536] {strides = array<i32>} : memref<1024x16xf32, #tpu.memory_space<vmem>>, vector<16xf32>,
        %parallel_loop3A_538 = vector.broadcast %parallel_loop3A_534 : i32 to vector<16xi32>
        tpu.vector_store_idx %arg13[%iota3A, %parallel_loop3A_538], %parallel_loop3A_537 : memref<16x1025xf32, #tpu.memory_space<vmem>>[vector<16xi32>, vector<16xi32>], vector<16xf32>,
        %parallel_loop3A_539 = arith.constant 6 : i32
        %parallel_loop3A_540 = arith.addi %parallel_loop3A_502, %parallel_loop3A_539 : i32
        %parallel_loop3A_541 = arith.index_cast %parallel_loop3A_540 : i32 to index
        %parallel_loop3A_542 = arith.constant 0 : index
        %parallel_loop3A_543 = tpu.vector_load %arg9[%parallel_loop3A_541, %parallel_loop3A_542] {strides = array<i32>} : memref<1024x16xf32, #tpu.memory_space<vmem>>, vector<16xf32>,
        %parallel_loop3A_544 = vector.broadcast %parallel_loop3A_540 : i32 to vector<16xi32>
        tpu.vector_store_idx %arg13[%iota3A, %parallel_loop3A_544], %parallel_loop3A_543 : memref<16x1025xf32, #tpu.memory_space<vmem>>[vector<16xi32>, vector<16xi32>], vector<16xf32>,
        %parallel_loop3A_545 = arith.constant 7 : i32
        %parallel_loop3A_546 = arith.addi %parallel_loop3A_502, %parallel_loop3A_545 : i32
        %parallel_loop3A_547 = arith.index_cast %parallel_loop3A_546 : i32 to index
        %parallel_loop3A_548 = arith.constant 0 : index
        %parallel_loop3A_549 = tpu.vector_load %arg9[%parallel_loop3A_547, %parallel_loop3A_548] {strides = array<i32>} : memref<1024x16xf32, #tpu.memory_space<vmem>>, vector<16xf32>,
        %parallel_loop3A_550 = vector.broadcast %parallel_loop3A_546 : i32 to vector<16xi32>
        tpu.vector_store_idx %arg13[%iota3A, %parallel_loop3A_550], %parallel_loop3A_549 : memref<16x1025xf32, #tpu.memory_space<vmem>>[vector<16xi32>, vector<16xi32>], vector<16xf32>,
        %parallel_loop3A_551 = arith.constant 8 : i32
        %parallel_loop3A_552 = arith.addi %parallel_loop3A_502, %parallel_loop3A_551 : i32
        %parallel_loop3A_553 = arith.index_cast %parallel_loop3A_552 : i32 to index
        %parallel_loop3A_554 = arith.constant 0 : index
        %parallel_loop3A_555 = tpu.vector_load %arg9[%parallel_loop3A_553, %parallel_loop3A_554] {strides = array<i32>} : memref<1024x16xf32, #tpu.memory_space<vmem>>, vector<16xf32>,
        %parallel_loop3A_556 = vector.broadcast %parallel_loop3A_552 : i32 to vector<16xi32>
        tpu.vector_store_idx %arg13[%iota3A, %parallel_loop3A_556], %parallel_loop3A_555 : memref<16x1025xf32, #tpu.memory_space<vmem>>[vector<16xi32>, vector<16xi32>], vector<16xf32>,
        %parallel_loop3A_557 = arith.constant 9 : i32
        %parallel_loop3A_558 = arith.addi %parallel_loop3A_502, %parallel_loop3A_557 : i32
        %parallel_loop3A_559 = arith.index_cast %parallel_loop3A_558 : i32 to index
        %parallel_loop3A_560 = arith.constant 0 : index
        %parallel_loop3A_561 = tpu.vector_load %arg9[%parallel_loop3A_559, %parallel_loop3A_560] {strides = array<i32>} : memref<1024x16xf32, #tpu.memory_space<vmem>>, vector<16xf32>,
        %parallel_loop3A_562 = vector.broadcast %parallel_loop3A_558 : i32 to vector<16xi32>
        tpu.vector_store_idx %arg13[%iota3A, %parallel_loop3A_562], %parallel_loop3A_561 : memref<16x1025xf32, #tpu.memory_space<vmem>>[vector<16xi32>, vector<16xi32>], vector<16xf32>,
        %parallel_loop3A_563 = arith.constant 10 : i32
        %parallel_loop3A_564 = arith.addi %parallel_loop3A_502, %parallel_loop3A_563 : i32
        %parallel_loop3A_565 = arith.index_cast %parallel_loop3A_564 : i32 to index
        %parallel_loop3A_566 = arith.constant 0 : index
        %parallel_loop3A_567 = tpu.vector_load %arg9[%parallel_loop3A_565, %parallel_loop3A_566] {strides = array<i32>} : memref<1024x16xf32, #tpu.memory_space<vmem>>, vector<16xf32>,
        %parallel_loop3A_568 = vector.broadcast %parallel_loop3A_564 : i32 to vector<16xi32>
        tpu.vector_store_idx %arg13[%iota3A, %parallel_loop3A_568], %parallel_loop3A_567 : memref<16x1025xf32, #tpu.memory_space<vmem>>[vector<16xi32>, vector<16xi32>], vector<16xf32>,
        %parallel_loop3A_569 = arith.constant 11 : i32
        %parallel_loop3A_570 = arith.addi %parallel_loop3A_502, %parallel_loop3A_569 : i32
        %parallel_loop3A_571 = arith.index_cast %parallel_loop3A_570 : i32 to index
        %parallel_loop3A_572 = arith.constant 0 : index
        %parallel_loop3A_573 = tpu.vector_load %arg9[%parallel_loop3A_571, %parallel_loop3A_572] {strides = array<i32>} : memref<1024x16xf32, #tpu.memory_space<vmem>>, vector<16xf32>,
        %parallel_loop3A_574 = vector.broadcast %parallel_loop3A_570 : i32 to vector<16xi32>
        tpu.vector_store_idx %arg13[%iota3A, %parallel_loop3A_574], %parallel_loop3A_573 : memref<16x1025xf32, #tpu.memory_space<vmem>>[vector<16xi32>, vector<16xi32>], vector<16xf32>,
        %parallel_loop3A_575 = arith.constant 12 : i32
        %parallel_loop3A_576 = arith.addi %parallel_loop3A_502, %parallel_loop3A_575 : i32
        %parallel_loop3A_577 = arith.index_cast %parallel_loop3A_576 : i32 to index
        %parallel_loop3A_578 = arith.constant 0 : index
        %parallel_loop3A_579 = tpu.vector_load %arg9[%parallel_loop3A_577, %parallel_loop3A_578] {strides = array<i32>} : memref<1024x16xf32, #tpu.memory_space<vmem>>, vector<16xf32>,
        %parallel_loop3A_580 = vector.broadcast %parallel_loop3A_576 : i32 to vector<16xi32>
        tpu.vector_store_idx %arg13[%iota3A, %parallel_loop3A_580], %parallel_loop3A_579 : memref<16x1025xf32, #tpu.memory_space<vmem>>[vector<16xi32>, vector<16xi32>], vector<16xf32>,
        %parallel_loop3A_581 = arith.constant 13 : i32
        %parallel_loop3A_582 = arith.addi %parallel_loop3A_502, %parallel_loop3A_581 : i32
        %parallel_loop3A_583 = arith.index_cast %parallel_loop3A_582 : i32 to index
        %parallel_loop3A_584 = arith.constant 0 : index
        %parallel_loop3A_585 = tpu.vector_load %arg9[%parallel_loop3A_583, %parallel_loop3A_584] {strides = array<i32>} : memref<1024x16xf32, #tpu.memory_space<vmem>>, vector<16xf32>,
        %parallel_loop3A_586 = vector.broadcast %parallel_loop3A_582 : i32 to vector<16xi32>
        tpu.vector_store_idx %arg13[%iota3A, %parallel_loop3A_586], %parallel_loop3A_585 : memref<16x1025xf32, #tpu.memory_space<vmem>>[vector<16xi32>, vector<16xi32>], vector<16xf32>,
        %parallel_loop3A_587 = arith.constant 14 : i32
        %parallel_loop3A_588 = arith.addi %parallel_loop3A_502, %parallel_loop3A_587 : i32
        %parallel_loop3A_589 = arith.index_cast %parallel_loop3A_588 : i32 to index
        %parallel_loop3A_590 = arith.constant 0 : index
        %parallel_loop3A_591 = tpu.vector_load %arg9[%parallel_loop3A_589, %parallel_loop3A_590] {strides = array<i32>} : memref<1024x16xf32, #tpu.memory_space<vmem>>, vector<16xf32>,
        %parallel_loop3A_592 = vector.broadcast %parallel_loop3A_588 : i32 to vector<16xi32>
        tpu.vector_store_idx %arg13[%iota3A, %parallel_loop3A_592], %parallel_loop3A_591 : memref<16x1025xf32, #tpu.memory_space<vmem>>[vector<16xi32>, vector<16xi32>], vector<16xf32>,
        %parallel_loop3A_593 = arith.constant 15 : i32
        %parallel_loop3A_594 = arith.addi %parallel_loop3A_502, %parallel_loop3A_593 : i32
        %parallel_loop3A_595 = arith.index_cast %parallel_loop3A_594 : i32 to index
        %parallel_loop3A_596 = arith.constant 0 : index
        %parallel_loop3A_597 = tpu.vector_load %arg9[%parallel_loop3A_595, %parallel_loop3A_596] {strides = array<i32>} : memref<1024x16xf32, #tpu.memory_space<vmem>>, vector<16xf32>,
        %parallel_loop3A_598 = vector.broadcast %parallel_loop3A_594 : i32 to vector<16xi32>
        tpu.vector_store_idx %arg13[%iota3A, %parallel_loop3A_598], %parallel_loop3A_597 : memref<16x1025xf32, #tpu.memory_space<vmem>>[vector<16xi32>, vector<16xi32>], vector<16xf32>,
      } {sc.loop_unroll_factor = 2 : i64, sc.parallel_access}
      %add3A_345 = arith.addi %mul3A_2, %add3A_328 : i32
      %mul3A_346 = arith.constant 1024 : i32
      %mul3A_347 = arith.muli %add3A_345, %mul3A_346 : i32
      %dma_start3A_348 = arith.constant 0 : i32
      %dma_start3A_349 = arith.constant 0 : i32
      %dma_start3A_350 = tpu.memref_slice %arg13[%dma_start3A_348, %dma_start3A_349] : memref<16x1025xf32, #tpu.memory_space<vmem>> -> memref<16x1024xf32, #tpu.memory_space<vmem>>
      %dma_start3A_351 = arith.constant 0 : i32
      %dma_start3A_352 = tpu.memref_slice %arg4[%dma_start3A_351, %mul3A_347] : memref<16x3276800xf32, #tpu.memory_space<hbm>> -> memref<16x1024xf32, #tpu.memory_space<hbm>>
      %dma_start3A_353 = arith.constant 0 : i32
      %dma_start3A_354 = tpu.memref_slice %arg4[%dma_start3A_353, %mul3A_347] : memref<16x3276800xf32, #tpu.memory_space<hbm>> -> memref<16x1024xf32, #tpu.memory_space<hbm>>
      %dma_start3A_355 = arith.constant 0 : i32
      %dma_start3A_356 = arith.constant 0 : i32
      %dma_start3A_357 = tpu.memref_slice %arg13[%dma_start3A_355, %dma_start3A_356] : memref<16x1025xf32, #tpu.memory_space<vmem>> -> memref<16x1024xf32, #tpu.memory_space<vmem>>
      tpu.enqueue_dma source(%dma_start3A_357 : memref<16x1024xf32, #tpu.memory_space<vmem>>) target(%dma_start3A_354 : memref<16x1024xf32, #tpu.memory_space<hbm>>) target_semaphore(%arg23 : memref<!tpu.dma_semaphore, #tpu.memory_space<semaphore_mem>>)
      %add3A_358 = arith.constant 4 : i32
      %add3A_359 = arith.addi %add3A_328, %add3A_358 : i32
      %lt3A_360 = arith.constant 100 : i32
      %lt3A_361 = arith.cmpi slt, %add3A_359, %lt3A_360 : i32
      %convert_element_type3A_362 = arith.extui %lt3A_361 : i1 to i32
      %cond3A_363 = arith.constant 0 : i32
      %cond3A_364 = arith.cmpi ne, %convert_element_type3A_362, %cond3A_363 : i32
      scf.if %cond3A_364 {
        %add3A_500 = arith.constant 4 : i32
        %add3A_501 = arith.addi %add3A_328, %add3A_500 : i32
        %add3A_502 = arith.addi %mul3A_2, %add3A_501 : i32
        %mul3A_503 = arith.constant 8 : i32
        %mul3A_504 = arith.muli %add3A_502, %mul3A_503 : i32
        %dma_start3A_505 = arith.constant 0 : i32
        %dma_start3A_506 = tpu.memref_slice %arg2[%mul3A_504, %dma_start3A_505] : memref<25600x128xi32, #tpu.memory_space<hbm>> -> memref<8x128xi32, #tpu.memory_space<hbm>>
        %dma_start3A_507 = arith.constant 0 : i32
        %dma_start3A_508 = tpu.memref_slice %arg2[%mul3A_504, %dma_start3A_507] : memref<25600x128xi32, #tpu.memory_space<hbm>> -> memref<8x128xi32, #tpu.memory_space<hbm>>
        tpu.enqueue_dma source(%dma_start3A_508 : memref<8x128xi32, #tpu.memory_space<hbm>>) target(%arg5 : memref<8x128xi32, #tpu.memory_space<vmem>>) target_semaphore(%arg15 : memref<!tpu.dma_semaphore, #tpu.memory_space<semaphore_mem>>)
      } else {
      }
      %mul3A_365 = arith.constant 4 : i32
      %mul3A_366 = arith.muli %mul3A_365, %scan3A_324 : i32
      %add3A_367 = arith.constant 1 : i32
      %add3A_368 = arith.addi %mul3A_366, %add3A_367 : i32
      %dma_wait3A_369 = arith.constant 0 : i32
      %dma_wait3A_370 = arith.constant 0 : i32
      %dma_wait3A_371 = tpu.memref_slice %arg3[%dma_wait3A_369, %dma_wait3A_370] : memref<1000000x16xf32, #tpu.memory_space<hbm>> -> memref<1024x16xf32, #tpu.memory_space<hbm>>
      %dma_wait3A_372 = arith.constant 0 : i32
      %dma_wait3A_373 = arith.constant 0 : i32
      %dma_wait3A_374 = tpu.memref_slice %arg3[%dma_wait3A_372, %dma_wait3A_373] : memref<1000000x16xf32, #tpu.memory_space<hbm>> -> memref<1024x16xf32, #tpu.memory_space<hbm>>
      tpu.wait_dma2 semaphore(%arg20 : memref<!tpu.dma_semaphore, #tpu.memory_space<semaphore_mem>>) src(%dma_wait3A_374 : memref<1024x16xf32, #tpu.memory_space<hbm>>) dst(%arg10 : memref<1024x16xf32, #tpu.memory_space<vmem>>)
      %add3A_375 = arith.constant 3 : i32
      %add3A_376 = arith.addi %add3A_368, %add3A_375 : i32
      %lt3A_377 = arith.constant 100 : i32
      %lt3A_378 = arith.cmpi slt, %add3A_376, %lt3A_377 : i32
      %convert_element_type3A_379 = arith.extui %lt3A_378 : i1 to i32
      %cond3A_380 = arith.constant 0 : i32
      %cond3A_381 = arith.cmpi ne, %convert_element_type3A_379, %cond3A_380 : i32
      scf.if %cond3A_381 {
        %add3A_500 = arith.constant 3 : i32
        %add3A_501 = arith.addi %add3A_368, %add3A_500 : i32
        %dma_wait3A_502 = arith.constant 0 : i32
        %dma_wait3A_503 = arith.constant 0 : i32
        %dma_wait3A_504 = tpu.memref_slice %arg2[%dma_wait3A_502, %dma_wait3A_503] : memref<25600x128xi32, #tpu.memory_space<hbm>> -> memref<8x128xi32, #tpu.memory_space<hbm>>
        %dma_wait3A_505 = arith.constant 0 : i32
        %dma_wait3A_506 = arith.constant 0 : i32
        %dma_wait3A_507 = tpu.memref_slice %arg2[%dma_wait3A_505, %dma_wait3A_506] : memref<25600x128xi32, #tpu.memory_space<hbm>> -> memref<8x128xi32, #tpu.memory_space<hbm>>
        tpu.wait_dma2 semaphore(%arg15 : memref<!tpu.dma_semaphore, #tpu.memory_space<semaphore_mem>>) src(%dma_wait3A_507 : memref<8x128xi32, #tpu.memory_space<hbm>>) dst(%arg5 : memref<8x128xi32, #tpu.memory_space<vmem>>)
        %dma_start3A_508 = arith.constant 0 : i32
        %dma_start3A_509 = arith.constant 0 : i32
        %dma_start3A_510 = arith.constant 0 : i32
        %dma_start3A_511 = tpu.memref_slice %arg9[%dma_start3A_509, %dma_start3A_510] : memref<1024x16xf32, #tpu.memory_space<vmem>> -> memref<128x16xf32, #tpu.memory_space<vmem>>
        %dma_start3A_512 = arith.constant 0 : i32
        %dma_start3A_513 = tpu.memref_slice %arg5[%dma_start3A_508, %dma_start3A_512] : memref<8x128xi32, #tpu.memory_space<vmem>> -> memref<1x128xi32, #tpu.memory_space<vmem>>
        %dma_start3A_514 = tpu.memref_squeeze %dma_start3A_513 : memref<1x128xi32, #tpu.memory_space<vmem>> -> memref<128xi32, #tpu.memory_space<vmem>>
        %dma_start3A_515 = arith.constant 0 : i32
        %dma_start3A_516 = arith.constant 0 : i32
        %dma_start3A_517 = tpu.memref_slice %arg3[%dma_start3A_515, %dma_start3A_516] : memref<1000000x16xf32, #tpu.memory_space<hbm>> -> memref<1000000x16xf32, #tpu.memory_space<hbm>>
        tpu.enqueue_indirect_dma source(%dma_start3A_517 : memref<1000000x16xf32, #tpu.memory_space<hbm>>) target(%dma_start3A_511 : memref<128x16xf32, #tpu.memory_space<vmem>>) offsets(%dma_start3A_514 : memref<128xi32, #tpu.memory_space<vmem>>) semaphore(%arg19 : memref<!tpu.dma_semaphore, #tpu.memory_space<semaphore_mem>>)
        %dma_start3A_518 = arith.constant 1 : i32
        %dma_start3A_519 = arith.constant 128 : i32
        %dma_start3A_520 = arith.constant 0 : i32
        %dma_start3A_521 = tpu.memref_slice %arg9[%dma_start3A_519, %dma_start3A_520] : memref<1024x16xf32, #tpu.memory_space<vmem>> -> memref<128x16xf32, #tpu.memory_space<vmem>>
        %dma_start3A_522 = arith.constant 0 : i32
        %dma_start3A_523 = tpu.memref_slice %arg5[%dma_start3A_518, %dma_start3A_522] : memref<8x128xi32, #tpu.memory_space<vmem>> -> memref<1x128xi32, #tpu.memory_space<vmem>>
        %dma_start3A_524 = tpu.memref_squeeze %dma_start3A_523 : memref<1x128xi32, #tpu.memory_space<vmem>> -> memref<128xi32, #tpu.memory_space<vmem>>
        %dma_start3A_525 = arith.constant 0 : i32
        %dma_start3A_526 = arith.constant 0 : i32
        %dma_start3A_527 = tpu.memref_slice %arg3[%dma_start3A_525, %dma_start3A_526] : memref<1000000x16xf32, #tpu.memory_space<hbm>> -> memref<1000000x16xf32, #tpu.memory_space<hbm>>
        tpu.enqueue_indirect_dma source(%dma_start3A_527 : memref<1000000x16xf32, #tpu.memory_space<hbm>>) target(%dma_start3A_521 : memref<128x16xf32, #tpu.memory_space<vmem>>) offsets(%dma_start3A_524 : memref<128xi32, #tpu.memory_space<vmem>>) semaphore(%arg19 : memref<!tpu.dma_semaphore, #tpu.memory_space<semaphore_mem>>)
        %dma_start3A_528 = arith.constant 2 : i32
        %dma_start3A_529 = arith.constant 256 : i32
        %dma_start3A_530 = arith.constant 0 : i32
        %dma_start3A_531 = tpu.memref_slice %arg9[%dma_start3A_529, %dma_start3A_530] : memref<1024x16xf32, #tpu.memory_space<vmem>> -> memref<128x16xf32, #tpu.memory_space<vmem>>
        %dma_start3A_532 = arith.constant 0 : i32
        %dma_start3A_533 = tpu.memref_slice %arg5[%dma_start3A_528, %dma_start3A_532] : memref<8x128xi32, #tpu.memory_space<vmem>> -> memref<1x128xi32, #tpu.memory_space<vmem>>
        %dma_start3A_534 = tpu.memref_squeeze %dma_start3A_533 : memref<1x128xi32, #tpu.memory_space<vmem>> -> memref<128xi32, #tpu.memory_space<vmem>>
        %dma_start3A_535 = arith.constant 0 : i32
        %dma_start3A_536 = arith.constant 0 : i32
        %dma_start3A_537 = tpu.memref_slice %arg3[%dma_start3A_535, %dma_start3A_536] : memref<1000000x16xf32, #tpu.memory_space<hbm>> -> memref<1000000x16xf32, #tpu.memory_space<hbm>>
        tpu.enqueue_indirect_dma source(%dma_start3A_537 : memref<1000000x16xf32, #tpu.memory_space<hbm>>) target(%dma_start3A_531 : memref<128x16xf32, #tpu.memory_space<vmem>>) offsets(%dma_start3A_534 : memref<128xi32, #tpu.memory_space<vmem>>) semaphore(%arg19 : memref<!tpu.dma_semaphore, #tpu.memory_space<semaphore_mem>>)
        %dma_start3A_538 = arith.constant 3 : i32
        %dma_start3A_539 = arith.constant 384 : i32
        %dma_start3A_540 = arith.constant 0 : i32
        %dma_start3A_541 = tpu.memref_slice %arg9[%dma_start3A_539, %dma_start3A_540] : memref<1024x16xf32, #tpu.memory_space<vmem>> -> memref<128x16xf32, #tpu.memory_space<vmem>>
        %dma_start3A_542 = arith.constant 0 : i32
        %dma_start3A_543 = tpu.memref_slice %arg5[%dma_start3A_538, %dma_start3A_542] : memref<8x128xi32, #tpu.memory_space<vmem>> -> memref<1x128xi32, #tpu.memory_space<vmem>>
        %dma_start3A_544 = tpu.memref_squeeze %dma_start3A_543 : memref<1x128xi32, #tpu.memory_space<vmem>> -> memref<128xi32, #tpu.memory_space<vmem>>
        %dma_start3A_545 = arith.constant 0 : i32
        %dma_start3A_546 = arith.constant 0 : i32
        %dma_start3A_547 = tpu.memref_slice %arg3[%dma_start3A_545, %dma_start3A_546] : memref<1000000x16xf32, #tpu.memory_space<hbm>> -> memref<1000000x16xf32, #tpu.memory_space<hbm>>
        tpu.enqueue_indirect_dma source(%dma_start3A_547 : memref<1000000x16xf32, #tpu.memory_space<hbm>>) target(%dma_start3A_541 : memref<128x16xf32, #tpu.memory_space<vmem>>) offsets(%dma_start3A_544 : memref<128xi32, #tpu.memory_space<vmem>>) semaphore(%arg19 : memref<!tpu.dma_semaphore, #tpu.memory_space<semaphore_mem>>)
        %dma_start3A_548 = arith.constant 4 : i32
        %dma_start3A_549 = arith.constant 512 : i32
        %dma_start3A_550 = arith.constant 0 : i32
        %dma_start3A_551 = tpu.memref_slice %arg9[%dma_start3A_549, %dma_start3A_550] : memref<1024x16xf32, #tpu.memory_space<vmem>> -> memref<128x16xf32, #tpu.memory_space<vmem>>
        %dma_start3A_552 = arith.constant 0 : i32
        %dma_start3A_553 = tpu.memref_slice %arg5[%dma_start3A_548, %dma_start3A_552] : memref<8x128xi32, #tpu.memory_space<vmem>> -> memref<1x128xi32, #tpu.memory_space<vmem>>
        %dma_start3A_554 = tpu.memref_squeeze %dma_start3A_553 : memref<1x128xi32, #tpu.memory_space<vmem>> -> memref<128xi32, #tpu.memory_space<vmem>>
        %dma_start3A_555 = arith.constant 0 : i32
        %dma_start3A_556 = arith.constant 0 : i32
        %dma_start3A_557 = tpu.memref_slice %arg3[%dma_start3A_555, %dma_start3A_556] : memref<1000000x16xf32, #tpu.memory_space<hbm>> -> memref<1000000x16xf32, #tpu.memory_space<hbm>>
        tpu.enqueue_indirect_dma source(%dma_start3A_557 : memref<1000000x16xf32, #tpu.memory_space<hbm>>) target(%dma_start3A_551 : memref<128x16xf32, #tpu.memory_space<vmem>>) offsets(%dma_start3A_554 : memref<128xi32, #tpu.memory_space<vmem>>) semaphore(%arg19 : memref<!tpu.dma_semaphore, #tpu.memory_space<semaphore_mem>>)
        %dma_start3A_558 = arith.constant 5 : i32
        %dma_start3A_559 = arith.constant 640 : i32
        %dma_start3A_560 = arith.constant 0 : i32
        %dma_start3A_561 = tpu.memref_slice %arg9[%dma_start3A_559, %dma_start3A_560] : memref<1024x16xf32, #tpu.memory_space<vmem>> -> memref<128x16xf32, #tpu.memory_space<vmem>>
        %dma_start3A_562 = arith.constant 0 : i32
        %dma_start3A_563 = tpu.memref_slice %arg5[%dma_start3A_558, %dma_start3A_562] : memref<8x128xi32, #tpu.memory_space<vmem>> -> memref<1x128xi32, #tpu.memory_space<vmem>>
        %dma_start3A_564 = tpu.memref_squeeze %dma_start3A_563 : memref<1x128xi32, #tpu.memory_space<vmem>> -> memref<128xi32, #tpu.memory_space<vmem>>
        %dma_start3A_565 = arith.constant 0 : i32
        %dma_start3A_566 = arith.constant 0 : i32
        %dma_start3A_567 = tpu.memref_slice %arg3[%dma_start3A_565, %dma_start3A_566] : memref<1000000x16xf32, #tpu.memory_space<hbm>> -> memref<1000000x16xf32, #tpu.memory_space<hbm>>
        tpu.enqueue_indirect_dma source(%dma_start3A_567 : memref<1000000x16xf32, #tpu.memory_space<hbm>>) target(%dma_start3A_561 : memref<128x16xf32, #tpu.memory_space<vmem>>) offsets(%dma_start3A_564 : memref<128xi32, #tpu.memory_space<vmem>>) semaphore(%arg19 : memref<!tpu.dma_semaphore, #tpu.memory_space<semaphore_mem>>)
        %dma_start3A_568 = arith.constant 6 : i32
        %dma_start3A_569 = arith.constant 768 : i32
        %dma_start3A_570 = arith.constant 0 : i32
        %dma_start3A_571 = tpu.memref_slice %arg9[%dma_start3A_569, %dma_start3A_570] : memref<1024x16xf32, #tpu.memory_space<vmem>> -> memref<128x16xf32, #tpu.memory_space<vmem>>
        %dma_start3A_572 = arith.constant 0 : i32
        %dma_start3A_573 = tpu.memref_slice %arg5[%dma_start3A_568, %dma_start3A_572] : memref<8x128xi32, #tpu.memory_space<vmem>> -> memref<1x128xi32, #tpu.memory_space<vmem>>
        %dma_start3A_574 = tpu.memref_squeeze %dma_start3A_573 : memref<1x128xi32, #tpu.memory_space<vmem>> -> memref<128xi32, #tpu.memory_space<vmem>>
        %dma_start3A_575 = arith.constant 0 : i32
        %dma_start3A_576 = arith.constant 0 : i32
        %dma_start3A_577 = tpu.memref_slice %arg3[%dma_start3A_575, %dma_start3A_576] : memref<1000000x16xf32, #tpu.memory_space<hbm>> -> memref<1000000x16xf32, #tpu.memory_space<hbm>>
        tpu.enqueue_indirect_dma source(%dma_start3A_577 : memref<1000000x16xf32, #tpu.memory_space<hbm>>) target(%dma_start3A_571 : memref<128x16xf32, #tpu.memory_space<vmem>>) offsets(%dma_start3A_574 : memref<128xi32, #tpu.memory_space<vmem>>) semaphore(%arg19 : memref<!tpu.dma_semaphore, #tpu.memory_space<semaphore_mem>>)
        %dma_start3A_578 = arith.constant 7 : i32
        %dma_start3A_579 = arith.constant 896 : i32
        %dma_start3A_580 = arith.constant 0 : i32
        %dma_start3A_581 = tpu.memref_slice %arg9[%dma_start3A_579, %dma_start3A_580] : memref<1024x16xf32, #tpu.memory_space<vmem>> -> memref<128x16xf32, #tpu.memory_space<vmem>>
        %dma_start3A_582 = arith.constant 0 : i32
        %dma_start3A_583 = tpu.memref_slice %arg5[%dma_start3A_578, %dma_start3A_582] : memref<8x128xi32, #tpu.memory_space<vmem>> -> memref<1x128xi32, #tpu.memory_space<vmem>>
        %dma_start3A_584 = tpu.memref_squeeze %dma_start3A_583 : memref<1x128xi32, #tpu.memory_space<vmem>> -> memref<128xi32, #tpu.memory_space<vmem>>
        %dma_start3A_585 = arith.constant 0 : i32
        %dma_start3A_586 = arith.constant 0 : i32
        %dma_start3A_587 = tpu.memref_slice %arg3[%dma_start3A_585, %dma_start3A_586] : memref<1000000x16xf32, #tpu.memory_space<hbm>> -> memref<1000000x16xf32, #tpu.memory_space<hbm>>
        tpu.enqueue_indirect_dma source(%dma_start3A_587 : memref<1000000x16xf32, #tpu.memory_space<hbm>>) target(%dma_start3A_581 : memref<128x16xf32, #tpu.memory_space<vmem>>) offsets(%dma_start3A_584 : memref<128xi32, #tpu.memory_space<vmem>>) semaphore(%arg19 : memref<!tpu.dma_semaphore, #tpu.memory_space<semaphore_mem>>)
      } else {
      }
      %gt3A_382 = arith.constant 1 : i32
      %gt3A_383 = arith.cmpi sgt, %add3A_368, %gt3A_382 : i32
      %convert_element_type3A_384 = arith.extui %gt3A_383 : i1 to i32
      %cond3A_385 = arith.constant 0 : i32
      %cond3A_386 = arith.cmpi ne, %convert_element_type3A_384, %cond3A_385 : i32
      scf.if %cond3A_386 {
        %add3A_500 = arith.constant 0 : i32
        %add3A_501 = arith.addi %mul3A_2, %add3A_500 : i32
        %mul3A_502 = arith.constant 1024 : i32
        %mul3A_503 = arith.muli %add3A_501, %mul3A_502 : i32
        %dma_wait3A_504 = arith.constant 0 : i32
        %dma_wait3A_505 = arith.constant 0 : i32
        %dma_wait3A_506 = tpu.memref_slice %arg14[%dma_wait3A_504, %dma_wait3A_505] : memref<16x1025xf32, #tpu.memory_space<vmem>> -> memref<16x1024xf32, #tpu.memory_space<vmem>>
        %dma_wait3A_507 = arith.constant 0 : i32
        %dma_wait3A_508 = tpu.memref_slice %arg4[%dma_wait3A_507, %mul3A_503] : memref<16x3276800xf32, #tpu.memory_space<hbm>> -> memref<16x1024xf32, #tpu.memory_space<hbm>>
        %dma_wait3A_509 = arith.constant 0 : i32
        %dma_wait3A_510 = tpu.memref_slice %arg4[%dma_wait3A_509, %mul3A_503] : memref<16x3276800xf32, #tpu.memory_space<hbm>> -> memref<16x1024xf32, #tpu.memory_space<hbm>>
        %dma_wait3A_511 = arith.constant 0 : i32
        %dma_wait3A_512 = arith.constant 0 : i32
        %dma_wait3A_513 = tpu.memref_slice %arg14[%dma_wait3A_511, %dma_wait3A_512] : memref<16x1025xf32, #tpu.memory_space<vmem>> -> memref<16x1024xf32, #tpu.memory_space<vmem>>
        tpu.wait_dma2 semaphore(%arg24 : memref<!tpu.dma_semaphore, #tpu.memory_space<semaphore_mem>>) src(%dma_wait3A_513 : memref<16x1024xf32, #tpu.memory_space<vmem>>) dst(%dma_wait3A_510 : memref<16x1024xf32, #tpu.memory_space<hbm>>)
      } else {
      }
      %parallel_loop3A_387 = arith.constant 0 : i32
      %parallel_loop3A_388 = arith.constant 64 : i32
      %parallel_loop3A_389 = arith.constant 1 : i32
      scf.for %parallel_loop3A_500 = %parallel_loop3A_387 to %parallel_loop3A_388 step %parallel_loop3A_389  : i32 {
        %parallel_loop3A_501 = arith.constant 16 : i32
        %parallel_loop3A_502 = arith.muli %parallel_loop3A_500, %parallel_loop3A_501 : i32
        %parallel_loop3A_503 = arith.constant 0 : i32
        %parallel_loop3A_504 = arith.addi %parallel_loop3A_502, %parallel_loop3A_503 : i32
        %parallel_loop3A_505 = arith.index_cast %parallel_loop3A_504 : i32 to index
        %parallel_loop3A_506 = arith.constant 0 : index
        %parallel_loop3A_507 = tpu.vector_load %arg10[%parallel_loop3A_505, %parallel_loop3A_506] {strides = array<i32>} : memref<1024x16xf32, #tpu.memory_space<vmem>>, vector<16xf32>,
        %parallel_loop3A_508 = vector.broadcast %parallel_loop3A_504 : i32 to vector<16xi32>
        tpu.vector_store_idx %arg14[%iota3A, %parallel_loop3A_508], %parallel_loop3A_507 : memref<16x1025xf32, #tpu.memory_space<vmem>>[vector<16xi32>, vector<16xi32>], vector<16xf32>,
        %parallel_loop3A_509 = arith.constant 1 : i32
        %parallel_loop3A_510 = arith.addi %parallel_loop3A_502, %parallel_loop3A_509 : i32
        %parallel_loop3A_511 = arith.index_cast %parallel_loop3A_510 : i32 to index
        %parallel_loop3A_512 = arith.constant 0 : index
        %parallel_loop3A_513 = tpu.vector_load %arg10[%parallel_loop3A_511, %parallel_loop3A_512] {strides = array<i32>} : memref<1024x16xf32, #tpu.memory_space<vmem>>, vector<16xf32>,
        %parallel_loop3A_514 = vector.broadcast %parallel_loop3A_510 : i32 to vector<16xi32>
        tpu.vector_store_idx %arg14[%iota3A, %parallel_loop3A_514], %parallel_loop3A_513 : memref<16x1025xf32, #tpu.memory_space<vmem>>[vector<16xi32>, vector<16xi32>], vector<16xf32>,
        %parallel_loop3A_515 = arith.constant 2 : i32
        %parallel_loop3A_516 = arith.addi %parallel_loop3A_502, %parallel_loop3A_515 : i32
        %parallel_loop3A_517 = arith.index_cast %parallel_loop3A_516 : i32 to index
        %parallel_loop3A_518 = arith.constant 0 : index
        %parallel_loop3A_519 = tpu.vector_load %arg10[%parallel_loop3A_517, %parallel_loop3A_518] {strides = array<i32>} : memref<1024x16xf32, #tpu.memory_space<vmem>>, vector<16xf32>,
        %parallel_loop3A_520 = vector.broadcast %parallel_loop3A_516 : i32 to vector<16xi32>
        tpu.vector_store_idx %arg14[%iota3A, %parallel_loop3A_520], %parallel_loop3A_519 : memref<16x1025xf32, #tpu.memory_space<vmem>>[vector<16xi32>, vector<16xi32>], vector<16xf32>,
        %parallel_loop3A_521 = arith.constant 3 : i32
        %parallel_loop3A_522 = arith.addi %parallel_loop3A_502, %parallel_loop3A_521 : i32
        %parallel_loop3A_523 = arith.index_cast %parallel_loop3A_522 : i32 to index
        %parallel_loop3A_524 = arith.constant 0 : index
        %parallel_loop3A_525 = tpu.vector_load %arg10[%parallel_loop3A_523, %parallel_loop3A_524] {strides = array<i32>} : memref<1024x16xf32, #tpu.memory_space<vmem>>, vector<16xf32>,
        %parallel_loop3A_526 = vector.broadcast %parallel_loop3A_522 : i32 to vector<16xi32>
        tpu.vector_store_idx %arg14[%iota3A, %parallel_loop3A_526], %parallel_loop3A_525 : memref<16x1025xf32, #tpu.memory_space<vmem>>[vector<16xi32>, vector<16xi32>], vector<16xf32>,
        %parallel_loop3A_527 = arith.constant 4 : i32
        %parallel_loop3A_528 = arith.addi %parallel_loop3A_502, %parallel_loop3A_527 : i32
        %parallel_loop3A_529 = arith.index_cast %parallel_loop3A_528 : i32 to index
        %parallel_loop3A_530 = arith.constant 0 : index
        %parallel_loop3A_531 = tpu.vector_load %arg10[%parallel_loop3A_529, %parallel_loop3A_530] {strides = array<i32>} : memref<1024x16xf32, #tpu.memory_space<vmem>>, vector<16xf32>,
        %parallel_loop3A_532 = vector.broadcast %parallel_loop3A_528 : i32 to vector<16xi32>
        tpu.vector_store_idx %arg14[%iota3A, %parallel_loop3A_532], %parallel_loop3A_531 : memref<16x1025xf32, #tpu.memory_space<vmem>>[vector<16xi32>, vector<16xi32>], vector<16xf32>,
        %parallel_loop3A_533 = arith.constant 5 : i32
        %parallel_loop3A_534 = arith.addi %parallel_loop3A_502, %parallel_loop3A_533 : i32
        %parallel_loop3A_535 = arith.index_cast %parallel_loop3A_534 : i32 to index
        %parallel_loop3A_536 = arith.constant 0 : index
        %parallel_loop3A_537 = tpu.vector_load %arg10[%parallel_loop3A_535, %parallel_loop3A_536] {strides = array<i32>} : memref<1024x16xf32, #tpu.memory_space<vmem>>, vector<16xf32>,
        %parallel_loop3A_538 = vector.broadcast %parallel_loop3A_534 : i32 to vector<16xi32>
        tpu.vector_store_idx %arg14[%iota3A, %parallel_loop3A_538], %parallel_loop3A_537 : memref<16x1025xf32, #tpu.memory_space<vmem>>[vector<16xi32>, vector<16xi32>], vector<16xf32>,
        %parallel_loop3A_539 = arith.constant 6 : i32
        %parallel_loop3A_540 = arith.addi %parallel_loop3A_502, %parallel_loop3A_539 : i32
        %parallel_loop3A_541 = arith.index_cast %parallel_loop3A_540 : i32 to index
        %parallel_loop3A_542 = arith.constant 0 : index
        %parallel_loop3A_543 = tpu.vector_load %arg10[%parallel_loop3A_541, %parallel_loop3A_542] {strides = array<i32>} : memref<1024x16xf32, #tpu.memory_space<vmem>>, vector<16xf32>,
        %parallel_loop3A_544 = vector.broadcast %parallel_loop3A_540 : i32 to vector<16xi32>
        tpu.vector_store_idx %arg14[%iota3A, %parallel_loop3A_544], %parallel_loop3A_543 : memref<16x1025xf32, #tpu.memory_space<vmem>>[vector<16xi32>, vector<16xi32>], vector<16xf32>,
        %parallel_loop3A_545 = arith.constant 7 : i32
        %parallel_loop3A_546 = arith.addi %parallel_loop3A_502, %parallel_loop3A_545 : i32
        %parallel_loop3A_547 = arith.index_cast %parallel_loop3A_546 : i32 to index
        %parallel_loop3A_548 = arith.constant 0 : index
        %parallel_loop3A_549 = tpu.vector_load %arg10[%parallel_loop3A_547, %parallel_loop3A_548] {strides = array<i32>} : memref<1024x16xf32, #tpu.memory_space<vmem>>, vector<16xf32>,
        %parallel_loop3A_550 = vector.broadcast %parallel_loop3A_546 : i32 to vector<16xi32>
        tpu.vector_store_idx %arg14[%iota3A, %parallel_loop3A_550], %parallel_loop3A_549 : memref<16x1025xf32, #tpu.memory_space<vmem>>[vector<16xi32>, vector<16xi32>], vector<16xf32>,
        %parallel_loop3A_551 = arith.constant 8 : i32
        %parallel_loop3A_552 = arith.addi %parallel_loop3A_502, %parallel_loop3A_551 : i32
        %parallel_loop3A_553 = arith.index_cast %parallel_loop3A_552 : i32 to index
        %parallel_loop3A_554 = arith.constant 0 : index
        %parallel_loop3A_555 = tpu.vector_load %arg10[%parallel_loop3A_553, %parallel_loop3A_554] {strides = array<i32>} : memref<1024x16xf32, #tpu.memory_space<vmem>>, vector<16xf32>,
        %parallel_loop3A_556 = vector.broadcast %parallel_loop3A_552 : i32 to vector<16xi32>
        tpu.vector_store_idx %arg14[%iota3A, %parallel_loop3A_556], %parallel_loop3A_555 : memref<16x1025xf32, #tpu.memory_space<vmem>>[vector<16xi32>, vector<16xi32>], vector<16xf32>,
        %parallel_loop3A_557 = arith.constant 9 : i32
        %parallel_loop3A_558 = arith.addi %parallel_loop3A_502, %parallel_loop3A_557 : i32
        %parallel_loop3A_559 = arith.index_cast %parallel_loop3A_558 : i32 to index
        %parallel_loop3A_560 = arith.constant 0 : index
        %parallel_loop3A_561 = tpu.vector_load %arg10[%parallel_loop3A_559, %parallel_loop3A_560] {strides = array<i32>} : memref<1024x16xf32, #tpu.memory_space<vmem>>, vector<16xf32>,
        %parallel_loop3A_562 = vector.broadcast %parallel_loop3A_558 : i32 to vector<16xi32>
        tpu.vector_store_idx %arg14[%iota3A, %parallel_loop3A_562], %parallel_loop3A_561 : memref<16x1025xf32, #tpu.memory_space<vmem>>[vector<16xi32>, vector<16xi32>], vector<16xf32>,
        %parallel_loop3A_563 = arith.constant 10 : i32
        %parallel_loop3A_564 = arith.addi %parallel_loop3A_502, %parallel_loop3A_563 : i32
        %parallel_loop3A_565 = arith.index_cast %parallel_loop3A_564 : i32 to index
        %parallel_loop3A_566 = arith.constant 0 : index
        %parallel_loop3A_567 = tpu.vector_load %arg10[%parallel_loop3A_565, %parallel_loop3A_566] {strides = array<i32>} : memref<1024x16xf32, #tpu.memory_space<vmem>>, vector<16xf32>,
        %parallel_loop3A_568 = vector.broadcast %parallel_loop3A_564 : i32 to vector<16xi32>
        tpu.vector_store_idx %arg14[%iota3A, %parallel_loop3A_568], %parallel_loop3A_567 : memref<16x1025xf32, #tpu.memory_space<vmem>>[vector<16xi32>, vector<16xi32>], vector<16xf32>,
        %parallel_loop3A_569 = arith.constant 11 : i32
        %parallel_loop3A_570 = arith.addi %parallel_loop3A_502, %parallel_loop3A_569 : i32
        %parallel_loop3A_571 = arith.index_cast %parallel_loop3A_570 : i32 to index
        %parallel_loop3A_572 = arith.constant 0 : index
        %parallel_loop3A_573 = tpu.vector_load %arg10[%parallel_loop3A_571, %parallel_loop3A_572] {strides = array<i32>} : memref<1024x16xf32, #tpu.memory_space<vmem>>, vector<16xf32>,
        %parallel_loop3A_574 = vector.broadcast %parallel_loop3A_570 : i32 to vector<16xi32>
        tpu.vector_store_idx %arg14[%iota3A, %parallel_loop3A_574], %parallel_loop3A_573 : memref<16x1025xf32, #tpu.memory_space<vmem>>[vector<16xi32>, vector<16xi32>], vector<16xf32>,
        %parallel_loop3A_575 = arith.constant 12 : i32
        %parallel_loop3A_576 = arith.addi %parallel_loop3A_502, %parallel_loop3A_575 : i32
        %parallel_loop3A_577 = arith.index_cast %parallel_loop3A_576 : i32 to index
        %parallel_loop3A_578 = arith.constant 0 : index
        %parallel_loop3A_579 = tpu.vector_load %arg10[%parallel_loop3A_577, %parallel_loop3A_578] {strides = array<i32>} : memref<1024x16xf32, #tpu.memory_space<vmem>>, vector<16xf32>,
        %parallel_loop3A_580 = vector.broadcast %parallel_loop3A_576 : i32 to vector<16xi32>
        tpu.vector_store_idx %arg14[%iota3A, %parallel_loop3A_580], %parallel_loop3A_579 : memref<16x1025xf32, #tpu.memory_space<vmem>>[vector<16xi32>, vector<16xi32>], vector<16xf32>,
        %parallel_loop3A_581 = arith.constant 13 : i32
        %parallel_loop3A_582 = arith.addi %parallel_loop3A_502, %parallel_loop3A_581 : i32
        %parallel_loop3A_583 = arith.index_cast %parallel_loop3A_582 : i32 to index
        %parallel_loop3A_584 = arith.constant 0 : index
        %parallel_loop3A_585 = tpu.vector_load %arg10[%parallel_loop3A_583, %parallel_loop3A_584] {strides = array<i32>} : memref<1024x16xf32, #tpu.memory_space<vmem>>, vector<16xf32>,
        %parallel_loop3A_586 = vector.broadcast %parallel_loop3A_582 : i32 to vector<16xi32>
        tpu.vector_store_idx %arg14[%iota3A, %parallel_loop3A_586], %parallel_loop3A_585 : memref<16x1025xf32, #tpu.memory_space<vmem>>[vector<16xi32>, vector<16xi32>], vector<16xf32>,
        %parallel_loop3A_587 = arith.constant 14 : i32
        %parallel_loop3A_588 = arith.addi %parallel_loop3A_502, %parallel_loop3A_587 : i32
        %parallel_loop3A_589 = arith.index_cast %parallel_loop3A_588 : i32 to index
        %parallel_loop3A_590 = arith.constant 0 : index
        %parallel_loop3A_591 = tpu.vector_load %arg10[%parallel_loop3A_589, %parallel_loop3A_590] {strides = array<i32>} : memref<1024x16xf32, #tpu.memory_space<vmem>>, vector<16xf32>,
        %parallel_loop3A_592 = vector.broadcast %parallel_loop3A_588 : i32 to vector<16xi32>
        tpu.vector_store_idx %arg14[%iota3A, %parallel_loop3A_592], %parallel_loop3A_591 : memref<16x1025xf32, #tpu.memory_space<vmem>>[vector<16xi32>, vector<16xi32>], vector<16xf32>,
        %parallel_loop3A_593 = arith.constant 15 : i32
        %parallel_loop3A_594 = arith.addi %parallel_loop3A_502, %parallel_loop3A_593 : i32
        %parallel_loop3A_595 = arith.index_cast %parallel_loop3A_594 : i32 to index
        %parallel_loop3A_596 = arith.constant 0 : index
        %parallel_loop3A_597 = tpu.vector_load %arg10[%parallel_loop3A_595, %parallel_loop3A_596] {strides = array<i32>} : memref<1024x16xf32, #tpu.memory_space<vmem>>, vector<16xf32>,
        %parallel_loop3A_598 = vector.broadcast %parallel_loop3A_594 : i32 to vector<16xi32>
        tpu.vector_store_idx %arg14[%iota3A, %parallel_loop3A_598], %parallel_loop3A_597 : memref<16x1025xf32, #tpu.memory_space<vmem>>[vector<16xi32>, vector<16xi32>], vector<16xf32>,
      } {sc.loop_unroll_factor = 2 : i64, sc.parallel_access}
      %add3A_390 = arith.addi %mul3A_2, %add3A_368 : i32
      %mul3A_391 = arith.constant 1024 : i32
      %mul3A_392 = arith.muli %add3A_390, %mul3A_391 : i32
      %dma_start3A_393 = arith.constant 0 : i32
      %dma_start3A_394 = arith.constant 0 : i32
      %dma_start3A_395 = tpu.memref_slice %arg14[%dma_start3A_393, %dma_start3A_394] : memref<16x1025xf32, #tpu.memory_space<vmem>> -> memref<16x1024xf32, #tpu.memory_space<vmem>>
      %dma_start3A_396 = arith.constant 0 : i32
      %dma_start3A_397 = tpu.memref_slice %arg4[%dma_start3A_396, %mul3A_392] : memref<16x3276800xf32, #tpu.memory_space<hbm>> -> memref<16x1024xf32, #tpu.memory_space<hbm>>
      %dma_start3A_398 = arith.constant 0 : i32
      %dma_start3A_399 = tpu.memref_slice %arg4[%dma_start3A_398, %mul3A_392] : memref<16x3276800xf32, #tpu.memory_space<hbm>> -> memref<16x1024xf32, #tpu.memory_space<hbm>>
      %dma_start3A_400 = arith.constant 0 : i32
      %dma_start3A_401 = arith.constant 0 : i32
      %dma_start3A_402 = tpu.memref_slice %arg14[%dma_start3A_400, %dma_start3A_401] : memref<16x1025xf32, #tpu.memory_space<vmem>> -> memref<16x1024xf32, #tpu.memory_space<vmem>>
      tpu.enqueue_dma source(%dma_start3A_402 : memref<16x1024xf32, #tpu.memory_space<vmem>>) target(%dma_start3A_399 : memref<16x1024xf32, #tpu.memory_space<hbm>>) target_semaphore(%arg24 : memref<!tpu.dma_semaphore, #tpu.memory_space<semaphore_mem>>)
      %add3A_403 = arith.constant 4 : i32
      %add3A_404 = arith.addi %add3A_368, %add3A_403 : i32
      %lt3A_405 = arith.constant 100 : i32
      %lt3A_406 = arith.cmpi slt, %add3A_404, %lt3A_405 : i32
      %convert_element_type3A_407 = arith.extui %lt3A_406 : i1 to i32
      %cond3A_408 = arith.constant 0 : i32
      %cond3A_409 = arith.cmpi ne, %convert_element_type3A_407, %cond3A_408 : i32
      scf.if %cond3A_409 {
        %add3A_500 = arith.constant 4 : i32
        %add3A_501 = arith.addi %add3A_368, %add3A_500 : i32
        %add3A_502 = arith.addi %mul3A_2, %add3A_501 : i32
        %mul3A_503 = arith.constant 8 : i32
        %mul3A_504 = arith.muli %add3A_502, %mul3A_503 : i32
        %dma_start3A_505 = arith.constant 0 : i32
        %dma_start3A_506 = tpu.memref_slice %arg2[%mul3A_504, %dma_start3A_505] : memref<25600x128xi32, #tpu.memory_space<hbm>> -> memref<8x128xi32, #tpu.memory_space<hbm>>
        %dma_start3A_507 = arith.constant 0 : i32
        %dma_start3A_508 = tpu.memref_slice %arg2[%mul3A_504, %dma_start3A_507] : memref<25600x128xi32, #tpu.memory_space<hbm>> -> memref<8x128xi32, #tpu.memory_space<hbm>>
        tpu.enqueue_dma source(%dma_start3A_508 : memref<8x128xi32, #tpu.memory_space<hbm>>) target(%arg6 : memref<8x128xi32, #tpu.memory_space<vmem>>) target_semaphore(%arg16 : memref<!tpu.dma_semaphore, #tpu.memory_space<semaphore_mem>>)
      } else {
      }
      %mul3A_410 = arith.constant 4 : i32
      %mul3A_411 = arith.muli %mul3A_410, %scan3A_324 : i32
      %add3A_412 = arith.constant 2 : i32
      %add3A_413 = arith.addi %mul3A_411, %add3A_412 : i32
      %dma_wait3A_414 = arith.constant 0 : i32
      %dma_wait3A_415 = arith.constant 0 : i32
      %dma_wait3A_416 = tpu.memref_slice %arg3[%dma_wait3A_414, %dma_wait3A_415] : memref<1000000x16xf32, #tpu.memory_space<hbm>> -> memref<1024x16xf32, #tpu.memory_space<hbm>>
      %dma_wait3A_417 = arith.constant 0 : i32
      %dma_wait3A_418 = arith.constant 0 : i32
      %dma_wait3A_419 = tpu.memref_slice %arg3[%dma_wait3A_417, %dma_wait3A_418] : memref<1000000x16xf32, #tpu.memory_space<hbm>> -> memref<1024x16xf32, #tpu.memory_space<hbm>>
      tpu.wait_dma2 semaphore(%arg21 : memref<!tpu.dma_semaphore, #tpu.memory_space<semaphore_mem>>) src(%dma_wait3A_419 : memref<1024x16xf32, #tpu.memory_space<hbm>>) dst(%arg11 : memref<1024x16xf32, #tpu.memory_space<vmem>>)
      %add3A_420 = arith.constant 3 : i32
      %add3A_421 = arith.addi %add3A_413, %add3A_420 : i32
      %lt3A_422 = arith.constant 100 : i32
      %lt3A_423 = arith.cmpi slt, %add3A_421, %lt3A_422 : i32
      %convert_element_type3A_424 = arith.extui %lt3A_423 : i1 to i32
      %cond3A_425 = arith.constant 0 : i32
      %cond3A_426 = arith.cmpi ne, %convert_element_type3A_424, %cond3A_425 : i32
      scf.if %cond3A_426 {
        %add3A_500 = arith.constant 3 : i32
        %add3A_501 = arith.addi %add3A_413, %add3A_500 : i32
        %dma_wait3A_502 = arith.constant 0 : i32
        %dma_wait3A_503 = arith.constant 0 : i32
        %dma_wait3A_504 = tpu.memref_slice %arg2[%dma_wait3A_502, %dma_wait3A_503] : memref<25600x128xi32, #tpu.memory_space<hbm>> -> memref<8x128xi32, #tpu.memory_space<hbm>>
        %dma_wait3A_505 = arith.constant 0 : i32
        %dma_wait3A_506 = arith.constant 0 : i32
        %dma_wait3A_507 = tpu.memref_slice %arg2[%dma_wait3A_505, %dma_wait3A_506] : memref<25600x128xi32, #tpu.memory_space<hbm>> -> memref<8x128xi32, #tpu.memory_space<hbm>>
        tpu.wait_dma2 semaphore(%arg16 : memref<!tpu.dma_semaphore, #tpu.memory_space<semaphore_mem>>) src(%dma_wait3A_507 : memref<8x128xi32, #tpu.memory_space<hbm>>) dst(%arg6 : memref<8x128xi32, #tpu.memory_space<vmem>>)
        %dma_start3A_508 = arith.constant 0 : i32
        %dma_start3A_509 = arith.constant 0 : i32
        %dma_start3A_510 = arith.constant 0 : i32
        %dma_start3A_511 = tpu.memref_slice %arg10[%dma_start3A_509, %dma_start3A_510] : memref<1024x16xf32, #tpu.memory_space<vmem>> -> memref<128x16xf32, #tpu.memory_space<vmem>>
        %dma_start3A_512 = arith.constant 0 : i32
        %dma_start3A_513 = tpu.memref_slice %arg6[%dma_start3A_508, %dma_start3A_512] : memref<8x128xi32, #tpu.memory_space<vmem>> -> memref<1x128xi32, #tpu.memory_space<vmem>>
        %dma_start3A_514 = tpu.memref_squeeze %dma_start3A_513 : memref<1x128xi32, #tpu.memory_space<vmem>> -> memref<128xi32, #tpu.memory_space<vmem>>
        %dma_start3A_515 = arith.constant 0 : i32
        %dma_start3A_516 = arith.constant 0 : i32
        %dma_start3A_517 = tpu.memref_slice %arg3[%dma_start3A_515, %dma_start3A_516] : memref<1000000x16xf32, #tpu.memory_space<hbm>> -> memref<1000000x16xf32, #tpu.memory_space<hbm>>
        tpu.enqueue_indirect_dma source(%dma_start3A_517 : memref<1000000x16xf32, #tpu.memory_space<hbm>>) target(%dma_start3A_511 : memref<128x16xf32, #tpu.memory_space<vmem>>) offsets(%dma_start3A_514 : memref<128xi32, #tpu.memory_space<vmem>>) semaphore(%arg20 : memref<!tpu.dma_semaphore, #tpu.memory_space<semaphore_mem>>)
        %dma_start3A_518 = arith.constant 1 : i32
        %dma_start3A_519 = arith.constant 128 : i32
        %dma_start3A_520 = arith.constant 0 : i32
        %dma_start3A_521 = tpu.memref_slice %arg10[%dma_start3A_519, %dma_start3A_520] : memref<1024x16xf32, #tpu.memory_space<vmem>> -> memref<128x16xf32, #tpu.memory_space<vmem>>
        %dma_start3A_522 = arith.constant 0 : i32
        %dma_start3A_523 = tpu.memref_slice %arg6[%dma_start3A_518, %dma_start3A_522] : memref<8x128xi32, #tpu.memory_space<vmem>> -> memref<1x128xi32, #tpu.memory_space<vmem>>
        %dma_start3A_524 = tpu.memref_squeeze %dma_start3A_523 : memref<1x128xi32, #tpu.memory_space<vmem>> -> memref<128xi32, #tpu.memory_space<vmem>>
        %dma_start3A_525 = arith.constant 0 : i32
        %dma_start3A_526 = arith.constant 0 : i32
        %dma_start3A_527 = tpu.memref_slice %arg3[%dma_start3A_525, %dma_start3A_526] : memref<1000000x16xf32, #tpu.memory_space<hbm>> -> memref<1000000x16xf32, #tpu.memory_space<hbm>>
        tpu.enqueue_indirect_dma source(%dma_start3A_527 : memref<1000000x16xf32, #tpu.memory_space<hbm>>) target(%dma_start3A_521 : memref<128x16xf32, #tpu.memory_space<vmem>>) offsets(%dma_start3A_524 : memref<128xi32, #tpu.memory_space<vmem>>) semaphore(%arg20 : memref<!tpu.dma_semaphore, #tpu.memory_space<semaphore_mem>>)
        %dma_start3A_528 = arith.constant 2 : i32
        %dma_start3A_529 = arith.constant 256 : i32
        %dma_start3A_530 = arith.constant 0 : i32
        %dma_start3A_531 = tpu.memref_slice %arg10[%dma_start3A_529, %dma_start3A_530] : memref<1024x16xf32, #tpu.memory_space<vmem>> -> memref<128x16xf32, #tpu.memory_space<vmem>>
        %dma_start3A_532 = arith.constant 0 : i32
        %dma_start3A_533 = tpu.memref_slice %arg6[%dma_start3A_528, %dma_start3A_532] : memref<8x128xi32, #tpu.memory_space<vmem>> -> memref<1x128xi32, #tpu.memory_space<vmem>>
        %dma_start3A_534 = tpu.memref_squeeze %dma_start3A_533 : memref<1x128xi32, #tpu.memory_space<vmem>> -> memref<128xi32, #tpu.memory_space<vmem>>
        %dma_start3A_535 = arith.constant 0 : i32
        %dma_start3A_536 = arith.constant 0 : i32
        %dma_start3A_537 = tpu.memref_slice %arg3[%dma_start3A_535, %dma_start3A_536] : memref<1000000x16xf32, #tpu.memory_space<hbm>> -> memref<1000000x16xf32, #tpu.memory_space<hbm>>
        tpu.enqueue_indirect_dma source(%dma_start3A_537 : memref<1000000x16xf32, #tpu.memory_space<hbm>>) target(%dma_start3A_531 : memref<128x16xf32, #tpu.memory_space<vmem>>) offsets(%dma_start3A_534 : memref<128xi32, #tpu.memory_space<vmem>>) semaphore(%arg20 : memref<!tpu.dma_semaphore, #tpu.memory_space<semaphore_mem>>)
        %dma_start3A_538 = arith.constant 3 : i32
        %dma_start3A_539 = arith.constant 384 : i32
        %dma_start3A_540 = arith.constant 0 : i32
        %dma_start3A_541 = tpu.memref_slice %arg10[%dma_start3A_539, %dma_start3A_540] : memref<1024x16xf32, #tpu.memory_space<vmem>> -> memref<128x16xf32, #tpu.memory_space<vmem>>
        %dma_start3A_542 = arith.constant 0 : i32
        %dma_start3A_543 = tpu.memref_slice %arg6[%dma_start3A_538, %dma_start3A_542] : memref<8x128xi32, #tpu.memory_space<vmem>> -> memref<1x128xi32, #tpu.memory_space<vmem>>
        %dma_start3A_544 = tpu.memref_squeeze %dma_start3A_543 : memref<1x128xi32, #tpu.memory_space<vmem>> -> memref<128xi32, #tpu.memory_space<vmem>>
        %dma_start3A_545 = arith.constant 0 : i32
        %dma_start3A_546 = arith.constant 0 : i32
        %dma_start3A_547 = tpu.memref_slice %arg3[%dma_start3A_545, %dma_start3A_546] : memref<1000000x16xf32, #tpu.memory_space<hbm>> -> memref<1000000x16xf32, #tpu.memory_space<hbm>>
        tpu.enqueue_indirect_dma source(%dma_start3A_547 : memref<1000000x16xf32, #tpu.memory_space<hbm>>) target(%dma_start3A_541 : memref<128x16xf32, #tpu.memory_space<vmem>>) offsets(%dma_start3A_544 : memref<128xi32, #tpu.memory_space<vmem>>) semaphore(%arg20 : memref<!tpu.dma_semaphore, #tpu.memory_space<semaphore_mem>>)
        %dma_start3A_548 = arith.constant 4 : i32
        %dma_start3A_549 = arith.constant 512 : i32
        %dma_start3A_550 = arith.constant 0 : i32
        %dma_start3A_551 = tpu.memref_slice %arg10[%dma_start3A_549, %dma_start3A_550] : memref<1024x16xf32, #tpu.memory_space<vmem>> -> memref<128x16xf32, #tpu.memory_space<vmem>>
        %dma_start3A_552 = arith.constant 0 : i32
        %dma_start3A_553 = tpu.memref_slice %arg6[%dma_start3A_548, %dma_start3A_552] : memref<8x128xi32, #tpu.memory_space<vmem>> -> memref<1x128xi32, #tpu.memory_space<vmem>>
        %dma_start3A_554 = tpu.memref_squeeze %dma_start3A_553 : memref<1x128xi32, #tpu.memory_space<vmem>> -> memref<128xi32, #tpu.memory_space<vmem>>
        %dma_start3A_555 = arith.constant 0 : i32
        %dma_start3A_556 = arith.constant 0 : i32
        %dma_start3A_557 = tpu.memref_slice %arg3[%dma_start3A_555, %dma_start3A_556] : memref<1000000x16xf32, #tpu.memory_space<hbm>> -> memref<1000000x16xf32, #tpu.memory_space<hbm>>
        tpu.enqueue_indirect_dma source(%dma_start3A_557 : memref<1000000x16xf32, #tpu.memory_space<hbm>>) target(%dma_start3A_551 : memref<128x16xf32, #tpu.memory_space<vmem>>) offsets(%dma_start3A_554 : memref<128xi32, #tpu.memory_space<vmem>>) semaphore(%arg20 : memref<!tpu.dma_semaphore, #tpu.memory_space<semaphore_mem>>)
        %dma_start3A_558 = arith.constant 5 : i32
        %dma_start3A_559 = arith.constant 640 : i32
        %dma_start3A_560 = arith.constant 0 : i32
        %dma_start3A_561 = tpu.memref_slice %arg10[%dma_start3A_559, %dma_start3A_560] : memref<1024x16xf32, #tpu.memory_space<vmem>> -> memref<128x16xf32, #tpu.memory_space<vmem>>
        %dma_start3A_562 = arith.constant 0 : i32
        %dma_start3A_563 = tpu.memref_slice %arg6[%dma_start3A_558, %dma_start3A_562] : memref<8x128xi32, #tpu.memory_space<vmem>> -> memref<1x128xi32, #tpu.memory_space<vmem>>
        %dma_start3A_564 = tpu.memref_squeeze %dma_start3A_563 : memref<1x128xi32, #tpu.memory_space<vmem>> -> memref<128xi32, #tpu.memory_space<vmem>>
        %dma_start3A_565 = arith.constant 0 : i32
        %dma_start3A_566 = arith.constant 0 : i32
        %dma_start3A_567 = tpu.memref_slice %arg3[%dma_start3A_565, %dma_start3A_566] : memref<1000000x16xf32, #tpu.memory_space<hbm>> -> memref<1000000x16xf32, #tpu.memory_space<hbm>>
        tpu.enqueue_indirect_dma source(%dma_start3A_567 : memref<1000000x16xf32, #tpu.memory_space<hbm>>) target(%dma_start3A_561 : memref<128x16xf32, #tpu.memory_space<vmem>>) offsets(%dma_start3A_564 : memref<128xi32, #tpu.memory_space<vmem>>) semaphore(%arg20 : memref<!tpu.dma_semaphore, #tpu.memory_space<semaphore_mem>>)
        %dma_start3A_568 = arith.constant 6 : i32
        %dma_start3A_569 = arith.constant 768 : i32
        %dma_start3A_570 = arith.constant 0 : i32
        %dma_start3A_571 = tpu.memref_slice %arg10[%dma_start3A_569, %dma_start3A_570] : memref<1024x16xf32, #tpu.memory_space<vmem>> -> memref<128x16xf32, #tpu.memory_space<vmem>>
        %dma_start3A_572 = arith.constant 0 : i32
        %dma_start3A_573 = tpu.memref_slice %arg6[%dma_start3A_568, %dma_start3A_572] : memref<8x128xi32, #tpu.memory_space<vmem>> -> memref<1x128xi32, #tpu.memory_space<vmem>>
        %dma_start3A_574 = tpu.memref_squeeze %dma_start3A_573 : memref<1x128xi32, #tpu.memory_space<vmem>> -> memref<128xi32, #tpu.memory_space<vmem>>
        %dma_start3A_575 = arith.constant 0 : i32
        %dma_start3A_576 = arith.constant 0 : i32
        %dma_start3A_577 = tpu.memref_slice %arg3[%dma_start3A_575, %dma_start3A_576] : memref<1000000x16xf32, #tpu.memory_space<hbm>> -> memref<1000000x16xf32, #tpu.memory_space<hbm>>
        tpu.enqueue_indirect_dma source(%dma_start3A_577 : memref<1000000x16xf32, #tpu.memory_space<hbm>>) target(%dma_start3A_571 : memref<128x16xf32, #tpu.memory_space<vmem>>) offsets(%dma_start3A_574 : memref<128xi32, #tpu.memory_space<vmem>>) semaphore(%arg20 : memref<!tpu.dma_semaphore, #tpu.memory_space<semaphore_mem>>)
        %dma_start3A_578 = arith.constant 7 : i32
        %dma_start3A_579 = arith.constant 896 : i32
        %dma_start3A_580 = arith.constant 0 : i32
        %dma_start3A_581 = tpu.memref_slice %arg10[%dma_start3A_579, %dma_start3A_580] : memref<1024x16xf32, #tpu.memory_space<vmem>> -> memref<128x16xf32, #tpu.memory_space<vmem>>
        %dma_start3A_582 = arith.constant 0 : i32
        %dma_start3A_583 = tpu.memref_slice %arg6[%dma_start3A_578, %dma_start3A_582] : memref<8x128xi32, #tpu.memory_space<vmem>> -> memref<1x128xi32, #tpu.memory_space<vmem>>
        %dma_start3A_584 = tpu.memref_squeeze %dma_start3A_583 : memref<1x128xi32, #tpu.memory_space<vmem>> -> memref<128xi32, #tpu.memory_space<vmem>>
        %dma_start3A_585 = arith.constant 0 : i32
        %dma_start3A_586 = arith.constant 0 : i32
        %dma_start3A_587 = tpu.memref_slice %arg3[%dma_start3A_585, %dma_start3A_586] : memref<1000000x16xf32, #tpu.memory_space<hbm>> -> memref<1000000x16xf32, #tpu.memory_space<hbm>>
        tpu.enqueue_indirect_dma source(%dma_start3A_587 : memref<1000000x16xf32, #tpu.memory_space<hbm>>) target(%dma_start3A_581 : memref<128x16xf32, #tpu.memory_space<vmem>>) offsets(%dma_start3A_584 : memref<128xi32, #tpu.memory_space<vmem>>) semaphore(%arg20 : memref<!tpu.dma_semaphore, #tpu.memory_space<semaphore_mem>>)
      } else {
      }
      %gt3A_427 = arith.constant 1 : i32
      %gt3A_428 = arith.cmpi sgt, %add3A_413, %gt3A_427 : i32
      %convert_element_type3A_429 = arith.extui %gt3A_428 : i1 to i32
      %cond3A_430 = arith.constant 0 : i32
      %cond3A_431 = arith.cmpi ne, %convert_element_type3A_429, %cond3A_430 : i32
      scf.if %cond3A_431 {
        %add3A_500 = arith.constant 0 : i32
        %add3A_501 = arith.addi %mul3A_2, %add3A_500 : i32
        %mul3A_502 = arith.constant 1024 : i32
        %mul3A_503 = arith.muli %add3A_501, %mul3A_502 : i32
        %dma_wait3A_504 = arith.constant 0 : i32
        %dma_wait3A_505 = arith.constant 0 : i32
        %dma_wait3A_506 = tpu.memref_slice %arg13[%dma_wait3A_504, %dma_wait3A_505] : memref<16x1025xf32, #tpu.memory_space<vmem>> -> memref<16x1024xf32, #tpu.memory_space<vmem>>
        %dma_wait3A_507 = arith.constant 0 : i32
        %dma_wait3A_508 = tpu.memref_slice %arg4[%dma_wait3A_507, %mul3A_503] : memref<16x3276800xf32, #tpu.memory_space<hbm>> -> memref<16x1024xf32, #tpu.memory_space<hbm>>
        %dma_wait3A_509 = arith.constant 0 : i32
        %dma_wait3A_510 = tpu.memref_slice %arg4[%dma_wait3A_509, %mul3A_503] : memref<16x3276800xf32, #tpu.memory_space<hbm>> -> memref<16x1024xf32, #tpu.memory_space<hbm>>
        %dma_wait3A_511 = arith.constant 0 : i32
        %dma_wait3A_512 = arith.constant 0 : i32
        %dma_wait3A_513 = tpu.memref_slice %arg13[%dma_wait3A_511, %dma_wait3A_512] : memref<16x1025xf32, #tpu.memory_space<vmem>> -> memref<16x1024xf32, #tpu.memory_space<vmem>>
        tpu.wait_dma2 semaphore(%arg23 : memref<!tpu.dma_semaphore, #tpu.memory_space<semaphore_mem>>) src(%dma_wait3A_513 : memref<16x1024xf32, #tpu.memory_space<vmem>>) dst(%dma_wait3A_510 : memref<16x1024xf32, #tpu.memory_space<hbm>>)
      } else {
      }
      %parallel_loop3A_432 = arith.constant 0 : i32
      %parallel_loop3A_433 = arith.constant 64 : i32
      %parallel_loop3A_434 = arith.constant 1 : i32
      scf.for %parallel_loop3A_500 = %parallel_loop3A_432 to %parallel_loop3A_433 step %parallel_loop3A_434  : i32 {
        %parallel_loop3A_501 = arith.constant 16 : i32
        %parallel_loop3A_502 = arith.muli %parallel_loop3A_500, %parallel_loop3A_501 : i32
        %parallel_loop3A_503 = arith.constant 0 : i32
        %parallel_loop3A_504 = arith.addi %parallel_loop3A_502, %parallel_loop3A_503 : i32
        %parallel_loop3A_505 = arith.index_cast %parallel_loop3A_504 : i32 to index
        %parallel_loop3A_506 = arith.constant 0 : index
        %parallel_loop3A_507 = tpu.vector_load %arg11[%parallel_loop3A_505, %parallel_loop3A_506] {strides = array<i32>} : memref<1024x16xf32, #tpu.memory_space<vmem>>, vector<16xf32>,
        %parallel_loop3A_508 = vector.broadcast %parallel_loop3A_504 : i32 to vector<16xi32>
        tpu.vector_store_idx %arg13[%iota3A, %parallel_loop3A_508], %parallel_loop3A_507 : memref<16x1025xf32, #tpu.memory_space<vmem>>[vector<16xi32>, vector<16xi32>], vector<16xf32>,
        %parallel_loop3A_509 = arith.constant 1 : i32
        %parallel_loop3A_510 = arith.addi %parallel_loop3A_502, %parallel_loop3A_509 : i32
        %parallel_loop3A_511 = arith.index_cast %parallel_loop3A_510 : i32 to index
        %parallel_loop3A_512 = arith.constant 0 : index
        %parallel_loop3A_513 = tpu.vector_load %arg11[%parallel_loop3A_511, %parallel_loop3A_512] {strides = array<i32>} : memref<1024x16xf32, #tpu.memory_space<vmem>>, vector<16xf32>,
        %parallel_loop3A_514 = vector.broadcast %parallel_loop3A_510 : i32 to vector<16xi32>
        tpu.vector_store_idx %arg13[%iota3A, %parallel_loop3A_514], %parallel_loop3A_513 : memref<16x1025xf32, #tpu.memory_space<vmem>>[vector<16xi32>, vector<16xi32>], vector<16xf32>,
        %parallel_loop3A_515 = arith.constant 2 : i32
        %parallel_loop3A_516 = arith.addi %parallel_loop3A_502, %parallel_loop3A_515 : i32
        %parallel_loop3A_517 = arith.index_cast %parallel_loop3A_516 : i32 to index
        %parallel_loop3A_518 = arith.constant 0 : index
        %parallel_loop3A_519 = tpu.vector_load %arg11[%parallel_loop3A_517, %parallel_loop3A_518] {strides = array<i32>} : memref<1024x16xf32, #tpu.memory_space<vmem>>, vector<16xf32>,
        %parallel_loop3A_520 = vector.broadcast %parallel_loop3A_516 : i32 to vector<16xi32>
        tpu.vector_store_idx %arg13[%iota3A, %parallel_loop3A_520], %parallel_loop3A_519 : memref<16x1025xf32, #tpu.memory_space<vmem>>[vector<16xi32>, vector<16xi32>], vector<16xf32>,
        %parallel_loop3A_521 = arith.constant 3 : i32
        %parallel_loop3A_522 = arith.addi %parallel_loop3A_502, %parallel_loop3A_521 : i32
        %parallel_loop3A_523 = arith.index_cast %parallel_loop3A_522 : i32 to index
        %parallel_loop3A_524 = arith.constant 0 : index
        %parallel_loop3A_525 = tpu.vector_load %arg11[%parallel_loop3A_523, %parallel_loop3A_524] {strides = array<i32>} : memref<1024x16xf32, #tpu.memory_space<vmem>>, vector<16xf32>,
        %parallel_loop3A_526 = vector.broadcast %parallel_loop3A_522 : i32 to vector<16xi32>
        tpu.vector_store_idx %arg13[%iota3A, %parallel_loop3A_526], %parallel_loop3A_525 : memref<16x1025xf32, #tpu.memory_space<vmem>>[vector<16xi32>, vector<16xi32>], vector<16xf32>,
        %parallel_loop3A_527 = arith.constant 4 : i32
        %parallel_loop3A_528 = arith.addi %parallel_loop3A_502, %parallel_loop3A_527 : i32
        %parallel_loop3A_529 = arith.index_cast %parallel_loop3A_528 : i32 to index
        %parallel_loop3A_530 = arith.constant 0 : index
        %parallel_loop3A_531 = tpu.vector_load %arg11[%parallel_loop3A_529, %parallel_loop3A_530] {strides = array<i32>} : memref<1024x16xf32, #tpu.memory_space<vmem>>, vector<16xf32>,
        %parallel_loop3A_532 = vector.broadcast %parallel_loop3A_528 : i32 to vector<16xi32>
        tpu.vector_store_idx %arg13[%iota3A, %parallel_loop3A_532], %parallel_loop3A_531 : memref<16x1025xf32, #tpu.memory_space<vmem>>[vector<16xi32>, vector<16xi32>], vector<16xf32>,
        %parallel_loop3A_533 = arith.constant 5 : i32
        %parallel_loop3A_534 = arith.addi %parallel_loop3A_502, %parallel_loop3A_533 : i32
        %parallel_loop3A_535 = arith.index_cast %parallel_loop3A_534 : i32 to index
        %parallel_loop3A_536 = arith.constant 0 : index
        %parallel_loop3A_537 = tpu.vector_load %arg11[%parallel_loop3A_535, %parallel_loop3A_536] {strides = array<i32>} : memref<1024x16xf32, #tpu.memory_space<vmem>>, vector<16xf32>,
        %parallel_loop3A_538 = vector.broadcast %parallel_loop3A_534 : i32 to vector<16xi32>
        tpu.vector_store_idx %arg13[%iota3A, %parallel_loop3A_538], %parallel_loop3A_537 : memref<16x1025xf32, #tpu.memory_space<vmem>>[vector<16xi32>, vector<16xi32>], vector<16xf32>,
        %parallel_loop3A_539 = arith.constant 6 : i32
        %parallel_loop3A_540 = arith.addi %parallel_loop3A_502, %parallel_loop3A_539 : i32
        %parallel_loop3A_541 = arith.index_cast %parallel_loop3A_540 : i32 to index
        %parallel_loop3A_542 = arith.constant 0 : index
        %parallel_loop3A_543 = tpu.vector_load %arg11[%parallel_loop3A_541, %parallel_loop3A_542] {strides = array<i32>} : memref<1024x16xf32, #tpu.memory_space<vmem>>, vector<16xf32>,
        %parallel_loop3A_544 = vector.broadcast %parallel_loop3A_540 : i32 to vector<16xi32>
        tpu.vector_store_idx %arg13[%iota3A, %parallel_loop3A_544], %parallel_loop3A_543 : memref<16x1025xf32, #tpu.memory_space<vmem>>[vector<16xi32>, vector<16xi32>], vector<16xf32>,
        %parallel_loop3A_545 = arith.constant 7 : i32
        %parallel_loop3A_546 = arith.addi %parallel_loop3A_502, %parallel_loop3A_545 : i32
        %parallel_loop3A_547 = arith.index_cast %parallel_loop3A_546 : i32 to index
        %parallel_loop3A_548 = arith.constant 0 : index
        %parallel_loop3A_549 = tpu.vector_load %arg11[%parallel_loop3A_547, %parallel_loop3A_548] {strides = array<i32>} : memref<1024x16xf32, #tpu.memory_space<vmem>>, vector<16xf32>,
        %parallel_loop3A_550 = vector.broadcast %parallel_loop3A_546 : i32 to vector<16xi32>
        tpu.vector_store_idx %arg13[%iota3A, %parallel_loop3A_550], %parallel_loop3A_549 : memref<16x1025xf32, #tpu.memory_space<vmem>>[vector<16xi32>, vector<16xi32>], vector<16xf32>,
        %parallel_loop3A_551 = arith.constant 8 : i32
        %parallel_loop3A_552 = arith.addi %parallel_loop3A_502, %parallel_loop3A_551 : i32
        %parallel_loop3A_553 = arith.index_cast %parallel_loop3A_552 : i32 to index
        %parallel_loop3A_554 = arith.constant 0 : index
        %parallel_loop3A_555 = tpu.vector_load %arg11[%parallel_loop3A_553, %parallel_loop3A_554] {strides = array<i32>} : memref<1024x16xf32, #tpu.memory_space<vmem>>, vector<16xf32>,
        %parallel_loop3A_556 = vector.broadcast %parallel_loop3A_552 : i32 to vector<16xi32>
        tpu.vector_store_idx %arg13[%iota3A, %parallel_loop3A_556], %parallel_loop3A_555 : memref<16x1025xf32, #tpu.memory_space<vmem>>[vector<16xi32>, vector<16xi32>], vector<16xf32>,
        %parallel_loop3A_557 = arith.constant 9 : i32
        %parallel_loop3A_558 = arith.addi %parallel_loop3A_502, %parallel_loop3A_557 : i32
        %parallel_loop3A_559 = arith.index_cast %parallel_loop3A_558 : i32 to index
        %parallel_loop3A_560 = arith.constant 0 : index
        %parallel_loop3A_561 = tpu.vector_load %arg11[%parallel_loop3A_559, %parallel_loop3A_560] {strides = array<i32>} : memref<1024x16xf32, #tpu.memory_space<vmem>>, vector<16xf32>,
        %parallel_loop3A_562 = vector.broadcast %parallel_loop3A_558 : i32 to vector<16xi32>
        tpu.vector_store_idx %arg13[%iota3A, %parallel_loop3A_562], %parallel_loop3A_561 : memref<16x1025xf32, #tpu.memory_space<vmem>>[vector<16xi32>, vector<16xi32>], vector<16xf32>,
        %parallel_loop3A_563 = arith.constant 10 : i32
        %parallel_loop3A_564 = arith.addi %parallel_loop3A_502, %parallel_loop3A_563 : i32
        %parallel_loop3A_565 = arith.index_cast %parallel_loop3A_564 : i32 to index
        %parallel_loop3A_566 = arith.constant 0 : index
        %parallel_loop3A_567 = tpu.vector_load %arg11[%parallel_loop3A_565, %parallel_loop3A_566] {strides = array<i32>} : memref<1024x16xf32, #tpu.memory_space<vmem>>, vector<16xf32>,
        %parallel_loop3A_568 = vector.broadcast %parallel_loop3A_564 : i32 to vector<16xi32>
        tpu.vector_store_idx %arg13[%iota3A, %parallel_loop3A_568], %parallel_loop3A_567 : memref<16x1025xf32, #tpu.memory_space<vmem>>[vector<16xi32>, vector<16xi32>], vector<16xf32>,
        %parallel_loop3A_569 = arith.constant 11 : i32
        %parallel_loop3A_570 = arith.addi %parallel_loop3A_502, %parallel_loop3A_569 : i32
        %parallel_loop3A_571 = arith.index_cast %parallel_loop3A_570 : i32 to index
        %parallel_loop3A_572 = arith.constant 0 : index
        %parallel_loop3A_573 = tpu.vector_load %arg11[%parallel_loop3A_571, %parallel_loop3A_572] {strides = array<i32>} : memref<1024x16xf32, #tpu.memory_space<vmem>>, vector<16xf32>,
        %parallel_loop3A_574 = vector.broadcast %parallel_loop3A_570 : i32 to vector<16xi32>
        tpu.vector_store_idx %arg13[%iota3A, %parallel_loop3A_574], %parallel_loop3A_573 : memref<16x1025xf32, #tpu.memory_space<vmem>>[vector<16xi32>, vector<16xi32>], vector<16xf32>,
        %parallel_loop3A_575 = arith.constant 12 : i32
        %parallel_loop3A_576 = arith.addi %parallel_loop3A_502, %parallel_loop3A_575 : i32
        %parallel_loop3A_577 = arith.index_cast %parallel_loop3A_576 : i32 to index
        %parallel_loop3A_578 = arith.constant 0 : index
        %parallel_loop3A_579 = tpu.vector_load %arg11[%parallel_loop3A_577, %parallel_loop3A_578] {strides = array<i32>} : memref<1024x16xf32, #tpu.memory_space<vmem>>, vector<16xf32>,
        %parallel_loop3A_580 = vector.broadcast %parallel_loop3A_576 : i32 to vector<16xi32>
        tpu.vector_store_idx %arg13[%iota3A, %parallel_loop3A_580], %parallel_loop3A_579 : memref<16x1025xf32, #tpu.memory_space<vmem>>[vector<16xi32>, vector<16xi32>], vector<16xf32>,
        %parallel_loop3A_581 = arith.constant 13 : i32
        %parallel_loop3A_582 = arith.addi %parallel_loop3A_502, %parallel_loop3A_581 : i32
        %parallel_loop3A_583 = arith.index_cast %parallel_loop3A_582 : i32 to index
        %parallel_loop3A_584 = arith.constant 0 : index
        %parallel_loop3A_585 = tpu.vector_load %arg11[%parallel_loop3A_583, %parallel_loop3A_584] {strides = array<i32>} : memref<1024x16xf32, #tpu.memory_space<vmem>>, vector<16xf32>,
        %parallel_loop3A_586 = vector.broadcast %parallel_loop3A_582 : i32 to vector<16xi32>
        tpu.vector_store_idx %arg13[%iota3A, %parallel_loop3A_586], %parallel_loop3A_585 : memref<16x1025xf32, #tpu.memory_space<vmem>>[vector<16xi32>, vector<16xi32>], vector<16xf32>,
        %parallel_loop3A_587 = arith.constant 14 : i32
        %parallel_loop3A_588 = arith.addi %parallel_loop3A_502, %parallel_loop3A_587 : i32
        %parallel_loop3A_589 = arith.index_cast %parallel_loop3A_588 : i32 to index
        %parallel_loop3A_590 = arith.constant 0 : index
        %parallel_loop3A_591 = tpu.vector_load %arg11[%parallel_loop3A_589, %parallel_loop3A_590] {strides = array<i32>} : memref<1024x16xf32, #tpu.memory_space<vmem>>, vector<16xf32>,
        %parallel_loop3A_592 = vector.broadcast %parallel_loop3A_588 : i32 to vector<16xi32>
        tpu.vector_store_idx %arg13[%iota3A, %parallel_loop3A_592], %parallel_loop3A_591 : memref<16x1025xf32, #tpu.memory_space<vmem>>[vector<16xi32>, vector<16xi32>], vector<16xf32>,
        %parallel_loop3A_593 = arith.constant 15 : i32
        %parallel_loop3A_594 = arith.addi %parallel_loop3A_502, %parallel_loop3A_593 : i32
        %parallel_loop3A_595 = arith.index_cast %parallel_loop3A_594 : i32 to index
        %parallel_loop3A_596 = arith.constant 0 : index
        %parallel_loop3A_597 = tpu.vector_load %arg11[%parallel_loop3A_595, %parallel_loop3A_596] {strides = array<i32>} : memref<1024x16xf32, #tpu.memory_space<vmem>>, vector<16xf32>,
        %parallel_loop3A_598 = vector.broadcast %parallel_loop3A_594 : i32 to vector<16xi32>
        tpu.vector_store_idx %arg13[%iota3A, %parallel_loop3A_598], %parallel_loop3A_597 : memref<16x1025xf32, #tpu.memory_space<vmem>>[vector<16xi32>, vector<16xi32>], vector<16xf32>,
      } {sc.loop_unroll_factor = 2 : i64, sc.parallel_access}
      %add3A_435 = arith.addi %mul3A_2, %add3A_413 : i32
      %mul3A_436 = arith.constant 1024 : i32
      %mul3A_437 = arith.muli %add3A_435, %mul3A_436 : i32
      %dma_start3A_438 = arith.constant 0 : i32
      %dma_start3A_439 = arith.constant 0 : i32
      %dma_start3A_440 = tpu.memref_slice %arg13[%dma_start3A_438, %dma_start3A_439] : memref<16x1025xf32, #tpu.memory_space<vmem>> -> memref<16x1024xf32, #tpu.memory_space<vmem>>
      %dma_start3A_441 = arith.constant 0 : i32
      %dma_start3A_442 = tpu.memref_slice %arg4[%dma_start3A_441, %mul3A_437] : memref<16x3276800xf32, #tpu.memory_space<hbm>> -> memref<16x1024xf32, #tpu.memory_space<hbm>>
      %dma_start3A_443 = arith.constant 0 : i32
      %dma_start3A_444 = tpu.memref_slice %arg4[%dma_start3A_443, %mul3A_437] : memref<16x3276800xf32, #tpu.memory_space<hbm>> -> memref<16x1024xf32, #tpu.memory_space<hbm>>
      %dma_start3A_445 = arith.constant 0 : i32
      %dma_start3A_446 = arith.constant 0 : i32
      %dma_start3A_447 = tpu.memref_slice %arg13[%dma_start3A_445, %dma_start3A_446] : memref<16x1025xf32, #tpu.memory_space<vmem>> -> memref<16x1024xf32, #tpu.memory_space<vmem>>
      tpu.enqueue_dma source(%dma_start3A_447 : memref<16x1024xf32, #tpu.memory_space<vmem>>) target(%dma_start3A_444 : memref<16x1024xf32, #tpu.memory_space<hbm>>) target_semaphore(%arg23 : memref<!tpu.dma_semaphore, #tpu.memory_space<semaphore_mem>>)
      %add3A_448 = arith.constant 4 : i32
      %add3A_449 = arith.addi %add3A_413, %add3A_448 : i32
      %lt3A_450 = arith.constant 100 : i32
      %lt3A_451 = arith.cmpi slt, %add3A_449, %lt3A_450 : i32
      %convert_element_type3A_452 = arith.extui %lt3A_451 : i1 to i32
      %cond3A_453 = arith.constant 0 : i32
      %cond3A_454 = arith.cmpi ne, %convert_element_type3A_452, %cond3A_453 : i32
      scf.if %cond3A_454 {
        %add3A_500 = arith.constant 4 : i32
        %add3A_501 = arith.addi %add3A_413, %add3A_500 : i32
        %add3A_502 = arith.addi %mul3A_2, %add3A_501 : i32
        %mul3A_503 = arith.constant 8 : i32
        %mul3A_504 = arith.muli %add3A_502, %mul3A_503 : i32
        %dma_start3A_505 = arith.constant 0 : i32
        %dma_start3A_506 = tpu.memref_slice %arg2[%mul3A_504, %dma_start3A_505] : memref<25600x128xi32, #tpu.memory_space<hbm>> -> memref<8x128xi32, #tpu.memory_space<hbm>>
        %dma_start3A_507 = arith.constant 0 : i32
        %dma_start3A_508 = tpu.memref_slice %arg2[%mul3A_504, %dma_start3A_507] : memref<25600x128xi32, #tpu.memory_space<hbm>> -> memref<8x128xi32, #tpu.memory_space<hbm>>
        tpu.enqueue_dma source(%dma_start3A_508 : memref<8x128xi32, #tpu.memory_space<hbm>>) target(%arg7 : memref<8x128xi32, #tpu.memory_space<vmem>>) target_semaphore(%arg17 : memref<!tpu.dma_semaphore, #tpu.memory_space<semaphore_mem>>)
      } else {
      }
      %mul3A_455 = arith.constant 4 : i32
      %mul3A_456 = arith.muli %mul3A_455, %scan3A_324 : i32
      %add3A_457 = arith.constant 3 : i32
      %add3A_458 = arith.addi %mul3A_456, %add3A_457 : i32
      %dma_wait3A_459 = arith.constant 0 : i32
      %dma_wait3A_460 = arith.constant 0 : i32
      %dma_wait3A_461 = tpu.memref_slice %arg3[%dma_wait3A_459, %dma_wait3A_460] : memref<1000000x16xf32, #tpu.memory_space<hbm>> -> memref<1024x16xf32, #tpu.memory_space<hbm>>
      %dma_wait3A_462 = arith.constant 0 : i32
      %dma_wait3A_463 = arith.constant 0 : i32
      %dma_wait3A_464 = tpu.memref_slice %arg3[%dma_wait3A_462, %dma_wait3A_463] : memref<1000000x16xf32, #tpu.memory_space<hbm>> -> memref<1024x16xf32, #tpu.memory_space<hbm>>
      tpu.wait_dma2 semaphore(%arg22 : memref<!tpu.dma_semaphore, #tpu.memory_space<semaphore_mem>>) src(%dma_wait3A_464 : memref<1024x16xf32, #tpu.memory_space<hbm>>) dst(%arg12 : memref<1024x16xf32, #tpu.memory_space<vmem>>)
      %add3A_465 = arith.constant 3 : i32
      %add3A_466 = arith.addi %add3A_458, %add3A_465 : i32
      %lt3A_467 = arith.constant 100 : i32
      %lt3A_468 = arith.cmpi slt, %add3A_466, %lt3A_467 : i32
      %convert_element_type3A_469 = arith.extui %lt3A_468 : i1 to i32
      %cond3A_470 = arith.constant 0 : i32
      %cond3A_471 = arith.cmpi ne, %convert_element_type3A_469, %cond3A_470 : i32
      scf.if %cond3A_471 {
        %add3A_500 = arith.constant 3 : i32
        %add3A_501 = arith.addi %add3A_458, %add3A_500 : i32
        %dma_wait3A_502 = arith.constant 0 : i32
        %dma_wait3A_503 = arith.constant 0 : i32
        %dma_wait3A_504 = tpu.memref_slice %arg2[%dma_wait3A_502, %dma_wait3A_503] : memref<25600x128xi32, #tpu.memory_space<hbm>> -> memref<8x128xi32, #tpu.memory_space<hbm>>
        %dma_wait3A_505 = arith.constant 0 : i32
        %dma_wait3A_506 = arith.constant 0 : i32
        %dma_wait3A_507 = tpu.memref_slice %arg2[%dma_wait3A_505, %dma_wait3A_506] : memref<25600x128xi32, #tpu.memory_space<hbm>> -> memref<8x128xi32, #tpu.memory_space<hbm>>
        tpu.wait_dma2 semaphore(%arg17 : memref<!tpu.dma_semaphore, #tpu.memory_space<semaphore_mem>>) src(%dma_wait3A_507 : memref<8x128xi32, #tpu.memory_space<hbm>>) dst(%arg7 : memref<8x128xi32, #tpu.memory_space<vmem>>)
        %dma_start3A_508 = arith.constant 0 : i32
        %dma_start3A_509 = arith.constant 0 : i32
        %dma_start3A_510 = arith.constant 0 : i32
        %dma_start3A_511 = tpu.memref_slice %arg11[%dma_start3A_509, %dma_start3A_510] : memref<1024x16xf32, #tpu.memory_space<vmem>> -> memref<128x16xf32, #tpu.memory_space<vmem>>
        %dma_start3A_512 = arith.constant 0 : i32
        %dma_start3A_513 = tpu.memref_slice %arg7[%dma_start3A_508, %dma_start3A_512] : memref<8x128xi32, #tpu.memory_space<vmem>> -> memref<1x128xi32, #tpu.memory_space<vmem>>
        %dma_start3A_514 = tpu.memref_squeeze %dma_start3A_513 : memref<1x128xi32, #tpu.memory_space<vmem>> -> memref<128xi32, #tpu.memory_space<vmem>>
        %dma_start3A_515 = arith.constant 0 : i32
        %dma_start3A_516 = arith.constant 0 : i32
        %dma_start3A_517 = tpu.memref_slice %arg3[%dma_start3A_515, %dma_start3A_516] : memref<1000000x16xf32, #tpu.memory_space<hbm>> -> memref<1000000x16xf32, #tpu.memory_space<hbm>>
        tpu.enqueue_indirect_dma source(%dma_start3A_517 : memref<1000000x16xf32, #tpu.memory_space<hbm>>) target(%dma_start3A_511 : memref<128x16xf32, #tpu.memory_space<vmem>>) offsets(%dma_start3A_514 : memref<128xi32, #tpu.memory_space<vmem>>) semaphore(%arg21 : memref<!tpu.dma_semaphore, #tpu.memory_space<semaphore_mem>>)
        %dma_start3A_518 = arith.constant 1 : i32
        %dma_start3A_519 = arith.constant 128 : i32
        %dma_start3A_520 = arith.constant 0 : i32
        %dma_start3A_521 = tpu.memref_slice %arg11[%dma_start3A_519, %dma_start3A_520] : memref<1024x16xf32, #tpu.memory_space<vmem>> -> memref<128x16xf32, #tpu.memory_space<vmem>>
        %dma_start3A_522 = arith.constant 0 : i32
        %dma_start3A_523 = tpu.memref_slice %arg7[%dma_start3A_518, %dma_start3A_522] : memref<8x128xi32, #tpu.memory_space<vmem>> -> memref<1x128xi32, #tpu.memory_space<vmem>>
        %dma_start3A_524 = tpu.memref_squeeze %dma_start3A_523 : memref<1x128xi32, #tpu.memory_space<vmem>> -> memref<128xi32, #tpu.memory_space<vmem>>
        %dma_start3A_525 = arith.constant 0 : i32
        %dma_start3A_526 = arith.constant 0 : i32
        %dma_start3A_527 = tpu.memref_slice %arg3[%dma_start3A_525, %dma_start3A_526] : memref<1000000x16xf32, #tpu.memory_space<hbm>> -> memref<1000000x16xf32, #tpu.memory_space<hbm>>
        tpu.enqueue_indirect_dma source(%dma_start3A_527 : memref<1000000x16xf32, #tpu.memory_space<hbm>>) target(%dma_start3A_521 : memref<128x16xf32, #tpu.memory_space<vmem>>) offsets(%dma_start3A_524 : memref<128xi32, #tpu.memory_space<vmem>>) semaphore(%arg21 : memref<!tpu.dma_semaphore, #tpu.memory_space<semaphore_mem>>)
        %dma_start3A_528 = arith.constant 2 : i32
        %dma_start3A_529 = arith.constant 256 : i32
        %dma_start3A_530 = arith.constant 0 : i32
        %dma_start3A_531 = tpu.memref_slice %arg11[%dma_start3A_529, %dma_start3A_530] : memref<1024x16xf32, #tpu.memory_space<vmem>> -> memref<128x16xf32, #tpu.memory_space<vmem>>
        %dma_start3A_532 = arith.constant 0 : i32
        %dma_start3A_533 = tpu.memref_slice %arg7[%dma_start3A_528, %dma_start3A_532] : memref<8x128xi32, #tpu.memory_space<vmem>> -> memref<1x128xi32, #tpu.memory_space<vmem>>
        %dma_start3A_534 = tpu.memref_squeeze %dma_start3A_533 : memref<1x128xi32, #tpu.memory_space<vmem>> -> memref<128xi32, #tpu.memory_space<vmem>>
        %dma_start3A_535 = arith.constant 0 : i32
        %dma_start3A_536 = arith.constant 0 : i32
        %dma_start3A_537 = tpu.memref_slice %arg3[%dma_start3A_535, %dma_start3A_536] : memref<1000000x16xf32, #tpu.memory_space<hbm>> -> memref<1000000x16xf32, #tpu.memory_space<hbm>>
        tpu.enqueue_indirect_dma source(%dma_start3A_537 : memref<1000000x16xf32, #tpu.memory_space<hbm>>) target(%dma_start3A_531 : memref<128x16xf32, #tpu.memory_space<vmem>>) offsets(%dma_start3A_534 : memref<128xi32, #tpu.memory_space<vmem>>) semaphore(%arg21 : memref<!tpu.dma_semaphore, #tpu.memory_space<semaphore_mem>>)
        %dma_start3A_538 = arith.constant 3 : i32
        %dma_start3A_539 = arith.constant 384 : i32
        %dma_start3A_540 = arith.constant 0 : i32
        %dma_start3A_541 = tpu.memref_slice %arg11[%dma_start3A_539, %dma_start3A_540] : memref<1024x16xf32, #tpu.memory_space<vmem>> -> memref<128x16xf32, #tpu.memory_space<vmem>>
        %dma_start3A_542 = arith.constant 0 : i32
        %dma_start3A_543 = tpu.memref_slice %arg7[%dma_start3A_538, %dma_start3A_542] : memref<8x128xi32, #tpu.memory_space<vmem>> -> memref<1x128xi32, #tpu.memory_space<vmem>>
        %dma_start3A_544 = tpu.memref_squeeze %dma_start3A_543 : memref<1x128xi32, #tpu.memory_space<vmem>> -> memref<128xi32, #tpu.memory_space<vmem>>
        %dma_start3A_545 = arith.constant 0 : i32
        %dma_start3A_546 = arith.constant 0 : i32
        %dma_start3A_547 = tpu.memref_slice %arg3[%dma_start3A_545, %dma_start3A_546] : memref<1000000x16xf32, #tpu.memory_space<hbm>> -> memref<1000000x16xf32, #tpu.memory_space<hbm>>
        tpu.enqueue_indirect_dma source(%dma_start3A_547 : memref<1000000x16xf32, #tpu.memory_space<hbm>>) target(%dma_start3A_541 : memref<128x16xf32, #tpu.memory_space<vmem>>) offsets(%dma_start3A_544 : memref<128xi32, #tpu.memory_space<vmem>>) semaphore(%arg21 : memref<!tpu.dma_semaphore, #tpu.memory_space<semaphore_mem>>)
        %dma_start3A_548 = arith.constant 4 : i32
        %dma_start3A_549 = arith.constant 512 : i32
        %dma_start3A_550 = arith.constant 0 : i32
        %dma_start3A_551 = tpu.memref_slice %arg11[%dma_start3A_549, %dma_start3A_550] : memref<1024x16xf32, #tpu.memory_space<vmem>> -> memref<128x16xf32, #tpu.memory_space<vmem>>
        %dma_start3A_552 = arith.constant 0 : i32
        %dma_start3A_553 = tpu.memref_slice %arg7[%dma_start3A_548, %dma_start3A_552] : memref<8x128xi32, #tpu.memory_space<vmem>> -> memref<1x128xi32, #tpu.memory_space<vmem>>
        %dma_start3A_554 = tpu.memref_squeeze %dma_start3A_553 : memref<1x128xi32, #tpu.memory_space<vmem>> -> memref<128xi32, #tpu.memory_space<vmem>>
        %dma_start3A_555 = arith.constant 0 : i32
        %dma_start3A_556 = arith.constant 0 : i32
        %dma_start3A_557 = tpu.memref_slice %arg3[%dma_start3A_555, %dma_start3A_556] : memref<1000000x16xf32, #tpu.memory_space<hbm>> -> memref<1000000x16xf32, #tpu.memory_space<hbm>>
        tpu.enqueue_indirect_dma source(%dma_start3A_557 : memref<1000000x16xf32, #tpu.memory_space<hbm>>) target(%dma_start3A_551 : memref<128x16xf32, #tpu.memory_space<vmem>>) offsets(%dma_start3A_554 : memref<128xi32, #tpu.memory_space<vmem>>) semaphore(%arg21 : memref<!tpu.dma_semaphore, #tpu.memory_space<semaphore_mem>>)
        %dma_start3A_558 = arith.constant 5 : i32
        %dma_start3A_559 = arith.constant 640 : i32
        %dma_start3A_560 = arith.constant 0 : i32
        %dma_start3A_561 = tpu.memref_slice %arg11[%dma_start3A_559, %dma_start3A_560] : memref<1024x16xf32, #tpu.memory_space<vmem>> -> memref<128x16xf32, #tpu.memory_space<vmem>>
        %dma_start3A_562 = arith.constant 0 : i32
        %dma_start3A_563 = tpu.memref_slice %arg7[%dma_start3A_558, %dma_start3A_562] : memref<8x128xi32, #tpu.memory_space<vmem>> -> memref<1x128xi32, #tpu.memory_space<vmem>>
        %dma_start3A_564 = tpu.memref_squeeze %dma_start3A_563 : memref<1x128xi32, #tpu.memory_space<vmem>> -> memref<128xi32, #tpu.memory_space<vmem>>
        %dma_start3A_565 = arith.constant 0 : i32
        %dma_start3A_566 = arith.constant 0 : i32
        %dma_start3A_567 = tpu.memref_slice %arg3[%dma_start3A_565, %dma_start3A_566] : memref<1000000x16xf32, #tpu.memory_space<hbm>> -> memref<1000000x16xf32, #tpu.memory_space<hbm>>
        tpu.enqueue_indirect_dma source(%dma_start3A_567 : memref<1000000x16xf32, #tpu.memory_space<hbm>>) target(%dma_start3A_561 : memref<128x16xf32, #tpu.memory_space<vmem>>) offsets(%dma_start3A_564 : memref<128xi32, #tpu.memory_space<vmem>>) semaphore(%arg21 : memref<!tpu.dma_semaphore, #tpu.memory_space<semaphore_mem>>)
        %dma_start3A_568 = arith.constant 6 : i32
        %dma_start3A_569 = arith.constant 768 : i32
        %dma_start3A_570 = arith.constant 0 : i32
        %dma_start3A_571 = tpu.memref_slice %arg11[%dma_start3A_569, %dma_start3A_570] : memref<1024x16xf32, #tpu.memory_space<vmem>> -> memref<128x16xf32, #tpu.memory_space<vmem>>
        %dma_start3A_572 = arith.constant 0 : i32
        %dma_start3A_573 = tpu.memref_slice %arg7[%dma_start3A_568, %dma_start3A_572] : memref<8x128xi32, #tpu.memory_space<vmem>> -> memref<1x128xi32, #tpu.memory_space<vmem>>
        %dma_start3A_574 = tpu.memref_squeeze %dma_start3A_573 : memref<1x128xi32, #tpu.memory_space<vmem>> -> memref<128xi32, #tpu.memory_space<vmem>>
        %dma_start3A_575 = arith.constant 0 : i32
        %dma_start3A_576 = arith.constant 0 : i32
        %dma_start3A_577 = tpu.memref_slice %arg3[%dma_start3A_575, %dma_start3A_576] : memref<1000000x16xf32, #tpu.memory_space<hbm>> -> memref<1000000x16xf32, #tpu.memory_space<hbm>>
        tpu.enqueue_indirect_dma source(%dma_start3A_577 : memref<1000000x16xf32, #tpu.memory_space<hbm>>) target(%dma_start3A_571 : memref<128x16xf32, #tpu.memory_space<vmem>>) offsets(%dma_start3A_574 : memref<128xi32, #tpu.memory_space<vmem>>) semaphore(%arg21 : memref<!tpu.dma_semaphore, #tpu.memory_space<semaphore_mem>>)
        %dma_start3A_578 = arith.constant 7 : i32
        %dma_start3A_579 = arith.constant 896 : i32
        %dma_start3A_580 = arith.constant 0 : i32
        %dma_start3A_581 = tpu.memref_slice %arg11[%dma_start3A_579, %dma_start3A_580] : memref<1024x16xf32, #tpu.memory_space<vmem>> -> memref<128x16xf32, #tpu.memory_space<vmem>>
        %dma_start3A_582 = arith.constant 0 : i32
        %dma_start3A_583 = tpu.memref_slice %arg7[%dma_start3A_578, %dma_start3A_582] : memref<8x128xi32, #tpu.memory_space<vmem>> -> memref<1x128xi32, #tpu.memory_space<vmem>>
        %dma_start3A_584 = tpu.memref_squeeze %dma_start3A_583 : memref<1x128xi32, #tpu.memory_space<vmem>> -> memref<128xi32, #tpu.memory_space<vmem>>
        %dma_start3A_585 = arith.constant 0 : i32
        %dma_start3A_586 = arith.constant 0 : i32
        %dma_start3A_587 = tpu.memref_slice %arg3[%dma_start3A_585, %dma_start3A_586] : memref<1000000x16xf32, #tpu.memory_space<hbm>> -> memref<1000000x16xf32, #tpu.memory_space<hbm>>
        tpu.enqueue_indirect_dma source(%dma_start3A_587 : memref<1000000x16xf32, #tpu.memory_space<hbm>>) target(%dma_start3A_581 : memref<128x16xf32, #tpu.memory_space<vmem>>) offsets(%dma_start3A_584 : memref<128xi32, #tpu.memory_space<vmem>>) semaphore(%arg21 : memref<!tpu.dma_semaphore, #tpu.memory_space<semaphore_mem>>)
      } else {
      }
      %gt3A_472 = arith.constant 1 : i32
      %gt3A_473 = arith.cmpi sgt, %add3A_458, %gt3A_472 : i32
      %convert_element_type3A_474 = arith.extui %gt3A_473 : i1 to i32
      %cond3A_475 = arith.constant 0 : i32
      %cond3A_476 = arith.cmpi ne, %convert_element_type3A_474, %cond3A_475 : i32
      scf.if %cond3A_476 {
        %add3A_500 = arith.constant 0 : i32
        %add3A_501 = arith.addi %mul3A_2, %add3A_500 : i32
        %mul3A_502 = arith.constant 1024 : i32
        %mul3A_503 = arith.muli %add3A_501, %mul3A_502 : i32
        %dma_wait3A_504 = arith.constant 0 : i32
        %dma_wait3A_505 = arith.constant 0 : i32
        %dma_wait3A_506 = tpu.memref_slice %arg14[%dma_wait3A_504, %dma_wait3A_505] : memref<16x1025xf32, #tpu.memory_space<vmem>> -> memref<16x1024xf32, #tpu.memory_space<vmem>>
        %dma_wait3A_507 = arith.constant 0 : i32
        %dma_wait3A_508 = tpu.memref_slice %arg4[%dma_wait3A_507, %mul3A_503] : memref<16x3276800xf32, #tpu.memory_space<hbm>> -> memref<16x1024xf32, #tpu.memory_space<hbm>>
        %dma_wait3A_509 = arith.constant 0 : i32
        %dma_wait3A_510 = tpu.memref_slice %arg4[%dma_wait3A_509, %mul3A_503] : memref<16x3276800xf32, #tpu.memory_space<hbm>> -> memref<16x1024xf32, #tpu.memory_space<hbm>>
        %dma_wait3A_511 = arith.constant 0 : i32
        %dma_wait3A_512 = arith.constant 0 : i32
        %dma_wait3A_513 = tpu.memref_slice %arg14[%dma_wait3A_511, %dma_wait3A_512] : memref<16x1025xf32, #tpu.memory_space<vmem>> -> memref<16x1024xf32, #tpu.memory_space<vmem>>
        tpu.wait_dma2 semaphore(%arg24 : memref<!tpu.dma_semaphore, #tpu.memory_space<semaphore_mem>>) src(%dma_wait3A_513 : memref<16x1024xf32, #tpu.memory_space<vmem>>) dst(%dma_wait3A_510 : memref<16x1024xf32, #tpu.memory_space<hbm>>)
      } else {
      }
      %parallel_loop3A_477 = arith.constant 0 : i32
      %parallel_loop3A_478 = arith.constant 64 : i32
      %parallel_loop3A_479 = arith.constant 1 : i32
      scf.for %parallel_loop3A_500 = %parallel_loop3A_477 to %parallel_loop3A_478 step %parallel_loop3A_479  : i32 {
        %parallel_loop3A_501 = arith.constant 16 : i32
        %parallel_loop3A_502 = arith.muli %parallel_loop3A_500, %parallel_loop3A_501 : i32
        %parallel_loop3A_503 = arith.constant 0 : i32
        %parallel_loop3A_504 = arith.addi %parallel_loop3A_502, %parallel_loop3A_503 : i32
        %parallel_loop3A_505 = arith.index_cast %parallel_loop3A_504 : i32 to index
        %parallel_loop3A_506 = arith.constant 0 : index
        %parallel_loop3A_507 = tpu.vector_load %arg12[%parallel_loop3A_505, %parallel_loop3A_506] {strides = array<i32>} : memref<1024x16xf32, #tpu.memory_space<vmem>>, vector<16xf32>,
        %parallel_loop3A_508 = vector.broadcast %parallel_loop3A_504 : i32 to vector<16xi32>
        tpu.vector_store_idx %arg14[%iota3A, %parallel_loop3A_508], %parallel_loop3A_507 : memref<16x1025xf32, #tpu.memory_space<vmem>>[vector<16xi32>, vector<16xi32>], vector<16xf32>,
        %parallel_loop3A_509 = arith.constant 1 : i32
        %parallel_loop3A_510 = arith.addi %parallel_loop3A_502, %parallel_loop3A_509 : i32
        %parallel_loop3A_511 = arith.index_cast %parallel_loop3A_510 : i32 to index
        %parallel_loop3A_512 = arith.constant 0 : index
        %parallel_loop3A_513 = tpu.vector_load %arg12[%parallel_loop3A_511, %parallel_loop3A_512] {strides = array<i32>} : memref<1024x16xf32, #tpu.memory_space<vmem>>, vector<16xf32>,
        %parallel_loop3A_514 = vector.broadcast %parallel_loop3A_510 : i32 to vector<16xi32>
        tpu.vector_store_idx %arg14[%iota3A, %parallel_loop3A_514], %parallel_loop3A_513 : memref<16x1025xf32, #tpu.memory_space<vmem>>[vector<16xi32>, vector<16xi32>], vector<16xf32>,
        %parallel_loop3A_515 = arith.constant 2 : i32
        %parallel_loop3A_516 = arith.addi %parallel_loop3A_502, %parallel_loop3A_515 : i32
        %parallel_loop3A_517 = arith.index_cast %parallel_loop3A_516 : i32 to index
        %parallel_loop3A_518 = arith.constant 0 : index
        %parallel_loop3A_519 = tpu.vector_load %arg12[%parallel_loop3A_517, %parallel_loop3A_518] {strides = array<i32>} : memref<1024x16xf32, #tpu.memory_space<vmem>>, vector<16xf32>,
        %parallel_loop3A_520 = vector.broadcast %parallel_loop3A_516 : i32 to vector<16xi32>
        tpu.vector_store_idx %arg14[%iota3A, %parallel_loop3A_520], %parallel_loop3A_519 : memref<16x1025xf32, #tpu.memory_space<vmem>>[vector<16xi32>, vector<16xi32>], vector<16xf32>,
        %parallel_loop3A_521 = arith.constant 3 : i32
        %parallel_loop3A_522 = arith.addi %parallel_loop3A_502, %parallel_loop3A_521 : i32
        %parallel_loop3A_523 = arith.index_cast %parallel_loop3A_522 : i32 to index
        %parallel_loop3A_524 = arith.constant 0 : index
        %parallel_loop3A_525 = tpu.vector_load %arg12[%parallel_loop3A_523, %parallel_loop3A_524] {strides = array<i32>} : memref<1024x16xf32, #tpu.memory_space<vmem>>, vector<16xf32>,
        %parallel_loop3A_526 = vector.broadcast %parallel_loop3A_522 : i32 to vector<16xi32>
        tpu.vector_store_idx %arg14[%iota3A, %parallel_loop3A_526], %parallel_loop3A_525 : memref<16x1025xf32, #tpu.memory_space<vmem>>[vector<16xi32>, vector<16xi32>], vector<16xf32>,
        %parallel_loop3A_527 = arith.constant 4 : i32
        %parallel_loop3A_528 = arith.addi %parallel_loop3A_502, %parallel_loop3A_527 : i32
        %parallel_loop3A_529 = arith.index_cast %parallel_loop3A_528 : i32 to index
        %parallel_loop3A_530 = arith.constant 0 : index
        %parallel_loop3A_531 = tpu.vector_load %arg12[%parallel_loop3A_529, %parallel_loop3A_530] {strides = array<i32>} : memref<1024x16xf32, #tpu.memory_space<vmem>>, vector<16xf32>,
        %parallel_loop3A_532 = vector.broadcast %parallel_loop3A_528 : i32 to vector<16xi32>
        tpu.vector_store_idx %arg14[%iota3A, %parallel_loop3A_532], %parallel_loop3A_531 : memref<16x1025xf32, #tpu.memory_space<vmem>>[vector<16xi32>, vector<16xi32>], vector<16xf32>,
        %parallel_loop3A_533 = arith.constant 5 : i32
        %parallel_loop3A_534 = arith.addi %parallel_loop3A_502, %parallel_loop3A_533 : i32
        %parallel_loop3A_535 = arith.index_cast %parallel_loop3A_534 : i32 to index
        %parallel_loop3A_536 = arith.constant 0 : index
        %parallel_loop3A_537 = tpu.vector_load %arg12[%parallel_loop3A_535, %parallel_loop3A_536] {strides = array<i32>} : memref<1024x16xf32, #tpu.memory_space<vmem>>, vector<16xf32>,
        %parallel_loop3A_538 = vector.broadcast %parallel_loop3A_534 : i32 to vector<16xi32>
        tpu.vector_store_idx %arg14[%iota3A, %parallel_loop3A_538], %parallel_loop3A_537 : memref<16x1025xf32, #tpu.memory_space<vmem>>[vector<16xi32>, vector<16xi32>], vector<16xf32>,
        %parallel_loop3A_539 = arith.constant 6 : i32
        %parallel_loop3A_540 = arith.addi %parallel_loop3A_502, %parallel_loop3A_539 : i32
        %parallel_loop3A_541 = arith.index_cast %parallel_loop3A_540 : i32 to index
        %parallel_loop3A_542 = arith.constant 0 : index
        %parallel_loop3A_543 = tpu.vector_load %arg12[%parallel_loop3A_541, %parallel_loop3A_542] {strides = array<i32>} : memref<1024x16xf32, #tpu.memory_space<vmem>>, vector<16xf32>,
        %parallel_loop3A_544 = vector.broadcast %parallel_loop3A_540 : i32 to vector<16xi32>
        tpu.vector_store_idx %arg14[%iota3A, %parallel_loop3A_544], %parallel_loop3A_543 : memref<16x1025xf32, #tpu.memory_space<vmem>>[vector<16xi32>, vector<16xi32>], vector<16xf32>,
        %parallel_loop3A_545 = arith.constant 7 : i32
        %parallel_loop3A_546 = arith.addi %parallel_loop3A_502, %parallel_loop3A_545 : i32
        %parallel_loop3A_547 = arith.index_cast %parallel_loop3A_546 : i32 to index
        %parallel_loop3A_548 = arith.constant 0 : index
        %parallel_loop3A_549 = tpu.vector_load %arg12[%parallel_loop3A_547, %parallel_loop3A_548] {strides = array<i32>} : memref<1024x16xf32, #tpu.memory_space<vmem>>, vector<16xf32>,
        %parallel_loop3A_550 = vector.broadcast %parallel_loop3A_546 : i32 to vector<16xi32>
        tpu.vector_store_idx %arg14[%iota3A, %parallel_loop3A_550], %parallel_loop3A_549 : memref<16x1025xf32, #tpu.memory_space<vmem>>[vector<16xi32>, vector<16xi32>], vector<16xf32>,
        %parallel_loop3A_551 = arith.constant 8 : i32
        %parallel_loop3A_552 = arith.addi %parallel_loop3A_502, %parallel_loop3A_551 : i32
        %parallel_loop3A_553 = arith.index_cast %parallel_loop3A_552 : i32 to index
        %parallel_loop3A_554 = arith.constant 0 : index
        %parallel_loop3A_555 = tpu.vector_load %arg12[%parallel_loop3A_553, %parallel_loop3A_554] {strides = array<i32>} : memref<1024x16xf32, #tpu.memory_space<vmem>>, vector<16xf32>,
        %parallel_loop3A_556 = vector.broadcast %parallel_loop3A_552 : i32 to vector<16xi32>
        tpu.vector_store_idx %arg14[%iota3A, %parallel_loop3A_556], %parallel_loop3A_555 : memref<16x1025xf32, #tpu.memory_space<vmem>>[vector<16xi32>, vector<16xi32>], vector<16xf32>,
        %parallel_loop3A_557 = arith.constant 9 : i32
        %parallel_loop3A_558 = arith.addi %parallel_loop3A_502, %parallel_loop3A_557 : i32
        %parallel_loop3A_559 = arith.index_cast %parallel_loop3A_558 : i32 to index
        %parallel_loop3A_560 = arith.constant 0 : index
        %parallel_loop3A_561 = tpu.vector_load %arg12[%parallel_loop3A_559, %parallel_loop3A_560] {strides = array<i32>} : memref<1024x16xf32, #tpu.memory_space<vmem>>, vector<16xf32>,
        %parallel_loop3A_562 = vector.broadcast %parallel_loop3A_558 : i32 to vector<16xi32>
        tpu.vector_store_idx %arg14[%iota3A, %parallel_loop3A_562], %parallel_loop3A_561 : memref<16x1025xf32, #tpu.memory_space<vmem>>[vector<16xi32>, vector<16xi32>], vector<16xf32>,
        %parallel_loop3A_563 = arith.constant 10 : i32
        %parallel_loop3A_564 = arith.addi %parallel_loop3A_502, %parallel_loop3A_563 : i32
        %parallel_loop3A_565 = arith.index_cast %parallel_loop3A_564 : i32 to index
        %parallel_loop3A_566 = arith.constant 0 : index
        %parallel_loop3A_567 = tpu.vector_load %arg12[%parallel_loop3A_565, %parallel_loop3A_566] {strides = array<i32>} : memref<1024x16xf32, #tpu.memory_space<vmem>>, vector<16xf32>,
        %parallel_loop3A_568 = vector.broadcast %parallel_loop3A_564 : i32 to vector<16xi32>
        tpu.vector_store_idx %arg14[%iota3A, %parallel_loop3A_568], %parallel_loop3A_567 : memref<16x1025xf32, #tpu.memory_space<vmem>>[vector<16xi32>, vector<16xi32>], vector<16xf32>,
        %parallel_loop3A_569 = arith.constant 11 : i32
        %parallel_loop3A_570 = arith.addi %parallel_loop3A_502, %parallel_loop3A_569 : i32
        %parallel_loop3A_571 = arith.index_cast %parallel_loop3A_570 : i32 to index
        %parallel_loop3A_572 = arith.constant 0 : index
        %parallel_loop3A_573 = tpu.vector_load %arg12[%parallel_loop3A_571, %parallel_loop3A_572] {strides = array<i32>} : memref<1024x16xf32, #tpu.memory_space<vmem>>, vector<16xf32>,
        %parallel_loop3A_574 = vector.broadcast %parallel_loop3A_570 : i32 to vector<16xi32>
        tpu.vector_store_idx %arg14[%iota3A, %parallel_loop3A_574], %parallel_loop3A_573 : memref<16x1025xf32, #tpu.memory_space<vmem>>[vector<16xi32>, vector<16xi32>], vector<16xf32>,
        %parallel_loop3A_575 = arith.constant 12 : i32
        %parallel_loop3A_576 = arith.addi %parallel_loop3A_502, %parallel_loop3A_575 : i32
        %parallel_loop3A_577 = arith.index_cast %parallel_loop3A_576 : i32 to index
        %parallel_loop3A_578 = arith.constant 0 : index
        %parallel_loop3A_579 = tpu.vector_load %arg12[%parallel_loop3A_577, %parallel_loop3A_578] {strides = array<i32>} : memref<1024x16xf32, #tpu.memory_space<vmem>>, vector<16xf32>,
        %parallel_loop3A_580 = vector.broadcast %parallel_loop3A_576 : i32 to vector<16xi32>
        tpu.vector_store_idx %arg14[%iota3A, %parallel_loop3A_580], %parallel_loop3A_579 : memref<16x1025xf32, #tpu.memory_space<vmem>>[vector<16xi32>, vector<16xi32>], vector<16xf32>,
        %parallel_loop3A_581 = arith.constant 13 : i32
        %parallel_loop3A_582 = arith.addi %parallel_loop3A_502, %parallel_loop3A_581 : i32
        %parallel_loop3A_583 = arith.index_cast %parallel_loop3A_582 : i32 to index
        %parallel_loop3A_584 = arith.constant 0 : index
        %parallel_loop3A_585 = tpu.vector_load %arg12[%parallel_loop3A_583, %parallel_loop3A_584] {strides = array<i32>} : memref<1024x16xf32, #tpu.memory_space<vmem>>, vector<16xf32>,
        %parallel_loop3A_586 = vector.broadcast %parallel_loop3A_582 : i32 to vector<16xi32>
        tpu.vector_store_idx %arg14[%iota3A, %parallel_loop3A_586], %parallel_loop3A_585 : memref<16x1025xf32, #tpu.memory_space<vmem>>[vector<16xi32>, vector<16xi32>], vector<16xf32>,
        %parallel_loop3A_587 = arith.constant 14 : i32
        %parallel_loop3A_588 = arith.addi %parallel_loop3A_502, %parallel_loop3A_587 : i32
        %parallel_loop3A_589 = arith.index_cast %parallel_loop3A_588 : i32 to index
        %parallel_loop3A_590 = arith.constant 0 : index
        %parallel_loop3A_591 = tpu.vector_load %arg12[%parallel_loop3A_589, %parallel_loop3A_590] {strides = array<i32>} : memref<1024x16xf32, #tpu.memory_space<vmem>>, vector<16xf32>,
        %parallel_loop3A_592 = vector.broadcast %parallel_loop3A_588 : i32 to vector<16xi32>
        tpu.vector_store_idx %arg14[%iota3A, %parallel_loop3A_592], %parallel_loop3A_591 : memref<16x1025xf32, #tpu.memory_space<vmem>>[vector<16xi32>, vector<16xi32>], vector<16xf32>,
        %parallel_loop3A_593 = arith.constant 15 : i32
        %parallel_loop3A_594 = arith.addi %parallel_loop3A_502, %parallel_loop3A_593 : i32
        %parallel_loop3A_595 = arith.index_cast %parallel_loop3A_594 : i32 to index
        %parallel_loop3A_596 = arith.constant 0 : index
        %parallel_loop3A_597 = tpu.vector_load %arg12[%parallel_loop3A_595, %parallel_loop3A_596] {strides = array<i32>} : memref<1024x16xf32, #tpu.memory_space<vmem>>, vector<16xf32>,
        %parallel_loop3A_598 = vector.broadcast %parallel_loop3A_594 : i32 to vector<16xi32>
        tpu.vector_store_idx %arg14[%iota3A, %parallel_loop3A_598], %parallel_loop3A_597 : memref<16x1025xf32, #tpu.memory_space<vmem>>[vector<16xi32>, vector<16xi32>], vector<16xf32>,
      } {sc.loop_unroll_factor = 2 : i64, sc.parallel_access}
      %add3A_480 = arith.addi %mul3A_2, %add3A_458 : i32
      %mul3A_481 = arith.constant 1024 : i32
      %mul3A_482 = arith.muli %add3A_480, %mul3A_481 : i32
      %dma_start3A_483 = arith.constant 0 : i32
      %dma_start3A_484 = arith.constant 0 : i32
      %dma_start3A_485 = tpu.memref_slice %arg14[%dma_start3A_483, %dma_start3A_484] : memref<16x1025xf32, #tpu.memory_space<vmem>> -> memref<16x1024xf32, #tpu.memory_space<vmem>>
      %dma_start3A_486 = arith.constant 0 : i32
      %dma_start3A_487 = tpu.memref_slice %arg4[%dma_start3A_486, %mul3A_482] : memref<16x3276800xf32, #tpu.memory_space<hbm>> -> memref<16x1024xf32, #tpu.memory_space<hbm>>
      %dma_start3A_488 = arith.constant 0 : i32
      %dma_start3A_489 = tpu.memref_slice %arg4[%dma_start3A_488, %mul3A_482] : memref<16x3276800xf32, #tpu.memory_space<hbm>> -> memref<16x1024xf32, #tpu.memory_space<hbm>>
      %dma_start3A_490 = arith.constant 0 : i32
      %dma_start3A_491 = arith.constant 0 : i32
      %dma_start3A_492 = tpu.memref_slice %arg14[%dma_start3A_490, %dma_start3A_491] : memref<16x1025xf32, #tpu.memory_space<vmem>> -> memref<16x1024xf32, #tpu.memory_space<vmem>>
      tpu.enqueue_dma source(%dma_start3A_492 : memref<16x1024xf32, #tpu.memory_space<vmem>>) target(%dma_start3A_489 : memref<16x1024xf32, #tpu.memory_space<hbm>>) target_semaphore(%arg24 : memref<!tpu.dma_semaphore, #tpu.memory_space<semaphore_mem>>)
      %add3A_493 = arith.constant 4 : i32
      %add3A_494 = arith.addi %add3A_458, %add3A_493 : i32
      %lt3A_495 = arith.constant 100 : i32
      %lt3A_496 = arith.cmpi slt, %add3A_494, %lt3A_495 : i32
      %convert_element_type3A_497 = arith.extui %lt3A_496 : i1 to i32
      %cond3A_498 = arith.constant 0 : i32
      %cond3A_499 = arith.cmpi ne, %convert_element_type3A_497, %cond3A_498 : i32
      scf.if %cond3A_499 {
        %add3A_500 = arith.constant 4 : i32
        %add3A_501 = arith.addi %add3A_458, %add3A_500 : i32
        %add3A_502 = arith.addi %mul3A_2, %add3A_501 : i32
        %mul3A_503 = arith.constant 8 : i32
        %mul3A_504 = arith.muli %add3A_502, %mul3A_503 : i32
        %dma_start3A_505 = arith.constant 0 : i32
        %dma_start3A_506 = tpu.memref_slice %arg2[%mul3A_504, %dma_start3A_505] : memref<25600x128xi32, #tpu.memory_space<hbm>> -> memref<8x128xi32, #tpu.memory_space<hbm>>
        %dma_start3A_507 = arith.constant 0 : i32
        %dma_start3A_508 = tpu.memref_slice %arg2[%mul3A_504, %dma_start3A_507] : memref<25600x128xi32, #tpu.memory_space<hbm>> -> memref<8x128xi32, #tpu.memory_space<hbm>>
        tpu.enqueue_dma source(%dma_start3A_508 : memref<8x128xi32, #tpu.memory_space<hbm>>) target(%arg8 : memref<8x128xi32, #tpu.memory_space<vmem>>) target_semaphore(%arg18 : memref<!tpu.dma_semaphore, #tpu.memory_space<semaphore_mem>>)
      } else {
      }
    }
    %scan3A_295 = arith.constant 25 : i32
    %add3A_296 = arith.constant 0 : i32
    %add3A_297 = arith.addi %mul3A_2, %add3A_296 : i32
    %mul3A_298 = arith.constant 1024 : i32
    %mul3A_299 = arith.muli %add3A_297, %mul3A_298 : i32
    %dma_wait3A_300 = arith.constant 0 : i32
    %dma_wait3A_301 = arith.constant 0 : i32
    %dma_wait3A_302 = tpu.memref_slice %arg13[%dma_wait3A_300, %dma_wait3A_301] : memref<16x1025xf32, #tpu.memory_space<vmem>> -> memref<16x1024xf32, #tpu.memory_space<vmem>>
    %dma_wait3A_303 = arith.constant 0 : i32
    %dma_wait3A_304 = tpu.memref_slice %arg4[%dma_wait3A_303, %mul3A_299] : memref<16x3276800xf32, #tpu.memory_space<hbm>> -> memref<16x1024xf32, #tpu.memory_space<hbm>>
    %dma_wait3A_305 = arith.constant 0 : i32
    %dma_wait3A_306 = tpu.memref_slice %arg4[%dma_wait3A_305, %mul3A_299] : memref<16x3276800xf32, #tpu.memory_space<hbm>> -> memref<16x1024xf32, #tpu.memory_space<hbm>>
    %dma_wait3A_307 = arith.constant 0 : i32
    %dma_wait3A_308 = arith.constant 0 : i32
    %dma_wait3A_309 = tpu.memref_slice %arg13[%dma_wait3A_307, %dma_wait3A_308] : memref<16x1025xf32, #tpu.memory_space<vmem>> -> memref<16x1024xf32, #tpu.memory_space<vmem>>
    tpu.wait_dma2 semaphore(%arg23 : memref<!tpu.dma_semaphore, #tpu.memory_space<semaphore_mem>>) src(%dma_wait3A_309 : memref<16x1024xf32, #tpu.memory_space<vmem>>) dst(%dma_wait3A_306 : memref<16x1024xf32, #tpu.memory_space<hbm>>)
    %add3A_310 = arith.constant 0 : i32
    %add3A_311 = arith.addi %mul3A_2, %add3A_310 : i32
    %mul3A_312 = arith.constant 1024 : i32
    %mul3A_313 = arith.muli %add3A_311, %mul3A_312 : i32
    %dma_wait3A_314 = arith.constant 0 : i32
    %dma_wait3A_315 = arith.constant 0 : i32
    %dma_wait3A_316 = tpu.memref_slice %arg14[%dma_wait3A_314, %dma_wait3A_315] : memref<16x1025xf32, #tpu.memory_space<vmem>> -> memref<16x1024xf32, #tpu.memory_space<vmem>>
    %dma_wait3A_317 = arith.constant 0 : i32
    %dma_wait3A_318 = tpu.memref_slice %arg4[%dma_wait3A_317, %mul3A_313] : memref<16x3276800xf32, #tpu.memory_space<hbm>> -> memref<16x1024xf32, #tpu.memory_space<hbm>>
    %dma_wait3A_319 = arith.constant 0 : i32
    %dma_wait3A_320 = tpu.memref_slice %arg4[%dma_wait3A_319, %mul3A_313] : memref<16x3276800xf32, #tpu.memory_space<hbm>> -> memref<16x1024xf32, #tpu.memory_space<hbm>>
    %dma_wait3A_321 = arith.constant 0 : i32
    %dma_wait3A_322 = arith.constant 0 : i32
    %dma_wait3A_323 = tpu.memref_slice %arg14[%dma_wait3A_321, %dma_wait3A_322] : memref<16x1025xf32, #tpu.memory_space<vmem>> -> memref<16x1024xf32, #tpu.memory_space<vmem>>
    tpu.wait_dma2 semaphore(%arg24 : memref<!tpu.dma_semaphore, #tpu.memory_space<semaphore_mem>>) src(%dma_wait3A_323 : memref<16x1024xf32, #tpu.memory_space<vmem>>) dst(%dma_wait3A_320 : memref<16x1024xf32, #tpu.memory_space<hbm>>)
    return
  }
}

</mosaic_0001>

<sc_bundles>
// kernel: kernel.3.cloned.1.call-start
scs
__scs_entry_jumppad:
0x0: {  	(pc) =	sbr.rel $0x88, $3  }
0x1: {  	(tag) =	ssettag $0x0;
	lr =	simm.s32 $0x1  }
0x2: {  	[smem:$0x3F9F] =	sst lr;
	_ =	strace $0xD0000000  }
0x3: {  	_ = 	snop  }
0x4: {  	_ = 	snop  }
0x5: {  	_ = 	snop  }
0x6: {  	_ = 	snop  }
0x7: {  	_ = 	snop  }
__scs_overlays_trampoline_lowered:
0x8: {  	[smem:$0x3FAE] =	sst s0  }
0x9: {  	[smem:$0x3FAF] =	sst s1  }
0xa: {  	[smem:$0x3FB0] =	sst s2  }
0xb: {  	[smem:$0x3FB1] =	sst s3  }
0xc: {  	[smem:$0x3FB2] =	sst s4  }
0xd: {  	[smem:$0x3FB3] =	sst s5  }
0xe: {  	[smem:$0x3FB4] =	sst s6  }
0xf: {  	[smem:$0x3FB5] =	sst s7  }
0x10: {  	[smem:$0x3FB6] =	sst s8  }
0x11: {  	[smem:$0x3FB7] =	sst s9;
	s0 =	simm.s32 @!p0 $0x0  }
0x12: {  	s1 =	sld [smem:$0x3F9D];
	s0 =	simm.s32 @p0 $0x1  }
0x13: {  	[smem:$0x3FB8] =	sst s0;
	s0 =	simm.s32 @!p1 $0x0  }
0x14: {  	s2 =	sld [smem:$0x3F9C];
	s0 =	simm.s32 @p1 $0x1  }
0x15: {  	[smem:$0x3FB9] =	sst s0;
	s0 =	simm.s32 @!p2 $0x0  }
0x16: {  	s3 =	sld [smem:$0x3FDB];
	s0 =	simm.s32 @p2 $0x1  }
0x17: {  	s4 =	simm.s32 $0x1BF5;
	[smem:$0x3FBB] =	sst s0  }
0x18: {  	s0 =	sld [smem:$0x3F9E];
	_ =	swait.ge [sflag:s4], $0x0  }
0x19: {  	s7 =	sld [smem:$0x3F9F]  }
0x1a: {  	s8 =	sadd.s32 $0xFFFFE003, lr  }
0x1b: {  	s9 =	sadd.s32 $0xFFFFFEF7, lr;
	s5 =	simm.s32 $0xFFFFFFFF;
	p2 =	slt.u32 s8, $0xFFFFF086  }
0x1c: {  	p1 =	slt.u32 s9, $0xF7A;
	s5 =	simm.s32 @!p2 $0x0  }
0x1d: {  	s5 =	simm.s32 @p1 $0x1;
	p0 =	seq.s32 s7, s2  }
0x1e: {  	s7 =	smul.u32 @!p0 $0xF7A, s2;
	p2 =	seq.s32 @!p0 s5, $0x0  }
0x1f: {  	s9 =	smul.u32 $0xF7A, s1;
	s8 =	simm.s32 @!p0 $0x1BF5;
	p2 =	por !p2, p0  }
0x20: {  	[sflag:s8] =	ssyncset.s32 @!p0 $0xFFFFF086;
	s6 =	sadd.s32 @!p0 s3, s7;
	s7 =	simm.s32 @!p0 $0x108  }
0x21: {  	s3 =	sadd.s32 s3, s9;
	s6 =	sadd.s32 @!p0 $0x88, s6;
	s7 =	simm.s32 @p2 $0x1082  }
0x22: {  	[simem:s7], [sflag:s8] =	dma.local @!p0 [hbm:s6], $0xF7A  }
0x23: {  	s9 =	sor.u32 $0xD0000000, s2;
	s6 =	simm.s32 $0x108;
	_ =	swait.ge @!p0 [sflag:s8], $0x0  }
0x24: {  	s3 =	sadd.s32 $0x88, s3;
	s6 =	simm.s32 @!p1 $0x1082;
	[sflag:s4] =	ssyncset.s32 $0xFFFFF086  }
0x25: {  	[simem:s6], [sflag:s4] =	dma.local [hbm:s3], $0xF7A  }
0x26: {  	[smem:$0x3F9F] =	sst s1;
	(tag) =	ssettag s2;
	_ =	strace s9  }
0x27: {  	s1 =	sld [smem:$0x3FAF]  }
0x28: {  	s2 =	sld [smem:$0x3FB0]  }
0x29: {  	s4 =	sld [smem:$0x3FB2]  }
0x2a: {  	p0 =	seq.s32 s5, $0x0;
	s5 =	sld [smem:$0x3FB3]  }
0x2b: {  	s6 =	sld [smem:$0x3FB4]  }
0x2c: {  	s7 =	sld [smem:$0x3FB5]  }
0x2d: {  	s3 =	simm.s32 $0x108;
	s8 =	sld [smem:$0x3FB6]  }
0x2e: {  	s3 =	simm.s32 @!p0 $0x1082;
	s9 =	sld [smem:$0x3FB7]  }
0x2f: {  	lr =	sadd.s32 s0, s3;
	s0 =	sld [smem:$0x3FAE]  }
0x30: {  	s3 =	sld [smem:$0x3FB1]  }
0x31: {  	[smem:$0x3FBA] =	sst s10  }
0x32: {  	s10 =	sld [smem:$0x3FB8];
	_ =	sdelay $0x3  }
0x33: {  	p0 =	seq.s32 s10, $0x1;
	s10 =	sld [smem:$0x3FBA];
	_ =	sdelay $0x3  }
0x34: {  	[smem:$0x3FBA] =	sst s10  }
0x35: {  	s10 =	sld [smem:$0x3FB9];
	_ =	sdelay $0x3  }
0x36: {  	p1 =	seq.s32 s10, $0x1;
	s10 =	sld [smem:$0x3FBA];
	_ =	sdelay $0x3  }
0x37: {  	[smem:$0x3FBA] =	sst s10  }
0x38: {  	s10 =	sld [smem:$0x3FBB]  }
0x39: {  	_ = 	snop;
	(pc) =	sbr.ind lr, $3  }
0x3a: {  	_ = 	snop  }
0x3b: {  	_ = 	snop  }
0x3c: {  	p2 =	seq.s32 s10, $0x1;
	s10 =	sld [smem:$0x3FBA]  }
0x3d: {  	_ =	shalt  }
0x3e: {  	_ =	shalt  }
0x3f: {  	_ =	shalt  }
0x40: {  	_ =	shalt  }
0x41: {  	_ =	shalt  }
0x42: {  	_ =	shalt  }
0x43: {  	_ =	shalt  }
0x44: {  	_ =	shalt  }
0x45: {  	_ =	shalt  }
0x46: {  	_ =	shalt  }
0x47: {  	_ =	shalt  }
0x48: {  	_ =	shalt  }
0x49: {  	_ =	shalt  }
0x4a: {  	_ =	shalt  }
0x4b: {  	_ =	shalt  }
0x4c: {  	_ =	shalt  }
0x4d: {  	_ =	shalt  }
0x4e: {  	_ =	shalt  }
0x4f: {  	_ =	shalt  }
0x50: {  	_ =	shalt  }
0x51: {  	_ =	shalt  }
0x52: {  	_ =	shalt  }
0x53: {  	_ =	shalt  }
0x54: {  	_ =	shalt  }
0x55: {  	_ =	shalt  }
0x56: {  	_ =	shalt  }
0x57: {  	_ =	shalt  }
0x58: {  	_ =	shalt  }
0x59: {  	_ =	shalt  }
0x5a: {  	_ =	shalt  }
0x5b: {  	_ =	shalt  }
0x5c: {  	_ =	shalt  }
0x5d: {  	_ =	shalt  }
0x5e: {  	_ =	shalt  }
0x5f: {  	_ =	shalt  }
0x60: {  	_ =	shalt  }
0x61: {  	_ =	shalt  }
0x62: {  	_ =	shalt  }
0x63: {  	_ =	shalt  }
0x64: {  	_ =	shalt  }
0x65: {  	_ =	shalt  }
0x66: {  	_ =	shalt  }
0x67: {  	_ =	shalt  }
0x68: {  	_ =	shalt  }
0x69: {  	_ =	shalt  }
0x6a: {  	_ =	shalt  }
0x6b: {  	_ =	shalt  }
0x6c: {  	_ =	shalt  }
0x6d: {  	_ =	shalt  }
0x6e: {  	_ =	shalt  }
0x6f: {  	_ =	shalt  }
0x70: {  	_ =	shalt  }
0x71: {  	_ =	shalt  }
0x72: {  	_ =	shalt  }
0x73: {  	_ =	shalt  }
0x74: {  	_ =	shalt  }
0x75: {  	_ =	shalt  }
0x76: {  	_ =	shalt  }
0x77: {  	_ =	shalt  }
0x78: {  	_ =	shalt  }
0x79: {  	_ =	shalt  }
0x7a: {  	_ =	shalt  }
0x7b: {  	_ =	shalt  }
0x7c: {  	_ =	shalt  }
0x7d: {  	_ =	shalt  }
0x7e: {  	_ =	shalt  }
0x7f: {  	_ =	shalt  }
0x80: {  	_ =	shalt  }
0x81: {  	_ =	shalt  }
0x82: {  	_ =	shalt  }
0x83: {  	_ =	shalt  }
0x84: {  	_ =	shalt  }
0x85: {  	_ =	shalt  }
0x86: {  	_ =	shalt  }
0x87: {  	_ =	shalt  }
.Lfunc_end0:
.L_simem_size_0:
called_computation_lowered:
.L_overlay_start_0:
0x88: {  	s2 =	sld [smem:$0x3FD9]  }
0x89: {  	s3 =	sld [smem:$0x3FFE];
	_ =	sdelay $0x1  }
0x8a: {  	s1 =	srdreg.scid  }
0x8b: {  	s0 =	sand.u32 $0x1, s1  }
0x8c: {  	s17 =	sshll.u32 s0, $0xA;
	s2 =	sadd.s32 s3, s2  }
0x8d: {  	s2 =	sadd.s32 s2, s17  }
0x8e: {  	[smem:$0x3FC6] =	sst s2  }
0x8f: {  	_ = 	snop  }
0x90: {  	s2 =	sld [smem:$0x3FC9]  }
0x91: {  	s18 =	sld [smem:$0x3FD0];
	(tm) =	ssettm $0x1  }
0x92: {  	s4 =	sld [smem:$0x3FFB];
	_ =	sdelay $0x3  }
0x93: {  	_ =	strace s4  }
0x94: {  	s4 =	sld [smem:$0x3FFC];
	_ =	sdelay $0x3  }
0x95: {  	_ =	strace s4  }
0x96: {  	s4 =	sld [smem:$0x3FFD];
	_ =	sdelay $0x3  }
0x97: {  	_ =	strace s4  }
0x98: {  	_ =	strace $0x8FFFFFFF  }
0x99: {  	s19 =	sld [smem:$0x3FDB];
	_ =	sdelay $0x1  }
0x9a: {  	s5 =	simm.s32 $_scs_section_size  }
0x9b: {  	s6 =	simm.s32 $_size__tile_overlayer_lowered;
	s7 =	simm.s32 $_tile_overlayer_lowered  }
0x9c: {  	s22 =	simm.s32 $0x1BFF;
	s21 =	sshll.u32 s7, $0x1;
	s4 =	sadd.s32 s5, s19  }
0x9d: {  	s8 =	simm.s32 $0x0;
	s20 =	sshll.u32 s6, $0x1;
	s6 =	sadd.s32 s21, s4  }
0x9e: {  	[timem:s8], [sflag:s22] =	dma.local [hbm:s6], s20  }
0x9f: {  	_ =	swait.ge [sflag:s22], s20  }
0xa0: {  	s5 =	ssub.s32 $0x0, s20;
	[sflag:s22] =	ssyncset.done $0x0  }
0xa1: {  	[sflag:s22] =	ssyncadd.s32 s5;
	_ =	sdelay $0x1  }
0xa2: {  	s23 =	simm.s32 $0x1B8B  }
0xa3: {  	_ =	swait.ge [sflag:s23], $0x1  }
0xa4: {  	[sflag:s23] =	ssyncset.done $0x0  }
0xa5: {  	s25 =	simm.s32 $0x1B8E;
	s24 =	sld [smem:$0x3FFE];
	[sflag:s23] =	ssyncadd.s32 $0xFFFFFFFF  }
0xa6: {  	s26 =	simm.s32 $execute0_lowered;
	[smem:$0x3FD2] =	sst s25  }
0xa7: {  	s6 =	sshll.u32 s26, $0x1;
	_ =	strace $0x80000046;
	[dreg:$0x1] =	wrdreg $0xFFFFFFFF  }
0xa8: {  	s28 =	simm.s32 $_size_execute0_lowered;
	s4 =	sadd.s32 s4, s6;
	[dreg:$0x0] =	wrdreg $0x0  }
0xa9: {  	s6 =	sshll.u32 s28, $0x1;
	[dreg:$0x2] =	wrdreg s4  }
0xaa: {  	[dreg:$0x3] =	wrdreg s6  }
0xab: {  	[dreg:$0x4] =	wrdreg $0xC0  }
0xac: {  	_ =	task [dreg:s8], $0x5FFFF  }
0xad: {  	[dreg:$0x1] =	wrdreg $0xFFFFFFFF  }
0xae: {  	[dreg:$0x0] =	wrdreg $0x60  }
0xaf: {  	[dreg:$0x2] =	wrdreg s2  }
0xb0: {  	[dreg:$0x3] =	wrdreg s24  }
0xb1: {  	[dreg:$0x4] =	wrdreg s18  }
0xb2: {  	[dreg:$0x5] =	wrdreg $0x9  }
0xb3: {  	_ =	task.clear_ibuf [dreg:s8], $0x6FFFF;
	_ =	strace $0x90000046  }
0xb4: {  	s29 =	simm.s32 $0x9;
	_ =	strace $0x80000048  }
0xb5: {  	_ =	swait.ge [sflag:s29], $0x1  }
0xb6: {  	[sflag:s29] =	ssyncadd.s32 $0xFFFFFFFF  }
0xb7: {  	_ =	strace $0x90000048  }
0xb8: {  	_ =	sfence  }
0xb9: {  	s30 =	sld [smem:$0x0];
	_ =	sdelay $0x2  }
0xba: {  	s31 =	sshll.u32 s1, $0xD;
	s1 =	sshrl.u32 s1, $0x2  }
0xbb: {  	s3 =	sand.u32 $0x4000, s31;
	s1 =	sadd.s32 s1, s30  }
0xbc: {  	s0 =	sor.u32 s3, s0;
	s1 =	sshll.u32 s1, $0x11  }
0xbd: {  	s0 =	sor.u32 s1, s0  }
0xbe: {  	s0 =	sadd.s32 $0x8F2B, s0  }
0xbf: {  	[sflag:s0] =	ssyncadd.remote.s32 $0x1  }
0xc0: {  	_ =	sfence.sel $0xFFFF  }
0xc1: {  	[dreg:$0x0] =	wrdreg $0xFFFFFFFF;
	(pc) =	sbr.abs _section_cstart, $3  }
0xc2: {  	[dreg:$0x1] =	wrdreg $0xFFFFFFFF  }
0xc3: {  	_ =	task.clear_ibuf [dreg:s8], $0x2FFFF;
	_ =	strace $0x9FFFFFFF  }
0xc4: {  	(tm) =	ssettm $0x7FFFFFFF  }
0xc5: {  	_ =	shalt  }
tec
execute0_lowered:
.L_overlay_start_1:
0x0: {  	(tag) =	ssettag $0x1  }
0x1: {  	s2 =	srdreg.scid;
	s4 =	stileid.u32  }
0x2: {  	s2 =	sand.u32 $0x1, s2;
	s5 =	sshll.u32 s4, $0x1  }
0x3: {  	s1 =	rddreg [dreg:$0x0];
	s5 =	sor.u32 s2, s5  }
0x4: {  	s0 =	rddreg [dreg:$0x1];
	s6 =	smul.u32 $0x3200, s5  }
0x5: {  	s3 =	rddreg [dreg:$0x2];
	s4 =	simm.s32 $0x0;
	s5 =	smul.u32 $0x64, s5  }
0x6: {  	[smem:$0x7FF] =	sst s4  }
0x7: {  	_ =	strace $0x80000047;
	s6 =	sadd.s32 s1, s6;
	[dreg:$0x4] =	wrdreg s5  }
0x8: {  	s17 =	simm.s32 $0x6;
	s24 =	sadd.s32 $0x4, s5;
	[dreg:$0x5] =	wrdreg s6  }
0x9: {  	s12 =	simm.s32 $0xA;
	s25 =	sor.u32 $0x1, s5;
	[dreg:$0x9] =	wrdreg s24  }
0xa: {  	s13 =	simm.s32 $0x15080;
	s26 =	sadd.s32 $0x5, s5;
	[dreg:$0xa] =	wrdreg s25  }
0xb: {  	s7 =	sadd.s32 $0xF42800, s0;
	s28 =	sor.u32 $0x2, s5;
	[dreg:$0xb] =	wrdreg s26  }
0xc: {  	s2 =	ssub.s32 $0x2, s2;
	s29 =	sadd.s32 $0x6, s5;
	[dreg:$0xc] =	wrdreg s28  }
0xd: {  	s8 =	sshrl.u32 s2, $0x1;
	s30 =	sor.u32 $0x3, s5;
	[dreg:$0xd] =	wrdreg s29  }
0xe: {  	v0 =	vlaneseq.u32;
	s20 =	ssub.s32 s2, s8;
	s31 =	sadd.s32 $0x7, s5;
	[dreg:$0xe] =	wrdreg s30  }
.Ltmp0:
0xf: {  	v0 =	vmul.u32 $0x408, v0;
	s0 =	smax.u32 s20, $0x1;
	[dreg:$0xf] =	wrdreg s31;
	(pc) =	sbr.rel .LBB2_1-.Ltmp0, $4  }
0x10: {  	v1 =	vimm.s32 $0x0;
	vm0 =	vcmask $0x300;
	s8 =	simm.s32 $0x9;
	s21 =	sadd.s32 $0x80, s6;
	[dreg:$0x10] =	wrdreg s0  }
0x11: {  	v1 =	vsel vm0, $0x3, v1;
	v2 =	vor.u32 $0x1, v0;
	s2 =	simm.s32 $0x0;
	s22 =	sadd.s32 $0x100, s6;
	[dreg:$0x6] =	wrdreg s21  }
0x12: {  	v3 =	vor.u32 $0x2, v0;
	v4 =	vor.u32 $0x3, v0;
	v5 =	vor.u32 $0x4, v0;
	s23 =	sadd.s32 $0x180, s6;
	s6 =	simm.s32 $0xC00;
	[dreg:$0x7] =	wrdreg s22  }
0x13: {  	v6 =	vor.u32 $0x5, v0;
	v7 =	vor.u32 $0x6, v0;
	v8 =	vor.u32 $0x7, v0;
	s24 =	simm.s32 $0x11000;
	[dreg:$0x8] =	wrdreg s23;
	s23 =	simm.s32 $0x80  }
.LBB2_16:
0x14: {  	_ =	swait.ge [sflag:s8], $0x4000  }
0x15: {  	[sflag:s8] =	ssyncset.done $0x0  }
0x16: {  	[sflag:s8] =	ssyncadd.s32 $0xFFFFC000  }
0x17: {  	_ =	swait.ge [sflag:s12], $0x4000  }
0x18: {  	s2 =	rddreg [dreg:$0x11]  }
0x19: {  	s0 =	rddreg [dreg:$0x10];
	s2 =	sadd.s32 $0x1, s2  }
0x1a: {  	p0 =	sne.s32 s2, s0  }
.Ltmp1:
0x1b: {  	_ = 	snop;
	(pc) =	sbr.rel @!p0 .LBB2_17-.Ltmp1, $3  }
0x1c: {  	_ =	sdelay $0x1  }
0x1d: {  	[sflag:s12] =	ssyncset.done $0x0  }
0x1e: {  	s6 =	simm.s32 $0xC00;
	[sflag:s12] =	ssyncadd.s32 $0xFFFFC000  }
.LBB2_1:
0x1f: {  	[dreg:$0x11] =	wrdreg s2  }
0x20: {  	s0 =	rddreg [dreg:$0x5]  }
0x21: {  	[tilespmem:s4], [sflag:$0x1] =	stream.linear.gather [hbm4b:s0+s4], $0x400, $0x38;
	[tilespmem:$0x19100] =	vst v63  }
0x22: {  	s11 =	rddreg [dreg:$0x6];
	s2 =	simm.s32 $0x400  }
0x23: {  	[tilespmem:s2], [sflag:$0x2] =	stream.linear.gather [hbm4b:s11+s4], $0x400, $0x38;
	[tilespmem:$0x19100] =	vst v63  }
0x24: {  	s14 =	rddreg [dreg:$0x7];
	s5 =	simm.s32 $0x800  }
0x25: {  	[tilespmem:s5], [sflag:$0x3] =	stream.linear.gather [hbm4b:s14+s4], $0x400, $0x38;
	[tilespmem:$0x19100] =	vst v63  }
0x26: {  	s15 =	rddreg [dreg:$0x8];
	s16 =	simm.s32 $0x1  }
0x27: {  	[tilespmem:s6], [sflag:$0x4] =	stream.linear.gather [hbm4b:s15+s4], $0x400, $0x38;
	[tilespmem:$0x19100] =	vst v63  }
0x28: {  	_ =	swait.ge [sflag:s16], $0x400  }
0x29: {  	[sflag:s16] =	ssyncset.done $0x0  }
0x2a: {  	s18 =	simm.s32 $0x1000;
	[sflag:s16] =	ssyncadd.s32 $0xFFFFFC00  }
0x2b: {  	[tilespmem:s18], [sflag:$0x5] =	stream.indirect.gather [hbm4b:s7+s23], $0x10, s4, s23, $0xb8;
	[tilespmem:$0x19100] =	vst v63  }
0x2c: {  	s19 =	simm.s32 $0x1800  }
0x2d: {  	[tilespmem:s19], [sflag:$0x5] =	stream.indirect.gather [hbm4b:s7+s23], $0x10, s23, s23, $0xb8;
	[tilespmem:$0x19100] =	vst v63  }
0x2e: {  	s20 =	simm.s32 $0x100;
	s9 =	simm.s32 $0x2000  }
0x2f: {  	[tilespmem:s9], [sflag:$0x5] =	stream.indirect.gather [hbm4b:s7+s23], $0x10, s20, s23, $0xb8;
	[tilespmem:$0x19100] =	vst v63  }
0x30: {  	s21 =	simm.s32 $0x180;
	s22 =	simm.s32 $0x2800  }
0x31: {  	[tilespmem:s22], [sflag:$0x5] =	stream.indirect.gather [hbm4b:s7+s23], $0x10, s21, s23, $0xb8;
	[tilespmem:$0x19100] =	vst v63  }
0x32: {  	s25 =	simm.s32 $0x200;
	s26 =	simm.s32 $0x3000  }
0x33: {  	[tilespmem:s26], [sflag:$0x5] =	stream.indirect.gather [hbm4b:s7+s23], $0x10, s25, s23, $0xb8;
	[tilespmem:$0x19100] =	vst v63  }
0x34: {  	s28 =	simm.s32 $0x280;
	s29 =	simm.s32 $0x3800  }
0x35: {  	[tilespmem:s29], [sflag:$0x5] =	stream.indirect.gather [hbm4b:s7+s23], $0x10, s28, s23, $0xb8;
	[tilespmem:$0x19100] =	vst v63  }
0x36: {  	s30 =	simm.s32 $0x300;
	s31 =	simm.s32 $0x4000  }
0x37: {  	[tilespmem:s31], [sflag:$0x5] =	stream.indirect.gather [hbm4b:s7+s23], $0x10, s30, s23, $0xb8;
	[tilespmem:$0x19100] =	vst v63  }
0x38: {  	s10 =	simm.s32 $0x380;
	s11 =	simm.s32 $0x4800;
	s14 =	simm.s32 $0x2  }
0x39: {  	[tilespmem:s11], [sflag:$0x5] =	stream.indirect.gather [hbm4b:s7+s23], $0x10, s10, s23, $0xb8;
	[tilespmem:$0x19100] =	vst v63  }
0x3a: {  	_ =	swait.ge [sflag:s14], $0x400  }
0x3b: {  	[sflag:s14] =	ssyncset.done $0x0  }
0x3c: {  	s15 =	simm.s32 $0x5000;
	[sflag:s14] =	ssyncadd.s32 $0xFFFFFC00  }
0x3d: {  	[tilespmem:s15], [sflag:$0x6] =	stream.indirect.gather [hbm4b:s7+s23], $0x10, s2, s23, $0xb8;
	[tilespmem:$0x19100] =	vst v63  }
0x3e: {  	s16 =	simm.s32 $0x480;
	s18 =	simm.s32 $0x5800  }
0x3f: {  	[tilespmem:s18], [sflag:$0x6] =	stream.indirect.gather [hbm4b:s7+s23], $0x10, s16, s23, $0xb8;
	[tilespmem:$0x19100] =	vst v63  }
0x40: {  	s19 =	simm.s32 $0x500;
	s20 =	simm.s32 $0x6000  }
0x41: {  	[tilespmem:s20], [sflag:$0x6] =	stream.indirect.gather [hbm4b:s7+s23], $0x10, s19, s23, $0xb8;
	[tilespmem:$0x19100] =	vst v63  }
0x42: {  	s21 =	simm.s32 $0x580;
	s22 =	simm.s32 $0x6800  }
0x43: {  	[tilespmem:s22], [sflag:$0x6] =	stream.indirect.gather [hbm4b:s7+s23], $0x10, s21, s23, $0xb8;
	[tilespmem:$0x19100] =	vst v63  }
0x44: {  	s25 =	simm.s32 $0x600;
	s26 =	simm.s32 $0x7000  }
0x45: {  	[tilespmem:s26], [sflag:$0x6] =	stream.indirect.gather [hbm4b:s7+s23], $0x10, s25, s23, $0xb8;
	[tilespmem:$0x19100] =	vst v63  }
0x46: {  	s28 =	simm.s32 $0x680;
	s29 =	simm.s32 $0x7800  }
0x47: {  	[tilespmem:s29], [sflag:$0x6] =	stream.indirect.gather [hbm4b:s7+s23], $0x10, s28, s23, $0xb8;
	[tilespmem:$0x19100] =	vst v63  }
0x48: {  	s30 =	simm.s32 $0x700;
	s31 =	simm.s32 $0x8000  }
0x49: {  	[tilespmem:s31], [sflag:$0x6] =	stream.indirect.gather [hbm4b:s7+s23], $0x10, s30, s23, $0xb8;
	[tilespmem:$0x19100] =	vst v63  }
0x4a: {  	s9 =	simm.s32 $0x8800;
	s10 =	simm.s32 $0x3;
	s2 =	simm.s32 $0x780  }
0x4b: {  	[tilespmem:s9], [sflag:$0x6] =	stream.indirect.gather [hbm4b:s7+s23], $0x10, s2, s23, $0xb8;
	[tilespmem:$0x19100] =	vst v63  }
0x4c: {  	_ =	swait.ge [sflag:s10], $0x400  }
0x4d: {  	[sflag:s10] =	ssyncset.done $0x0  }
0x4e: {  	s11 =	simm.s32 $0x9000;
	[sflag:s10] =	ssyncadd.s32 $0xFFFFFC00  }
0x4f: {  	[tilespmem:s11], [sflag:$0x7] =	stream.indirect.gather [hbm4b:s7+s23], $0x10, s5, s23, $0xb8;
	[tilespmem:$0x19100] =	vst v63  }
0x50: {  	s14 =	simm.s32 $0x880;
	s15 =	simm.s32 $0x9800  }
0x51: {  	[tilespmem:s15], [sflag:$0x7] =	stream.indirect.gather [hbm4b:s7+s23], $0x10, s14, s23, $0xb8;
	[tilespmem:$0x19100] =	vst v63  }
0x52: {  	s16 =	simm.s32 $0x900;
	s18 =	simm.s32 $0xA000  }
0x53: {  	[tilespmem:s18], [sflag:$0x7] =	stream.indirect.gather [hbm4b:s7+s23], $0x10, s16, s23, $0xb8;
	[tilespmem:$0x19100] =	vst v63  }
0x54: {  	s19 =	simm.s32 $0x980;
	s20 =	simm.s32 $0xA800  }
0x55: {  	[tilespmem:s20], [sflag:$0x7] =	stream.indirect.gather [hbm4b:s7+s23], $0x10, s19, s23, $0xb8;
	[tilespmem:$0x19100] =	vst v63  }
0x56: {  	s21 =	simm.s32 $0xA00;
	s22 =	simm.s32 $0xB000  }
0x57: {  	[tilespmem:s22], [sflag:$0x7] =	stream.indirect.gather [hbm4b:s7+s23], $0x10, s21, s23, $0xb8;
	[tilespmem:$0x19100] =	vst v63  }
0x58: {  	s25 =	simm.s32 $0xA80;
	s26 =	simm.s32 $0xB800  }
0x59: {  	[tilespmem:s26], [sflag:$0x7] =	stream.indirect.gather [hbm4b:s7+s23], $0x10, s25, s23, $0xb8;
	[tilespmem:$0x19100] =	vst v63  }
0x5a: {  	s28 =	simm.s32 $0xB00;
	s29 =	simm.s32 $0xC000  }
0x5b: {  	[tilespmem:s29], [sflag:$0x7] =	stream.indirect.gather [hbm4b:s7+s23], $0x10, s28, s23, $0xb8;
	[tilespmem:$0x19100] =	vst v63  }
0x5c: {  	s30 =	simm.s32 $0xB80;
	s31 =	simm.s32 $0xC800;
	s9 =	simm.s32 $0x0  }
0x5d: {  	[tilespmem:s31], [sflag:$0x7] =	stream.indirect.gather [hbm4b:s7+s23], $0x10, s30, s23, $0xb8;
	[tilespmem:$0x19100] =	vst v63  }
.LBB2_2:
0x5e: {  	s0 =	simm.s32 $0x5  }
0x5f: {  	_ =	swait.ge [sflag:s0], $0x4000  }
0x60: {  	[sflag:s0] =	ssyncset.done $0x0  }
0x61: {  	s31 =	simm.s32 $0x4;
	[sflag:s0] =	ssyncadd.s32 $0xFFFFC000  }
0x62: {  	_ =	swait.ge [sflag:s31], $0x400  }
0x63: {  	[sflag:s31] =	ssyncset.done $0x0  }
0x64: {  	s2 =	simm.s32 $0xD000;
	[sflag:s31] =	ssyncadd.s32 $0xFFFFFC00  }
0x65: {  	[tilespmem:s2], [sflag:$0x8] =	stream.indirect.gather [hbm4b:s7+s23], $0x10, s6, s23, $0xb8;
	[tilespmem:$0x19100] =	vst v63  }
0x66: {  	s5 =	simm.s32 $0xC80;
	s2 =	simm.s32 $0xD800  }
0x67: {  	[tilespmem:s2], [sflag:$0x8] =	stream.indirect.gather [hbm4b:s7+s23], $0x10, s5, s23, $0xb8;
	[tilespmem:$0x19100] =	vst v63  }
0x68: {  	s10 =	simm.s32 $0xE000;
	s6 =	simm.s32 $0xD00  }
0x69: {  	[tilespmem:s10], [sflag:$0x8] =	stream.indirect.gather [hbm4b:s7+s23], $0x10, s6, s23, $0xb8;
	[tilespmem:$0x19100] =	vst v63  }
0x6a: {  	s11 =	simm.s32 $0xD80;
	s14 =	simm.s32 $0xE800  }
0x6b: {  	[tilespmem:s14], [sflag:$0x8] =	stream.indirect.gather [hbm4b:s7+s23], $0x10, s11, s23, $0xb8;
	[tilespmem:$0x19100] =	vst v63  }
0x6c: {  	s15 =	simm.s32 $0xE00;
	s16 =	simm.s32 $0xF000;
	s18 =	simm.s32 $0xE80  }
0x6d: {  	[tilespmem:s16], [sflag:$0x8] =	stream.indirect.gather [hbm4b:s7+s23], $0x10, s15, s23, $0xb8;
	[tilespmem:$0x19100] =	vst v63  }
0x6e: {  	s19 =	simm.s32 $0xF800;
	s20 =	simm.s32 $0xF00;
	s21 =	simm.s32 $0x10000  }
0x6f: {  	[tilespmem:s19], [sflag:$0x8] =	stream.indirect.gather [hbm4b:s7+s23], $0x10, s18, s23, $0xb8;
	[tilespmem:$0x19100] =	vst v63  }
0x70: {  	s22 =	simm.s32 $0xF80;
	s26 =	simm.s32 $0x10;
	p1 =	seq.s32 s9, $0x0  }
0x71: {  	[tilespmem:s21], [sflag:$0x8] =	stream.indirect.gather [hbm4b:s7+s23], $0x10, s20, s23, $0xb8;
	[tilespmem:$0x19100] =	vst v63  }
0x72: {  	s25 =	simm.s32 $0x10800;
	s28 =	simm.s32 $0x0;
	v9 =	vmov s26;
	s0 =	simm.s32 @!p1 $0x9  }
0x73: {  	v9 =	vshrl.u32 v9, $0x3;
	[tilespmem:s25], [sflag:$0x8] =	stream.indirect.gather [hbm4b:s7+s23], $0x10, s22, s23, $0xb8;
	[tilespmem:$0x19100] =	vst v63  }
0x74: {  	v10 =	vmov s28;
	v9 =	vshll.u32 v9, v1;
	_ =	swait.ge @!p1 [sflag:s0], $0x4000  }
0x75: {  	v10 =	vshrl.u32 v10, $0x3;
	v9 =	vbroadcast v9, $0x0;
	[sflag:s0] =	ssyncset.done @!p1 $0x0  }
0x76: {  	v10 =	vshll.u32 v10, v1;
	s10 =	simm.s32 $0x1100;
	[sflag:s0] =	ssyncadd.s32 @!p1 $0xFFFFC000  }
0x77: {  	s29 =	simm.s32 $0x11;
	v10 =	vbroadcast v10, $0x0;
	v9 =	vadd.s32 v0, v9;
	v11 =	vld [tilespmem:s10+$0x0]  }
0x78: {  	v12 =	vmov s29  }
0x79: {  	s30 =	simm.s32 $0x1;
	v12 =	vshrl.u32 v12, $0x3;
	v10 =	vadd.s32 v0, v10;
	v13 =	vld [tilespmem:s10+$0xFFFFFF00]  }
0x7a: {  	v14 =	vmov s30;
	v12 =	vshll.u32 v12, v1  }
0x7b: {  	v14 =	vshrl.u32 v14, $0x3;
	v12 =	vbroadcast v12, $0x0  }
0x7c: {  	s31 =	simm.s32 $0x12;
	[tilespmem:v9+s24+$0x0] =	vst.idx.msk $0xffff, v11;
	v9 =	vshll.u32 v14, v1  }
0x7d: {  	v12 =	vadd.s32 v2, v12;
	v14 =	vmov s31;
	v11 =	vld [tilespmem:s10+$0x10];
	v9 =	vbroadcast v9, $0x0  }
0x7e: {  	[tilespmem:v10+s24+$0x0] =	vst.idx.msk $0xffff, v13;
	v10 =	vshrl.u32 v14, $0x3  }
0x7f: {  	s2 =	simm.s32 $0x2;
	v14 =	vld [tilespmem:s10+$0xFFFFFF10];
	v10 =	vshll.u32 v10, v1;
	v9 =	vadd.s32 v2, v9  }
0x80: {  	v13 =	vmov s2;
	v10 =	vbroadcast v10, $0x0  }
0x81: {  	s5 =	simm.s32 $0x3;
	v13 =	vshrl.u32 v13, $0x3  }
0x82: {  	v15 =	vmov s5;
	s6 =	simm.s32 $0x4;
	v13 =	vshll.u32 v13, v1;
	v10 =	vadd.s32 v3, v10;
	[tilespmem:v12+s24+$0x0] =	vst.idx.msk $0xffff, v11  }
0x83: {  	s11 =	simm.s32 $0x13;
	v11 =	vbroadcast v13, $0x0;
	v12 =	vshrl.u32 v15, $0x3;
	v15 =	vmov s6;
	v13 =	vld [tilespmem:s10+$0x20]  }
0x84: {  	v16 =	vmov s11;
	v15 =	vshrl.u32 v15, $0x3;
	[tilespmem:v9+s24+$0x0] =	vst.idx.msk $0xffff, v14  }
0x85: {  	s14 =	simm.s32 $0x5;
	v11 =	vadd.s32 v3, v11;
	v9 =	vshrl.u32 v16, $0x3;
	v14 =	vshll.u32 v15, v1;
	v15 =	vld [tilespmem:s10+$0xFFFFFF20]  }
0x86: {  	v12 =	vshll.u32 v12, v1;
	v16 =	vmov s14;
	v9 =	vshll.u32 v9, v1  }
0x87: {  	s5 =	simm.s32 $0x7;
	v14 =	vbroadcast v14, $0x0;
	v16 =	vshrl.u32 v16, $0x3;
	v9 =	vbroadcast v9, $0x0  }
0x88: {  	v18 =	vmov s5;
	v12 =	vbroadcast v12, $0x0;
	[tilespmem:v10+s24+$0x0] =	vst.idx.msk $0xffff, v13;
	v13 =	vshll.u32 v16, v1  }
0x89: {  	s16 =	simm.s32 $0x14;
	s25 =	simm.s32 $0xB;
	s14 =	simm.s32 $0x19;
	v10 =	vadd.s32 v5, v14;
	v9 =	vadd.s32 v4, v9;
	v14 =	vld [tilespmem:s10+$0x30];
	v13 =	vbroadcast v13, $0x0  }
0x8a: {  	v17 =	vmov s16;
	v21 =	vmov s25;
	v24 =	vmov s14;
	[tilespmem:v11+s24+$0x0] =	vst.idx.msk $0xffff, v15  }
0x8b: {  	s25 =	simm.s32 $0x24;
	v12 =	vadd.s32 v4, v12;
	v11 =	vshrl.u32 v17, $0x3;
	v15 =	vadd.s32 v6, v13;
	v13 =	vld [tilespmem:s10+$0xFFFFFF30]  }
0x8c: {  	s15 =	simm.s32 $0x6;
	v59 =	vmov s25;
	v24 =	vshrl.u32 v24, $0x3;
	v11 =	vshll.u32 v11, v1  }
0x8d: {  	s18 =	simm.s32 $0x8;
	s19 =	simm.s32 $0x15;
	v16 =	vmov s15;
	v17 =	vshrl.u32 v18, $0x3;
	v11 =	vbroadcast v11, $0x0  }
0x8e: {  	v18 =	vmov s19;
	v17 =	vshll.u32 v17, v1;
	[tilespmem:v9+s24+$0x0] =	vst.idx.msk $0xffff, v14;
	v14 =	vmov s18  }
0x8f: {  	v9 =	vbroadcast v17, $0x0;
	v11 =	vadd.s32 v5, v11;
	v17 =	vld [tilespmem:s10+$0x40];
	v14 =	vshrl.u32 v14, $0x3  }
0x90: {  	v16 =	vshrl.u32 v16, $0x3;
	v18 =	vshrl.u32 v18, $0x3;
	v14 =	vshll.u32 v14, v1;
	[tilespmem:v12+s24+$0x0] =	vst.idx.msk $0xffff, v13  }
0x91: {  	v19 =	vadd.s32 v8, v9;
	v9 =	vshll.u32 v18, v1;
	v12 =	vbroadcast v14, $0x0;
	v13 =	vld [tilespmem:s10+$0xFFFFFF40]  }
0x92: {  	s20 =	simm.s32 $0x9;
	s21 =	simm.s32 $0xA;
	v24 =	vshll.u32 v24, v1;
	v16 =	vshll.u32 v16, v1;
	v9 =	vbroadcast v9, $0x0  }
0x93: {  	s22 =	simm.s32 $0x16;
	v18 =	vmov s21;
	v14 =	vmov s20;
	v20 =	vadd.s32 v0, v12  }
0x94: {  	v12 =	vshrl.u32 v14, $0x3;
	v14 =	vmov s22;
	v9 =	vadd.s32 v6, v9;
	[tilespmem:v11+s24+$0x0] =	vst.idx.msk $0xffff, v17  }
0x95: {  	s19 =	simm.s32 $0x1A;
	v11 =	vshll.u32 v12, v1;
	v12 =	vshrl.u32 v14, $0x3;
	v14 =	vshrl.u32 v18, $0x3;
	v17 =	vld [tilespmem:s10+$0x50]  }
0x96: {  	v16 =	vbroadcast v16, $0x0;
	v26 =	vmov s19;
	v18 =	vshll.u32 v14, v1;
	[tilespmem:v10+s24+$0x0] =	vst.idx.msk $0xffff, v13  }
0x97: {  	v11 =	vbroadcast v11, $0x0;
	v12 =	vshll.u32 v12, v1;
	v10 =	vbroadcast v18, $0x0;
	v18 =	vld [tilespmem:s10+$0xFFFFFF50]  }
0x98: {  	v24 =	vbroadcast v24, $0x0;
	v26 =	vshrl.u32 v26, $0x3;
	v12 =	vbroadcast v12, $0x0  }
0x99: {  	s26 =	simm.s32 $0xC;
	v16 =	vadd.s32 v7, v16;
	v14 =	vadd.s32 v2, v11;
	v11 =	vshrl.u32 v21, $0x3  }
0x9a: {  	s28 =	simm.s32 $0x17;
	v21 =	vadd.s32 v7, v12;
	v11 =	vshll.u32 v11, v1;
	v12 =	vmov s26;
	[tilespmem:v9+s24+$0x0] =	vst.idx.msk $0xffff, v17  }
0x9b: {  	s29 =	simm.s32 $0xD;
	v13 =	vadd.s32 v3, v10;
	v10 =	vbroadcast v11, $0x0;
	v11 =	vmov s28;
	v22 =	vld [tilespmem:s10+$0x60]  }
0x9c: {  	v9 =	vshrl.u32 v12, $0x3;
	v17 =	vmov s29;
	v11 =	vshrl.u32 v11, $0x3;
	[tilespmem:v15+s24+$0x0] =	vst.idx.msk $0xffff, v18  }
0x9d: {  	s30 =	simm.s32 $0xE;
	v12 =	vadd.s32 v4, v10;
	v9 =	vshll.u32 v9, v1;
	v10 =	vshll.u32 v11, v1;
	v23 =	vld [tilespmem:s10+$0xFFFFFF60]  }
0x9e: {  	s31 =	simm.s32 $0xF;
	v11 =	vshrl.u32 v17, $0x3;
	v17 =	vmov s30;
	v9 =	vbroadcast v9, $0x0  }
0x9f: {  	v10 =	vbroadcast v10, $0x0;
	v15 =	vshll.u32 v11, v1;
	v18 =	vmov s31  }
0xa0: {  	s5 =	simm.s32 $0x18;
	v15 =	vbroadcast v15, $0x0;
	v18 =	vshrl.u32 v18, $0x3;
	v11 =	vadd.s32 v5, v9;
	[tilespmem:v21+s24+$0x0] =	vst.idx.msk $0xffff, v22  }
0xa1: {  	v9 =	vshrl.u32 v17, $0x3;
	v17 =	vmov s5;
	v21 =	vadd.s32 v8, v10;
	v22 =	vld [tilespmem:s10+$0x70]  }
0xa2: {  	s11 =	simm.s32 $0x30;
	v26 =	vshll.u32 v26, v1;
	v18 =	vshll.u32 v18, v1;
	v17 =	vshrl.u32 v17, $0x3;
	[tilespmem:v16+s24+$0x0] =	vst.idx.msk $0xffff, v23  }
0xa3: {  	s26 =	simm.s32 $0x25;
	v10 =	vadd.s32 v6, v15;
	v15 =	vbroadcast v18, $0x0;
	v18 =	vmov s11;
	v23 =	vld [tilespmem:s10+$0xFFFFFF70]  }
0xa4: {  	s6 =	simm.s32 $0x20;
	v60 =	vmov s26;
	v17 =	vshll.u32 v17, v1;
	v18 =	vshrl.u32 v18, $0x3  }
0xa5: {  	v17 =	vbroadcast v17, $0x0;
	v16 =	vmov s6;
	v18 =	vshll.u32 v18, v1  }
0xa6: {  	s15 =	simm.s32 $0x21;
	v9 =	vshll.u32 v9, v1;
	v16 =	vshrl.u32 v16, $0x3;
	v18 =	vbroadcast v18, $0x0;
	[tilespmem:v21+s24+$0x0] =	vst.idx.msk $0xffff, v22  }
0xa7: {  	s11 =	simm.s32 $0x1300;
	v17 =	vadd.s32 v0, v17;
	v16 =	vshll.u32 v16, v1;
	v21 =	vmov s15;
	v25 =	vld [tilespmem:s10+$0x80]  }
0xa8: {  	s18 =	simm.s32 $0x31;
	v27 =	vld [tilespmem:s11+$0x0];
	v16 =	vbroadcast v16, $0x0;
	v18 =	vadd.s32 v0, v18;
	v21 =	vshrl.u32 v21, $0x3;
	[tilespmem:v19+s24+$0x0] =	vst.idx.msk $0xffff, v23  }
0xa9: {  	v19 =	vshll.u32 v21, v1;
	v21 =	vmov s18;
	v23 =	vadd.s32 v2, v24;
	v24 =	vld [tilespmem:s10+$0xFFFFFF80]  }
0xaa: {  	s16 =	simm.s32 $0x22;
	v9 =	vbroadcast v9, $0x0;
	v19 =	vbroadcast v19, $0x0;
	v21 =	vshrl.u32 v21, $0x3  }
0xab: {  	v28 =	vld [tilespmem:s11+$0xFFFFFF00];
	v22 =	vmov s16;
	v16 =	vadd.s32 v0, v16;
	v21 =	vshll.u32 v21, v1  }
0xac: {  	s20 =	simm.s32 $0x23;
	v22 =	vshrl.u32 v22, $0x3;
	v19 =	vadd.s32 v2, v19;
	v21 =	vbroadcast v21, $0x0;
	[tilespmem:v17+s24+$0x0] =	vst.idx.msk $0xffff, v25  }
0xad: {  	[tilespmem:v18+s24+$0x0] =	vst.idx.msk $0xffff, v27;
	v17 =	vshll.u32 v22, v1;
	v22 =	vmov s20;
	v25 =	vbroadcast v26, $0x0;
	v26 =	vld [tilespmem:s10+$0x90]  }
0xae: {  	s21 =	simm.s32 $0x32;
	v27 =	vld [tilespmem:s11+$0x10];
	v17 =	vbroadcast v17, $0x0;
	v22 =	vshrl.u32 v22, $0x3;
	v21 =	vadd.s32 v2, v21;
	[tilespmem:v20+s24+$0x0] =	vst.idx.msk $0xffff, v24  }
0xaf: {  	s22 =	simm.s32 $0x1B;
	v20 =	vshll.u32 v22, v1;
	v22 =	vmov s21;
	v24 =	vadd.s32 v3, v25;
	v25 =	vld [tilespmem:s10+$0xFFFFFF90]  }
0xb0: {  	[tilespmem:v16+s24+$0x0] =	vst.idx.msk $0xffff, v28;
	v18 =	vshrl.u32 v22, $0x3;
	v22 =	vmov s22;
	v16 =	vbroadcast v20, $0x0  }
0xb1: {  	v17 =	vadd.s32 v3, v17;
	v18 =	vshll.u32 v18, v1;
	v20 =	vshrl.u32 v22, $0x3;
	v22 =	vld [tilespmem:s11+$0xFFFFFF10]  }
0xb2: {  	v18 =	vbroadcast v18, $0x0;
	v20 =	vshll.u32 v20, v1;
	v16 =	vadd.s32 v4, v16;
	[tilespmem:v23+s24+$0x0] =	vst.idx.msk $0xffff, v26  }
0xb3: {  	s29 =	simm.s32 $0x1C;
	v23 =	vshrl.u32 v59, $0x3;
	v20 =	vbroadcast v20, $0x0;
	[tilespmem:v21+s24+$0x0] =	vst.idx.msk $0xffff, v27;
	v21 =	vshrl.u32 v60, $0x3;
	v26 =	vld [tilespmem:s10+$0xA0]  }
0xb4: {  	s28 =	simm.s32 $0x33;
	v27 =	vmov s29;
	v23 =	vshll.u32 v23, v1;
	v18 =	vadd.s32 v3, v18;
	[tilespmem:v14+s24+$0x0] =	vst.idx.msk $0xffff, v25  }
0xb5: {  	v21 =	vshll.u32 v21, v1;
	v14 =	vbroadcast v23, $0x0;
	v23 =	vmov s28;
	v25 =	vld [tilespmem:s10+$0xFFFFFFA0]  }
0xb6: {  	s31 =	simm.s32 $0x27;
	v61 =	vld [tilespmem:s11+$0x20];
	v20 =	vadd.s32 v4, v20;
	v21 =	vbroadcast v21, $0x0;
	v23 =	vshrl.u32 v23, $0x3;
	[tilespmem:v19+s24+$0x0] =	vst.idx.msk $0xffff, v22  }
0xb7: {  	v22 =	vshrl.u32 v27, $0x3;
	v27 =	vmov s31;
	v19 =	vshll.u32 v23, v1;
	v23 =	vld [tilespmem:s11+$0xFFFFFF20]  }
0xb8: {  	s30 =	simm.s32 $0x26;
	v14 =	vadd.s32 v5, v14;
	v22 =	vshll.u32 v22, v1;
	v19 =	vbroadcast v19, $0x0;
	[tilespmem:v24+s24+$0x0] =	vst.idx.msk $0xffff, v26  }
0xb9: {  	s5 =	simm.s32 $0x34;
	v21 =	vadd.s32 v6, v21;
	v27 =	vshrl.u32 v27, $0x3;
	v24 =	vmov s30;
	v26 =	vld [tilespmem:s10+$0xB0]  }
0xba: {  	s6 =	simm.s32 $0x1D;
	v24 =	vshrl.u32 v24, $0x3;
	v19 =	vadd.s32 v4, v19;
	[tilespmem:v13+s24+$0x0] =	vst.idx.msk $0xffff, v25;
	v13 =	vmov s5  }
0xbb: {  	[tilespmem:v18+s24+$0x0] =	vst.idx.msk $0xffff, v61;
	v24 =	vshll.u32 v24, v1;
	v25 =	vmov s6;
	v18 =	vld [tilespmem:s10+$0xFFFFFFB0];
	v13 =	vshrl.u32 v13, $0x3  }
0xbc: {  	[tilespmem:v17+s24+$0x0] =	vst.idx.msk $0xffff, v23;
	v17 =	vld [tilespmem:s11+$0x30];
	v23 =	vbroadcast v24, $0x0;
	v24 =	vshrl.u32 v25, $0x3;
	v13 =	vshll.u32 v13, v1  }
0xbd: {  	v22 =	vbroadcast v22, $0x0;
	v25 =	vld [tilespmem:s11+$0xFFFFFF30];
	v24 =	vshll.u32 v24, v1;
	v13 =	vbroadcast v13, $0x0  }
0xbe: {  	s14 =	simm.s32 $0x28;
	v24 =	vbroadcast v24, $0x0;
	[tilespmem:v20+s24+$0x0] =	vst.idx.msk $0xffff, v26;
	v20 =	vadd.s32 v7, v23;
	v23 =	vshll.u32 v27, v1  }
0xbf: {  	s15 =	simm.s32 $0x35;
	v22 =	vadd.s32 v5, v22;
	v27 =	vmov s14;
	v26 =	vld [tilespmem:s10+$0xC0];
	v23 =	vbroadcast v23, $0x0  }
0xc0: {  	v13 =	vadd.s32 v5, v13;
	v24 =	vadd.s32 v6, v24;
	[tilespmem:v12+s24+$0x0] =	vst.idx.msk $0xffff, v18;
	v18 =	vmov s15  }
0xc1: {  	s16 =	simm.s32 $0x1E;
	v12 =	vshrl.u32 v27, $0x3;
	[tilespmem:v19+s24+$0x0] =	vst.idx.msk $0xffff, v17;
	v27 =	vld [tilespmem:s10+$0xFFFFFFC0];
	v17 =	vadd.s32 v8, v23;
	v18 =	vshrl.u32 v18, $0x3  }
0xc2: {  	v19 =	vmov s16;
	v23 =	vld [tilespmem:s11+$0x40];
	[tilespmem:v16+s24+$0x0] =	vst.idx.msk $0xffff, v25;
	v12 =	vshll.u32 v12, v1;
	v16 =	vshll.u32 v18, v1  }
0xc3: {  	s19 =	simm.s32 $0x2A;
	s18 =	simm.s32 $0x29;
	v18 =	vshrl.u32 v19, $0x3;
	v19 =	vld [tilespmem:s11+$0xFFFFFF40];
	v12 =	vbroadcast v12, $0x0;
	v25 =	vbroadcast v16, $0x0  }
0xc4: {  	v16 =	vshll.u32 v18, v1;
	v18 =	vmov s18;
	[tilespmem:v22+s24+$0x0] =	vst.idx.msk $0xffff, v26;
	v22 =	vmov s19  }
0xc5: {  	s20 =	simm.s32 $0x36;
	v26 =	vbroadcast v16, $0x0;
	v16 =	vadd.s32 v0, v12;
	v12 =	vshrl.u32 v18, $0x3  }
0xc6: {  	v62 =	vld [tilespmem:s10+$0xD0];
	v18 =	vadd.s32 v6, v25;
	[tilespmem:v11+s24+$0x0] =	vst.idx.msk $0xffff, v27;
	v11 =	vshll.u32 v12, v1;
	v12 =	vmov s20  }
0xc7: {  	s21 =	simm.s32 $0x1F;
	v25 =	vadd.s32 v7, v26;
	[tilespmem:v13+s24+$0x0] =	vst.idx.msk $0xffff, v23;
	v26 =	vld [tilespmem:s10+$0xFFFFFFD0];
	v11 =	vbroadcast v11, $0x0;
	v12 =	vshrl.u32 v12, $0x3  }
0xc8: {  	v13 =	vmov s21;
	v23 =	vld [tilespmem:s11+$0x50];
	[tilespmem:v14+s24+$0x0] =	vst.idx.msk $0xffff, v19;
	v19 =	vshrl.u32 v22, $0x3;
	v12 =	vshll.u32 v12, v1  }
0xc9: {  	s22 =	simm.s32 $0x2B;
	v13 =	vshrl.u32 v13, $0x3;
	v22 =	vld [tilespmem:s11+$0xFFFFFF50];
	v14 =	vadd.s32 v2, v11;
	v11 =	vbroadcast v12, $0x0  }
0xca: {  	v12 =	vshll.u32 v13, v1;
	v13 =	vshll.u32 v19, v1;
	v19 =	vmov s22  }
0xcb: {  	s25 =	simm.s32 $0x2C;
	v9 =	vadd.s32 v7, v9;
	[tilespmem:v24+s24+$0x0] =	vst.idx.msk $0xffff, v62;
	v12 =	vbroadcast v12, $0x0;
	v19 =	vshrl.u32 v19, $0x3  }
0xcc: {  	s26 =	simm.s32 $0x37;
	v24 =	vld [tilespmem:s10+$0xE0];
	v27 =	vadd.s32 v7, v11;
	v11 =	vmov s25;
	[tilespmem:v10+s24+$0x0] =	vst.idx.msk $0xffff, v26;
	v10 =	vshll.u32 v19, v1  }
0xcd: {  	s28 =	simm.s32 $0x2D;
	v19 =	vadd.s32 v8, v12;
	[tilespmem:v18+s24+$0x0] =	vst.idx.msk $0xffff, v23;
	v12 =	vmov s26;
	v10 =	vbroadcast v10, $0x0;
	v18 =	vld [tilespmem:s10+$0xFFFFFFE0]  }
0xce: {  	v11 =	vshrl.u32 v11, $0x3;
	[tilespmem:v21+s24+$0x0] =	vst.idx.msk $0xffff, v22;
	v21 =	vmov s28;
	v22 =	vshrl.u32 v12, $0x3;
	v23 =	vld [tilespmem:s11+$0x60]  }
0xcf: {  	s30 =	simm.s32 $0x2F;
	v12 =	vadd.s32 v4, v10;
	v10 =	vshll.u32 v11, v1;
	v11 =	vshll.u32 v22, v1;
	v22 =	vld [tilespmem:s11+$0xFFFFFF60]  }
0xd0: {  	v63 =	vmov s30;
	v21 =	vshrl.u32 v21, $0x3;
	v10 =	vbroadcast v10, $0x0  }
0xd1: {  	s29 =	simm.s32 $0x2E;
	v13 =	vbroadcast v13, $0x0;
	v21 =	vshll.u32 v21, v1;
	[tilespmem:v25+s24+$0x0] =	vst.idx.msk $0xffff, v24;
	v24 =	vbroadcast v11, $0x0  }
0xd2: {  	s31 =	simm.s32 $0x38;
	v26 =	vmov s29;
	v11 =	vadd.s32 v5, v10;
	v10 =	vbroadcast v21, $0x0;
	[tilespmem:v9+s24+$0x0] =	vst.idx.msk $0xffff, v18  }
0xd3: {  	v25 =	vld [tilespmem:s10+$0xF0];
	v21 =	vadd.s32 v8, v24;
	v9 =	vshrl.u32 v26, $0x3;
	v26 =	vmov s31;
	[tilespmem:v27+s24+$0x0] =	vst.idx.msk $0xffff, v23  }
0xd4: {  	v24 =	vshrl.u32 v63, $0x3;
	v9 =	vshll.u32 v9, v1;
	v23 =	vshrl.u32 v26, $0x3;
	[tilespmem:v20+s24+$0x0] =	vst.idx.msk $0xffff, v22;
	v22 =	vld [tilespmem:s11+$0x70]  }
0xd5: {  	v20 =	vbroadcast v9, $0x0;
	v9 =	vshll.u32 v24, v1;
	v24 =	vshll.u32 v23, v1;
	v23 =	vld [tilespmem:s11+$0xFFFFFF70];
	_ =	sdelay $0x1  }
0xd6: {  	s14 =	simm.s32 $0x1300;
	s15 =	simm.s32 $0x2;
	v13 =	vadd.s32 v3, v13;
	v10 =	vadd.s32 v6, v10  }
0xd7: {  	s16 =	simm.s32 $0x5F;
	s22 =	simm.s32 $0x3F;
	v18 =	vld [tilespmem:s10+$0xFFFFFFF0];
	s10 =	sshll.u32 s9, $0x2;
	v9 =	vbroadcast v9, $0x0;
	v24 =	vbroadcast v24, $0x0;
	[tilespmem:v19+s24+$0x0] =	vst.idx.msk $0xffff, v25;
	v19 =	vadd.s32 v8, v15  }
.LBB2_3:
0xd8: {  	s0 =	sadd.s32 $0xFFFFFFE1, s16;
	s5 =	sadd.s32 $0xFFFFFFE2, s16;
	s2 =	sadd.s32 $0xFFFFFFF1, s16;
	v15 =	vadd.s32 v7, v20;
	[tilespmem:v21+s24+$0x0] =	vst.idx.msk $0xffff, v22  }
0xd9: {  	s21 =	sadd.s32 $0xFFFFFFE3, s16;
	s15 =	sadd.s32 $0x2, s15;
	v20 =	vmov s0;
	v21 =	vmov s2;
	[tilespmem:v17+s24+$0x0] =	vst.idx.msk $0xffff, v23;
	v17 =	vld [tilespmem:s11+$0x80];
	v22 =	vadd.s32 v0, v24;
	s0 =	sadd.s32 $0xFFFFFFFA, s22  }
0xda: {  	s18 =	sadd.s32 $0xFFFFFFE4, s16;
	s20 =	sadd.s32 $0xFFFFFFE5, s16;
	p0 =	slt.u32 s15, $0x3E;
	v20 =	vshrl.u32 v20, $0x3;
	v21 =	vshrl.u32 v21, $0x3;
	v23 =	vld [tilespmem:s11+$0xFFFFFF80];
	v24 =	vmov s0  }
0xdb: {  	s19 =	sadd.s32 $0xFFFFFFE6, s16;
	s2 =	sadd.s32 $0xFFFFFFE8, s16;
	s0 =	sadd.s32 $0xFFFFFFE7, s16;
	v20 =	vshll.u32 v20, v1;
	v21 =	vshll.u32 v21, v1;
	v24 =	vshrl.u32 v24, $0x3  }
0xdc: {  	s31 =	sadd.s32 $0xFFFFFFE9, s16;
	s29 =	sadd.s32 $0xFFFFFFEA, s16;
	s30 =	sadd.s32 $0xFFFFFFEB, s16;
	v20 =	vbroadcast v20, $0x0;
	v21 =	vbroadcast v21, $0x0;
	v24 =	vshll.u32 v24, v1;
	[tilespmem:v19+s24+$0x0] =	vst.idx.msk $0xffff, v18  }
0xdd: {  	s28 =	sadd.s32 $0xFFFFFFEC, s16;
	s26 =	sadd.s32 $0xFFFFFFED, s16;
	s11 =	sadd.s32 $0x200, s11;
	v18 =	vmov s5;
	v19 =	vmov s21;
	v24 =	vbroadcast v24, $0x0  }
0xde: {  	s25 =	sadd.s32 $0xFFFFFFEE, s16;
	s6 =	sadd.s32 $0xFFFFFFF2, s16;
	s21 =	sadd.s32 $0xFFFFFFEF, s16;
	v18 =	vshrl.u32 v18, $0x3;
	v20 =	vadd.s32 v0, v20;
	v25 =	vld [tilespmem:s11+$0x0];
	v21 =	vadd.s32 v0, v21;
	[tilespmem:v22+s24+$0x0] =	vst.idx.msk $0xffff, v17  }
0xdf: {  	s5 =	sadd.s32 $0xFFFFFFF0, s16;
	v17 =	vshll.u32 v18, v1;
	v18 =	vmov s6;
	s6 =	sadd.s32 $0xFFFFFFFB, s22;
	[tilespmem:v16+s24+$0x0] =	vst.idx.msk $0xffff, v23;
	v16 =	vld [tilespmem:s14+$0x90];
	v22 =	vadd.s32 v2, v24  }
0xe0: {  	v17 =	vbroadcast v17, $0x0;
	v18 =	vshrl.u32 v18, $0x3;
	v24 =	vmov s6;
	v23 =	vld [tilespmem:s11+$0xFFFFFF00]  }
0xe1: {  	v19 =	vshrl.u32 v19, $0x3;
	v18 =	vshll.u32 v18, v1;
	v24 =	vshrl.u32 v24, $0x3;
	v26 =	vld [tilespmem:s14+$0xFFFFFF90]  }
0xe2: {  	v17 =	vadd.s32 v2, v17;
	v18 =	vbroadcast v18, $0x0;
	v24 =	vshll.u32 v24, v1  }
0xe3: {  	v27 =	vmov s18;
	v19 =	vshll.u32 v19, v1;
	[tilespmem:v21+s24+$0x0] =	vst.idx.msk $0xffff, v25;
	v21 =	vbroadcast v24, $0x0  }
0xe4: {  	v19 =	vbroadcast v19, $0x0;
	s6 =	sadd.s32 $0xFFFFFFF3, s16;
	v24 =	vshrl.u32 v27, $0x3;
	v18 =	vadd.s32 v2, v18;
	v25 =	vld [tilespmem:s11+$0x10];
	[tilespmem:v22+s24+$0x0] =	vst.idx.msk $0xffff, v16  }
0xe5: {  	v16 =	vshll.u32 v24, v1;
	[tilespmem:v20+s24+$0x0] =	vst.idx.msk $0xffff, v23;
	v20 =	vmov s6;
	v22 =	vld [tilespmem:s14+$0xA0];
	v21 =	vadd.s32 v3, v21;
	s6 =	sadd.s32 $0xFFFFFFFC, s22  }
0xe6: {  	v19 =	vadd.s32 v3, v19;
	v23 =	vld [tilespmem:s11+$0xFFFFFF10];
	v20 =	vshrl.u32 v20, $0x3;
	[tilespmem:v14+s24+$0x0] =	vst.idx.msk $0xffff, v26;
	v14 =	vmov s6  }
0xe7: {  	v16 =	vbroadcast v16, $0x0;
	v20 =	vshll.u32 v20, v1;
	v24 =	vld [tilespmem:s14+$0xFFFFFFA0];
	v14 =	vshrl.u32 v14, $0x3  }
0xe8: {  	v26 =	vmov s20;
	v20 =	vbroadcast v20, $0x0;
	v14 =	vshll.u32 v14, v1  }
0xe9: {  	v16 =	vadd.s32 v4, v16;
	v26 =	vshrl.u32 v26, $0x3;
	[tilespmem:v18+s24+$0x0] =	vst.idx.msk $0xffff, v25;
	v14 =	vbroadcast v14, $0x0  }
0xea: {  	s6 =	sadd.s32 $0xFFFFFFF4, s16;
	v18 =	vshll.u32 v26, v1;
	v25 =	vmov s19;
	v26 =	vld [tilespmem:s11+$0x20];
	v20 =	vadd.s32 v3, v20;
	[tilespmem:v21+s24+$0x0] =	vst.idx.msk $0xffff, v22  }
0xeb: {  	[tilespmem:v17+s24+$0x0] =	vst.idx.msk $0xffff, v23;
	v17 =	vbroadcast v18, $0x0;
	v18 =	vmov s6;
	v21 =	vld [tilespmem:s14+$0xB0];
	v14 =	vadd.s32 v4, v14;
	s6 =	sadd.s32 $0xFFFFFFFD, s22  }
0xec: {  	v23 =	vshrl.u32 v25, $0x3;
	v22 =	vld [tilespmem:s11+$0xFFFFFF20];
	v18 =	vshrl.u32 v18, $0x3;
	[tilespmem:v13+s24+$0x0] =	vst.idx.msk $0xffff, v24;
	v13 =	vmov s6  }
0xed: {  	v24 =	vadd.s32 v5, v17;
	v17 =	vshll.u32 v18, v1;
	v18 =	vld [tilespmem:s14+$0xFFFFFFB0];
	v13 =	vshrl.u32 v13, $0x3  }
0xee: {  	v23 =	vshll.u32 v23, v1;
	v17 =	vbroadcast v17, $0x0;
	v13 =	vshll.u32 v13, v1  }
0xef: {  	v25 =	vmov s0;
	v23 =	vbroadcast v23, $0x0;
	[tilespmem:v20+s24+$0x0] =	vst.idx.msk $0xffff, v26;
	v13 =	vbroadcast v13, $0x0  }
0xf0: {  	s0 =	sadd.s32 $0xFFFFFFF5, s16;
	v20 =	vshrl.u32 v25, $0x3;
	v25 =	vmov s2;
	v26 =	vld [tilespmem:s11+$0x30];
	v17 =	vadd.s32 v4, v17;
	[tilespmem:v14+s24+$0x0] =	vst.idx.msk $0xffff, v21  }
0xf1: {  	v14 =	vmov s0;
	s0 =	sadd.s32 $0xFFFFFFFE, s22;
	[tilespmem:v19+s24+$0x0] =	vst.idx.msk $0xffff, v22;
	v19 =	vadd.s32 v6, v23;
	v21 =	vld [tilespmem:s14+$0xC0];
	v13 =	vadd.s32 v5, v13  }
0xf2: {  	v20 =	vshll.u32 v20, v1;
	v14 =	vshrl.u32 v14, $0x3;
	v22 =	vld [tilespmem:s11+$0xFFFFFF30];
	[tilespmem:v12+s24+$0x0] =	vst.idx.msk $0xffff, v18;
	v12 =	vmov s0  }
0xf3: {  	v18 =	vbroadcast v20, $0x0;
	v14 =	vshll.u32 v14, v1;
	v20 =	vld [tilespmem:s14+$0xFFFFFFC0];
	v12 =	vshrl.u32 v12, $0x3  }
0xf4: {  	v23 =	vshrl.u32 v25, $0x3;
	v14 =	vbroadcast v14, $0x0;
	v12 =	vshll.u32 v12, v1  }
0xf5: {  	v25 =	vadd.s32 v7, v18;
	v18 =	vshll.u32 v23, v1;
	[tilespmem:v17+s24+$0x0] =	vst.idx.msk $0xffff, v26;
	v12 =	vbroadcast v12, $0x0  }
0xf6: {  	s0 =	sadd.s32 $0xFFFFFFF6, s16;
	v17 =	vbroadcast v18, $0x0;
	v18 =	vmov s31;
	v14 =	vadd.s32 v5, v14;
	v23 =	vld [tilespmem:s11+$0x40];
	[tilespmem:v13+s24+$0x0] =	vst.idx.msk $0xffff, v21  }
0xf7: {  	v13 =	vshrl.u32 v18, $0x3;
	[tilespmem:v16+s24+$0x0] =	vst.idx.msk $0xffff, v22;
	v16 =	vmov s0;
	v18 =	vld [tilespmem:s14+$0xD0];
	v12 =	vadd.s32 v6, v12;
	s0 =	sadd.s32 $0xFFFFFFFF, s22  }
0xf8: {  	v17 =	vadd.s32 v8, v17;
	v21 =	vld [tilespmem:s11+$0xFFFFFF40];
	v16 =	vshrl.u32 v16, $0x3;
	[tilespmem:v11+s24+$0x0] =	vst.idx.msk $0xffff, v20;
	v11 =	vmov s0  }
0xf9: {  	v13 =	vshll.u32 v13, v1;
	v16 =	vshll.u32 v16, v1;
	v20 =	vld [tilespmem:s14+$0xFFFFFFD0];
	v11 =	vshrl.u32 v11, $0x3  }
0xfa: {  	v13 =	vbroadcast v13, $0x0;
	v22 =	vbroadcast v16, $0x0;
	v11 =	vshll.u32 v11, v1  }
0xfb: {  	v27 =	vmov s30;
	v26 =	vmov s29;
	[tilespmem:v14+s24+$0x0] =	vst.idx.msk $0xffff, v23;
	v11 =	vbroadcast v11, $0x0  }
0xfc: {  	s0 =	sadd.s32 $0xFFFFFFF7, s16;
	v16 =	vadd.s32 v0, v13;
	v13 =	vshrl.u32 v26, $0x3;
	v23 =	vld [tilespmem:s11+$0x50];
	v22 =	vadd.s32 v6, v22;
	[tilespmem:v12+s24+$0x0] =	vst.idx.msk $0xffff, v18  }
0xfd: {  	v12 =	vshll.u32 v13, v1;
	v13 =	vmov s0;
	[tilespmem:v24+s24+$0x0] =	vst.idx.msk $0xffff, v21;
	v18 =	vld [tilespmem:s14+$0xE0];
	v11 =	vadd.s32 v7, v11  }
0xfe: {  	v12 =	vbroadcast v12, $0x0;
	v13 =	vshrl.u32 v13, $0x3;
	v21 =	vld [tilespmem:s11+$0xFFFFFF50];
	[tilespmem:v10+s24+$0x0] =	vst.idx.msk $0xffff, v20;
	v10 =	vmov s22;
	s22 =	smov.u32 s16  }
0xff: {  	v20 =	vshrl.u32 v27, $0x3;
	v13 =	vshll.u32 v13, v1;
	v24 =	vld [tilespmem:s14+$0xFFFFFFE0];
	v10 =	vshrl.u32 v10, $0x3  }
0x100: {  	v14 =	vadd.s32 v2, v12;
	v12 =	vbroadcast v13, $0x0;
	v10 =	vshll.u32 v10, v1  }
0x101: {  	v13 =	vshll.u32 v20, v1;
	v20 =	vmov s28;
	[tilespmem:v22+s24+$0x0] =	vst.idx.msk $0xffff, v23;
	v10 =	vbroadcast v10, $0x0  }
0x102: {  	v13 =	vbroadcast v13, $0x0;
	v20 =	vshrl.u32 v20, $0x3;
	v23 =	vadd.s32 v7, v12;
	v22 =	vld [tilespmem:s11+$0x60];
	[tilespmem:v11+s24+$0x0] =	vst.idx.msk $0xffff, v18  }
0x103: {  	s0 =	sadd.s32 $0xFFFFFFF8, s16;
	v12 =	vmov s26;
	v11 =	vshll.u32 v20, v1;
	[tilespmem:v19+s24+$0x0] =	vst.idx.msk $0xffff, v21;
	v19 =	vld [tilespmem:s14+$0xF0];
	v10 =	vadd.s32 v8, v10  }
0x104: {  	v13 =	vadd.s32 v3, v13;
	v18 =	vmov s0;
	v11 =	vbroadcast v11, $0x0;
	v20 =	vld [tilespmem:s11+$0xFFFFFF60];
	[tilespmem:v15+s24+$0x0] =	vst.idx.msk $0xffff, v24  }
0x105: {  	v21 =	vmov s25;
	v15 =	vshrl.u32 v12, $0x3;
	v24 =	vshrl.u32 v18, $0x3;
	v18 =	vld [tilespmem:s14+$0xFFFFFFF0];
	s14 =	smov.u32 s11  }
0x106: {  	v12 =	vadd.s32 v4, v11;
	v11 =	vshll.u32 v15, v1;
	v15 =	vshll.u32 v24, v1  }
0x107: {  	v21 =	vshrl.u32 v21, $0x3;
	v11 =	vbroadcast v11, $0x0;
	v15 =	vbroadcast v15, $0x0;
	[tilespmem:v23+s24+$0x0] =	vst.idx.msk $0xffff, v22  }
0x108: {  	v26 =	vmov s5;
	v21 =	vshll.u32 v21, v1;
	v24 =	vmov s21;
	[tilespmem:v10+s24+$0x0] =	vst.idx.msk $0xffff, v19  }
.Ltmp2:
0x109: {  	s0 =	sadd.s32 $0xFFFFFFF9, s16;
	v11 =	vadd.s32 v5, v11;
	v10 =	vbroadcast v21, $0x0;
	v21 =	vadd.s32 v8, v15;
	[tilespmem:v25+s24+$0x0] =	vst.idx.msk $0xffff, v20;
	v22 =	vld [tilespmem:s11+$0x70];
	(pc) =	sbr.rel @p0 .LBB2_3-.Ltmp2, $4  }
0x10a: {  	v15 =	vshrl.u32 v24, $0x3;
	v19 =	vshrl.u32 v26, $0x3;
	v20 =	vmov s0;
	v23 =	vld [tilespmem:s11+$0xFFFFFF70]  }
0x10b: {  	v15 =	vshll.u32 v15, v1;
	v10 =	vadd.s32 v6, v10;
	v24 =	vshrl.u32 v20, $0x3  }
0x10c: {  	v20 =	vbroadcast v15, $0x0;
	v15 =	vshll.u32 v19, v1;
	v19 =	vshll.u32 v24, v1  }
0x10d: {  	s16 =	sadd.s32 $0x20, s16;
	v24 =	vbroadcast v19, $0x0;
	v19 =	vadd.s32 v8, v9;
	v9 =	vbroadcast v15, $0x0  }
0x10e: {  	_ =	sdelay $0x3  }
0x10f: {  	[tilespmem:v21+s24+$0x0] =	vst.idx.msk $0xffff, v22  }
0x110: {  	s0 =	sadd.s32 $0xFFFFFFFA, s22;
	[tilespmem:v17+s24+$0x0] =	vst.idx.msk $0xffff, v23;
	v15 =	vld [tilespmem:s11+$0x80];
	v49 =	vadd.s32 v0, v24  }
0x111: {  	v51 =	vmov s0;
	v50 =	vld [tilespmem:s11+$0xFFFFFF80]  }
0x112: {  	v22 =	vshrl.u32 v51, $0x3  }
0x113: {  	v22 =	vshll.u32 v22, v1  }
0x114: {  	v22 =	vbroadcast v22, $0x0  }
0x115: {  	[tilespmem:v49+s24+$0x0] =	vst.idx.msk $0xffff, v15  }
0x116: {  	s5 =	sadd.s32 $0xFFFFFFFB, s22;
	v52 =	vadd.s32 v2, v22;
	[tilespmem:v16+s24+$0x0] =	vst.idx.msk $0xffff, v50;
	v15 =	vld [tilespmem:s14+$0x90]  }
0x117: {  	v53 =	vmov s5;
	v21 =	vld [tilespmem:s14+$0xFFFFFF90]  }
0x118: {  	v17 =	vshrl.u32 v53, $0x3  }
0x119: {  	v17 =	vshll.u32 v17, v1  }
0x11a: {  	v17 =	vbroadcast v17, $0x0  }
0x11b: {  	[tilespmem:v52+s24+$0x0] =	vst.idx.msk $0xffff, v15  }
0x11c: {  	s6 =	sadd.s32 $0xFFFFFFFC, s22;
	v54 =	vadd.s32 v3, v17;
	v15 =	vld [tilespmem:s14+$0xA0];
	[tilespmem:v14+s24+$0x0] =	vst.idx.msk $0xffff, v21  }
0x11d: {  	v55 =	vmov s6;
	v56 =	vld [tilespmem:s14+$0xFFFFFFA0]  }
0x11e: {  	v14 =	vshrl.u32 v55, $0x3  }
0x11f: {  	v14 =	vshll.u32 v14, v1  }
0x120: {  	v14 =	vbroadcast v14, $0x0  }
0x121: {  	[tilespmem:v54+s24+$0x0] =	vst.idx.msk $0xffff, v15  }
0x122: {  	s11 =	sadd.s32 $0xFFFFFFFD, s22;
	v14 =	vadd.s32 v4, v14;
	v15 =	vld [tilespmem:s14+$0xB0];
	[tilespmem:v13+s24+$0x0] =	vst.idx.msk $0xffff, v56  }
0x123: {  	v57 =	vmov s11;
	v58 =	vld [tilespmem:s14+$0xFFFFFFB0]  }
0x124: {  	v13 =	vshrl.u32 v57, $0x3  }
0x125: {  	v13 =	vshll.u32 v13, v1  }
0x126: {  	v13 =	vbroadcast v13, $0x0  }
0x127: {  	[tilespmem:v14+s24+$0x0] =	vst.idx.msk $0xffff, v15  }
0x128: {  	s15 =	sadd.s32 $0xFFFFFFFE, s22;
	v13 =	vadd.s32 v5, v13;
	v14 =	vld [tilespmem:s14+$0xC0];
	[tilespmem:v12+s24+$0x0] =	vst.idx.msk $0xffff, v58  }
0x129: {  	v59 =	vmov s15;
	v60 =	vld [tilespmem:s14+$0xFFFFFFC0]  }
0x12a: {  	v12 =	vshrl.u32 v59, $0x3  }
0x12b: {  	v12 =	vshll.u32 v12, v1  }
0x12c: {  	v12 =	vbroadcast v12, $0x0  }
0x12d: {  	[tilespmem:v13+s24+$0x0] =	vst.idx.msk $0xffff, v14  }
0x12e: {  	s16 =	sadd.s32 $0xFFFFFFFF, s22;
	v12 =	vadd.s32 v6, v12;
	v13 =	vld [tilespmem:s14+$0xD0];
	[tilespmem:v11+s24+$0x0] =	vst.idx.msk $0xffff, v60  }
0x12f: {  	v11 =	vmov s16;
	v61 =	vld [tilespmem:s14+$0xFFFFFFD0]  }
0x130: {  	v11 =	vshrl.u32 v11, $0x3  }
0x131: {  	v11 =	vshll.u32 v11, v1  }
0x132: {  	v11 =	vbroadcast v11, $0x0  }
0x133: {  	[tilespmem:v12+s24+$0x0] =	vst.idx.msk $0xffff, v13  }
0x134: {  	v11 =	vadd.s32 v7, v11;
	v12 =	vld [tilespmem:s14+$0xE0];
	[tilespmem:v10+s24+$0x0] =	vst.idx.msk $0xffff, v61  }
0x135: {  	v62 =	vmov s22;
	v10 =	vadd.s32 v7, v20;
	v14 =	vld [tilespmem:s14+$0xFFFFFFE0]  }
0x136: {  	v13 =	vshrl.u32 v62, $0x3  }
0x137: {  	v13 =	vshll.u32 v13, v1  }
0x138: {  	v13 =	vbroadcast v13, $0x0  }
0x139: {  	[tilespmem:v11+s24+$0x0] =	vst.idx.msk $0xffff, v12  }
0x13a: {  	v63 =	vadd.s32 v8, v13;
	v11 =	vld [tilespmem:s14+$0xF0];
	[tilespmem:v10+s24+$0x0] =	vst.idx.msk $0xffff, v14  }
0x13b: {  	v9 =	vadd.s32 v8, v9;
	v10 =	vld [tilespmem:s14+$0xFFFFFFF0]  }
0x13c: {  	[tilespmem:v19+s24+$0x0] =	vst.idx.msk $0xffff, v18  }
0x13d: {  	s18 =	rddreg [dreg:$0x4]  }
0x13e: {  	s0 =	sadd.s32 s18, s10  }
0x13f: {  	s0 =	sshll.u32 s0, $0x7;
	[tilespmem:v63+s24+$0x0] =	vst.idx.msk $0xffff, v11  }
0x140: {  	s0 =	sadd.s32 s3, s0;
	[tilespmem:v9+s24+$0x0] =	vst.idx.msk $0xffff, v10  }
0x141: {  	[hbm4b:s0+s4] =	stream.linear.scatter [tilespmem:s24], [sflag:$0x9], $0x400, $0x38;
	[tilespmem:$0x19100] =	vst v63  }
0x142: {  	s5 =	simm.s32 $0x11408;
	s2 =	sadd.s32 $0x64000, s0  }
0x143: {  	[hbm4b:s2+s4] =	stream.linear.scatter [tilespmem:s5], [sflag:$0x9], $0x400, $0x38;
	[tilespmem:$0x19100] =	vst v63  }
0x144: {  	s20 =	simm.s32 $0x11810;
	s19 =	sadd.s32 $0xC8000, s0  }
0x145: {  	[hbm4b:s19+s4] =	stream.linear.scatter [tilespmem:s20], [sflag:$0x9], $0x400, $0x38;
	[tilespmem:$0x19100] =	vst v63  }
0x146: {  	s22 =	simm.s32 $0x11C18;
	s21 =	sadd.s32 $0x12C000, s0  }
0x147: {  	[hbm4b:s21+s4] =	stream.linear.scatter [tilespmem:s22], [sflag:$0x9], $0x400, $0x38;
	[tilespmem:$0x19100] =	vst v63  }
0x148: {  	s26 =	simm.s32 $0x12020;
	s25 =	sadd.s32 $0x190000, s0  }
0x149: {  	[hbm4b:s25+s4] =	stream.linear.scatter [tilespmem:s26], [sflag:$0x9], $0x400, $0x38;
	[tilespmem:$0x19100] =	vst v63  }
0x14a: {  	s29 =	simm.s32 $0x12428;
	s28 =	sadd.s32 $0x1F4000, s0  }
0x14b: {  	[hbm4b:s28+s4] =	stream.linear.scatter [tilespmem:s29], [sflag:$0x9], $0x400, $0x38;
	[tilespmem:$0x19100] =	vst v63  }
0x14c: {  	s31 =	simm.s32 $0x12830;
	s30 =	sadd.s32 $0x258000, s0  }
0x14d: {  	[hbm4b:s30+s4] =	stream.linear.scatter [tilespmem:s31], [sflag:$0x9], $0x400, $0x38;
	[tilespmem:$0x19100] =	vst v63  }
0x14e: {  	s6 =	simm.s32 $0x12C38;
	s5 =	sadd.s32 $0x2BC000, s0  }
0x14f: {  	[hbm4b:s5+s4] =	stream.linear.scatter [tilespmem:s6], [sflag:$0x9], $0x400, $0x38;
	[tilespmem:$0x19100] =	vst v63  }
0x150: {  	s14 =	simm.s32 $0x13040;
	s11 =	sadd.s32 $0x320000, s0  }
0x151: {  	[hbm4b:s11+s4] =	stream.linear.scatter [tilespmem:s14], [sflag:$0x9], $0x400, $0x38;
	[tilespmem:$0x19100] =	vst v63  }
0x152: {  	s16 =	simm.s32 $0x13448;
	s15 =	sadd.s32 $0x384000, s0  }
0x153: {  	[hbm4b:s15+s4] =	stream.linear.scatter [tilespmem:s16], [sflag:$0x9], $0x400, $0x38;
	[tilespmem:$0x19100] =	vst v63  }
0x154: {  	s18 =	sadd.s32 $0x3E8000, s0;
	s19 =	simm.s32 $0x13850  }
0x155: {  	[hbm4b:s18+s4] =	stream.linear.scatter [tilespmem:s19], [sflag:$0x9], $0x400, $0x38;
	[tilespmem:$0x19100] =	vst v63  }
0x156: {  	s20 =	sadd.s32 $0x44C000, s0;
	s21 =	simm.s32 $0x13C58  }
0x157: {  	[hbm4b:s20+s4] =	stream.linear.scatter [tilespmem:s21], [sflag:$0x9], $0x400, $0x38;
	[tilespmem:$0x19100] =	vst v63  }
0x158: {  	s22 =	sadd.s32 $0x4B0000, s0;
	s25 =	simm.s32 $0x14060  }
0x159: {  	[hbm4b:s22+s4] =	stream.linear.scatter [tilespmem:s25], [sflag:$0x9], $0x400, $0x38;
	[tilespmem:$0x19100] =	vst v63  }
0x15a: {  	p0 =	seq.s32 s9, $0x18;
	s26 =	sadd.s32 $0x514000, s0;
	s28 =	simm.s32 $0x14468  }
0x15b: {  	[hbm4b:s26+s4] =	stream.linear.scatter [tilespmem:s28], [sflag:$0x9], $0x400, $0x38;
	[tilespmem:$0x19100] =	vst v63  }
.Ltmp3:
0x15c: {  	_ = 	snop;
	(pc) =	sbr.rel @!p0 .LBB2_5-.Ltmp3, $4  }
0x15d: {  	s29 =	sadd.s32 $0x578000, s0;
	s30 =	simm.s32 $0x14870  }
0x15e: {  	[hbm4b:s29+s4] =	stream.linear.scatter [tilespmem:s30], [sflag:$0x9], $0x400, $0x38;
	[tilespmem:$0x19100] =	vst v63  }
0x15f: {  	s0 =	sadd.s32 $0x5DC000, s0;
	s31 =	simm.s32 $0x14C78  }
0x160: {  	[hbm4b:s0+s4] =	stream.linear.scatter [tilespmem:s31], [sflag:$0x9], $0x400, $0x38;
	[tilespmem:$0x19100] =	vst v63  }
.Ltmp4:
0x161: {  	(pc) =	sbr.rel .LBB2_7-.Ltmp4, $4  }
0x162: {  	_ = 	snop  }
0x163: {  	_ =	swait.ge [sflag:s17], $0x4000  }
0x164: {  	[sflag:s17] =	ssyncset.done $0x0  }
0x165: {  	[sflag:s17] =	ssyncadd.s32 $0xFFFFC000  }
.LBB2_5:
0x166: {  	s0 =	rddreg [dreg:$0x9]  }
0x167: {  	s0 =	sadd.s32 s10, s0  }
0x168: {  	s0 =	sshll.u32 s0, $0x7  }
0x169: {  	s0 =	sand.u32 $0x1FFFFE00, s0  }
0x16a: {  	s0 =	sadd.s32 s1, s0  }
0x16b: {  	[tilespmem:s4], [sflag:$0x1] =	stream.linear.gather [hbm4b:s0+s4], $0x400, $0x38;
	[tilespmem:$0x19100] =	vst v63  }
0x16c: {  	_ =	swait.ge [sflag:s17], $0x4000  }
0x16d: {  	[sflag:s17] =	ssyncset.done $0x0  }
0x16e: {  	s14 =	simm.s32 $0x1;
	[sflag:s17] =	ssyncadd.s32 $0xFFFFC000  }
0x16f: {  	_ =	swait.ge [sflag:s14], $0x400  }
0x170: {  	[sflag:s14] =	ssyncset.done $0x0  }
0x171: {  	s15 =	simm.s32 $0x1000;
	[sflag:s14] =	ssyncadd.s32 $0xFFFFFC00  }
0x172: {  	[tilespmem:s15], [sflag:$0x5] =	stream.indirect.gather [hbm4b:s7+s23], $0x10, s4, s23, $0xb8;
	[tilespmem:$0x19100] =	vst v63  }
0x173: {  	s16 =	simm.s32 $0x1800  }
0x174: {  	[tilespmem:s16], [sflag:$0x5] =	stream.indirect.gather [hbm4b:s7+s23], $0x10, s23, s23, $0xb8;
	[tilespmem:$0x19100] =	vst v63  }
0x175: {  	s18 =	simm.s32 $0x100;
	s2 =	simm.s32 $0x2000  }
0x176: {  	[tilespmem:s2], [sflag:$0x5] =	stream.indirect.gather [hbm4b:s7+s23], $0x10, s18, s23, $0xb8;
	[tilespmem:$0x19100] =	vst v63  }
0x177: {  	s19 =	simm.s32 $0x180;
	s20 =	simm.s32 $0x2800  }
0x178: {  	[tilespmem:s20], [sflag:$0x5] =	stream.indirect.gather [hbm4b:s7+s23], $0x10, s19, s23, $0xb8;
	[tilespmem:$0x19100] =	vst v63  }
0x179: {  	s21 =	simm.s32 $0x200;
	s22 =	simm.s32 $0x3000  }
0x17a: {  	[tilespmem:s22], [sflag:$0x5] =	stream.indirect.gather [hbm4b:s7+s23], $0x10, s21, s23, $0xb8;
	[tilespmem:$0x19100] =	vst v63  }
0x17b: {  	s25 =	simm.s32 $0x280;
	s26 =	simm.s32 $0x3800  }
0x17c: {  	[tilespmem:s26], [sflag:$0x5] =	stream.indirect.gather [hbm4b:s7+s23], $0x10, s25, s23, $0xb8;
	[tilespmem:$0x19100] =	vst v63  }
.Ltmp5:
0x17d: {  	_ = 	snop;
	(pc) =	sbr.rel @p1 .LBB2_8-.Ltmp5, $4  }
0x17e: {  	s28 =	simm.s32 $0x300;
	s29 =	simm.s32 $0x4000  }
0x17f: {  	[tilespmem:s29], [sflag:$0x5] =	stream.indirect.gather [hbm4b:s7+s23], $0x10, s28, s23, $0xb8;
	[tilespmem:$0x19100] =	vst v63  }
0x180: {  	s30 =	simm.s32 $0x380;
	s31 =	simm.s32 $0x4800  }
0x181: {  	[tilespmem:s31], [sflag:$0x5] =	stream.indirect.gather [hbm4b:s7+s23], $0x10, s30, s23, $0xb8;
	[tilespmem:$0x19100] =	vst v63  }
.LBB2_7:
0x182: {  	_ =	swait.ge [sflag:s12], $0x4000  }
0x183: {  	[sflag:s12] =	ssyncset.done $0x0  }
0x184: {  	[sflag:s12] =	ssyncadd.s32 $0xFFFFC000  }
.LBB2_8:
0x185: {  	s0 =	simm.s32 $0x10  }
0x186: {  	v9 =	vmov s0  }
0x187: {  	s28 =	simm.s32 $0x0;
	v9 =	vshrl.u32 v9, $0x3  }
0x188: {  	v10 =	vmov s28;
	v9 =	vshll.u32 v9, v1  }
0x189: {  	v10 =	vshrl.u32 v10, $0x3;
	v9 =	vbroadcast v9, $0x0  }
0x18a: {  	s22 =	simm.s32 $0x5100;
	v10 =	vshll.u32 v10, v1  }
0x18b: {  	s29 =	simm.s32 $0x11;
	v11 =	vld [tilespmem:s22+$0x0];
	v10 =	vbroadcast v10, $0x0;
	v9 =	vadd.s32 v0, v9  }
0x18c: {  	v12 =	vmov s29  }
0x18d: {  	s30 =	simm.s32 $0x1;
	v13 =	vld [tilespmem:s22+$0xFFFFFF00];
	v12 =	vshrl.u32 v12, $0x3;
	v10 =	vadd.s32 v0, v10  }
0x18e: {  	v14 =	vmov s30;
	v12 =	vshll.u32 v12, v1  }
0x18f: {  	v14 =	vshrl.u32 v14, $0x3;
	v12 =	vbroadcast v12, $0x0  }
0x190: {  	s31 =	simm.s32 $0x12;
	[tilespmem:v9+s13+$0x0] =	vst.idx.msk $0xffff, v11;
	v9 =	vshll.u32 v14, v1  }
0x191: {  	v12 =	vadd.s32 v2, v12;
	v14 =	vmov s31;
	v11 =	vld [tilespmem:s22+$0x10];
	v9 =	vbroadcast v9, $0x0  }
0x192: {  	[tilespmem:v10+s13+$0x0] =	vst.idx.msk $0xffff, v13;
	v10 =	vshrl.u32 v14, $0x3  }
0x193: {  	s2 =	simm.s32 $0x2;
	v14 =	vld [tilespmem:s22+$0xFFFFFF10];
	v10 =	vshll.u32 v10, v1;
	v9 =	vadd.s32 v2, v9  }
0x194: {  	v13 =	vmov s2;
	v10 =	vbroadcast v10, $0x0  }
0x195: {  	s5 =	simm.s32 $0x3;
	v13 =	vshrl.u32 v13, $0x3  }
0x196: {  	s6 =	simm.s32 $0x4;
	v15 =	vmov s5;
	v13 =	vshll.u32 v13, v1;
	v10 =	vadd.s32 v3, v10;
	[tilespmem:v12+s13+$0x0] =	vst.idx.msk $0xffff, v11  }
0x197: {  	s2 =	simm.s32 $0x13;
	v11 =	vbroadcast v13, $0x0;
	v12 =	vshrl.u32 v15, $0x3;
	v15 =	vmov s6;
	v13 =	vld [tilespmem:s22+$0x20]  }
0x198: {  	v16 =	vmov s2;
	v15 =	vshrl.u32 v15, $0x3;
	[tilespmem:v9+s13+$0x0] =	vst.idx.msk $0xffff, v14  }
0x199: {  	s11 =	simm.s32 $0x5;
	v11 =	vadd.s32 v3, v11;
	v9 =	vshrl.u32 v16, $0x3;
	v14 =	vshll.u32 v15, v1;
	v15 =	vld [tilespmem:s22+$0xFFFFFF20]  }
0x19a: {  	v12 =	vshll.u32 v12, v1;
	v16 =	vmov s11;
	v9 =	vshll.u32 v9, v1  }
0x19b: {  	s15 =	simm.s32 $0x14;
	v14 =	vbroadcast v14, $0x0;
	v16 =	vshrl.u32 v16, $0x3;
	v9 =	vbroadcast v9, $0x0  }
0x19c: {  	v17 =	vmov s15;
	v12 =	vbroadcast v12, $0x0;
	[tilespmem:v10+s13+$0x0] =	vst.idx.msk $0xffff, v13;
	v13 =	vshll.u32 v16, v1  }
0x19d: {  	s25 =	simm.s32 $0xB;
	s5 =	simm.s32 $0x7;
	s11 =	simm.s32 $0x19;
	v10 =	vadd.s32 v5, v14;
	v9 =	vadd.s32 v4, v9;
	v14 =	vld [tilespmem:s22+$0x30];
	v13 =	vbroadcast v13, $0x0  }
0x19e: {  	v21 =	vmov s25;
	v18 =	vmov s5;
	v24 =	vmov s11;
	[tilespmem:v11+s13+$0x0] =	vst.idx.msk $0xffff, v15  }
0x19f: {  	s25 =	simm.s32 $0x24;
	v12 =	vadd.s32 v4, v12;
	v11 =	vshrl.u32 v17, $0x3;
	v15 =	vadd.s32 v6, v13;
	v13 =	vld [tilespmem:s22+$0xFFFFFF30]  }
0x1a0: {  	s14 =	simm.s32 $0x6;
	v59 =	vmov s25;
	v24 =	vshrl.u32 v24, $0x3;
	v11 =	vshll.u32 v11, v1  }
0x1a1: {  	s16 =	simm.s32 $0x8;
	s18 =	simm.s32 $0x15;
	v16 =	vmov s14;
	v17 =	vshrl.u32 v18, $0x3;
	v11 =	vbroadcast v11, $0x0  }
0x1a2: {  	v18 =	vmov s18;
	v17 =	vshll.u32 v17, v1;
	[tilespmem:v9+s13+$0x0] =	vst.idx.msk $0xffff, v14;
	v14 =	vmov s16  }
0x1a3: {  	v9 =	vbroadcast v17, $0x0;
	v11 =	vadd.s32 v5, v11;
	v17 =	vld [tilespmem:s22+$0x40];
	v14 =	vshrl.u32 v14, $0x3  }
0x1a4: {  	v16 =	vshrl.u32 v16, $0x3;
	v18 =	vshrl.u32 v18, $0x3;
	v14 =	vshll.u32 v14, v1;
	[tilespmem:v12+s13+$0x0] =	vst.idx.msk $0xffff, v13  }
0x1a5: {  	v19 =	vadd.s32 v8, v9;
	v9 =	vshll.u32 v18, v1;
	v12 =	vbroadcast v14, $0x0;
	v13 =	vld [tilespmem:s22+$0xFFFFFF40]  }
0x1a6: {  	s19 =	simm.s32 $0x9;
	s20 =	simm.s32 $0xA;
	v24 =	vshll.u32 v24, v1;
	v16 =	vshll.u32 v16, v1;
	v9 =	vbroadcast v9, $0x0  }
0x1a7: {  	s21 =	simm.s32 $0x16;
	v18 =	vmov s20;
	v14 =	vmov s19;
	v20 =	vadd.s32 v0, v12  }
0x1a8: {  	v12 =	vshrl.u32 v14, $0x3;
	v14 =	vmov s21;
	v9 =	vadd.s32 v6, v9;
	[tilespmem:v11+s13+$0x0] =	vst.idx.msk $0xffff, v17  }
0x1a9: {  	s18 =	simm.s32 $0x1A;
	v11 =	vshll.u32 v12, v1;
	v12 =	vshrl.u32 v14, $0x3;
	v14 =	vshrl.u32 v18, $0x3;
	v17 =	vld [tilespmem:s22+$0x50]  }
0x1aa: {  	v16 =	vbroadcast v16, $0x0;
	v26 =	vmov s18;
	v18 =	vshll.u32 v14, v1;
	[tilespmem:v10+s13+$0x0] =	vst.idx.msk $0xffff, v13  }
0x1ab: {  	v11 =	vbroadcast v11, $0x0;
	v12 =	vshll.u32 v12, v1;
	v10 =	vbroadcast v18, $0x0;
	v18 =	vld [tilespmem:s22+$0xFFFFFF50]  }
0x1ac: {  	v24 =	vbroadcast v24, $0x0;
	v26 =	vshrl.u32 v26, $0x3;
	v12 =	vbroadcast v12, $0x0  }
0x1ad: {  	s26 =	simm.s32 $0xC;
	v16 =	vadd.s32 v7, v16;
	v14 =	vadd.s32 v2, v11;
	v11 =	vshrl.u32 v21, $0x3  }
0x1ae: {  	s28 =	simm.s32 $0x17;
	v21 =	vadd.s32 v7, v12;
	v11 =	vshll.u32 v11, v1;
	v12 =	vmov s26;
	[tilespmem:v9+s13+$0x0] =	vst.idx.msk $0xffff, v17  }
0x1af: {  	s29 =	simm.s32 $0xD;
	v13 =	vadd.s32 v3, v10;
	v10 =	vbroadcast v11, $0x0;
	v11 =	vmov s28;
	v22 =	vld [tilespmem:s22+$0x60]  }
0x1b0: {  	v9 =	vshrl.u32 v12, $0x3;
	v17 =	vmov s29;
	v11 =	vshrl.u32 v11, $0x3;
	[tilespmem:v15+s13+$0x0] =	vst.idx.msk $0xffff, v18  }
0x1b1: {  	s30 =	simm.s32 $0xE;
	v12 =	vadd.s32 v4, v10;
	v9 =	vshll.u32 v9, v1;
	v10 =	vshll.u32 v11, v1;
	v23 =	vld [tilespmem:s22+$0xFFFFFF60]  }
0x1b2: {  	s31 =	simm.s32 $0xF;
	v11 =	vshrl.u32 v17, $0x3;
	v17 =	vmov s30;
	v9 =	vbroadcast v9, $0x0  }
0x1b3: {  	v10 =	vbroadcast v10, $0x0;
	v15 =	vshll.u32 v11, v1;
	v18 =	vmov s31  }
0x1b4: {  	s2 =	simm.s32 $0x18;
	v15 =	vbroadcast v15, $0x0;
	v18 =	vshrl.u32 v18, $0x3;
	v11 =	vadd.s32 v5, v9;
	[tilespmem:v21+s13+$0x0] =	vst.idx.msk $0xffff, v22  }
0x1b5: {  	v9 =	vshrl.u32 v17, $0x3;
	v17 =	vmov s2;
	v21 =	vadd.s32 v8, v10;
	v22 =	vld [tilespmem:s22+$0x70]  }
0x1b6: {  	s6 =	simm.s32 $0x30;
	v26 =	vshll.u32 v26, v1;
	v18 =	vshll.u32 v18, v1;
	v17 =	vshrl.u32 v17, $0x3;
	[tilespmem:v16+s13+$0x0] =	vst.idx.msk $0xffff, v23  }
0x1b7: {  	s26 =	simm.s32 $0x25;
	v10 =	vadd.s32 v6, v15;
	v15 =	vbroadcast v18, $0x0;
	v18 =	vmov s6;
	v23 =	vld [tilespmem:s22+$0xFFFFFF70]  }
0x1b8: {  	s5 =	simm.s32 $0x20;
	v60 =	vmov s26;
	v17 =	vshll.u32 v17, v1;
	v18 =	vshrl.u32 v18, $0x3  }
0x1b9: {  	v17 =	vbroadcast v17, $0x0;
	v16 =	vmov s5;
	v18 =	vshll.u32 v18, v1  }
0x1ba: {  	s14 =	simm.s32 $0x21;
	v9 =	vshll.u32 v9, v1;
	v16 =	vshrl.u32 v16, $0x3;
	v18 =	vbroadcast v18, $0x0;
	[tilespmem:v21+s13+$0x0] =	vst.idx.msk $0xffff, v22  }
0x1bb: {  	s11 =	simm.s32 $0x5300;
	v17 =	vadd.s32 v0, v17;
	v16 =	vshll.u32 v16, v1;
	v21 =	vmov s14;
	v25 =	vld [tilespmem:s22+$0x80]  }
0x1bc: {  	v27 =	vld [tilespmem:s11+$0x0];
	s16 =	simm.s32 $0x31;
	v16 =	vbroadcast v16, $0x0;
	v18 =	vadd.s32 v0, v18;
	v21 =	vshrl.u32 v21, $0x3;
	[tilespmem:v19+s13+$0x0] =	vst.idx.msk $0xffff, v23  }
0x1bd: {  	v19 =	vshll.u32 v21, v1;
	v21 =	vmov s16;
	v23 =	vadd.s32 v2, v24;
	v24 =	vld [tilespmem:s22+$0xFFFFFF80]  }
0x1be: {  	s15 =	simm.s32 $0x22;
	v9 =	vbroadcast v9, $0x0;
	v19 =	vbroadcast v19, $0x0;
	v21 =	vshrl.u32 v21, $0x3  }
0x1bf: {  	v28 =	vld [tilespmem:s11+$0xFFFFFF00];
	v22 =	vmov s15;
	v16 =	vadd.s32 v0, v16;
	v21 =	vshll.u32 v21, v1  }
0x1c0: {  	s19 =	simm.s32 $0x23;
	v22 =	vshrl.u32 v22, $0x3;
	v19 =	vadd.s32 v2, v19;
	v21 =	vbroadcast v21, $0x0;
	[tilespmem:v17+s13+$0x0] =	vst.idx.msk $0xffff, v25  }
0x1c1: {  	[tilespmem:v18+s13+$0x0] =	vst.idx.msk $0xffff, v27;
	v17 =	vshll.u32 v22, v1;
	v22 =	vmov s19;
	v25 =	vbroadcast v26, $0x0;
	v26 =	vld [tilespmem:s22+$0x90]  }
0x1c2: {  	s20 =	simm.s32 $0x32;
	v27 =	vld [tilespmem:s11+$0x10];
	v17 =	vbroadcast v17, $0x0;
	v22 =	vshrl.u32 v22, $0x3;
	v21 =	vadd.s32 v2, v21;
	[tilespmem:v20+s13+$0x0] =	vst.idx.msk $0xffff, v24  }
0x1c3: {  	s21 =	simm.s32 $0x1B;
	v20 =	vshll.u32 v22, v1;
	v22 =	vmov s20;
	v24 =	vadd.s32 v3, v25;
	v25 =	vld [tilespmem:s22+$0xFFFFFF90]  }
0x1c4: {  	[tilespmem:v16+s13+$0x0] =	vst.idx.msk $0xffff, v28;
	v18 =	vshrl.u32 v22, $0x3;
	v22 =	vmov s21;
	v16 =	vbroadcast v20, $0x0  }
0x1c5: {  	v17 =	vadd.s32 v3, v17;
	v18 =	vshll.u32 v18, v1;
	v20 =	vshrl.u32 v22, $0x3;
	v22 =	vld [tilespmem:s11+$0xFFFFFF10]  }
0x1c6: {  	v18 =	vbroadcast v18, $0x0;
	v20 =	vshll.u32 v20, v1;
	v16 =	vadd.s32 v4, v16;
	[tilespmem:v23+s13+$0x0] =	vst.idx.msk $0xffff, v26  }
0x1c7: {  	s29 =	simm.s32 $0x1C;
	v23 =	vshrl.u32 v59, $0x3;
	v20 =	vbroadcast v20, $0x0;
	[tilespmem:v21+s13+$0x0] =	vst.idx.msk $0xffff, v27;
	v21 =	vshrl.u32 v60, $0x3;
	v26 =	vld [tilespmem:s22+$0xA0]  }
0x1c8: {  	s28 =	simm.s32 $0x33;
	v27 =	vmov s29;
	v23 =	vshll.u32 v23, v1;
	v18 =	vadd.s32 v3, v18;
	[tilespmem:v14+s13+$0x0] =	vst.idx.msk $0xffff, v25  }
0x1c9: {  	v21 =	vshll.u32 v21, v1;
	v14 =	vbroadcast v23, $0x0;
	v23 =	vmov s28;
	v25 =	vld [tilespmem:s22+$0xFFFFFFA0]  }
0x1ca: {  	s31 =	simm.s32 $0x27;
	v61 =	vld [tilespmem:s11+$0x20];
	v20 =	vadd.s32 v4, v20;
	v21 =	vbroadcast v21, $0x0;
	v23 =	vshrl.u32 v23, $0x3;
	[tilespmem:v19+s13+$0x0] =	vst.idx.msk $0xffff, v22  }
0x1cb: {  	v22 =	vshrl.u32 v27, $0x3;
	v27 =	vmov s31;
	v19 =	vshll.u32 v23, v1;
	v23 =	vld [tilespmem:s11+$0xFFFFFF20]  }
0x1cc: {  	s30 =	simm.s32 $0x26;
	v14 =	vadd.s32 v5, v14;
	v22 =	vshll.u32 v22, v1;
	v19 =	vbroadcast v19, $0x0;
	[tilespmem:v24+s13+$0x0] =	vst.idx.msk $0xffff, v26  }
0x1cd: {  	s2 =	simm.s32 $0x34;
	v21 =	vadd.s32 v6, v21;
	v27 =	vshrl.u32 v27, $0x3;
	v24 =	vmov s30;
	v26 =	vld [tilespmem:s22+$0xB0]  }
0x1ce: {  	s5 =	simm.s32 $0x1D;
	v24 =	vshrl.u32 v24, $0x3;
	v19 =	vadd.s32 v4, v19;
	[tilespmem:v13+s13+$0x0] =	vst.idx.msk $0xffff, v25;
	v13 =	vmov s2  }
0x1cf: {  	[tilespmem:v18+s13+$0x0] =	vst.idx.msk $0xffff, v61;
	v24 =	vshll.u32 v24, v1;
	v25 =	vmov s5;
	v18 =	vld [tilespmem:s22+$0xFFFFFFB0];
	v13 =	vshrl.u32 v13, $0x3  }
0x1d0: {  	[tilespmem:v17+s13+$0x0] =	vst.idx.msk $0xffff, v23;
	v17 =	vld [tilespmem:s11+$0x30];
	v23 =	vbroadcast v24, $0x0;
	v24 =	vshrl.u32 v25, $0x3;
	v13 =	vshll.u32 v13, v1  }
0x1d1: {  	v22 =	vbroadcast v22, $0x0;
	v25 =	vld [tilespmem:s11+$0xFFFFFF30];
	v24 =	vshll.u32 v24, v1;
	v13 =	vbroadcast v13, $0x0  }
0x1d2: {  	s6 =	simm.s32 $0x28;
	v24 =	vbroadcast v24, $0x0;
	[tilespmem:v20+s13+$0x0] =	vst.idx.msk $0xffff, v26;
	v20 =	vadd.s32 v7, v23;
	v23 =	vshll.u32 v27, v1  }
0x1d3: {  	s14 =	simm.s32 $0x35;
	v22 =	vadd.s32 v5, v22;
	v27 =	vmov s6;
	v26 =	vld [tilespmem:s22+$0xC0];
	v23 =	vbroadcast v23, $0x0  }
0x1d4: {  	v13 =	vadd.s32 v5, v13;
	v24 =	vadd.s32 v6, v24;
	[tilespmem:v12+s13+$0x0] =	vst.idx.msk $0xffff, v18;
	v18 =	vmov s14  }
0x1d5: {  	s15 =	simm.s32 $0x1E;
	v12 =	vshrl.u32 v27, $0x3;
	[tilespmem:v19+s13+$0x0] =	vst.idx.msk $0xffff, v17;
	v27 =	vld [tilespmem:s22+$0xFFFFFFC0];
	v17 =	vadd.s32 v8, v23;
	v18 =	vshrl.u32 v18, $0x3  }
0x1d6: {  	v19 =	vmov s15;
	v23 =	vld [tilespmem:s11+$0x40];
	[tilespmem:v16+s13+$0x0] =	vst.idx.msk $0xffff, v25;
	v12 =	vshll.u32 v12, v1;
	v16 =	vshll.u32 v18, v1  }
0x1d7: {  	s18 =	simm.s32 $0x2A;
	s16 =	simm.s32 $0x29;
	v18 =	vshrl.u32 v19, $0x3;
	v19 =	vld [tilespmem:s11+$0xFFFFFF40];
	v12 =	vbroadcast v12, $0x0;
	v25 =	vbroadcast v16, $0x0  }
0x1d8: {  	v16 =	vshll.u32 v18, v1;
	v18 =	vmov s16;
	[tilespmem:v22+s13+$0x0] =	vst.idx.msk $0xffff, v26;
	v22 =	vmov s18  }
0x1d9: {  	s19 =	simm.s32 $0x36;
	v26 =	vbroadcast v16, $0x0;
	v16 =	vadd.s32 v0, v12;
	v12 =	vshrl.u32 v18, $0x3  }
0x1da: {  	v62 =	vld [tilespmem:s22+$0xD0];
	v18 =	vadd.s32 v6, v25;
	[tilespmem:v11+s13+$0x0] =	vst.idx.msk $0xffff, v27;
	v11 =	vshll.u32 v12, v1;
	v12 =	vmov s19  }
0x1db: {  	s20 =	simm.s32 $0x1F;
	v25 =	vadd.s32 v7, v26;
	[tilespmem:v13+s13+$0x0] =	vst.idx.msk $0xffff, v23;
	v26 =	vld [tilespmem:s22+$0xFFFFFFD0];
	v11 =	vbroadcast v11, $0x0;
	v12 =	vshrl.u32 v12, $0x3  }
0x1dc: {  	v13 =	vmov s20;
	v23 =	vld [tilespmem:s11+$0x50];
	[tilespmem:v14+s13+$0x0] =	vst.idx.msk $0xffff, v19;
	v19 =	vshrl.u32 v22, $0x3;
	v12 =	vshll.u32 v12, v1  }
0x1dd: {  	s21 =	simm.s32 $0x2B;
	v13 =	vshrl.u32 v13, $0x3;
	v22 =	vld [tilespmem:s11+$0xFFFFFF50];
	v14 =	vadd.s32 v2, v11;
	v11 =	vbroadcast v12, $0x0  }
0x1de: {  	v12 =	vshll.u32 v13, v1;
	v13 =	vshll.u32 v19, v1;
	v19 =	vmov s21  }
0x1df: {  	s25 =	simm.s32 $0x2C;
	v9 =	vadd.s32 v7, v9;
	[tilespmem:v24+s13+$0x0] =	vst.idx.msk $0xffff, v62;
	v12 =	vbroadcast v12, $0x0;
	v19 =	vshrl.u32 v19, $0x3  }
0x1e0: {  	s26 =	simm.s32 $0x37;
	v24 =	vld [tilespmem:s22+$0xE0];
	v27 =	vadd.s32 v7, v11;
	v11 =	vmov s25;
	[tilespmem:v10+s13+$0x0] =	vst.idx.msk $0xffff, v26;
	v10 =	vshll.u32 v19, v1  }
0x1e1: {  	s28 =	simm.s32 $0x2D;
	v19 =	vadd.s32 v8, v12;
	[tilespmem:v18+s13+$0x0] =	vst.idx.msk $0xffff, v23;
	v12 =	vmov s26;
	v10 =	vbroadcast v10, $0x0;
	v18 =	vld [tilespmem:s22+$0xFFFFFFE0]  }
0x1e2: {  	v11 =	vshrl.u32 v11, $0x3;
	[tilespmem:v21+s13+$0x0] =	vst.idx.msk $0xffff, v22;
	v21 =	vmov s28;
	v22 =	vshrl.u32 v12, $0x3;
	v23 =	vld [tilespmem:s11+$0x60]  }
0x1e3: {  	s30 =	simm.s32 $0x2F;
	v12 =	vadd.s32 v4, v10;
	v10 =	vshll.u32 v11, v1;
	v11 =	vshll.u32 v22, v1;
	v22 =	vld [tilespmem:s11+$0xFFFFFF60]  }
0x1e4: {  	v63 =	vmov s30;
	v21 =	vshrl.u32 v21, $0x3;
	v10 =	vbroadcast v10, $0x0  }
0x1e5: {  	s29 =	simm.s32 $0x2E;
	v13 =	vbroadcast v13, $0x0;
	v21 =	vshll.u32 v21, v1;
	[tilespmem:v25+s13+$0x0] =	vst.idx.msk $0xffff, v24;
	v24 =	vbroadcast v11, $0x0  }
0x1e6: {  	s31 =	simm.s32 $0x38;
	v26 =	vmov s29;
	v11 =	vadd.s32 v5, v10;
	v10 =	vbroadcast v21, $0x0;
	[tilespmem:v9+s13+$0x0] =	vst.idx.msk $0xffff, v18  }
0x1e7: {  	v25 =	vld [tilespmem:s22+$0xF0];
	v21 =	vadd.s32 v8, v24;
	v9 =	vshrl.u32 v26, $0x3;
	v26 =	vmov s31;
	[tilespmem:v27+s13+$0x0] =	vst.idx.msk $0xffff, v23  }
0x1e8: {  	v24 =	vshrl.u32 v63, $0x3;
	v9 =	vshll.u32 v9, v1;
	v23 =	vshrl.u32 v26, $0x3;
	[tilespmem:v20+s13+$0x0] =	vst.idx.msk $0xffff, v22;
	v22 =	vld [tilespmem:s11+$0x70]  }
0x1e9: {  	v20 =	vbroadcast v9, $0x0;
	v9 =	vshll.u32 v24, v1;
	v24 =	vshll.u32 v23, v1;
	v23 =	vld [tilespmem:s11+$0xFFFFFF70];
	_ =	sdelay $0x1  }
0x1ea: {  	s15 =	simm.s32 $0x2;
	v13 =	vadd.s32 v3, v13;
	v10 =	vadd.s32 v6, v10  }
0x1eb: {  	s14 =	simm.s32 $0x5300;
	s16 =	simm.s32 $0x5F;
	v18 =	vld [tilespmem:s22+$0xFFFFFFF0];
	s22 =	simm.s32 $0x3F;
	v9 =	vbroadcast v9, $0x0;
	v24 =	vbroadcast v24, $0x0;
	[tilespmem:v19+s13+$0x0] =	vst.idx.msk $0xffff, v25;
	v19 =	vadd.s32 v8, v15  }
.LBB2_9:
0x1ec: {  	s0 =	sadd.s32 $0xFFFFFFE1, s16;
	s5 =	sadd.s32 $0xFFFFFFE2, s16;
	s2 =	sadd.s32 $0xFFFFFFF1, s16;
	v15 =	vadd.s32 v7, v20;
	[tilespmem:v21+s13+$0x0] =	vst.idx.msk $0xffff, v22  }
0x1ed: {  	s6 =	sadd.s32 $0xFFFFFFE3, s16;
	s15 =	sadd.s32 $0x2, s15;
	v20 =	vmov s0;
	v21 =	vmov s2;
	[tilespmem:v17+s13+$0x0] =	vst.idx.msk $0xffff, v23;
	v17 =	vld [tilespmem:s11+$0x80];
	v22 =	vadd.s32 v0, v24;
	s0 =	sadd.s32 $0xFFFFFFFA, s22  }
0x1ee: {  	s18 =	sadd.s32 $0xFFFFFFE4, s16;
	s20 =	sadd.s32 $0xFFFFFFE5, s16;
	p1 =	slt.u32 s15, $0x3E;
	v20 =	vshrl.u32 v20, $0x3;
	v21 =	vshrl.u32 v21, $0x3;
	v23 =	vld [tilespmem:s11+$0xFFFFFF80];
	v24 =	vmov s0  }
0x1ef: {  	s19 =	sadd.s32 $0xFFFFFFE6, s16;
	s2 =	sadd.s32 $0xFFFFFFE8, s16;
	s0 =	sadd.s32 $0xFFFFFFE7, s16;
	v20 =	vshll.u32 v20, v1;
	v21 =	vshll.u32 v21, v1;
	v24 =	vshrl.u32 v24, $0x3  }
0x1f0: {  	s31 =	sadd.s32 $0xFFFFFFE9, s16;
	s29 =	sadd.s32 $0xFFFFFFEA, s16;
	s30 =	sadd.s32 $0xFFFFFFEB, s16;
	v20 =	vbroadcast v20, $0x0;
	v21 =	vbroadcast v21, $0x0;
	v24 =	vshll.u32 v24, v1;
	[tilespmem:v19+s13+$0x0] =	vst.idx.msk $0xffff, v18  }
0x1f1: {  	s28 =	sadd.s32 $0xFFFFFFEC, s16;
	s26 =	sadd.s32 $0xFFFFFFED, s16;
	s11 =	sadd.s32 $0x200, s11;
	v18 =	vmov s5;
	v19 =	vmov s6;
	v24 =	vbroadcast v24, $0x0  }
0x1f2: {  	s25 =	sadd.s32 $0xFFFFFFEE, s16;
	s21 =	sadd.s32 $0xFFFFFFEF, s16;
	s6 =	sadd.s32 $0xFFFFFFF2, s16;
	v18 =	vshrl.u32 v18, $0x3;
	v20 =	vadd.s32 v0, v20;
	v25 =	vld [tilespmem:s11+$0x0];
	v21 =	vadd.s32 v0, v21;
	[tilespmem:v22+s13+$0x0] =	vst.idx.msk $0xffff, v17  }
0x1f3: {  	s5 =	sadd.s32 $0xFFFFFFF0, s16;
	v17 =	vshll.u32 v18, v1;
	v18 =	vmov s6;
	s6 =	sadd.s32 $0xFFFFFFFB, s22;
	[tilespmem:v16+s13+$0x0] =	vst.idx.msk $0xffff, v23;
	v16 =	vld [tilespmem:s14+$0x90];
	v22 =	vadd.s32 v2, v24  }
0x1f4: {  	v17 =	vbroadcast v17, $0x0;
	v18 =	vshrl.u32 v18, $0x3;
	v24 =	vmov s6;
	v23 =	vld [tilespmem:s11+$0xFFFFFF00]  }
0x1f5: {  	v19 =	vshrl.u32 v19, $0x3;
	v18 =	vshll.u32 v18, v1;
	v24 =	vshrl.u32 v24, $0x3;
	v26 =	vld [tilespmem:s14+$0xFFFFFF90]  }
0x1f6: {  	v17 =	vadd.s32 v2, v17;
	v18 =	vbroadcast v18, $0x0;
	v24 =	vshll.u32 v24, v1  }
0x1f7: {  	v27 =	vmov s18;
	v19 =	vshll.u32 v19, v1;
	[tilespmem:v21+s13+$0x0] =	vst.idx.msk $0xffff, v25;
	v21 =	vbroadcast v24, $0x0  }
0x1f8: {  	v19 =	vbroadcast v19, $0x0;
	s6 =	sadd.s32 $0xFFFFFFF3, s16;
	v24 =	vshrl.u32 v27, $0x3;
	v18 =	vadd.s32 v2, v18;
	v25 =	vld [tilespmem:s11+$0x10];
	[tilespmem:v22+s13+$0x0] =	vst.idx.msk $0xffff, v16  }
0x1f9: {  	v16 =	vshll.u32 v24, v1;
	[tilespmem:v20+s13+$0x0] =	vst.idx.msk $0xffff, v23;
	v20 =	vmov s6;
	v22 =	vld [tilespmem:s14+$0xA0];
	v21 =	vadd.s32 v3, v21;
	s6 =	sadd.s32 $0xFFFFFFFC, s22  }
0x1fa: {  	v19 =	vadd.s32 v3, v19;
	v23 =	vld [tilespmem:s11+$0xFFFFFF10];
	v20 =	vshrl.u32 v20, $0x3;
	[tilespmem:v14+s13+$0x0] =	vst.idx.msk $0xffff, v26;
	v14 =	vmov s6  }
0x1fb: {  	v16 =	vbroadcast v16, $0x0;
	v20 =	vshll.u32 v20, v1;
	v24 =	vld [tilespmem:s14+$0xFFFFFFA0];
	v14 =	vshrl.u32 v14, $0x3  }
0x1fc: {  	v26 =	vmov s20;
	v20 =	vbroadcast v20, $0x0;
	v14 =	vshll.u32 v14, v1  }
0x1fd: {  	v16 =	vadd.s32 v4, v16;
	v26 =	vshrl.u32 v26, $0x3;
	[tilespmem:v18+s13+$0x0] =	vst.idx.msk $0xffff, v25;
	v14 =	vbroadcast v14, $0x0  }
0x1fe: {  	s6 =	sadd.s32 $0xFFFFFFF4, s16;
	v18 =	vshll.u32 v26, v1;
	v25 =	vmov s19;
	v26 =	vld [tilespmem:s11+$0x20];
	v20 =	vadd.s32 v3, v20;
	[tilespmem:v21+s13+$0x0] =	vst.idx.msk $0xffff, v22  }
0x1ff: {  	[tilespmem:v17+s13+$0x0] =	vst.idx.msk $0xffff, v23;
	v17 =	vbroadcast v18, $0x0;
	v18 =	vmov s6;
	v21 =	vld [tilespmem:s14+$0xB0];
	v14 =	vadd.s32 v4, v14;
	s6 =	sadd.s32 $0xFFFFFFFD, s22  }
0x200: {  	v23 =	vshrl.u32 v25, $0x3;
	v22 =	vld [tilespmem:s11+$0xFFFFFF20];
	v18 =	vshrl.u32 v18, $0x3;
	[tilespmem:v13+s13+$0x0] =	vst.idx.msk $0xffff, v24;
	v13 =	vmov s6  }
0x201: {  	v24 =	vadd.s32 v5, v17;
	v17 =	vshll.u32 v18, v1;
	v18 =	vld [tilespmem:s14+$0xFFFFFFB0];
	v13 =	vshrl.u32 v13, $0x3  }
0x202: {  	v23 =	vshll.u32 v23, v1;
	v17 =	vbroadcast v17, $0x0;
	v13 =	vshll.u32 v13, v1  }
0x203: {  	v25 =	vmov s0;
	v23 =	vbroadcast v23, $0x0;
	[tilespmem:v20+s13+$0x0] =	vst.idx.msk $0xffff, v26;
	v13 =	vbroadcast v13, $0x0  }
0x204: {  	s0 =	sadd.s32 $0xFFFFFFF5, s16;
	v20 =	vshrl.u32 v25, $0x3;
	v25 =	vmov s2;
	v26 =	vld [tilespmem:s11+$0x30];
	v17 =	vadd.s32 v4, v17;
	[tilespmem:v14+s13+$0x0] =	vst.idx.msk $0xffff, v21  }
0x205: {  	v14 =	vmov s0;
	s0 =	sadd.s32 $0xFFFFFFFE, s22;
	[tilespmem:v19+s13+$0x0] =	vst.idx.msk $0xffff, v22;
	v19 =	vadd.s32 v6, v23;
	v21 =	vld [tilespmem:s14+$0xC0];
	v13 =	vadd.s32 v5, v13  }
0x206: {  	v20 =	vshll.u32 v20, v1;
	v14 =	vshrl.u32 v14, $0x3;
	v22 =	vld [tilespmem:s11+$0xFFFFFF30];
	[tilespmem:v12+s13+$0x0] =	vst.idx.msk $0xffff, v18;
	v12 =	vmov s0  }
0x207: {  	v18 =	vbroadcast v20, $0x0;
	v14 =	vshll.u32 v14, v1;
	v20 =	vld [tilespmem:s14+$0xFFFFFFC0];
	v12 =	vshrl.u32 v12, $0x3  }
0x208: {  	v23 =	vshrl.u32 v25, $0x3;
	v14 =	vbroadcast v14, $0x0;
	v12 =	vshll.u32 v12, v1  }
0x209: {  	v25 =	vadd.s32 v7, v18;
	v18 =	vshll.u32 v23, v1;
	[tilespmem:v17+s13+$0x0] =	vst.idx.msk $0xffff, v26;
	v12 =	vbroadcast v12, $0x0  }
0x20a: {  	s0 =	sadd.s32 $0xFFFFFFF6, s16;
	v17 =	vbroadcast v18, $0x0;
	v18 =	vmov s31;
	v14 =	vadd.s32 v5, v14;
	v23 =	vld [tilespmem:s11+$0x40];
	[tilespmem:v13+s13+$0x0] =	vst.idx.msk $0xffff, v21  }
0x20b: {  	v13 =	vshrl.u32 v18, $0x3;
	[tilespmem:v16+s13+$0x0] =	vst.idx.msk $0xffff, v22;
	v16 =	vmov s0;
	v18 =	vld [tilespmem:s14+$0xD0];
	v12 =	vadd.s32 v6, v12;
	s0 =	sadd.s32 $0xFFFFFFFF, s22  }
0x20c: {  	v17 =	vadd.s32 v8, v17;
	v21 =	vld [tilespmem:s11+$0xFFFFFF40];
	v16 =	vshrl.u32 v16, $0x3;
	[tilespmem:v11+s13+$0x0] =	vst.idx.msk $0xffff, v20;
	v11 =	vmov s0  }
0x20d: {  	v13 =	vshll.u32 v13, v1;
	v16 =	vshll.u32 v16, v1;
	v20 =	vld [tilespmem:s14+$0xFFFFFFD0];
	v11 =	vshrl.u32 v11, $0x3  }
0x20e: {  	v13 =	vbroadcast v13, $0x0;
	v22 =	vbroadcast v16, $0x0;
	v11 =	vshll.u32 v11, v1  }
0x20f: {  	v27 =	vmov s30;
	v26 =	vmov s29;
	[tilespmem:v14+s13+$0x0] =	vst.idx.msk $0xffff, v23;
	v11 =	vbroadcast v11, $0x0  }
0x210: {  	s0 =	sadd.s32 $0xFFFFFFF7, s16;
	v16 =	vadd.s32 v0, v13;
	v13 =	vshrl.u32 v26, $0x3;
	v23 =	vld [tilespmem:s11+$0x50];
	v22 =	vadd.s32 v6, v22;
	[tilespmem:v12+s13+$0x0] =	vst.idx.msk $0xffff, v18  }
0x211: {  	v12 =	vshll.u32 v13, v1;
	v13 =	vmov s0;
	[tilespmem:v24+s13+$0x0] =	vst.idx.msk $0xffff, v21;
	v18 =	vld [tilespmem:s14+$0xE0];
	v11 =	vadd.s32 v7, v11  }
0x212: {  	v12 =	vbroadcast v12, $0x0;
	v13 =	vshrl.u32 v13, $0x3;
	v21 =	vld [tilespmem:s11+$0xFFFFFF50];
	[tilespmem:v10+s13+$0x0] =	vst.idx.msk $0xffff, v20;
	v10 =	vmov s22;
	s22 =	smov.u32 s16  }
0x213: {  	v20 =	vshrl.u32 v27, $0x3;
	v13 =	vshll.u32 v13, v1;
	v24 =	vld [tilespmem:s14+$0xFFFFFFE0];
	v10 =	vshrl.u32 v10, $0x3  }
0x214: {  	v14 =	vadd.s32 v2, v12;
	v12 =	vbroadcast v13, $0x0;
	v10 =	vshll.u32 v10, v1  }
0x215: {  	v13 =	vshll.u32 v20, v1;
	v20 =	vmov s28;
	[tilespmem:v22+s13+$0x0] =	vst.idx.msk $0xffff, v23;
	v10 =	vbroadcast v10, $0x0  }
0x216: {  	v13 =	vbroadcast v13, $0x0;
	v20 =	vshrl.u32 v20, $0x3;
	v23 =	vadd.s32 v7, v12;
	v22 =	vld [tilespmem:s11+$0x60];
	[tilespmem:v11+s13+$0x0] =	vst.idx.msk $0xffff, v18  }
0x217: {  	s0 =	sadd.s32 $0xFFFFFFF8, s16;
	v12 =	vmov s26;
	v11 =	vshll.u32 v20, v1;
	[tilespmem:v19+s13+$0x0] =	vst.idx.msk $0xffff, v21;
	v19 =	vld [tilespmem:s14+$0xF0];
	v10 =	vadd.s32 v8, v10  }
0x218: {  	v13 =	vadd.s32 v3, v13;
	v18 =	vmov s0;
	v11 =	vbroadcast v11, $0x0;
	v20 =	vld [tilespmem:s11+$0xFFFFFF60];
	[tilespmem:v15+s13+$0x0] =	vst.idx.msk $0xffff, v24  }
0x219: {  	v21 =	vmov s25;
	v15 =	vshrl.u32 v12, $0x3;
	v24 =	vshrl.u32 v18, $0x3;
	v18 =	vld [tilespmem:s14+$0xFFFFFFF0];
	s14 =	smov.u32 s11  }
0x21a: {  	v12 =	vadd.s32 v4, v11;
	v11 =	vshll.u32 v15, v1;
	v15 =	vshll.u32 v24, v1  }
0x21b: {  	v21 =	vshrl.u32 v21, $0x3;
	v11 =	vbroadcast v11, $0x0;
	v15 =	vbroadcast v15, $0x0;
	[tilespmem:v23+s13+$0x0] =	vst.idx.msk $0xffff, v22  }
0x21c: {  	v26 =	vmov s5;
	v21 =	vshll.u32 v21, v1;
	v24 =	vmov s21;
	[tilespmem:v10+s13+$0x0] =	vst.idx.msk $0xffff, v19  }
.Ltmp6:
0x21d: {  	s0 =	sadd.s32 $0xFFFFFFF9, s16;
	v11 =	vadd.s32 v5, v11;
	v10 =	vbroadcast v21, $0x0;
	v21 =	vadd.s32 v8, v15;
	[tilespmem:v25+s13+$0x0] =	vst.idx.msk $0xffff, v20;
	v22 =	vld [tilespmem:s11+$0x70];
	(pc) =	sbr.rel @p1 .LBB2_9-.Ltmp6, $4  }
0x21e: {  	v15 =	vshrl.u32 v24, $0x3;
	v19 =	vshrl.u32 v26, $0x3;
	v20 =	vmov s0;
	v23 =	vld [tilespmem:s11+$0xFFFFFF70]  }
0x21f: {  	v15 =	vshll.u32 v15, v1;
	v10 =	vadd.s32 v6, v10;
	v24 =	vshrl.u32 v20, $0x3  }
0x220: {  	v20 =	vbroadcast v15, $0x0;
	v15 =	vshll.u32 v19, v1;
	v19 =	vshll.u32 v24, v1  }
0x221: {  	s16 =	sadd.s32 $0x20, s16;
	v24 =	vbroadcast v19, $0x0;
	v19 =	vadd.s32 v8, v9;
	v9 =	vbroadcast v15, $0x0  }
0x222: {  	_ =	sdelay $0x3  }
0x223: {  	[tilespmem:v21+s13+$0x0] =	vst.idx.msk $0xffff, v22  }
0x224: {  	s0 =	sadd.s32 $0xFFFFFFFA, s22;
	[tilespmem:v17+s13+$0x0] =	vst.idx.msk $0xffff, v23;
	v15 =	vld [tilespmem:s11+$0x80];
	v17 =	vadd.s32 v0, v24  }
0x225: {  	v22 =	vmov s0;
	v21 =	vld [tilespmem:s11+$0xFFFFFF80]  }
0x226: {  	v22 =	vshrl.u32 v22, $0x3  }
0x227: {  	v22 =	vshll.u32 v22, v1  }
0x228: {  	v22 =	vbroadcast v22, $0x0  }
0x229: {  	[tilespmem:v17+s13+$0x0] =	vst.idx.msk $0xffff, v15  }
0x22a: {  	s20 =	sadd.s32 $0xFFFFFFFB, s22;
	[tilespmem:v16+s13+$0x0] =	vst.idx.msk $0xffff, v21;
	v15 =	vld [tilespmem:s14+$0x90];
	v16 =	vadd.s32 v2, v22  }
0x22b: {  	v17 =	vmov s20;
	v21 =	vld [tilespmem:s14+$0xFFFFFF90]  }
0x22c: {  	v17 =	vshrl.u32 v17, $0x3  }
0x22d: {  	v17 =	vshll.u32 v17, v1  }
0x22e: {  	v17 =	vbroadcast v17, $0x0  }
0x22f: {  	[tilespmem:v16+s13+$0x0] =	vst.idx.msk $0xffff, v15  }
0x230: {  	s21 =	sadd.s32 $0xFFFFFFFC, s22;
	v16 =	vadd.s32 v3, v17;
	v15 =	vld [tilespmem:s14+$0xA0];
	[tilespmem:v14+s13+$0x0] =	vst.idx.msk $0xffff, v21  }
0x231: {  	v14 =	vmov s21;
	v17 =	vld [tilespmem:s14+$0xFFFFFFA0]  }
0x232: {  	v14 =	vshrl.u32 v14, $0x3  }
0x233: {  	v14 =	vshll.u32 v14, v1  }
0x234: {  	v14 =	vbroadcast v14, $0x0  }
0x235: {  	[tilespmem:v16+s13+$0x0] =	vst.idx.msk $0xffff, v15  }
0x236: {  	s25 =	sadd.s32 $0xFFFFFFFD, s22;
	v14 =	vadd.s32 v4, v14;
	v15 =	vld [tilespmem:s14+$0xB0];
	[tilespmem:v13+s13+$0x0] =	vst.idx.msk $0xffff, v17  }
0x237: {  	v13 =	vmov s25;
	v16 =	vld [tilespmem:s14+$0xFFFFFFB0]  }
0x238: {  	v13 =	vshrl.u32 v13, $0x3  }
0x239: {  	v13 =	vshll.u32 v13, v1  }
0x23a: {  	v13 =	vbroadcast v13, $0x0  }
0x23b: {  	[tilespmem:v14+s13+$0x0] =	vst.idx.msk $0xffff, v15  }
0x23c: {  	s26 =	sadd.s32 $0xFFFFFFFE, s22;
	v13 =	vadd.s32 v5, v13;
	v14 =	vld [tilespmem:s14+$0xC0];
	[tilespmem:v12+s13+$0x0] =	vst.idx.msk $0xffff, v16  }
0x23d: {  	v12 =	vmov s26;
	v15 =	vld [tilespmem:s14+$0xFFFFFFC0]  }
0x23e: {  	v12 =	vshrl.u32 v12, $0x3  }
0x23f: {  	v12 =	vshll.u32 v12, v1  }
0x240: {  	v12 =	vbroadcast v12, $0x0  }
0x241: {  	[tilespmem:v13+s13+$0x0] =	vst.idx.msk $0xffff, v14  }
0x242: {  	s28 =	sadd.s32 $0xFFFFFFFF, s22;
	v12 =	vadd.s32 v6, v12;
	v13 =	vld [tilespmem:s14+$0xD0];
	[tilespmem:v11+s13+$0x0] =	vst.idx.msk $0xffff, v15  }
0x243: {  	v11 =	vmov s28;
	v14 =	vld [tilespmem:s14+$0xFFFFFFD0]  }
0x244: {  	v11 =	vshrl.u32 v11, $0x3  }
0x245: {  	v11 =	vshll.u32 v11, v1  }
0x246: {  	v11 =	vbroadcast v11, $0x0  }
0x247: {  	[tilespmem:v12+s13+$0x0] =	vst.idx.msk $0xffff, v13  }
0x248: {  	v11 =	vadd.s32 v7, v11;
	v12 =	vld [tilespmem:s14+$0xE0];
	[tilespmem:v10+s13+$0x0] =	vst.idx.msk $0xffff, v14  }
0x249: {  	v13 =	vmov s22;
	v10 =	vadd.s32 v7, v20;
	v14 =	vld [tilespmem:s14+$0xFFFFFFE0]  }
0x24a: {  	v13 =	vshrl.u32 v13, $0x3  }
0x24b: {  	v13 =	vshll.u32 v13, v1  }
0x24c: {  	v13 =	vbroadcast v13, $0x0  }
0x24d: {  	[tilespmem:v11+s13+$0x0] =	vst.idx.msk $0xffff, v12  }
0x24e: {  	v12 =	vadd.s32 v8, v13;
	v11 =	vld [tilespmem:s14+$0xF0];
	[tilespmem:v10+s13+$0x0] =	vst.idx.msk $0xffff, v14  }
0x24f: {  	v9 =	vadd.s32 v8, v9;
	v10 =	vld [tilespmem:s14+$0xFFFFFFF0]  }
0x250: {  	s29 =	rddreg [dreg:$0xa]  }
0x251: {  	s0 =	sadd.s32 s10, s29  }
0x252: {  	[tilespmem:v19+s13+$0x0] =	vst.idx.msk $0xffff, v18;
	s0 =	sshll.u32 s0, $0x7  }
0x253: {  	s0 =	sand.u32 $0x1FFFFE80, s0;
	[tilespmem:v12+s13+$0x0] =	vst.idx.msk $0xffff, v11  }
0x254: {  	s0 =	sadd.s32 s3, s0;
	[tilespmem:v9+s13+$0x0] =	vst.idx.msk $0xffff, v10  }
0x255: {  	[hbm4b:s0+s4] =	stream.linear.scatter [tilespmem:s13], [sflag:$0xA], $0x400, $0x38;
	[tilespmem:$0x19100] =	vst v63  }
0x256: {  	s5 =	simm.s32 $0x15488;
	s2 =	sadd.s32 $0x64000, s0  }
0x257: {  	[hbm4b:s2+s4] =	stream.linear.scatter [tilespmem:s5], [sflag:$0xA], $0x400, $0x38;
	[tilespmem:$0x19100] =	vst v63  }
0x258: {  	s31 =	simm.s32 $0x15890;
	s30 =	sadd.s32 $0xC8000, s0  }
0x259: {  	[hbm4b:s30+s4] =	stream.linear.scatter [tilespmem:s31], [sflag:$0xA], $0x400, $0x38;
	[tilespmem:$0x19100] =	vst v63  }
0x25a: {  	s11 =	simm.s32 $0x15C98;
	s6 =	sadd.s32 $0x12C000, s0  }
0x25b: {  	[hbm4b:s6+s4] =	stream.linear.scatter [tilespmem:s11], [sflag:$0xA], $0x400, $0x38;
	[tilespmem:$0x19100] =	vst v63  }
0x25c: {  	s15 =	simm.s32 $0x160A0;
	s14 =	sadd.s32 $0x190000, s0  }
0x25d: {  	[hbm4b:s14+s4] =	stream.linear.scatter [tilespmem:s15], [sflag:$0xA], $0x400, $0x38;
	[tilespmem:$0x19100] =	vst v63  }
0x25e: {  	s18 =	simm.s32 $0x164A8;
	s16 =	sadd.s32 $0x1F4000, s0  }
0x25f: {  	[hbm4b:s16+s4] =	stream.linear.scatter [tilespmem:s18], [sflag:$0xA], $0x400, $0x38;
	[tilespmem:$0x19100] =	vst v63  }
0x260: {  	s20 =	simm.s32 $0x168B0;
	s19 =	sadd.s32 $0x258000, s0  }
0x261: {  	[hbm4b:s19+s4] =	stream.linear.scatter [tilespmem:s20], [sflag:$0xA], $0x400, $0x38;
	[tilespmem:$0x19100] =	vst v63  }
0x262: {  	s22 =	simm.s32 $0x16CB8;
	s21 =	sadd.s32 $0x2BC000, s0  }
0x263: {  	[hbm4b:s21+s4] =	stream.linear.scatter [tilespmem:s22], [sflag:$0xA], $0x400, $0x38;
	[tilespmem:$0x19100] =	vst v63  }
0x264: {  	s26 =	simm.s32 $0x170C0;
	s25 =	sadd.s32 $0x320000, s0  }
0x265: {  	[hbm4b:s25+s4] =	stream.linear.scatter [tilespmem:s26], [sflag:$0xA], $0x400, $0x38;
	[tilespmem:$0x19100] =	vst v63  }
0x266: {  	s29 =	simm.s32 $0x174C8;
	s28 =	sadd.s32 $0x384000, s0  }
0x267: {  	[hbm4b:s28+s4] =	stream.linear.scatter [tilespmem:s29], [sflag:$0xA], $0x400, $0x38;
	[tilespmem:$0x19100] =	vst v63  }
0x268: {  	s30 =	sadd.s32 $0x3E8000, s0;
	s31 =	simm.s32 $0x178D0  }
0x269: {  	[hbm4b:s30+s4] =	stream.linear.scatter [tilespmem:s31], [sflag:$0xA], $0x400, $0x38;
	[tilespmem:$0x19100] =	vst v63  }
0x26a: {  	s6 =	sadd.s32 $0x44C000, s0;
	s11 =	simm.s32 $0x17CD8  }
0x26b: {  	[hbm4b:s6+s4] =	stream.linear.scatter [tilespmem:s11], [sflag:$0xA], $0x400, $0x38;
	[tilespmem:$0x19100] =	vst v63  }
0x26c: {  	s14 =	sadd.s32 $0x4B0000, s0;
	s15 =	simm.s32 $0x180E0  }
0x26d: {  	[hbm4b:s14+s4] =	stream.linear.scatter [tilespmem:s15], [sflag:$0xA], $0x400, $0x38;
	[tilespmem:$0x19100] =	vst v63  }
0x26e: {  	s16 =	sadd.s32 $0x514000, s0;
	s18 =	simm.s32 $0x184E8  }
0x26f: {  	[hbm4b:s16+s4] =	stream.linear.scatter [tilespmem:s18], [sflag:$0xA], $0x400, $0x38;
	[tilespmem:$0x19100] =	vst v63  }
0x270: {  	s19 =	sadd.s32 $0x578000, s0;
	s20 =	simm.s32 $0x188F0  }
0x271: {  	[hbm4b:s19+s4] =	stream.linear.scatter [tilespmem:s20], [sflag:$0xA], $0x400, $0x38;
	[tilespmem:$0x19100] =	vst v63  }
0x272: {  	s0 =	sadd.s32 $0x5DC000, s0;
	s21 =	simm.s32 $0x18CF8  }
0x273: {  	[hbm4b:s0+s4] =	stream.linear.scatter [tilespmem:s21], [sflag:$0xA], $0x400, $0x38;
	[tilespmem:$0x19100] =	vst v63  }
0x274: {  	s0 =	simm.s32 @p0 $0x7  }
0x275: {  	_ =	swait.ge @p0 [sflag:s0], $0x4000  }
0x276: {  	s2 =	rddreg [dreg:$0xb]  }
0x277: {  	s2 =	sadd.s32 @!p0 s10, s2  }
0x278: {  	[sflag:s0] =	ssyncset.done @p0 $0x0;
	s2 =	sshll.u32 @!p0 s2, $0x7  }
0x279: {  	[sflag:s0] =	ssyncadd.s32 @p0 $0xFFFFC000;
	s0 =	sand.u32 @!p0 $0x1FFFFE80, s2  }
0x27a: {  	s5 =	simm.s32 @!p0 $0x400;
	s2 =	simm.s32 @!p0 $0x0;
	s0 =	sadd.s32 @!p0 s1, s0  }
0x27b: {  	[tilespmem:s5], [sflag:$0x2] =	stream.linear.gather @!p0 [hbm4b:s0+s2], $0x400, $0x38;
	[tilespmem:$0x19100] =	vst v63  }
0x27c: {  	s0 =	simm.s32 @!p0 $0x7  }
0x27d: {  	_ =	swait.ge @!p0 [sflag:s0], $0x4000  }
0x27e: {  	[sflag:s0] =	ssyncset.done @!p0 $0x0  }
0x27f: {  	[sflag:s0] =	ssyncadd.s32 @!p0 $0xFFFFC000;
	s0 =	simm.s32 @!p0 $0x2  }
0x280: {  	_ =	swait.ge @!p0 [sflag:s0], $0x400  }
0x281: {  	[sflag:s0] =	ssyncset.done @!p0 $0x0  }
0x282: {  	s2 =	simm.s32 @!p0 $0x5000;
	[sflag:s0] =	ssyncadd.s32 @!p0 $0xFFFFFC00;
	s0 =	simm.s32 @!p0 $0x80  }
0x283: {  	[tilespmem:s2], [sflag:$0x6] =	stream.indirect.gather @!p0 [hbm4b:s7+s0], $0x10, s5, s0, $0xb8;
	[tilespmem:$0x19100] =	vst v63  }
0x284: {  	s2 =	simm.s32 @!p0 $0x480;
	s5 =	simm.s32 @!p0 $0x5800  }
0x285: {  	[tilespmem:s5], [sflag:$0x6] =	stream.indirect.gather @!p0 [hbm4b:s7+s0], $0x10, s2, s0, $0xb8;
	[tilespmem:$0x19100] =	vst v63  }
0x286: {  	s2 =	simm.s32 @!p0 $0x500;
	s5 =	simm.s32 @!p0 $0x6000  }
0x287: {  	[tilespmem:s5], [sflag:$0x6] =	stream.indirect.gather @!p0 [hbm4b:s7+s0], $0x10, s2, s0, $0xb8;
	[tilespmem:$0x19100] =	vst v63  }
0x288: {  	s2 =	simm.s32 @!p0 $0x580;
	s5 =	simm.s32 @!p0 $0x6800  }
0x289: {  	[tilespmem:s5], [sflag:$0x6] =	stream.indirect.gather @!p0 [hbm4b:s7+s0], $0x10, s2, s0, $0xb8;
	[tilespmem:$0x19100] =	vst v63  }
0x28a: {  	s2 =	simm.s32 @!p0 $0x600;
	s5 =	simm.s32 @!p0 $0x7000  }
0x28b: {  	[tilespmem:s5], [sflag:$0x6] =	stream.indirect.gather @!p0 [hbm4b:s7+s0], $0x10, s2, s0, $0xb8;
	[tilespmem:$0x19100] =	vst v63  }
0x28c: {  	s2 =	simm.s32 @!p0 $0x680;
	s5 =	simm.s32 @!p0 $0x7800  }
0x28d: {  	[tilespmem:s5], [sflag:$0x6] =	stream.indirect.gather @!p0 [hbm4b:s7+s0], $0x10, s2, s0, $0xb8;
	[tilespmem:$0x19100] =	vst v63  }
0x28e: {  	s22 =	simm.s32 $0x10;
	s2 =	simm.s32 @!p0 $0x700;
	s5 =	simm.s32 @!p0 $0x8000  }
0x28f: {  	[tilespmem:s5], [sflag:$0x6] =	stream.indirect.gather @!p0 [hbm4b:s7+s0], $0x10, s2, s0, $0xb8;
	[tilespmem:$0x19100] =	vst v63  }
0x290: {  	v9 =	vmov s22;
	s25 =	simm.s32 $0x0;
	s6 =	simm.s32 @!p0 $0x8800;
	s5 =	simm.s32 @!p0 $0x780  }
0x291: {  	v9 =	vshrl.u32 v9, $0x3;
	[tilespmem:s6], [sflag:$0x6] =	stream.indirect.gather @!p0 [hbm4b:s7+s0], $0x10, s5, s0, $0xb8;
	[tilespmem:$0x19100] =	vst v63  }
0x292: {  	v9 =	vshll.u32 v9, v1;
	v10 =	vmov s25;
	_ =	swait.ge [sflag:s8], $0x4000  }
0x293: {  	v9 =	vbroadcast v9, $0x0;
	v10 =	vshrl.u32 v10, $0x3;
	[sflag:s8] =	ssyncset.done $0x0  }
0x294: {  	s22 =	simm.s32 $0x9100;
	v10 =	vshll.u32 v10, v1;
	[sflag:s8] =	ssyncadd.s32 $0xFFFFC000  }
0x295: {  	s26 =	simm.s32 $0x11;
	v9 =	vadd.s32 v0, v9;
	v10 =	vbroadcast v10, $0x0;
	v11 =	vld [tilespmem:s22+$0x0]  }
0x296: {  	v12 =	vmov s26  }
0x297: {  	v12 =	vshrl.u32 v12, $0x3;
	s28 =	simm.s32 $0x1;
	v10 =	vadd.s32 v0, v10;
	v13 =	vld [tilespmem:s22+$0xFFFFFF00]  }
0x298: {  	v12 =	vshll.u32 v12, v1;
	v14 =	vmov s28  }
0x299: {  	v12 =	vbroadcast v12, $0x0;
	v14 =	vshrl.u32 v14, $0x3  }
0x29a: {  	s29 =	simm.s32 $0x12;
	[tilespmem:v9+s24+$0x0] =	vst.idx.msk $0xffff, v11;
	v9 =	vshll.u32 v14, v1  }
0x29b: {  	v12 =	vadd.s32 v2, v12;
	v14 =	vmov s29;
	v11 =	vld [tilespmem:s22+$0x10];
	v9 =	vbroadcast v9, $0x0  }
0x29c: {  	[tilespmem:v10+s24+$0x0] =	vst.idx.msk $0xffff, v13;
	v10 =	vshrl.u32 v14, $0x3  }
0x29d: {  	s30 =	simm.s32 $0x2;
	v14 =	vld [tilespmem:s22+$0xFFFFFF10];
	v10 =	vshll.u32 v10, v1;
	v9 =	vadd.s32 v2, v9  }
0x29e: {  	v13 =	vmov s30;
	v10 =	vbroadcast v10, $0x0  }
0x29f: {  	s31 =	simm.s32 $0x3;
	v13 =	vshrl.u32 v13, $0x3  }
0x2a0: {  	v15 =	vmov s31;
	s2 =	simm.s32 $0x4;
	v13 =	vshll.u32 v13, v1;
	v10 =	vadd.s32 v3, v10;
	[tilespmem:v12+s24+$0x0] =	vst.idx.msk $0xffff, v11  }
0x2a1: {  	s5 =	simm.s32 $0x13;
	v11 =	vbroadcast v13, $0x0;
	v12 =	vshrl.u32 v15, $0x3;
	v15 =	vmov s2;
	v13 =	vld [tilespmem:s22+$0x20]  }
0x2a2: {  	v16 =	vmov s5;
	v15 =	vshrl.u32 v15, $0x3;
	[tilespmem:v9+s24+$0x0] =	vst.idx.msk $0xffff, v14  }
0x2a3: {  	s6 =	simm.s32 $0x5;
	v11 =	vadd.s32 v3, v11;
	v9 =	vshrl.u32 v16, $0x3;
	v14 =	vshll.u32 v15, v1;
	v15 =	vld [tilespmem:s22+$0xFFFFFF20]  }
0x2a4: {  	v12 =	vshll.u32 v12, v1;
	v16 =	vmov s6;
	v9 =	vshll.u32 v9, v1  }
0x2a5: {  	s25 =	simm.s32 $0xB;
	v14 =	vbroadcast v14, $0x0;
	v16 =	vshrl.u32 v16, $0x3;
	v9 =	vbroadcast v9, $0x0  }
0x2a6: {  	v21 =	vmov s25;
	v12 =	vbroadcast v12, $0x0;
	[tilespmem:v10+s24+$0x0] =	vst.idx.msk $0xffff, v13;
	v13 =	vshll.u32 v16, v1  }
0x2a7: {  	s25 =	simm.s32 $0x24;
	s14 =	simm.s32 $0x14;
	v10 =	vadd.s32 v5, v14;
	v9 =	vadd.s32 v4, v9;
	v14 =	vld [tilespmem:s22+$0x30];
	v13 =	vbroadcast v13, $0x0  }
0x2a8: {  	v59 =	vmov s25;
	s11 =	simm.s32 $0x6;
	v17 =	vmov s14;
	v12 =	vadd.s32 v4, v12;
	[tilespmem:v11+s24+$0x0] =	vst.idx.msk $0xffff, v15  }
0x2a9: {  	s15 =	simm.s32 $0x7;
	v16 =	vmov s11;
	v11 =	vshrl.u32 v17, $0x3;
	v15 =	vadd.s32 v6, v13;
	v13 =	vld [tilespmem:s22+$0xFFFFFF30]  }
0x2aa: {  	v18 =	vmov s15;
	s11 =	simm.s32 $0x19;
	v16 =	vshrl.u32 v16, $0x3;
	v11 =	vshll.u32 v11, v1  }
0x2ab: {  	s16 =	simm.s32 $0x8;
	s18 =	simm.s32 $0x15;
	v24 =	vmov s11;
	v17 =	vshrl.u32 v18, $0x3;
	v11 =	vbroadcast v11, $0x0  }
0x2ac: {  	v18 =	vmov s18;
	v17 =	vshll.u32 v17, v1;
	[tilespmem:v9+s24+$0x0] =	vst.idx.msk $0xffff, v14;
	v14 =	vmov s16  }
0x2ad: {  	v9 =	vbroadcast v17, $0x0;
	v11 =	vadd.s32 v5, v11;
	v17 =	vld [tilespmem:s22+$0x40];
	v14 =	vshrl.u32 v14, $0x3  }
0x2ae: {  	v16 =	vshll.u32 v16, v1;
	v18 =	vshrl.u32 v18, $0x3;
	v14 =	vshll.u32 v14, v1;
	[tilespmem:v12+s24+$0x0] =	vst.idx.msk $0xffff, v13  }
0x2af: {  	v19 =	vadd.s32 v8, v9;
	v9 =	vshll.u32 v18, v1;
	v12 =	vbroadcast v14, $0x0;
	v13 =	vld [tilespmem:s22+$0xFFFFFF40]  }
0x2b0: {  	s19 =	simm.s32 $0x9;
	s20 =	simm.s32 $0xA;
	v24 =	vshrl.u32 v24, $0x3;
	v16 =	vbroadcast v16, $0x0;
	v9 =	vbroadcast v9, $0x0  }
0x2b1: {  	s21 =	simm.s32 $0x16;
	v18 =	vmov s20;
	v14 =	vmov s19;
	v20 =	vadd.s32 v0, v12  }
0x2b2: {  	v12 =	vshrl.u32 v14, $0x3;
	v14 =	vmov s21;
	v9 =	vadd.s32 v6, v9;
	[tilespmem:v11+s24+$0x0] =	vst.idx.msk $0xffff, v17  }
0x2b3: {  	s18 =	simm.s32 $0x1A;
	v11 =	vshll.u32 v12, v1;
	v12 =	vshrl.u32 v14, $0x3;
	v14 =	vshrl.u32 v18, $0x3;
	v17 =	vld [tilespmem:s22+$0x50]  }
0x2b4: {  	v24 =	vshll.u32 v24, v1;
	v26 =	vmov s18;
	v18 =	vshll.u32 v14, v1;
	[tilespmem:v10+s24+$0x0] =	vst.idx.msk $0xffff, v13  }
0x2b5: {  	v11 =	vbroadcast v11, $0x0;
	v12 =	vshll.u32 v12, v1;
	v10 =	vbroadcast v18, $0x0;
	v18 =	vld [tilespmem:s22+$0xFFFFFF50]  }
0x2b6: {  	v24 =	vbroadcast v24, $0x0;
	v26 =	vshrl.u32 v26, $0x3;
	v12 =	vbroadcast v12, $0x0  }
0x2b7: {  	s26 =	simm.s32 $0xC;
	v16 =	vadd.s32 v7, v16;
	v14 =	vadd.s32 v2, v11;
	v11 =	vshrl.u32 v21, $0x3  }
0x2b8: {  	s28 =	simm.s32 $0x17;
	v21 =	vadd.s32 v7, v12;
	v11 =	vshll.u32 v11, v1;
	v12 =	vmov s26;
	[tilespmem:v9+s24+$0x0] =	vst.idx.msk $0xffff, v17  }
0x2b9: {  	s29 =	simm.s32 $0xD;
	v13 =	vadd.s32 v3, v10;
	v10 =	vbroadcast v11, $0x0;
	v11 =	vmov s28;
	v22 =	vld [tilespmem:s22+$0x60]  }
0x2ba: {  	v9 =	vshrl.u32 v12, $0x3;
	v17 =	vmov s29;
	v11 =	vshrl.u32 v11, $0x3;
	[tilespmem:v15+s24+$0x0] =	vst.idx.msk $0xffff, v18  }
0x2bb: {  	s30 =	simm.s32 $0xE;
	v12 =	vadd.s32 v4, v10;
	v9 =	vshll.u32 v9, v1;
	v10 =	vshll.u32 v11, v1;
	v23 =	vld [tilespmem:s22+$0xFFFFFF60]  }
0x2bc: {  	s31 =	simm.s32 $0xF;
	v11 =	vshrl.u32 v17, $0x3;
	v17 =	vmov s30;
	v9 =	vbroadcast v9, $0x0  }
0x2bd: {  	v10 =	vbroadcast v10, $0x0;
	v15 =	vshll.u32 v11, v1;
	v18 =	vmov s31  }
0x2be: {  	s2 =	simm.s32 $0x18;
	v15 =	vbroadcast v15, $0x0;
	v18 =	vshrl.u32 v18, $0x3;
	v11 =	vadd.s32 v5, v9;
	[tilespmem:v21+s24+$0x0] =	vst.idx.msk $0xffff, v22  }
0x2bf: {  	v9 =	vshrl.u32 v17, $0x3;
	v17 =	vmov s2;
	v21 =	vadd.s32 v8, v10;
	v22 =	vld [tilespmem:s22+$0x70]  }
0x2c0: {  	s6 =	simm.s32 $0x30;
	v26 =	vshll.u32 v26, v1;
	v18 =	vshll.u32 v18, v1;
	v17 =	vshrl.u32 v17, $0x3;
	[tilespmem:v16+s24+$0x0] =	vst.idx.msk $0xffff, v23  }
0x2c1: {  	s26 =	simm.s32 $0x25;
	v10 =	vadd.s32 v6, v15;
	v15 =	vbroadcast v18, $0x0;
	v18 =	vmov s6;
	v23 =	vld [tilespmem:s22+$0xFFFFFF70]  }
0x2c2: {  	s5 =	simm.s32 $0x20;
	v60 =	vmov s26;
	v17 =	vshll.u32 v17, v1;
	v18 =	vshrl.u32 v18, $0x3  }
0x2c3: {  	v17 =	vbroadcast v17, $0x0;
	v16 =	vmov s5;
	v18 =	vshll.u32 v18, v1  }
0x2c4: {  	s14 =	simm.s32 $0x21;
	v9 =	vshll.u32 v9, v1;
	v16 =	vshrl.u32 v16, $0x3;
	v18 =	vbroadcast v18, $0x0;
	[tilespmem:v21+s24+$0x0] =	vst.idx.msk $0xffff, v22  }
0x2c5: {  	s11 =	simm.s32 $0x9300;
	v17 =	vadd.s32 v0, v17;
	v16 =	vshll.u32 v16, v1;
	v21 =	vmov s14;
	v25 =	vld [tilespmem:s22+$0x80]  }
0x2c6: {  	v27 =	vld [tilespmem:s11+$0x0];
	s16 =	simm.s32 $0x31;
	v16 =	vbroadcast v16, $0x0;
	v18 =	vadd.s32 v0, v18;
	v21 =	vshrl.u32 v21, $0x3;
	[tilespmem:v19+s24+$0x0] =	vst.idx.msk $0xffff, v23  }
0x2c7: {  	v19 =	vshll.u32 v21, v1;
	v21 =	vmov s16;
	v23 =	vadd.s32 v2, v24;
	v24 =	vld [tilespmem:s22+$0xFFFFFF80]  }
0x2c8: {  	s15 =	simm.s32 $0x22;
	v9 =	vbroadcast v9, $0x0;
	v19 =	vbroadcast v19, $0x0;
	v21 =	vshrl.u32 v21, $0x3  }
0x2c9: {  	v28 =	vld [tilespmem:s11+$0xFFFFFF00];
	v22 =	vmov s15;
	v16 =	vadd.s32 v0, v16;
	v21 =	vshll.u32 v21, v1  }
0x2ca: {  	s19 =	simm.s32 $0x23;
	v22 =	vshrl.u32 v22, $0x3;
	v19 =	vadd.s32 v2, v19;
	v21 =	vbroadcast v21, $0x0;
	[tilespmem:v17+s24+$0x0] =	vst.idx.msk $0xffff, v25  }
0x2cb: {  	[tilespmem:v18+s24+$0x0] =	vst.idx.msk $0xffff, v27;
	v17 =	vshll.u32 v22, v1;
	v22 =	vmov s19;
	v25 =	vbroadcast v26, $0x0;
	v26 =	vld [tilespmem:s22+$0x90]  }
0x2cc: {  	s20 =	simm.s32 $0x32;
	v27 =	vld [tilespmem:s11+$0x10];
	v17 =	vbroadcast v17, $0x0;
	v22 =	vshrl.u32 v22, $0x3;
	v21 =	vadd.s32 v2, v21;
	[tilespmem:v20+s24+$0x0] =	vst.idx.msk $0xffff, v24  }
0x2cd: {  	s21 =	simm.s32 $0x1B;
	v20 =	vshll.u32 v22, v1;
	v22 =	vmov s20;
	v24 =	vadd.s32 v3, v25;
	v25 =	vld [tilespmem:s22+$0xFFFFFF90]  }
0x2ce: {  	[tilespmem:v16+s24+$0x0] =	vst.idx.msk $0xffff, v28;
	v18 =	vshrl.u32 v22, $0x3;
	v22 =	vmov s21;
	v16 =	vbroadcast v20, $0x0  }
0x2cf: {  	v17 =	vadd.s32 v3, v17;
	v18 =	vshll.u32 v18, v1;
	v20 =	vshrl.u32 v22, $0x3;
	v22 =	vld [tilespmem:s11+$0xFFFFFF10]  }
0x2d0: {  	v18 =	vbroadcast v18, $0x0;
	v20 =	vshll.u32 v20, v1;
	v16 =	vadd.s32 v4, v16;
	[tilespmem:v23+s24+$0x0] =	vst.idx.msk $0xffff, v26  }
0x2d1: {  	s29 =	simm.s32 $0x1C;
	v23 =	vshrl.u32 v59, $0x3;
	v20 =	vbroadcast v20, $0x0;
	[tilespmem:v21+s24+$0x0] =	vst.idx.msk $0xffff, v27;
	v21 =	vshrl.u32 v60, $0x3;
	v26 =	vld [tilespmem:s22+$0xA0]  }
0x2d2: {  	s28 =	simm.s32 $0x33;
	v27 =	vmov s29;
	v23 =	vshll.u32 v23, v1;
	v18 =	vadd.s32 v3, v18;
	[tilespmem:v14+s24+$0x0] =	vst.idx.msk $0xffff, v25  }
0x2d3: {  	v21 =	vshll.u32 v21, v1;
	v14 =	vbroadcast v23, $0x0;
	v23 =	vmov s28;
	v25 =	vld [tilespmem:s22+$0xFFFFFFA0]  }
0x2d4: {  	s31 =	simm.s32 $0x27;
	v61 =	vld [tilespmem:s11+$0x20];
	v20 =	vadd.s32 v4, v20;
	v21 =	vbroadcast v21, $0x0;
	v23 =	vshrl.u32 v23, $0x3;
	[tilespmem:v19+s24+$0x0] =	vst.idx.msk $0xffff, v22  }
0x2d5: {  	v22 =	vshrl.u32 v27, $0x3;
	v27 =	vmov s31;
	v19 =	vshll.u32 v23, v1;
	v23 =	vld [tilespmem:s11+$0xFFFFFF20]  }
0x2d6: {  	s30 =	simm.s32 $0x26;
	v14 =	vadd.s32 v5, v14;
	v22 =	vshll.u32 v22, v1;
	v19 =	vbroadcast v19, $0x0;
	[tilespmem:v24+s24+$0x0] =	vst.idx.msk $0xffff, v26  }
0x2d7: {  	s2 =	simm.s32 $0x34;
	v21 =	vadd.s32 v6, v21;
	v27 =	vshrl.u32 v27, $0x3;
	v24 =	vmov s30;
	v26 =	vld [tilespmem:s22+$0xB0]  }
0x2d8: {  	s5 =	simm.s32 $0x1D;
	v24 =	vshrl.u32 v24, $0x3;
	v19 =	vadd.s32 v4, v19;
	[tilespmem:v13+s24+$0x0] =	vst.idx.msk $0xffff, v25;
	v13 =	vmov s2  }
0x2d9: {  	[tilespmem:v18+s24+$0x0] =	vst.idx.msk $0xffff, v61;
	v24 =	vshll.u32 v24, v1;
	v25 =	vmov s5;
	v18 =	vld [tilespmem:s22+$0xFFFFFFB0];
	v13 =	vshrl.u32 v13, $0x3  }
0x2da: {  	[tilespmem:v17+s24+$0x0] =	vst.idx.msk $0xffff, v23;
	v17 =	vld [tilespmem:s11+$0x30];
	v23 =	vbroadcast v24, $0x0;
	v24 =	vshrl.u32 v25, $0x3;
	v13 =	vshll.u32 v13, v1  }
0x2db: {  	v22 =	vbroadcast v22, $0x0;
	v25 =	vld [tilespmem:s11+$0xFFFFFF30];
	v24 =	vshll.u32 v24, v1;
	v13 =	vbroadcast v13, $0x0  }
0x2dc: {  	s6 =	simm.s32 $0x28;
	v24 =	vbroadcast v24, $0x0;
	[tilespmem:v20+s24+$0x0] =	vst.idx.msk $0xffff, v26;
	v20 =	vadd.s32 v7, v23;
	v23 =	vshll.u32 v27, v1  }
0x2dd: {  	s14 =	simm.s32 $0x35;
	v22 =	vadd.s32 v5, v22;
	v27 =	vmov s6;
	v26 =	vld [tilespmem:s22+$0xC0];
	v23 =	vbroadcast v23, $0x0  }
0x2de: {  	v13 =	vadd.s32 v5, v13;
	v24 =	vadd.s32 v6, v24;
	[tilespmem:v12+s24+$0x0] =	vst.idx.msk $0xffff, v18;
	v18 =	vmov s14  }
0x2df: {  	s15 =	simm.s32 $0x1E;
	v12 =	vshrl.u32 v27, $0x3;
	[tilespmem:v19+s24+$0x0] =	vst.idx.msk $0xffff, v17;
	v27 =	vld [tilespmem:s22+$0xFFFFFFC0];
	v17 =	vadd.s32 v8, v23;
	v18 =	vshrl.u32 v18, $0x3  }
0x2e0: {  	v19 =	vmov s15;
	v23 =	vld [tilespmem:s11+$0x40];
	[tilespmem:v16+s24+$0x0] =	vst.idx.msk $0xffff, v25;
	v12 =	vshll.u32 v12, v1;
	v16 =	vshll.u32 v18, v1  }
0x2e1: {  	s18 =	simm.s32 $0x2A;
	s16 =	simm.s32 $0x29;
	v18 =	vshrl.u32 v19, $0x3;
	v19 =	vld [tilespmem:s11+$0xFFFFFF40];
	v12 =	vbroadcast v12, $0x0;
	v25 =	vbroadcast v16, $0x0  }
0x2e2: {  	v16 =	vshll.u32 v18, v1;
	v18 =	vmov s16;
	[tilespmem:v22+s24+$0x0] =	vst.idx.msk $0xffff, v26;
	v22 =	vmov s18  }
0x2e3: {  	s19 =	simm.s32 $0x36;
	v26 =	vbroadcast v16, $0x0;
	v16 =	vadd.s32 v0, v12;
	v12 =	vshrl.u32 v18, $0x3  }
0x2e4: {  	v62 =	vld [tilespmem:s22+$0xD0];
	v18 =	vadd.s32 v6, v25;
	[tilespmem:v11+s24+$0x0] =	vst.idx.msk $0xffff, v27;
	v11 =	vshll.u32 v12, v1;
	v12 =	vmov s19  }
0x2e5: {  	s20 =	simm.s32 $0x1F;
	v25 =	vadd.s32 v7, v26;
	[tilespmem:v13+s24+$0x0] =	vst.idx.msk $0xffff, v23;
	v26 =	vld [tilespmem:s22+$0xFFFFFFD0];
	v11 =	vbroadcast v11, $0x0;
	v12 =	vshrl.u32 v12, $0x3  }
0x2e6: {  	v13 =	vmov s20;
	v23 =	vld [tilespmem:s11+$0x50];
	[tilespmem:v14+s24+$0x0] =	vst.idx.msk $0xffff, v19;
	v19 =	vshrl.u32 v22, $0x3;
	v12 =	vshll.u32 v12, v1  }
0x2e7: {  	s21 =	simm.s32 $0x2B;
	v13 =	vshrl.u32 v13, $0x3;
	v22 =	vld [tilespmem:s11+$0xFFFFFF50];
	v14 =	vadd.s32 v2, v11;
	v11 =	vbroadcast v12, $0x0  }
0x2e8: {  	v12 =	vshll.u32 v13, v1;
	v13 =	vshll.u32 v19, v1;
	v19 =	vmov s21  }
0x2e9: {  	s25 =	simm.s32 $0x2C;
	v9 =	vadd.s32 v7, v9;
	[tilespmem:v24+s24+$0x0] =	vst.idx.msk $0xffff, v62;
	v12 =	vbroadcast v12, $0x0;
	v19 =	vshrl.u32 v19, $0x3  }
0x2ea: {  	s26 =	simm.s32 $0x37;
	v24 =	vld [tilespmem:s22+$0xE0];
	v27 =	vadd.s32 v7, v11;
	v11 =	vmov s25;
	[tilespmem:v10+s24+$0x0] =	vst.idx.msk $0xffff, v26;
	v10 =	vshll.u32 v19, v1  }
0x2eb: {  	s28 =	simm.s32 $0x2D;
	v19 =	vadd.s32 v8, v12;
	[tilespmem:v18+s24+$0x0] =	vst.idx.msk $0xffff, v23;
	v12 =	vmov s26;
	v10 =	vbroadcast v10, $0x0;
	v18 =	vld [tilespmem:s22+$0xFFFFFFE0]  }
0x2ec: {  	v11 =	vshrl.u32 v11, $0x3;
	[tilespmem:v21+s24+$0x0] =	vst.idx.msk $0xffff, v22;
	v21 =	vmov s28;
	v22 =	vshrl.u32 v12, $0x3;
	v23 =	vld [tilespmem:s11+$0x60]  }
0x2ed: {  	s30 =	simm.s32 $0x2F;
	v12 =	vadd.s32 v4, v10;
	v10 =	vshll.u32 v11, v1;
	v11 =	vshll.u32 v22, v1;
	v22 =	vld [tilespmem:s11+$0xFFFFFF60]  }
0x2ee: {  	v63 =	vmov s30;
	v21 =	vshrl.u32 v21, $0x3;
	v10 =	vbroadcast v10, $0x0  }
0x2ef: {  	s29 =	simm.s32 $0x2E;
	v13 =	vbroadcast v13, $0x0;
	v21 =	vshll.u32 v21, v1;
	[tilespmem:v25+s24+$0x0] =	vst.idx.msk $0xffff, v24;
	v24 =	vbroadcast v11, $0x0  }
0x2f0: {  	s31 =	simm.s32 $0x38;
	v26 =	vmov s29;
	v11 =	vadd.s32 v5, v10;
	v10 =	vbroadcast v21, $0x0;
	[tilespmem:v9+s24+$0x0] =	vst.idx.msk $0xffff, v18  }
0x2f1: {  	v25 =	vld [tilespmem:s22+$0xF0];
	v21 =	vadd.s32 v8, v24;
	v9 =	vshrl.u32 v26, $0x3;
	v26 =	vmov s31;
	[tilespmem:v27+s24+$0x0] =	vst.idx.msk $0xffff, v23  }
0x2f2: {  	v24 =	vshrl.u32 v63, $0x3;
	v9 =	vshll.u32 v9, v1;
	v23 =	vshrl.u32 v26, $0x3;
	[tilespmem:v20+s24+$0x0] =	vst.idx.msk $0xffff, v22;
	v22 =	vld [tilespmem:s11+$0x70]  }
0x2f3: {  	v20 =	vbroadcast v9, $0x0;
	v9 =	vshll.u32 v24, v1;
	v24 =	vshll.u32 v23, v1;
	v23 =	vld [tilespmem:s11+$0xFFFFFF70];
	_ =	sdelay $0x1  }
0x2f4: {  	s15 =	simm.s32 $0x2;
	v13 =	vadd.s32 v3, v13;
	v10 =	vadd.s32 v6, v10  }
0x2f5: {  	s14 =	simm.s32 $0x9300;
	s16 =	simm.s32 $0x5F;
	v18 =	vld [tilespmem:s22+$0xFFFFFFF0];
	s22 =	simm.s32 $0x3F;
	v9 =	vbroadcast v9, $0x0;
	v24 =	vbroadcast v24, $0x0;
	[tilespmem:v19+s24+$0x0] =	vst.idx.msk $0xffff, v25;
	v19 =	vadd.s32 v8, v15  }
.LBB2_11:
0x2f6: {  	s0 =	sadd.s32 $0xFFFFFFE1, s16;
	s5 =	sadd.s32 $0xFFFFFFE2, s16;
	s2 =	sadd.s32 $0xFFFFFFF1, s16;
	v15 =	vadd.s32 v7, v20;
	[tilespmem:v21+s24+$0x0] =	vst.idx.msk $0xffff, v22  }
0x2f7: {  	s6 =	sadd.s32 $0xFFFFFFE3, s16;
	s15 =	sadd.s32 $0x2, s15;
	v20 =	vmov s0;
	v21 =	vmov s2;
	[tilespmem:v17+s24+$0x0] =	vst.idx.msk $0xffff, v23;
	v17 =	vld [tilespmem:s11+$0x80];
	v22 =	vadd.s32 v0, v24;
	s0 =	sadd.s32 $0xFFFFFFFA, s22  }
0x2f8: {  	s18 =	sadd.s32 $0xFFFFFFE4, s16;
	s20 =	sadd.s32 $0xFFFFFFE5, s16;
	p1 =	slt.u32 s15, $0x3E;
	v20 =	vshrl.u32 v20, $0x3;
	v21 =	vshrl.u32 v21, $0x3;
	v23 =	vld [tilespmem:s11+$0xFFFFFF80];
	v24 =	vmov s0  }
0x2f9: {  	s19 =	sadd.s32 $0xFFFFFFE6, s16;
	s2 =	sadd.s32 $0xFFFFFFE8, s16;
	s0 =	sadd.s32 $0xFFFFFFE7, s16;
	v20 =	vshll.u32 v20, v1;
	v21 =	vshll.u32 v21, v1;
	v24 =	vshrl.u32 v24, $0x3  }
0x2fa: {  	s31 =	sadd.s32 $0xFFFFFFE9, s16;
	s29 =	sadd.s32 $0xFFFFFFEA, s16;
	s30 =	sadd.s32 $0xFFFFFFEB, s16;
	v20 =	vbroadcast v20, $0x0;
	v21 =	vbroadcast v21, $0x0;
	v24 =	vshll.u32 v24, v1;
	[tilespmem:v19+s24+$0x0] =	vst.idx.msk $0xffff, v18  }
0x2fb: {  	s28 =	sadd.s32 $0xFFFFFFEC, s16;
	s26 =	sadd.s32 $0xFFFFFFED, s16;
	s11 =	sadd.s32 $0x200, s11;
	v18 =	vmov s5;
	v19 =	vmov s6;
	v24 =	vbroadcast v24, $0x0  }
0x2fc: {  	s25 =	sadd.s32 $0xFFFFFFEE, s16;
	s21 =	sadd.s32 $0xFFFFFFEF, s16;
	s6 =	sadd.s32 $0xFFFFFFF2, s16;
	v18 =	vshrl.u32 v18, $0x3;
	v20 =	vadd.s32 v0, v20;
	v25 =	vld [tilespmem:s11+$0x0];
	v21 =	vadd.s32 v0, v21;
	[tilespmem:v22+s24+$0x0] =	vst.idx.msk $0xffff, v17  }
0x2fd: {  	s5 =	sadd.s32 $0xFFFFFFF0, s16;
	v17 =	vshll.u32 v18, v1;
	v18 =	vmov s6;
	s6 =	sadd.s32 $0xFFFFFFFB, s22;
	[tilespmem:v16+s24+$0x0] =	vst.idx.msk $0xffff, v23;
	v16 =	vld [tilespmem:s14+$0x90];
	v22 =	vadd.s32 v2, v24  }
0x2fe: {  	v17 =	vbroadcast v17, $0x0;
	v18 =	vshrl.u32 v18, $0x3;
	v24 =	vmov s6;
	v23 =	vld [tilespmem:s11+$0xFFFFFF00]  }
0x2ff: {  	v19 =	vshrl.u32 v19, $0x3;
	v18 =	vshll.u32 v18, v1;
	v24 =	vshrl.u32 v24, $0x3;
	v26 =	vld [tilespmem:s14+$0xFFFFFF90]  }
0x300: {  	v17 =	vadd.s32 v2, v17;
	v18 =	vbroadcast v18, $0x0;
	v24 =	vshll.u32 v24, v1  }
0x301: {  	v27 =	vmov s18;
	v19 =	vshll.u32 v19, v1;
	[tilespmem:v21+s24+$0x0] =	vst.idx.msk $0xffff, v25;
	v21 =	vbroadcast v24, $0x0  }
0x302: {  	v19 =	vbroadcast v19, $0x0;
	s6 =	sadd.s32 $0xFFFFFFF3, s16;
	v24 =	vshrl.u32 v27, $0x3;
	v18 =	vadd.s32 v2, v18;
	v25 =	vld [tilespmem:s11+$0x10];
	[tilespmem:v22+s24+$0x0] =	vst.idx.msk $0xffff, v16  }
0x303: {  	v16 =	vshll.u32 v24, v1;
	[tilespmem:v20+s24+$0x0] =	vst.idx.msk $0xffff, v23;
	v20 =	vmov s6;
	v22 =	vld [tilespmem:s14+$0xA0];
	v21 =	vadd.s32 v3, v21;
	s6 =	sadd.s32 $0xFFFFFFFC, s22  }
0x304: {  	v19 =	vadd.s32 v3, v19;
	v23 =	vld [tilespmem:s11+$0xFFFFFF10];
	v20 =	vshrl.u32 v20, $0x3;
	[tilespmem:v14+s24+$0x0] =	vst.idx.msk $0xffff, v26;
	v14 =	vmov s6  }
0x305: {  	v16 =	vbroadcast v16, $0x0;
	v20 =	vshll.u32 v20, v1;
	v24 =	vld [tilespmem:s14+$0xFFFFFFA0];
	v14 =	vshrl.u32 v14, $0x3  }
0x306: {  	v26 =	vmov s20;
	v20 =	vbroadcast v20, $0x0;
	v14 =	vshll.u32 v14, v1  }
0x307: {  	v16 =	vadd.s32 v4, v16;
	v26 =	vshrl.u32 v26, $0x3;
	[tilespmem:v18+s24+$0x0] =	vst.idx.msk $0xffff, v25;
	v14 =	vbroadcast v14, $0x0  }
0x308: {  	s6 =	sadd.s32 $0xFFFFFFF4, s16;
	v18 =	vshll.u32 v26, v1;
	v25 =	vmov s19;
	v26 =	vld [tilespmem:s11+$0x20];
	v20 =	vadd.s32 v3, v20;
	[tilespmem:v21+s24+$0x0] =	vst.idx.msk $0xffff, v22  }
0x309: {  	[tilespmem:v17+s24+$0x0] =	vst.idx.msk $0xffff, v23;
	v17 =	vbroadcast v18, $0x0;
	v18 =	vmov s6;
	v21 =	vld [tilespmem:s14+$0xB0];
	v14 =	vadd.s32 v4, v14;
	s6 =	sadd.s32 $0xFFFFFFFD, s22  }
0x30a: {  	v23 =	vshrl.u32 v25, $0x3;
	v22 =	vld [tilespmem:s11+$0xFFFFFF20];
	v18 =	vshrl.u32 v18, $0x3;
	[tilespmem:v13+s24+$0x0] =	vst.idx.msk $0xffff, v24;
	v13 =	vmov s6  }
0x30b: {  	v24 =	vadd.s32 v5, v17;
	v17 =	vshll.u32 v18, v1;
	v18 =	vld [tilespmem:s14+$0xFFFFFFB0];
	v13 =	vshrl.u32 v13, $0x3  }
0x30c: {  	v23 =	vshll.u32 v23, v1;
	v17 =	vbroadcast v17, $0x0;
	v13 =	vshll.u32 v13, v1  }
0x30d: {  	v25 =	vmov s0;
	v23 =	vbroadcast v23, $0x0;
	[tilespmem:v20+s24+$0x0] =	vst.idx.msk $0xffff, v26;
	v13 =	vbroadcast v13, $0x0  }
0x30e: {  	s0 =	sadd.s32 $0xFFFFFFF5, s16;
	v20 =	vshrl.u32 v25, $0x3;
	v25 =	vmov s2;
	v26 =	vld [tilespmem:s11+$0x30];
	v17 =	vadd.s32 v4, v17;
	[tilespmem:v14+s24+$0x0] =	vst.idx.msk $0xffff, v21  }
0x30f: {  	v14 =	vmov s0;
	s0 =	sadd.s32 $0xFFFFFFFE, s22;
	[tilespmem:v19+s24+$0x0] =	vst.idx.msk $0xffff, v22;
	v19 =	vadd.s32 v6, v23;
	v21 =	vld [tilespmem:s14+$0xC0];
	v13 =	vadd.s32 v5, v13  }
0x310: {  	v20 =	vshll.u32 v20, v1;
	v14 =	vshrl.u32 v14, $0x3;
	v22 =	vld [tilespmem:s11+$0xFFFFFF30];
	[tilespmem:v12+s24+$0x0] =	vst.idx.msk $0xffff, v18;
	v12 =	vmov s0  }
0x311: {  	v18 =	vbroadcast v20, $0x0;
	v14 =	vshll.u32 v14, v1;
	v20 =	vld [tilespmem:s14+$0xFFFFFFC0];
	v12 =	vshrl.u32 v12, $0x3  }
0x312: {  	v23 =	vshrl.u32 v25, $0x3;
	v14 =	vbroadcast v14, $0x0;
	v12 =	vshll.u32 v12, v1  }
0x313: {  	v25 =	vadd.s32 v7, v18;
	v18 =	vshll.u32 v23, v1;
	[tilespmem:v17+s24+$0x0] =	vst.idx.msk $0xffff, v26;
	v12 =	vbroadcast v12, $0x0  }
0x314: {  	s0 =	sadd.s32 $0xFFFFFFF6, s16;
	v17 =	vbroadcast v18, $0x0;
	v18 =	vmov s31;
	v14 =	vadd.s32 v5, v14;
	v23 =	vld [tilespmem:s11+$0x40];
	[tilespmem:v13+s24+$0x0] =	vst.idx.msk $0xffff, v21  }
0x315: {  	v13 =	vshrl.u32 v18, $0x3;
	[tilespmem:v16+s24+$0x0] =	vst.idx.msk $0xffff, v22;
	v16 =	vmov s0;
	v18 =	vld [tilespmem:s14+$0xD0];
	v12 =	vadd.s32 v6, v12;
	s0 =	sadd.s32 $0xFFFFFFFF, s22  }
0x316: {  	v17 =	vadd.s32 v8, v17;
	v21 =	vld [tilespmem:s11+$0xFFFFFF40];
	v16 =	vshrl.u32 v16, $0x3;
	[tilespmem:v11+s24+$0x0] =	vst.idx.msk $0xffff, v20;
	v11 =	vmov s0  }
0x317: {  	v13 =	vshll.u32 v13, v1;
	v16 =	vshll.u32 v16, v1;
	v20 =	vld [tilespmem:s14+$0xFFFFFFD0];
	v11 =	vshrl.u32 v11, $0x3  }
0x318: {  	v13 =	vbroadcast v13, $0x0;
	v22 =	vbroadcast v16, $0x0;
	v11 =	vshll.u32 v11, v1  }
0x319: {  	v27 =	vmov s30;
	v26 =	vmov s29;
	[tilespmem:v14+s24+$0x0] =	vst.idx.msk $0xffff, v23;
	v11 =	vbroadcast v11, $0x0  }
0x31a: {  	s0 =	sadd.s32 $0xFFFFFFF7, s16;
	v16 =	vadd.s32 v0, v13;
	v13 =	vshrl.u32 v26, $0x3;
	v23 =	vld [tilespmem:s11+$0x50];
	v22 =	vadd.s32 v6, v22;
	[tilespmem:v12+s24+$0x0] =	vst.idx.msk $0xffff, v18  }
0x31b: {  	v12 =	vshll.u32 v13, v1;
	v13 =	vmov s0;
	[tilespmem:v24+s24+$0x0] =	vst.idx.msk $0xffff, v21;
	v18 =	vld [tilespmem:s14+$0xE0];
	v11 =	vadd.s32 v7, v11  }
0x31c: {  	v12 =	vbroadcast v12, $0x0;
	v13 =	vshrl.u32 v13, $0x3;
	v21 =	vld [tilespmem:s11+$0xFFFFFF50];
	[tilespmem:v10+s24+$0x0] =	vst.idx.msk $0xffff, v20;
	v10 =	vmov s22;
	s22 =	smov.u32 s16  }
0x31d: {  	v20 =	vshrl.u32 v27, $0x3;
	v13 =	vshll.u32 v13, v1;
	v24 =	vld [tilespmem:s14+$0xFFFFFFE0];
	v10 =	vshrl.u32 v10, $0x3  }
0x31e: {  	v14 =	vadd.s32 v2, v12;
	v12 =	vbroadcast v13, $0x0;
	v10 =	vshll.u32 v10, v1  }
0x31f: {  	v13 =	vshll.u32 v20, v1;
	v20 =	vmov s28;
	[tilespmem:v22+s24+$0x0] =	vst.idx.msk $0xffff, v23;
	v10 =	vbroadcast v10, $0x0  }
0x320: {  	v13 =	vbroadcast v13, $0x0;
	v20 =	vshrl.u32 v20, $0x3;
	v23 =	vadd.s32 v7, v12;
	v22 =	vld [tilespmem:s11+$0x60];
	[tilespmem:v11+s24+$0x0] =	vst.idx.msk $0xffff, v18  }
0x321: {  	s0 =	sadd.s32 $0xFFFFFFF8, s16;
	v12 =	vmov s26;
	v11 =	vshll.u32 v20, v1;
	[tilespmem:v19+s24+$0x0] =	vst.idx.msk $0xffff, v21;
	v19 =	vld [tilespmem:s14+$0xF0];
	v10 =	vadd.s32 v8, v10  }
0x322: {  	v13 =	vadd.s32 v3, v13;
	v18 =	vmov s0;
	v11 =	vbroadcast v11, $0x0;
	v20 =	vld [tilespmem:s11+$0xFFFFFF60];
	[tilespmem:v15+s24+$0x0] =	vst.idx.msk $0xffff, v24  }
0x323: {  	v21 =	vmov s25;
	v15 =	vshrl.u32 v12, $0x3;
	v24 =	vshrl.u32 v18, $0x3;
	v18 =	vld [tilespmem:s14+$0xFFFFFFF0];
	s14 =	smov.u32 s11  }
0x324: {  	v12 =	vadd.s32 v4, v11;
	v11 =	vshll.u32 v15, v1;
	v15 =	vshll.u32 v24, v1  }
0x325: {  	v21 =	vshrl.u32 v21, $0x3;
	v11 =	vbroadcast v11, $0x0;
	v15 =	vbroadcast v15, $0x0;
	[tilespmem:v23+s24+$0x0] =	vst.idx.msk $0xffff, v22  }
0x326: {  	v26 =	vmov s5;
	v21 =	vshll.u32 v21, v1;
	v24 =	vmov s21;
	[tilespmem:v10+s24+$0x0] =	vst.idx.msk $0xffff, v19  }
.Ltmp7:
0x327: {  	s0 =	sadd.s32 $0xFFFFFFF9, s16;
	v11 =	vadd.s32 v5, v11;
	v10 =	vbroadcast v21, $0x0;
	v21 =	vadd.s32 v8, v15;
	[tilespmem:v25+s24+$0x0] =	vst.idx.msk $0xffff, v20;
	v22 =	vld [tilespmem:s11+$0x70];
	(pc) =	sbr.rel @p1 .LBB2_11-.Ltmp7, $4  }
0x328: {  	v15 =	vshrl.u32 v24, $0x3;
	v19 =	vshrl.u32 v26, $0x3;
	v20 =	vmov s0;
	v23 =	vld [tilespmem:s11+$0xFFFFFF70]  }
0x329: {  	v15 =	vshll.u32 v15, v1;
	v10 =	vadd.s32 v6, v10;
	v24 =	vshrl.u32 v20, $0x3  }
0x32a: {  	v20 =	vbroadcast v15, $0x0;
	v15 =	vshll.u32 v19, v1;
	v19 =	vshll.u32 v24, v1  }
0x32b: {  	s16 =	sadd.s32 $0x20, s16;
	v24 =	vbroadcast v19, $0x0;
	v19 =	vadd.s32 v8, v9;
	v9 =	vbroadcast v15, $0x0  }
0x32c: {  	_ =	sdelay $0x3  }
0x32d: {  	[tilespmem:v21+s24+$0x0] =	vst.idx.msk $0xffff, v22  }
0x32e: {  	s0 =	sadd.s32 $0xFFFFFFFA, s22;
	[tilespmem:v17+s24+$0x0] =	vst.idx.msk $0xffff, v23;
	v15 =	vld [tilespmem:s11+$0x80];
	v17 =	vadd.s32 v0, v24  }
0x32f: {  	v22 =	vmov s0;
	v21 =	vld [tilespmem:s11+$0xFFFFFF80]  }
0x330: {  	v22 =	vshrl.u32 v22, $0x3  }
0x331: {  	v22 =	vshll.u32 v22, v1  }
0x332: {  	v22 =	vbroadcast v22, $0x0  }
0x333: {  	[tilespmem:v17+s24+$0x0] =	vst.idx.msk $0xffff, v15  }
0x334: {  	s20 =	sadd.s32 $0xFFFFFFFB, s22;
	[tilespmem:v16+s24+$0x0] =	vst.idx.msk $0xffff, v21;
	v15 =	vld [tilespmem:s14+$0x90];
	v16 =	vadd.s32 v2, v22  }
0x335: {  	v17 =	vmov s20;
	v21 =	vld [tilespmem:s14+$0xFFFFFF90]  }
0x336: {  	v17 =	vshrl.u32 v17, $0x3  }
0x337: {  	v17 =	vshll.u32 v17, v1  }
0x338: {  	v17 =	vbroadcast v17, $0x0  }
0x339: {  	[tilespmem:v16+s24+$0x0] =	vst.idx.msk $0xffff, v15  }
0x33a: {  	s21 =	sadd.s32 $0xFFFFFFFC, s22;
	v16 =	vadd.s32 v3, v17;
	v15 =	vld [tilespmem:s14+$0xA0];
	[tilespmem:v14+s24+$0x0] =	vst.idx.msk $0xffff, v21  }
0x33b: {  	v14 =	vmov s21;
	v17 =	vld [tilespmem:s14+$0xFFFFFFA0]  }
0x33c: {  	v14 =	vshrl.u32 v14, $0x3  }
0x33d: {  	v14 =	vshll.u32 v14, v1  }
0x33e: {  	v14 =	vbroadcast v14, $0x0  }
0x33f: {  	[tilespmem:v16+s24+$0x0] =	vst.idx.msk $0xffff, v15  }
0x340: {  	s25 =	sadd.s32 $0xFFFFFFFD, s22;
	v14 =	vadd.s32 v4, v14;
	v15 =	vld [tilespmem:s14+$0xB0];
	[tilespmem:v13+s24+$0x0] =	vst.idx.msk $0xffff, v17  }
0x341: {  	v13 =	vmov s25;
	v16 =	vld [tilespmem:s14+$0xFFFFFFB0]  }
0x342: {  	v13 =	vshrl.u32 v13, $0x3  }
0x343: {  	v13 =	vshll.u32 v13, v1  }
0x344: {  	v13 =	vbroadcast v13, $0x0  }
0x345: {  	[tilespmem:v14+s24+$0x0] =	vst.idx.msk $0xffff, v15  }
0x346: {  	s26 =	sadd.s32 $0xFFFFFFFE, s22;
	v13 =	vadd.s32 v5, v13;
	v14 =	vld [tilespmem:s14+$0xC0];
	[tilespmem:v12+s24+$0x0] =	vst.idx.msk $0xffff, v16  }
0x347: {  	v12 =	vmov s26;
	v15 =	vld [tilespmem:s14+$0xFFFFFFC0]  }
0x348: {  	v12 =	vshrl.u32 v12, $0x3  }
0x349: {  	v12 =	vshll.u32 v12, v1  }
0x34a: {  	v12 =	vbroadcast v12, $0x0  }
0x34b: {  	[tilespmem:v13+s24+$0x0] =	vst.idx.msk $0xffff, v14  }
0x34c: {  	s28 =	sadd.s32 $0xFFFFFFFF, s22;
	v12 =	vadd.s32 v6, v12;
	v13 =	vld [tilespmem:s14+$0xD0];
	[tilespmem:v11+s24+$0x0] =	vst.idx.msk $0xffff, v15  }
0x34d: {  	v11 =	vmov s28;
	v14 =	vld [tilespmem:s14+$0xFFFFFFD0]  }
0x34e: {  	v11 =	vshrl.u32 v11, $0x3  }
0x34f: {  	v11 =	vshll.u32 v11, v1  }
0x350: {  	v11 =	vbroadcast v11, $0x0  }
0x351: {  	[tilespmem:v12+s24+$0x0] =	vst.idx.msk $0xffff, v13  }
0x352: {  	v11 =	vadd.s32 v7, v11;
	v12 =	vld [tilespmem:s14+$0xE0];
	[tilespmem:v10+s24+$0x0] =	vst.idx.msk $0xffff, v14  }
0x353: {  	v13 =	vmov s22;
	v10 =	vadd.s32 v7, v20;
	v14 =	vld [tilespmem:s14+$0xFFFFFFE0]  }
0x354: {  	v13 =	vshrl.u32 v13, $0x3  }
0x355: {  	v13 =	vshll.u32 v13, v1  }
0x356: {  	v13 =	vbroadcast v13, $0x0  }
0x357: {  	[tilespmem:v11+s24+$0x0] =	vst.idx.msk $0xffff, v12  }
0x358: {  	v12 =	vadd.s32 v8, v13;
	v11 =	vld [tilespmem:s14+$0xF0];
	[tilespmem:v10+s24+$0x0] =	vst.idx.msk $0xffff, v14  }
0x359: {  	v9 =	vadd.s32 v8, v9;
	v10 =	vld [tilespmem:s14+$0xFFFFFFF0]  }
0x35a: {  	s29 =	rddreg [dreg:$0xc]  }
0x35b: {  	s0 =	sadd.s32 s10, s29  }
0x35c: {  	[tilespmem:v19+s24+$0x0] =	vst.idx.msk $0xffff, v18;
	s0 =	sshll.u32 s0, $0x7  }
0x35d: {  	s0 =	sand.u32 $0x1FFFFF00, s0;
	[tilespmem:v12+s24+$0x0] =	vst.idx.msk $0xffff, v11  }
0x35e: {  	s0 =	sadd.s32 s3, s0;
	[tilespmem:v9+s24+$0x0] =	vst.idx.msk $0xffff, v10  }
0x35f: {  	[hbm4b:s0+s4] =	stream.linear.scatter [tilespmem:s24], [sflag:$0x9], $0x400, $0x38;
	[tilespmem:$0x19100] =	vst v63  }
0x360: {  	s5 =	simm.s32 $0x11408;
	s2 =	sadd.s32 $0x64000, s0  }
0x361: {  	[hbm4b:s2+s4] =	stream.linear.scatter [tilespmem:s5], [sflag:$0x9], $0x400, $0x38;
	[tilespmem:$0x19100] =	vst v63  }
0x362: {  	s31 =	simm.s32 $0x11810;
	s30 =	sadd.s32 $0xC8000, s0  }
0x363: {  	[hbm4b:s30+s4] =	stream.linear.scatter [tilespmem:s31], [sflag:$0x9], $0x400, $0x38;
	[tilespmem:$0x19100] =	vst v63  }
0x364: {  	s11 =	simm.s32 $0x11C18;
	s6 =	sadd.s32 $0x12C000, s0  }
0x365: {  	[hbm4b:s6+s4] =	stream.linear.scatter [tilespmem:s11], [sflag:$0x9], $0x400, $0x38;
	[tilespmem:$0x19100] =	vst v63  }
0x366: {  	s15 =	simm.s32 $0x12020;
	s14 =	sadd.s32 $0x190000, s0  }
0x367: {  	[hbm4b:s14+s4] =	stream.linear.scatter [tilespmem:s15], [sflag:$0x9], $0x400, $0x38;
	[tilespmem:$0x19100] =	vst v63  }
0x368: {  	s18 =	simm.s32 $0x12428;
	s16 =	sadd.s32 $0x1F4000, s0  }
0x369: {  	[hbm4b:s16+s4] =	stream.linear.scatter [tilespmem:s18], [sflag:$0x9], $0x400, $0x38;
	[tilespmem:$0x19100] =	vst v63  }
0x36a: {  	s20 =	simm.s32 $0x12830;
	s19 =	sadd.s32 $0x258000, s0  }
0x36b: {  	[hbm4b:s19+s4] =	stream.linear.scatter [tilespmem:s20], [sflag:$0x9], $0x400, $0x38;
	[tilespmem:$0x19100] =	vst v63  }
0x36c: {  	s22 =	simm.s32 $0x12C38;
	s21 =	sadd.s32 $0x2BC000, s0  }
0x36d: {  	[hbm4b:s21+s4] =	stream.linear.scatter [tilespmem:s22], [sflag:$0x9], $0x400, $0x38;
	[tilespmem:$0x19100] =	vst v63  }
0x36e: {  	s26 =	simm.s32 $0x13040;
	s25 =	sadd.s32 $0x320000, s0  }
0x36f: {  	[hbm4b:s25+s4] =	stream.linear.scatter [tilespmem:s26], [sflag:$0x9], $0x400, $0x38;
	[tilespmem:$0x19100] =	vst v63  }
0x370: {  	s29 =	simm.s32 $0x13448;
	s28 =	sadd.s32 $0x384000, s0  }
0x371: {  	[hbm4b:s28+s4] =	stream.linear.scatter [tilespmem:s29], [sflag:$0x9], $0x400, $0x38;
	[tilespmem:$0x19100] =	vst v63  }
0x372: {  	s30 =	sadd.s32 $0x3E8000, s0;
	s31 =	simm.s32 $0x13850  }
0x373: {  	[hbm4b:s30+s4] =	stream.linear.scatter [tilespmem:s31], [sflag:$0x9], $0x400, $0x38;
	[tilespmem:$0x19100] =	vst v63  }
0x374: {  	s6 =	sadd.s32 $0x44C000, s0;
	s11 =	simm.s32 $0x13C58  }
0x375: {  	[hbm4b:s6+s4] =	stream.linear.scatter [tilespmem:s11], [sflag:$0x9], $0x400, $0x38;
	[tilespmem:$0x19100] =	vst v63  }
0x376: {  	s14 =	sadd.s32 $0x4B0000, s0;
	s15 =	simm.s32 $0x14060  }
0x377: {  	[hbm4b:s14+s4] =	stream.linear.scatter [tilespmem:s15], [sflag:$0x9], $0x400, $0x38;
	[tilespmem:$0x19100] =	vst v63  }
0x378: {  	s16 =	sadd.s32 $0x514000, s0;
	s18 =	simm.s32 $0x14468  }
0x379: {  	[hbm4b:s16+s4] =	stream.linear.scatter [tilespmem:s18], [sflag:$0x9], $0x400, $0x38;
	[tilespmem:$0x19100] =	vst v63  }
0x37a: {  	s19 =	sadd.s32 $0x578000, s0;
	s20 =	simm.s32 $0x14870  }
0x37b: {  	[hbm4b:s19+s4] =	stream.linear.scatter [tilespmem:s20], [sflag:$0x9], $0x400, $0x38;
	[tilespmem:$0x19100] =	vst v63  }
0x37c: {  	s0 =	sadd.s32 $0x5DC000, s0;
	s21 =	simm.s32 $0x14C78  }
0x37d: {  	[hbm4b:s0+s4] =	stream.linear.scatter [tilespmem:s21], [sflag:$0x9], $0x400, $0x38;
	[tilespmem:$0x19100] =	vst v63  }
0x37e: {  	s0 =	simm.s32 @p0 $0x8  }
0x37f: {  	_ =	swait.ge @p0 [sflag:s0], $0x4000  }
0x380: {  	s2 =	rddreg [dreg:$0xd]  }
0x381: {  	s2 =	sadd.s32 @!p0 s10, s2  }
0x382: {  	[sflag:s0] =	ssyncset.done @p0 $0x0;
	s2 =	sshll.u32 @!p0 s2, $0x7  }
0x383: {  	[sflag:s0] =	ssyncadd.s32 @p0 $0xFFFFC000;
	s0 =	sand.u32 @!p0 $0x1FFFFF00, s2  }
0x384: {  	s5 =	simm.s32 @!p0 $0x800;
	s2 =	simm.s32 @!p0 $0x0;
	s0 =	sadd.s32 @!p0 s1, s0  }
0x385: {  	[tilespmem:s5], [sflag:$0x3] =	stream.linear.gather @!p0 [hbm4b:s0+s2], $0x400, $0x38;
	[tilespmem:$0x19100] =	vst v63  }
0x386: {  	s0 =	simm.s32 @!p0 $0x8  }
0x387: {  	_ =	swait.ge @!p0 [sflag:s0], $0x4000  }
0x388: {  	[sflag:s0] =	ssyncset.done @!p0 $0x0  }
0x389: {  	[sflag:s0] =	ssyncadd.s32 @!p0 $0xFFFFC000;
	s0 =	simm.s32 @!p0 $0x3  }
0x38a: {  	_ =	swait.ge @!p0 [sflag:s0], $0x400  }
0x38b: {  	[sflag:s0] =	ssyncset.done @!p0 $0x0  }
0x38c: {  	s2 =	simm.s32 @!p0 $0x9000;
	[sflag:s0] =	ssyncadd.s32 @!p0 $0xFFFFFC00;
	s0 =	simm.s32 @!p0 $0x80  }
0x38d: {  	[tilespmem:s2], [sflag:$0x7] =	stream.indirect.gather @!p0 [hbm4b:s7+s0], $0x10, s5, s0, $0xb8;
	[tilespmem:$0x19100] =	vst v63  }
0x38e: {  	s2 =	simm.s32 @!p0 $0x880;
	s5 =	simm.s32 @!p0 $0x9800  }
0x38f: {  	[tilespmem:s5], [sflag:$0x7] =	stream.indirect.gather @!p0 [hbm4b:s7+s0], $0x10, s2, s0, $0xb8;
	[tilespmem:$0x19100] =	vst v63  }
0x390: {  	s2 =	simm.s32 @!p0 $0x900;
	s5 =	simm.s32 @!p0 $0xA000  }
0x391: {  	[tilespmem:s5], [sflag:$0x7] =	stream.indirect.gather @!p0 [hbm4b:s7+s0], $0x10, s2, s0, $0xb8;
	[tilespmem:$0x19100] =	vst v63  }
0x392: {  	s2 =	simm.s32 @!p0 $0x980;
	s5 =	simm.s32 @!p0 $0xA800  }
0x393: {  	[tilespmem:s5], [sflag:$0x7] =	stream.indirect.gather @!p0 [hbm4b:s7+s0], $0x10, s2, s0, $0xb8;
	[tilespmem:$0x19100] =	vst v63  }
0x394: {  	s2 =	simm.s32 @!p0 $0xA00;
	s5 =	simm.s32 @!p0 $0xB000  }
0x395: {  	[tilespmem:s5], [sflag:$0x7] =	stream.indirect.gather @!p0 [hbm4b:s7+s0], $0x10, s2, s0, $0xb8;
	[tilespmem:$0x19100] =	vst v63  }
0x396: {  	s2 =	simm.s32 @!p0 $0xA80;
	s5 =	simm.s32 @!p0 $0xB800  }
0x397: {  	[tilespmem:s5], [sflag:$0x7] =	stream.indirect.gather @!p0 [hbm4b:s7+s0], $0x10, s2, s0, $0xb8;
	[tilespmem:$0x19100] =	vst v63  }
0x398: {  	s22 =	simm.s32 $0x10;
	s2 =	simm.s32 @!p0 $0xB00;
	s5 =	simm.s32 @!p0 $0xC000  }
0x399: {  	[tilespmem:s5], [sflag:$0x7] =	stream.indirect.gather @!p0 [hbm4b:s7+s0], $0x10, s2, s0, $0xb8;
	[tilespmem:$0x19100] =	vst v63  }
0x39a: {  	v9 =	vmov s22;
	s25 =	simm.s32 $0x0;
	s6 =	simm.s32 @!p0 $0xC800;
	s5 =	simm.s32 @!p0 $0xB80  }
0x39b: {  	v9 =	vshrl.u32 v9, $0x3;
	[tilespmem:s6], [sflag:$0x7] =	stream.indirect.gather @!p0 [hbm4b:s7+s0], $0x10, s5, s0, $0xb8;
	[tilespmem:$0x19100] =	vst v63  }
0x39c: {  	v9 =	vshll.u32 v9, v1;
	v10 =	vmov s25;
	_ =	swait.ge [sflag:s12], $0x4000  }
0x39d: {  	v9 =	vbroadcast v9, $0x0;
	v10 =	vshrl.u32 v10, $0x3;
	[sflag:s12] =	ssyncset.done $0x0  }
0x39e: {  	s22 =	simm.s32 $0xD100;
	v10 =	vshll.u32 v10, v1;
	[sflag:s12] =	ssyncadd.s32 $0xFFFFC000  }
0x39f: {  	s26 =	simm.s32 $0x11;
	v9 =	vadd.s32 v0, v9;
	v10 =	vbroadcast v10, $0x0;
	v11 =	vld [tilespmem:s22+$0x0]  }
0x3a0: {  	v12 =	vmov s26  }
0x3a1: {  	v12 =	vshrl.u32 v12, $0x3;
	s28 =	simm.s32 $0x1;
	v10 =	vadd.s32 v0, v10;
	v13 =	vld [tilespmem:s22+$0xFFFFFF00]  }
0x3a2: {  	v12 =	vshll.u32 v12, v1;
	v14 =	vmov s28  }
0x3a3: {  	v12 =	vbroadcast v12, $0x0;
	v14 =	vshrl.u32 v14, $0x3  }
0x3a4: {  	s29 =	simm.s32 $0x12;
	[tilespmem:v9+s13+$0x0] =	vst.idx.msk $0xffff, v11;
	v9 =	vshll.u32 v14, v1  }
0x3a5: {  	v12 =	vadd.s32 v2, v12;
	v14 =	vmov s29;
	v11 =	vld [tilespmem:s22+$0x10];
	v9 =	vbroadcast v9, $0x0  }
0x3a6: {  	[tilespmem:v10+s13+$0x0] =	vst.idx.msk $0xffff, v13;
	v10 =	vshrl.u32 v14, $0x3  }
0x3a7: {  	s30 =	simm.s32 $0x2;
	v14 =	vld [tilespmem:s22+$0xFFFFFF10];
	v10 =	vshll.u32 v10, v1;
	v9 =	vadd.s32 v2, v9  }
0x3a8: {  	v13 =	vmov s30;
	v10 =	vbroadcast v10, $0x0  }
0x3a9: {  	s31 =	simm.s32 $0x3;
	v13 =	vshrl.u32 v13, $0x3  }
0x3aa: {  	v15 =	vmov s31;
	s2 =	simm.s32 $0x4;
	v13 =	vshll.u32 v13, v1;
	v10 =	vadd.s32 v3, v10;
	[tilespmem:v12+s13+$0x0] =	vst.idx.msk $0xffff, v11  }
0x3ab: {  	s5 =	simm.s32 $0x13;
	v11 =	vbroadcast v13, $0x0;
	v12 =	vshrl.u32 v15, $0x3;
	v15 =	vmov s2;
	v13 =	vld [tilespmem:s22+$0x20]  }
0x3ac: {  	v16 =	vmov s5;
	v15 =	vshrl.u32 v15, $0x3;
	[tilespmem:v9+s13+$0x0] =	vst.idx.msk $0xffff, v14  }
0x3ad: {  	s6 =	simm.s32 $0x5;
	v11 =	vadd.s32 v3, v11;
	v9 =	vshrl.u32 v16, $0x3;
	v14 =	vshll.u32 v15, v1;
	v15 =	vld [tilespmem:s22+$0xFFFFFF20]  }
0x3ae: {  	v12 =	vshll.u32 v12, v1;
	v16 =	vmov s6;
	v9 =	vshll.u32 v9, v1  }
0x3af: {  	s25 =	simm.s32 $0xB;
	v14 =	vbroadcast v14, $0x0;
	v16 =	vshrl.u32 v16, $0x3;
	v9 =	vbroadcast v9, $0x0  }
0x3b0: {  	v21 =	vmov s25;
	v12 =	vbroadcast v12, $0x0;
	[tilespmem:v10+s13+$0x0] =	vst.idx.msk $0xffff, v13;
	v13 =	vshll.u32 v16, v1  }
0x3b1: {  	s25 =	simm.s32 $0x24;
	s14 =	simm.s32 $0x14;
	v10 =	vadd.s32 v5, v14;
	v9 =	vadd.s32 v4, v9;
	v14 =	vld [tilespmem:s22+$0x30];
	v13 =	vbroadcast v13, $0x0  }
0x3b2: {  	v59 =	vmov s25;
	s11 =	simm.s32 $0x6;
	v17 =	vmov s14;
	v12 =	vadd.s32 v4, v12;
	[tilespmem:v11+s13+$0x0] =	vst.idx.msk $0xffff, v15  }
0x3b3: {  	s15 =	simm.s32 $0x7;
	v16 =	vmov s11;
	v11 =	vshrl.u32 v17, $0x3;
	v15 =	vadd.s32 v6, v13;
	v13 =	vld [tilespmem:s22+$0xFFFFFF30]  }
0x3b4: {  	v18 =	vmov s15;
	s11 =	simm.s32 $0x19;
	v16 =	vshrl.u32 v16, $0x3;
	v11 =	vshll.u32 v11, v1  }
0x3b5: {  	s16 =	simm.s32 $0x8;
	s18 =	simm.s32 $0x15;
	v24 =	vmov s11;
	v17 =	vshrl.u32 v18, $0x3;
	v11 =	vbroadcast v11, $0x0  }
0x3b6: {  	v18 =	vmov s18;
	v17 =	vshll.u32 v17, v1;
	[tilespmem:v9+s13+$0x0] =	vst.idx.msk $0xffff, v14;
	v14 =	vmov s16  }
0x3b7: {  	v9 =	vbroadcast v17, $0x0;
	v11 =	vadd.s32 v5, v11;
	v17 =	vld [tilespmem:s22+$0x40];
	v14 =	vshrl.u32 v14, $0x3  }
0x3b8: {  	v16 =	vshll.u32 v16, v1;
	v18 =	vshrl.u32 v18, $0x3;
	v14 =	vshll.u32 v14, v1;
	[tilespmem:v12+s13+$0x0] =	vst.idx.msk $0xffff, v13  }
0x3b9: {  	v19 =	vadd.s32 v8, v9;
	v9 =	vshll.u32 v18, v1;
	v12 =	vbroadcast v14, $0x0;
	v13 =	vld [tilespmem:s22+$0xFFFFFF40]  }
0x3ba: {  	s19 =	simm.s32 $0x9;
	s20 =	simm.s32 $0xA;
	v24 =	vshrl.u32 v24, $0x3;
	v16 =	vbroadcast v16, $0x0;
	v9 =	vbroadcast v9, $0x0  }
0x3bb: {  	s21 =	simm.s32 $0x16;
	v18 =	vmov s20;
	v14 =	vmov s19;
	v20 =	vadd.s32 v0, v12  }
0x3bc: {  	v12 =	vshrl.u32 v14, $0x3;
	v14 =	vmov s21;
	v9 =	vadd.s32 v6, v9;
	[tilespmem:v11+s13+$0x0] =	vst.idx.msk $0xffff, v17  }
0x3bd: {  	s18 =	simm.s32 $0x1A;
	v11 =	vshll.u32 v12, v1;
	v12 =	vshrl.u32 v14, $0x3;
	v14 =	vshrl.u32 v18, $0x3;
	v17 =	vld [tilespmem:s22+$0x50]  }
0x3be: {  	v24 =	vshll.u32 v24, v1;
	v26 =	vmov s18;
	v18 =	vshll.u32 v14, v1;
	[tilespmem:v10+s13+$0x0] =	vst.idx.msk $0xffff, v13  }
0x3bf: {  	v11 =	vbroadcast v11, $0x0;
	v12 =	vshll.u32 v12, v1;
	v10 =	vbroadcast v18, $0x0;
	v18 =	vld [tilespmem:s22+$0xFFFFFF50]  }
0x3c0: {  	v24 =	vbroadcast v24, $0x0;
	v26 =	vshrl.u32 v26, $0x3;
	v12 =	vbroadcast v12, $0x0  }
0x3c1: {  	s26 =	simm.s32 $0xC;
	v16 =	vadd.s32 v7, v16;
	v14 =	vadd.s32 v2, v11;
	v11 =	vshrl.u32 v21, $0x3  }
0x3c2: {  	s28 =	simm.s32 $0x17;
	v21 =	vadd.s32 v7, v12;
	v11 =	vshll.u32 v11, v1;
	v12 =	vmov s26;
	[tilespmem:v9+s13+$0x0] =	vst.idx.msk $0xffff, v17  }
0x3c3: {  	s29 =	simm.s32 $0xD;
	v13 =	vadd.s32 v3, v10;
	v10 =	vbroadcast v11, $0x0;
	v11 =	vmov s28;
	v22 =	vld [tilespmem:s22+$0x60]  }
0x3c4: {  	v9 =	vshrl.u32 v12, $0x3;
	v17 =	vmov s29;
	v11 =	vshrl.u32 v11, $0x3;
	[tilespmem:v15+s13+$0x0] =	vst.idx.msk $0xffff, v18  }
0x3c5: {  	s30 =	simm.s32 $0xE;
	v12 =	vadd.s32 v4, v10;
	v9 =	vshll.u32 v9, v1;
	v10 =	vshll.u32 v11, v1;
	v23 =	vld [tilespmem:s22+$0xFFFFFF60]  }
0x3c6: {  	s31 =	simm.s32 $0xF;
	v11 =	vshrl.u32 v17, $0x3;
	v17 =	vmov s30;
	v9 =	vbroadcast v9, $0x0  }
0x3c7: {  	v10 =	vbroadcast v10, $0x0;
	v15 =	vshll.u32 v11, v1;
	v18 =	vmov s31  }
0x3c8: {  	s2 =	simm.s32 $0x18;
	v15 =	vbroadcast v15, $0x0;
	v18 =	vshrl.u32 v18, $0x3;
	v11 =	vadd.s32 v5, v9;
	[tilespmem:v21+s13+$0x0] =	vst.idx.msk $0xffff, v22  }
0x3c9: {  	v9 =	vshrl.u32 v17, $0x3;
	v17 =	vmov s2;
	v21 =	vadd.s32 v8, v10;
	v22 =	vld [tilespmem:s22+$0x70]  }
0x3ca: {  	s6 =	simm.s32 $0x30;
	v26 =	vshll.u32 v26, v1;
	v18 =	vshll.u32 v18, v1;
	v17 =	vshrl.u32 v17, $0x3;
	[tilespmem:v16+s13+$0x0] =	vst.idx.msk $0xffff, v23  }
0x3cb: {  	s26 =	simm.s32 $0x25;
	v10 =	vadd.s32 v6, v15;
	v15 =	vbroadcast v18, $0x0;
	v18 =	vmov s6;
	v23 =	vld [tilespmem:s22+$0xFFFFFF70]  }
0x3cc: {  	s5 =	simm.s32 $0x20;
	v60 =	vmov s26;
	v17 =	vshll.u32 v17, v1;
	v18 =	vshrl.u32 v18, $0x3  }
0x3cd: {  	v17 =	vbroadcast v17, $0x0;
	v16 =	vmov s5;
	v18 =	vshll.u32 v18, v1  }
0x3ce: {  	s14 =	simm.s32 $0x21;
	v9 =	vshll.u32 v9, v1;
	v16 =	vshrl.u32 v16, $0x3;
	v18 =	vbroadcast v18, $0x0;
	[tilespmem:v21+s13+$0x0] =	vst.idx.msk $0xffff, v22  }
0x3cf: {  	s11 =	simm.s32 $0xD300;
	v17 =	vadd.s32 v0, v17;
	v16 =	vshll.u32 v16, v1;
	v21 =	vmov s14;
	v25 =	vld [tilespmem:s22+$0x80]  }
0x3d0: {  	v27 =	vld [tilespmem:s11+$0x0];
	s16 =	simm.s32 $0x31;
	v16 =	vbroadcast v16, $0x0;
	v18 =	vadd.s32 v0, v18;
	v21 =	vshrl.u32 v21, $0x3;
	[tilespmem:v19+s13+$0x0] =	vst.idx.msk $0xffff, v23  }
0x3d1: {  	v19 =	vshll.u32 v21, v1;
	v21 =	vmov s16;
	v23 =	vadd.s32 v2, v24;
	v24 =	vld [tilespmem:s22+$0xFFFFFF80]  }
0x3d2: {  	s15 =	simm.s32 $0x22;
	v9 =	vbroadcast v9, $0x0;
	v19 =	vbroadcast v19, $0x0;
	v21 =	vshrl.u32 v21, $0x3  }
0x3d3: {  	v28 =	vld [tilespmem:s11+$0xFFFFFF00];
	v22 =	vmov s15;
	v16 =	vadd.s32 v0, v16;
	v21 =	vshll.u32 v21, v1  }
0x3d4: {  	s19 =	simm.s32 $0x23;
	v22 =	vshrl.u32 v22, $0x3;
	v19 =	vadd.s32 v2, v19;
	v21 =	vbroadcast v21, $0x0;
	[tilespmem:v17+s13+$0x0] =	vst.idx.msk $0xffff, v25  }
0x3d5: {  	[tilespmem:v18+s13+$0x0] =	vst.idx.msk $0xffff, v27;
	v17 =	vshll.u32 v22, v1;
	v22 =	vmov s19;
	v25 =	vbroadcast v26, $0x0;
	v26 =	vld [tilespmem:s22+$0x90]  }
0x3d6: {  	s20 =	simm.s32 $0x32;
	v27 =	vld [tilespmem:s11+$0x10];
	v17 =	vbroadcast v17, $0x0;
	v22 =	vshrl.u32 v22, $0x3;
	v21 =	vadd.s32 v2, v21;
	[tilespmem:v20+s13+$0x0] =	vst.idx.msk $0xffff, v24  }
0x3d7: {  	s21 =	simm.s32 $0x1B;
	v20 =	vshll.u32 v22, v1;
	v22 =	vmov s20;
	v24 =	vadd.s32 v3, v25;
	v25 =	vld [tilespmem:s22+$0xFFFFFF90]  }
0x3d8: {  	[tilespmem:v16+s13+$0x0] =	vst.idx.msk $0xffff, v28;
	v18 =	vshrl.u32 v22, $0x3;
	v22 =	vmov s21;
	v16 =	vbroadcast v20, $0x0  }
0x3d9: {  	v17 =	vadd.s32 v3, v17;
	v18 =	vshll.u32 v18, v1;
	v20 =	vshrl.u32 v22, $0x3;
	v22 =	vld [tilespmem:s11+$0xFFFFFF10]  }
0x3da: {  	v18 =	vbroadcast v18, $0x0;
	v20 =	vshll.u32 v20, v1;
	v16 =	vadd.s32 v4, v16;
	[tilespmem:v23+s13+$0x0] =	vst.idx.msk $0xffff, v26  }
0x3db: {  	s29 =	simm.s32 $0x1C;
	v23 =	vshrl.u32 v59, $0x3;
	v20 =	vbroadcast v20, $0x0;
	[tilespmem:v21+s13+$0x0] =	vst.idx.msk $0xffff, v27;
	v21 =	vshrl.u32 v60, $0x3;
	v26 =	vld [tilespmem:s22+$0xA0]  }
0x3dc: {  	s28 =	simm.s32 $0x33;
	v27 =	vmov s29;
	v23 =	vshll.u32 v23, v1;
	v18 =	vadd.s32 v3, v18;
	[tilespmem:v14+s13+$0x0] =	vst.idx.msk $0xffff, v25  }
0x3dd: {  	v21 =	vshll.u32 v21, v1;
	v14 =	vbroadcast v23, $0x0;
	v23 =	vmov s28;
	v25 =	vld [tilespmem:s22+$0xFFFFFFA0]  }
0x3de: {  	s31 =	simm.s32 $0x27;
	v61 =	vld [tilespmem:s11+$0x20];
	v20 =	vadd.s32 v4, v20;
	v21 =	vbroadcast v21, $0x0;
	v23 =	vshrl.u32 v23, $0x3;
	[tilespmem:v19+s13+$0x0] =	vst.idx.msk $0xffff, v22  }
0x3df: {  	v22 =	vshrl.u32 v27, $0x3;
	v27 =	vmov s31;
	v19 =	vshll.u32 v23, v1;
	v23 =	vld [tilespmem:s11+$0xFFFFFF20]  }
0x3e0: {  	s30 =	simm.s32 $0x26;
	v14 =	vadd.s32 v5, v14;
	v22 =	vshll.u32 v22, v1;
	v19 =	vbroadcast v19, $0x0;
	[tilespmem:v24+s13+$0x0] =	vst.idx.msk $0xffff, v26  }
0x3e1: {  	s2 =	simm.s32 $0x34;
	v21 =	vadd.s32 v6, v21;
	v27 =	vshrl.u32 v27, $0x3;
	v24 =	vmov s30;
	v26 =	vld [tilespmem:s22+$0xB0]  }
0x3e2: {  	s5 =	simm.s32 $0x1D;
	v24 =	vshrl.u32 v24, $0x3;
	v19 =	vadd.s32 v4, v19;
	[tilespmem:v13+s13+$0x0] =	vst.idx.msk $0xffff, v25;
	v13 =	vmov s2  }
0x3e3: {  	[tilespmem:v18+s13+$0x0] =	vst.idx.msk $0xffff, v61;
	v24 =	vshll.u32 v24, v1;
	v25 =	vmov s5;
	v18 =	vld [tilespmem:s22+$0xFFFFFFB0];
	v13 =	vshrl.u32 v13, $0x3  }
0x3e4: {  	[tilespmem:v17+s13+$0x0] =	vst.idx.msk $0xffff, v23;
	v17 =	vld [tilespmem:s11+$0x30];
	v23 =	vbroadcast v24, $0x0;
	v24 =	vshrl.u32 v25, $0x3;
	v13 =	vshll.u32 v13, v1  }
0x3e5: {  	v22 =	vbroadcast v22, $0x0;
	v25 =	vld [tilespmem:s11+$0xFFFFFF30];
	v24 =	vshll.u32 v24, v1;
	v13 =	vbroadcast v13, $0x0  }
0x3e6: {  	s6 =	simm.s32 $0x28;
	v24 =	vbroadcast v24, $0x0;
	[tilespmem:v20+s13+$0x0] =	vst.idx.msk $0xffff, v26;
	v20 =	vadd.s32 v7, v23;
	v23 =	vshll.u32 v27, v1  }
0x3e7: {  	s14 =	simm.s32 $0x35;
	v22 =	vadd.s32 v5, v22;
	v27 =	vmov s6;
	v26 =	vld [tilespmem:s22+$0xC0];
	v23 =	vbroadcast v23, $0x0  }
0x3e8: {  	v13 =	vadd.s32 v5, v13;
	v24 =	vadd.s32 v6, v24;
	[tilespmem:v12+s13+$0x0] =	vst.idx.msk $0xffff, v18;
	v18 =	vmov s14  }
0x3e9: {  	s15 =	simm.s32 $0x1E;
	v12 =	vshrl.u32 v27, $0x3;
	[tilespmem:v19+s13+$0x0] =	vst.idx.msk $0xffff, v17;
	v27 =	vld [tilespmem:s22+$0xFFFFFFC0];
	v17 =	vadd.s32 v8, v23;
	v18 =	vshrl.u32 v18, $0x3  }
0x3ea: {  	v19 =	vmov s15;
	v23 =	vld [tilespmem:s11+$0x40];
	[tilespmem:v16+s13+$0x0] =	vst.idx.msk $0xffff, v25;
	v12 =	vshll.u32 v12, v1;
	v16 =	vshll.u32 v18, v1  }
0x3eb: {  	s18 =	simm.s32 $0x2A;
	s16 =	simm.s32 $0x29;
	v18 =	vshrl.u32 v19, $0x3;
	v19 =	vld [tilespmem:s11+$0xFFFFFF40];
	v12 =	vbroadcast v12, $0x0;
	v25 =	vbroadcast v16, $0x0  }
0x3ec: {  	v16 =	vshll.u32 v18, v1;
	v18 =	vmov s16;
	[tilespmem:v22+s13+$0x0] =	vst.idx.msk $0xffff, v26;
	v22 =	vmov s18  }
0x3ed: {  	s19 =	simm.s32 $0x36;
	v26 =	vbroadcast v16, $0x0;
	v16 =	vadd.s32 v0, v12;
	v12 =	vshrl.u32 v18, $0x3  }
0x3ee: {  	v62 =	vld [tilespmem:s22+$0xD0];
	v18 =	vadd.s32 v6, v25;
	[tilespmem:v11+s13+$0x0] =	vst.idx.msk $0xffff, v27;
	v11 =	vshll.u32 v12, v1;
	v12 =	vmov s19  }
0x3ef: {  	s20 =	simm.s32 $0x1F;
	v25 =	vadd.s32 v7, v26;
	[tilespmem:v13+s13+$0x0] =	vst.idx.msk $0xffff, v23;
	v26 =	vld [tilespmem:s22+$0xFFFFFFD0];
	v11 =	vbroadcast v11, $0x0;
	v12 =	vshrl.u32 v12, $0x3  }
0x3f0: {  	v13 =	vmov s20;
	v23 =	vld [tilespmem:s11+$0x50];
	[tilespmem:v14+s13+$0x0] =	vst.idx.msk $0xffff, v19;
	v19 =	vshrl.u32 v22, $0x3;
	v12 =	vshll.u32 v12, v1  }
0x3f1: {  	s21 =	simm.s32 $0x2B;
	v13 =	vshrl.u32 v13, $0x3;
	v22 =	vld [tilespmem:s11+$0xFFFFFF50];
	v14 =	vadd.s32 v2, v11;
	v11 =	vbroadcast v12, $0x0  }
0x3f2: {  	v12 =	vshll.u32 v13, v1;
	v13 =	vshll.u32 v19, v1;
	v19 =	vmov s21  }
0x3f3: {  	s25 =	simm.s32 $0x2C;
	v9 =	vadd.s32 v7, v9;
	[tilespmem:v24+s13+$0x0] =	vst.idx.msk $0xffff, v62;
	v12 =	vbroadcast v12, $0x0;
	v19 =	vshrl.u32 v19, $0x3  }
0x3f4: {  	s26 =	simm.s32 $0x37;
	v24 =	vld [tilespmem:s22+$0xE0];
	v27 =	vadd.s32 v7, v11;
	v11 =	vmov s25;
	[tilespmem:v10+s13+$0x0] =	vst.idx.msk $0xffff, v26;
	v10 =	vshll.u32 v19, v1  }
0x3f5: {  	s28 =	simm.s32 $0x2D;
	v19 =	vadd.s32 v8, v12;
	[tilespmem:v18+s13+$0x0] =	vst.idx.msk $0xffff, v23;
	v12 =	vmov s26;
	v10 =	vbroadcast v10, $0x0;
	v18 =	vld [tilespmem:s22+$0xFFFFFFE0]  }
0x3f6: {  	v11 =	vshrl.u32 v11, $0x3;
	[tilespmem:v21+s13+$0x0] =	vst.idx.msk $0xffff, v22;
	v21 =	vmov s28;
	v22 =	vshrl.u32 v12, $0x3;
	v23 =	vld [tilespmem:s11+$0x60]  }
0x3f7: {  	s30 =	simm.s32 $0x2F;
	v12 =	vadd.s32 v4, v10;
	v10 =	vshll.u32 v11, v1;
	v11 =	vshll.u32 v22, v1;
	v22 =	vld [tilespmem:s11+$0xFFFFFF60]  }
0x3f8: {  	v63 =	vmov s30;
	v21 =	vshrl.u32 v21, $0x3;
	v10 =	vbroadcast v10, $0x0  }
0x3f9: {  	s29 =	simm.s32 $0x2E;
	v13 =	vbroadcast v13, $0x0;
	v21 =	vshll.u32 v21, v1;
	[tilespmem:v25+s13+$0x0] =	vst.idx.msk $0xffff, v24;
	v24 =	vbroadcast v11, $0x0  }
0x3fa: {  	s31 =	simm.s32 $0x38;
	v26 =	vmov s29;
	v11 =	vadd.s32 v5, v10;
	v10 =	vbroadcast v21, $0x0;
	[tilespmem:v9+s13+$0x0] =	vst.idx.msk $0xffff, v18  }
0x3fb: {  	v25 =	vld [tilespmem:s22+$0xF0];
	v21 =	vadd.s32 v8, v24;
	v9 =	vshrl.u32 v26, $0x3;
	v26 =	vmov s31;
	[tilespmem:v27+s13+$0x0] =	vst.idx.msk $0xffff, v23  }
0x3fc: {  	v24 =	vshrl.u32 v63, $0x3;
	v9 =	vshll.u32 v9, v1;
	v23 =	vshrl.u32 v26, $0x3;
	[tilespmem:v20+s13+$0x0] =	vst.idx.msk $0xffff, v22;
	v22 =	vld [tilespmem:s11+$0x70]  }
0x3fd: {  	v20 =	vbroadcast v9, $0x0;
	v9 =	vshll.u32 v24, v1;
	v24 =	vshll.u32 v23, v1;
	v23 =	vld [tilespmem:s11+$0xFFFFFF70];
	_ =	sdelay $0x1  }
0x3fe: {  	s15 =	simm.s32 $0x2;
	v13 =	vadd.s32 v3, v13;
	v10 =	vadd.s32 v6, v10  }
0x3ff: {  	s14 =	simm.s32 $0xD300;
	s16 =	simm.s32 $0x5F;
	v18 =	vld [tilespmem:s22+$0xFFFFFFF0];
	s22 =	simm.s32 $0x3F;
	v9 =	vbroadcast v9, $0x0;
	v24 =	vbroadcast v24, $0x0;
	[tilespmem:v19+s13+$0x0] =	vst.idx.msk $0xffff, v25;
	v19 =	vadd.s32 v8, v15  }
.LBB2_13:
0x400: {  	s0 =	sadd.s32 $0xFFFFFFE1, s16;
	s5 =	sadd.s32 $0xFFFFFFE2, s16;
	s2 =	sadd.s32 $0xFFFFFFF1, s16;
	v15 =	vadd.s32 v7, v20;
	[tilespmem:v21+s13+$0x0] =	vst.idx.msk $0xffff, v22  }
0x401: {  	s6 =	sadd.s32 $0xFFFFFFE3, s16;
	s15 =	sadd.s32 $0x2, s15;
	v20 =	vmov s0;
	v21 =	vmov s2;
	[tilespmem:v17+s13+$0x0] =	vst.idx.msk $0xffff, v23;
	v17 =	vld [tilespmem:s11+$0x80];
	v22 =	vadd.s32 v0, v24;
	s0 =	sadd.s32 $0xFFFFFFFA, s22  }
0x402: {  	s18 =	sadd.s32 $0xFFFFFFE4, s16;
	s20 =	sadd.s32 $0xFFFFFFE5, s16;
	p1 =	slt.u32 s15, $0x3E;
	v20 =	vshrl.u32 v20, $0x3;
	v21 =	vshrl.u32 v21, $0x3;
	v23 =	vld [tilespmem:s11+$0xFFFFFF80];
	v24 =	vmov s0  }
0x403: {  	s19 =	sadd.s32 $0xFFFFFFE6, s16;
	s2 =	sadd.s32 $0xFFFFFFE8, s16;
	s0 =	sadd.s32 $0xFFFFFFE7, s16;
	v20 =	vshll.u32 v20, v1;
	v21 =	vshll.u32 v21, v1;
	v24 =	vshrl.u32 v24, $0x3  }
0x404: {  	s31 =	sadd.s32 $0xFFFFFFE9, s16;
	s29 =	sadd.s32 $0xFFFFFFEA, s16;
	s30 =	sadd.s32 $0xFFFFFFEB, s16;
	v20 =	vbroadcast v20, $0x0;
	v21 =	vbroadcast v21, $0x0;
	v24 =	vshll.u32 v24, v1;
	[tilespmem:v19+s13+$0x0] =	vst.idx.msk $0xffff, v18  }
0x405: {  	s28 =	sadd.s32 $0xFFFFFFEC, s16;
	s26 =	sadd.s32 $0xFFFFFFED, s16;
	s11 =	sadd.s32 $0x200, s11;
	v18 =	vmov s5;
	v19 =	vmov s6;
	v24 =	vbroadcast v24, $0x0  }
0x406: {  	s25 =	sadd.s32 $0xFFFFFFEE, s16;
	s21 =	sadd.s32 $0xFFFFFFEF, s16;
	s6 =	sadd.s32 $0xFFFFFFF2, s16;
	v18 =	vshrl.u32 v18, $0x3;
	v20 =	vadd.s32 v0, v20;
	v25 =	vld [tilespmem:s11+$0x0];
	v21 =	vadd.s32 v0, v21;
	[tilespmem:v22+s13+$0x0] =	vst.idx.msk $0xffff, v17  }
0x407: {  	s5 =	sadd.s32 $0xFFFFFFF0, s16;
	v17 =	vshll.u32 v18, v1;
	v18 =	vmov s6;
	s6 =	sadd.s32 $0xFFFFFFFB, s22;
	[tilespmem:v16+s13+$0x0] =	vst.idx.msk $0xffff, v23;
	v16 =	vld [tilespmem:s14+$0x90];
	v22 =	vadd.s32 v2, v24  }
0x408: {  	v17 =	vbroadcast v17, $0x0;
	v18 =	vshrl.u32 v18, $0x3;
	v24 =	vmov s6;
	v23 =	vld [tilespmem:s11+$0xFFFFFF00]  }
0x409: {  	v19 =	vshrl.u32 v19, $0x3;
	v18 =	vshll.u32 v18, v1;
	v24 =	vshrl.u32 v24, $0x3;
	v26 =	vld [tilespmem:s14+$0xFFFFFF90]  }
0x40a: {  	v17 =	vadd.s32 v2, v17;
	v18 =	vbroadcast v18, $0x0;
	v24 =	vshll.u32 v24, v1  }
0x40b: {  	v27 =	vmov s18;
	v19 =	vshll.u32 v19, v1;
	[tilespmem:v21+s13+$0x0] =	vst.idx.msk $0xffff, v25;
	v21 =	vbroadcast v24, $0x0  }
0x40c: {  	v19 =	vbroadcast v19, $0x0;
	s6 =	sadd.s32 $0xFFFFFFF3, s16;
	v24 =	vshrl.u32 v27, $0x3;
	v18 =	vadd.s32 v2, v18;
	v25 =	vld [tilespmem:s11+$0x10];
	[tilespmem:v22+s13+$0x0] =	vst.idx.msk $0xffff, v16  }
0x40d: {  	v16 =	vshll.u32 v24, v1;
	[tilespmem:v20+s13+$0x0] =	vst.idx.msk $0xffff, v23;
	v20 =	vmov s6;
	v22 =	vld [tilespmem:s14+$0xA0];
	v21 =	vadd.s32 v3, v21;
	s6 =	sadd.s32 $0xFFFFFFFC, s22  }
0x40e: {  	v19 =	vadd.s32 v3, v19;
	v23 =	vld [tilespmem:s11+$0xFFFFFF10];
	v20 =	vshrl.u32 v20, $0x3;
	[tilespmem:v14+s13+$0x0] =	vst.idx.msk $0xffff, v26;
	v14 =	vmov s6  }
0x40f: {  	v16 =	vbroadcast v16, $0x0;
	v20 =	vshll.u32 v20, v1;
	v24 =	vld [tilespmem:s14+$0xFFFFFFA0];
	v14 =	vshrl.u32 v14, $0x3  }
0x410: {  	v26 =	vmov s20;
	v20 =	vbroadcast v20, $0x0;
	v14 =	vshll.u32 v14, v1  }
0x411: {  	v16 =	vadd.s32 v4, v16;
	v26 =	vshrl.u32 v26, $0x3;
	[tilespmem:v18+s13+$0x0] =	vst.idx.msk $0xffff, v25;
	v14 =	vbroadcast v14, $0x0  }
0x412: {  	s6 =	sadd.s32 $0xFFFFFFF4, s16;
	v18 =	vshll.u32 v26, v1;
	v25 =	vmov s19;
	v26 =	vld [tilespmem:s11+$0x20];
	v20 =	vadd.s32 v3, v20;
	[tilespmem:v21+s13+$0x0] =	vst.idx.msk $0xffff, v22  }
0x413: {  	[tilespmem:v17+s13+$0x0] =	vst.idx.msk $0xffff, v23;
	v17 =	vbroadcast v18, $0x0;
	v18 =	vmov s6;
	v21 =	vld [tilespmem:s14+$0xB0];
	v14 =	vadd.s32 v4, v14;
	s6 =	sadd.s32 $0xFFFFFFFD, s22  }
0x414: {  	v23 =	vshrl.u32 v25, $0x3;
	v22 =	vld [tilespmem:s11+$0xFFFFFF20];
	v18 =	vshrl.u32 v18, $0x3;
	[tilespmem:v13+s13+$0x0] =	vst.idx.msk $0xffff, v24;
	v13 =	vmov s6  }
0x415: {  	v24 =	vadd.s32 v5, v17;
	v17 =	vshll.u32 v18, v1;
	v18 =	vld [tilespmem:s14+$0xFFFFFFB0];
	v13 =	vshrl.u32 v13, $0x3  }
0x416: {  	v23 =	vshll.u32 v23, v1;
	v17 =	vbroadcast v17, $0x0;
	v13 =	vshll.u32 v13, v1  }
0x417: {  	v25 =	vmov s0;
	v23 =	vbroadcast v23, $0x0;
	[tilespmem:v20+s13+$0x0] =	vst.idx.msk $0xffff, v26;
	v13 =	vbroadcast v13, $0x0  }
0x418: {  	s0 =	sadd.s32 $0xFFFFFFF5, s16;
	v20 =	vshrl.u32 v25, $0x3;
	v25 =	vmov s2;
	v26 =	vld [tilespmem:s11+$0x30];
	v17 =	vadd.s32 v4, v17;
	[tilespmem:v14+s13+$0x0] =	vst.idx.msk $0xffff, v21  }
0x419: {  	v14 =	vmov s0;
	s0 =	sadd.s32 $0xFFFFFFFE, s22;
	[tilespmem:v19+s13+$0x0] =	vst.idx.msk $0xffff, v22;
	v19 =	vadd.s32 v6, v23;
	v21 =	vld [tilespmem:s14+$0xC0];
	v13 =	vadd.s32 v5, v13  }
0x41a: {  	v20 =	vshll.u32 v20, v1;
	v14 =	vshrl.u32 v14, $0x3;
	v22 =	vld [tilespmem:s11+$0xFFFFFF30];
	[tilespmem:v12+s13+$0x0] =	vst.idx.msk $0xffff, v18;
	v12 =	vmov s0  }
0x41b: {  	v18 =	vbroadcast v20, $0x0;
	v14 =	vshll.u32 v14, v1;
	v20 =	vld [tilespmem:s14+$0xFFFFFFC0];
	v12 =	vshrl.u32 v12, $0x3  }
0x41c: {  	v23 =	vshrl.u32 v25, $0x3;
	v14 =	vbroadcast v14, $0x0;
	v12 =	vshll.u32 v12, v1  }
0x41d: {  	v25 =	vadd.s32 v7, v18;
	v18 =	vshll.u32 v23, v1;
	[tilespmem:v17+s13+$0x0] =	vst.idx.msk $0xffff, v26;
	v12 =	vbroadcast v12, $0x0  }
0x41e: {  	s0 =	sadd.s32 $0xFFFFFFF6, s16;
	v17 =	vbroadcast v18, $0x0;
	v18 =	vmov s31;
	v14 =	vadd.s32 v5, v14;
	v23 =	vld [tilespmem:s11+$0x40];
	[tilespmem:v13+s13+$0x0] =	vst.idx.msk $0xffff, v21  }
0x41f: {  	v13 =	vshrl.u32 v18, $0x3;
	[tilespmem:v16+s13+$0x0] =	vst.idx.msk $0xffff, v22;
	v16 =	vmov s0;
	v18 =	vld [tilespmem:s14+$0xD0];
	v12 =	vadd.s32 v6, v12;
	s0 =	sadd.s32 $0xFFFFFFFF, s22  }
0x420: {  	v17 =	vadd.s32 v8, v17;
	v21 =	vld [tilespmem:s11+$0xFFFFFF40];
	v16 =	vshrl.u32 v16, $0x3;
	[tilespmem:v11+s13+$0x0] =	vst.idx.msk $0xffff, v20;
	v11 =	vmov s0  }
0x421: {  	v13 =	vshll.u32 v13, v1;
	v16 =	vshll.u32 v16, v1;
	v20 =	vld [tilespmem:s14+$0xFFFFFFD0];
	v11 =	vshrl.u32 v11, $0x3  }
0x422: {  	v13 =	vbroadcast v13, $0x0;
	v22 =	vbroadcast v16, $0x0;
	v11 =	vshll.u32 v11, v1  }
0x423: {  	v27 =	vmov s30;
	v26 =	vmov s29;
	[tilespmem:v14+s13+$0x0] =	vst.idx.msk $0xffff, v23;
	v11 =	vbroadcast v11, $0x0  }
0x424: {  	s0 =	sadd.s32 $0xFFFFFFF7, s16;
	v16 =	vadd.s32 v0, v13;
	v13 =	vshrl.u32 v26, $0x3;
	v23 =	vld [tilespmem:s11+$0x50];
	v22 =	vadd.s32 v6, v22;
	[tilespmem:v12+s13+$0x0] =	vst.idx.msk $0xffff, v18  }
0x425: {  	v12 =	vshll.u32 v13, v1;
	v13 =	vmov s0;
	[tilespmem:v24+s13+$0x0] =	vst.idx.msk $0xffff, v21;
	v18 =	vld [tilespmem:s14+$0xE0];
	v11 =	vadd.s32 v7, v11  }
0x426: {  	v12 =	vbroadcast v12, $0x0;
	v13 =	vshrl.u32 v13, $0x3;
	v21 =	vld [tilespmem:s11+$0xFFFFFF50];
	[tilespmem:v10+s13+$0x0] =	vst.idx.msk $0xffff, v20;
	v10 =	vmov s22;
	s22 =	smov.u32 s16  }
0x427: {  	v20 =	vshrl.u32 v27, $0x3;
	v13 =	vshll.u32 v13, v1;
	v24 =	vld [tilespmem:s14+$0xFFFFFFE0];
	v10 =	vshrl.u32 v10, $0x3  }
0x428: {  	v14 =	vadd.s32 v2, v12;
	v12 =	vbroadcast v13, $0x0;
	v10 =	vshll.u32 v10, v1  }
0x429: {  	v13 =	vshll.u32 v20, v1;
	v20 =	vmov s28;
	[tilespmem:v22+s13+$0x0] =	vst.idx.msk $0xffff, v23;
	v10 =	vbroadcast v10, $0x0  }
0x42a: {  	v13 =	vbroadcast v13, $0x0;
	v20 =	vshrl.u32 v20, $0x3;
	v23 =	vadd.s32 v7, v12;
	v22 =	vld [tilespmem:s11+$0x60];
	[tilespmem:v11+s13+$0x0] =	vst.idx.msk $0xffff, v18  }
0x42b: {  	s0 =	sadd.s32 $0xFFFFFFF8, s16;
	v12 =	vmov s26;
	v11 =	vshll.u32 v20, v1;
	[tilespmem:v19+s13+$0x0] =	vst.idx.msk $0xffff, v21;
	v19 =	vld [tilespmem:s14+$0xF0];
	v10 =	vadd.s32 v8, v10  }
0x42c: {  	v13 =	vadd.s32 v3, v13;
	v18 =	vmov s0;
	v11 =	vbroadcast v11, $0x0;
	v20 =	vld [tilespmem:s11+$0xFFFFFF60];
	[tilespmem:v15+s13+$0x0] =	vst.idx.msk $0xffff, v24  }
0x42d: {  	v21 =	vmov s25;
	v15 =	vshrl.u32 v12, $0x3;
	v24 =	vshrl.u32 v18, $0x3;
	v18 =	vld [tilespmem:s14+$0xFFFFFFF0];
	s14 =	smov.u32 s11  }
0x42e: {  	v12 =	vadd.s32 v4, v11;
	v11 =	vshll.u32 v15, v1;
	v15 =	vshll.u32 v24, v1  }
0x42f: {  	v21 =	vshrl.u32 v21, $0x3;
	v11 =	vbroadcast v11, $0x0;
	v15 =	vbroadcast v15, $0x0;
	[tilespmem:v23+s13+$0x0] =	vst.idx.msk $0xffff, v22  }
0x430: {  	v26 =	vmov s5;
	v21 =	vshll.u32 v21, v1;
	v24 =	vmov s21;
	[tilespmem:v10+s13+$0x0] =	vst.idx.msk $0xffff, v19  }
.Ltmp8:
0x431: {  	s0 =	sadd.s32 $0xFFFFFFF9, s16;
	v11 =	vadd.s32 v5, v11;
	v10 =	vbroadcast v21, $0x0;
	v21 =	vadd.s32 v8, v15;
	[tilespmem:v25+s13+$0x0] =	vst.idx.msk $0xffff, v20;
	v22 =	vld [tilespmem:s11+$0x70];
	(pc) =	sbr.rel @p1 .LBB2_13-.Ltmp8, $4  }
0x432: {  	v15 =	vshrl.u32 v24, $0x3;
	v19 =	vshrl.u32 v26, $0x3;
	v20 =	vmov s0;
	v23 =	vld [tilespmem:s11+$0xFFFFFF70]  }
0x433: {  	v15 =	vshll.u32 v15, v1;
	v10 =	vadd.s32 v6, v10;
	v24 =	vshrl.u32 v20, $0x3  }
0x434: {  	v20 =	vbroadcast v15, $0x0;
	v15 =	vshll.u32 v19, v1;
	v19 =	vshll.u32 v24, v1  }
0x435: {  	s16 =	sadd.s32 $0x20, s16;
	v24 =	vbroadcast v19, $0x0;
	v19 =	vadd.s32 v8, v9;
	v9 =	vbroadcast v15, $0x0  }
0x436: {  	_ =	sdelay $0x3  }
0x437: {  	[tilespmem:v21+s13+$0x0] =	vst.idx.msk $0xffff, v22  }
0x438: {  	s0 =	sadd.s32 $0xFFFFFFFA, s22;
	[tilespmem:v17+s13+$0x0] =	vst.idx.msk $0xffff, v23;
	v15 =	vld [tilespmem:s11+$0x80];
	v49 =	vadd.s32 v0, v24  }
0x439: {  	v51 =	vmov s0;
	v50 =	vld [tilespmem:s11+$0xFFFFFF80]  }
0x43a: {  	v22 =	vshrl.u32 v51, $0x3  }
0x43b: {  	v22 =	vshll.u32 v22, v1  }
0x43c: {  	v22 =	vbroadcast v22, $0x0  }
0x43d: {  	[tilespmem:v49+s13+$0x0] =	vst.idx.msk $0xffff, v15  }
0x43e: {  	s5 =	sadd.s32 $0xFFFFFFFB, s22;
	v52 =	vadd.s32 v2, v22;
	[tilespmem:v16+s13+$0x0] =	vst.idx.msk $0xffff, v50;
	v15 =	vld [tilespmem:s14+$0x90]  }
0x43f: {  	v53 =	vmov s5;
	v21 =	vld [tilespmem:s14+$0xFFFFFF90]  }
0x440: {  	v17 =	vshrl.u32 v53, $0x3  }
0x441: {  	v17 =	vshll.u32 v17, v1  }
0x442: {  	v17 =	vbroadcast v17, $0x0  }
0x443: {  	[tilespmem:v52+s13+$0x0] =	vst.idx.msk $0xffff, v15  }
0x444: {  	s6 =	sadd.s32 $0xFFFFFFFC, s22;
	v54 =	vadd.s32 v3, v17;
	v15 =	vld [tilespmem:s14+$0xA0];
	[tilespmem:v14+s13+$0x0] =	vst.idx.msk $0xffff, v21  }
0x445: {  	v55 =	vmov s6;
	v56 =	vld [tilespmem:s14+$0xFFFFFFA0]  }
0x446: {  	v14 =	vshrl.u32 v55, $0x3  }
0x447: {  	v14 =	vshll.u32 v14, v1  }
0x448: {  	v14 =	vbroadcast v14, $0x0  }
0x449: {  	[tilespmem:v54+s13+$0x0] =	vst.idx.msk $0xffff, v15  }
0x44a: {  	s11 =	sadd.s32 $0xFFFFFFFD, s22;
	v14 =	vadd.s32 v4, v14;
	v15 =	vld [tilespmem:s14+$0xB0];
	[tilespmem:v13+s13+$0x0] =	vst.idx.msk $0xffff, v56  }
0x44b: {  	v57 =	vmov s11;
	v58 =	vld [tilespmem:s14+$0xFFFFFFB0]  }
0x44c: {  	v13 =	vshrl.u32 v57, $0x3  }
0x44d: {  	v13 =	vshll.u32 v13, v1  }
0x44e: {  	v13 =	vbroadcast v13, $0x0  }
0x44f: {  	[tilespmem:v14+s13+$0x0] =	vst.idx.msk $0xffff, v15  }
0x450: {  	s15 =	sadd.s32 $0xFFFFFFFE, s22;
	v13 =	vadd.s32 v5, v13;
	v14 =	vld [tilespmem:s14+$0xC0];
	[tilespmem:v12+s13+$0x0] =	vst.idx.msk $0xffff, v58  }
0x451: {  	v59 =	vmov s15;
	v60 =	vld [tilespmem:s14+$0xFFFFFFC0]  }
0x452: {  	v12 =	vshrl.u32 v59, $0x3  }
0x453: {  	v12 =	vshll.u32 v12, v1  }
0x454: {  	v12 =	vbroadcast v12, $0x0  }
0x455: {  	[tilespmem:v13+s13+$0x0] =	vst.idx.msk $0xffff, v14  }
0x456: {  	s16 =	sadd.s32 $0xFFFFFFFF, s22;
	v12 =	vadd.s32 v6, v12;
	v13 =	vld [tilespmem:s14+$0xD0];
	[tilespmem:v11+s13+$0x0] =	vst.idx.msk $0xffff, v60  }
0x457: {  	v11 =	vmov s16;
	v61 =	vld [tilespmem:s14+$0xFFFFFFD0]  }
0x458: {  	v11 =	vshrl.u32 v11, $0x3  }
0x459: {  	v11 =	vshll.u32 v11, v1  }
0x45a: {  	v11 =	vbroadcast v11, $0x0  }
0x45b: {  	[tilespmem:v12+s13+$0x0] =	vst.idx.msk $0xffff, v13  }
0x45c: {  	v11 =	vadd.s32 v7, v11;
	v12 =	vld [tilespmem:s14+$0xE0];
	[tilespmem:v10+s13+$0x0] =	vst.idx.msk $0xffff, v61  }
0x45d: {  	v62 =	vmov s22;
	v10 =	vadd.s32 v7, v20;
	v14 =	vld [tilespmem:s14+$0xFFFFFFE0]  }
0x45e: {  	v13 =	vshrl.u32 v62, $0x3  }
0x45f: {  	v13 =	vshll.u32 v13, v1  }
0x460: {  	v13 =	vbroadcast v13, $0x0  }
0x461: {  	[tilespmem:v11+s13+$0x0] =	vst.idx.msk $0xffff, v12  }
0x462: {  	v63 =	vadd.s32 v8, v13;
	v11 =	vld [tilespmem:s14+$0xF0];
	[tilespmem:v10+s13+$0x0] =	vst.idx.msk $0xffff, v14  }
0x463: {  	v9 =	vadd.s32 v8, v9;
	v10 =	vld [tilespmem:s14+$0xFFFFFFF0]  }
0x464: {  	s18 =	rddreg [dreg:$0xe]  }
0x465: {  	s0 =	sadd.s32 s10, s18  }
0x466: {  	[tilespmem:v19+s13+$0x0] =	vst.idx.msk $0xffff, v18;
	s0 =	sshll.u32 s0, $0x7  }
0x467: {  	s0 =	sand.u32 $0x1FFFFF80, s0;
	[tilespmem:v63+s13+$0x0] =	vst.idx.msk $0xffff, v11  }
0x468: {  	s0 =	sadd.s32 s3, s0;
	[tilespmem:v9+s13+$0x0] =	vst.idx.msk $0xffff, v10  }
0x469: {  	[hbm4b:s0+s4] =	stream.linear.scatter [tilespmem:s13], [sflag:$0xA], $0x400, $0x38;
	[tilespmem:$0x19100] =	vst v63  }
0x46a: {  	s5 =	simm.s32 $0x15488;
	s2 =	sadd.s32 $0x64000, s0  }
0x46b: {  	[hbm4b:s2+s4] =	stream.linear.scatter [tilespmem:s5], [sflag:$0xA], $0x400, $0x38;
	[tilespmem:$0x19100] =	vst v63  }
0x46c: {  	s20 =	simm.s32 $0x15890;
	s19 =	sadd.s32 $0xC8000, s0  }
0x46d: {  	[hbm4b:s19+s4] =	stream.linear.scatter [tilespmem:s20], [sflag:$0xA], $0x400, $0x38;
	[tilespmem:$0x19100] =	vst v63  }
0x46e: {  	s22 =	simm.s32 $0x15C98;
	s21 =	sadd.s32 $0x12C000, s0  }
0x46f: {  	[hbm4b:s21+s4] =	stream.linear.scatter [tilespmem:s22], [sflag:$0xA], $0x400, $0x38;
	[tilespmem:$0x19100] =	vst v63  }
0x470: {  	s26 =	simm.s32 $0x160A0;
	s25 =	sadd.s32 $0x190000, s0  }
0x471: {  	[hbm4b:s25+s4] =	stream.linear.scatter [tilespmem:s26], [sflag:$0xA], $0x400, $0x38;
	[tilespmem:$0x19100] =	vst v63  }
0x472: {  	s29 =	simm.s32 $0x164A8;
	s28 =	sadd.s32 $0x1F4000, s0  }
0x473: {  	[hbm4b:s28+s4] =	stream.linear.scatter [tilespmem:s29], [sflag:$0xA], $0x400, $0x38;
	[tilespmem:$0x19100] =	vst v63  }
0x474: {  	s31 =	simm.s32 $0x168B0;
	s30 =	sadd.s32 $0x258000, s0  }
0x475: {  	[hbm4b:s30+s4] =	stream.linear.scatter [tilespmem:s31], [sflag:$0xA], $0x400, $0x38;
	[tilespmem:$0x19100] =	vst v63  }
0x476: {  	s6 =	simm.s32 $0x16CB8;
	s5 =	sadd.s32 $0x2BC000, s0  }
0x477: {  	[hbm4b:s5+s4] =	stream.linear.scatter [tilespmem:s6], [sflag:$0xA], $0x400, $0x38;
	[tilespmem:$0x19100] =	vst v63  }
0x478: {  	s14 =	simm.s32 $0x170C0;
	s11 =	sadd.s32 $0x320000, s0  }
0x479: {  	[hbm4b:s11+s4] =	stream.linear.scatter [tilespmem:s14], [sflag:$0xA], $0x400, $0x38;
	[tilespmem:$0x19100] =	vst v63  }
0x47a: {  	s16 =	simm.s32 $0x174C8;
	s15 =	sadd.s32 $0x384000, s0  }
0x47b: {  	[hbm4b:s15+s4] =	stream.linear.scatter [tilespmem:s16], [sflag:$0xA], $0x400, $0x38;
	[tilespmem:$0x19100] =	vst v63  }
0x47c: {  	s18 =	sadd.s32 $0x3E8000, s0;
	s19 =	simm.s32 $0x178D0  }
0x47d: {  	[hbm4b:s18+s4] =	stream.linear.scatter [tilespmem:s19], [sflag:$0xA], $0x400, $0x38;
	[tilespmem:$0x19100] =	vst v63  }
0x47e: {  	s20 =	sadd.s32 $0x44C000, s0;
	s21 =	simm.s32 $0x17CD8  }
0x47f: {  	[hbm4b:s20+s4] =	stream.linear.scatter [tilespmem:s21], [sflag:$0xA], $0x400, $0x38;
	[tilespmem:$0x19100] =	vst v63  }
0x480: {  	s22 =	sadd.s32 $0x4B0000, s0;
	s25 =	simm.s32 $0x180E0  }
0x481: {  	[hbm4b:s22+s4] =	stream.linear.scatter [tilespmem:s25], [sflag:$0xA], $0x400, $0x38;
	[tilespmem:$0x19100] =	vst v63  }
0x482: {  	s26 =	sadd.s32 $0x514000, s0;
	s28 =	simm.s32 $0x184E8  }
0x483: {  	[hbm4b:s26+s4] =	stream.linear.scatter [tilespmem:s28], [sflag:$0xA], $0x400, $0x38;
	[tilespmem:$0x19100] =	vst v63  }
.Ltmp9:
0x484: {  	_ = 	snop;
	(pc) =	sbr.rel @p0 .LBB2_16-.Ltmp9, $4  }
0x485: {  	s29 =	sadd.s32 $0x578000, s0;
	s30 =	simm.s32 $0x188F0  }
0x486: {  	[hbm4b:s29+s4] =	stream.linear.scatter [tilespmem:s30], [sflag:$0xA], $0x400, $0x38;
	[tilespmem:$0x19100] =	vst v63  }
0x487: {  	s0 =	sadd.s32 $0x5DC000, s0;
	s31 =	simm.s32 $0x18CF8  }
0x488: {  	[hbm4b:s0+s4] =	stream.linear.scatter [tilespmem:s31], [sflag:$0xA], $0x400, $0x38;
	[tilespmem:$0x19100] =	vst v63  }
0x489: {  	s0 =	rddreg [dreg:$0xf]  }
.Ltmp10:
0x48a: {  	s0 =	sadd.s32 s10, s0;
	(pc) =	sbr.rel .LBB2_2-.Ltmp10, $4  }
0x48b: {  	s0 =	sshll.u32 s0, $0x7  }
0x48c: {  	s0 =	sand.u32 $0x1FFFFF80, s0  }
0x48d: {  	s6 =	simm.s32 $0xC00;
	s9 =	sadd.s32 $0x1, s9;
	s0 =	sadd.s32 s1, s0  }
0x48e: {  	[tilespmem:s6], [sflag:$0x4] =	stream.linear.gather [hbm4b:s0+s4], $0x400, $0x38;
	[tilespmem:$0x19100] =	vst v63  }
.LBB2_17:
0x48f: {  	_ =	sfence.sel $0x180000  }
0x490: {  	[bflag:$0x0] =	sbarrier.arrive $0xFFFF  }
0x491: {  	_ =	strace $0x90000047  }
0x492: {  	s0 =	stileid.u32;
	[bflag:$0x2] =	sbarrier.arrive $0xFFFF  }
0x493: {  	p0 =	sne.s32 s0, $0x0;
	s0 =	rddreg [dreg:$0x3]  }
0x494: {  	s0 =	sadd.s32 @!p0 $0x100000, s0  }
0x495: {  	[sflag:s0] =	ssyncadd.tile.s32 @!p0 $0x1;
	_ =	shalt  }
.Lfunc_end2:
_tile_overlayer_lowered:
.L_overlay_start_2:
0x496: {  	(tag) =	ssettag $0x2  }
0x497: {  	s0 =	rddreg [dreg:$0x0];
	s2 =	stileid.u32  }
0x498: {  	s1 =	rddreg [dreg:$0x1];
	p0 =	sne.s32 s2, $0x0  }
0x499: {  	s3 =	rddreg [dreg:$0x2];
	[bflag:$0x3] =	sbarrier.arrive $0xFFFF;
	s2 =	simm.s32 @!p0 $0x1C0B  }
0x49a: {  	[timem:s3], [sflag:s2] =	dma.local @!p0 [hbm:s0], s1  }
0x49b: {  	s0 =	simm.s32 @!p0 $0xB  }
0x49c: {  	_ =	swait.ge @!p0 [sflag:s0], s1  }
0x49d: {  	s1 =	ssub.s32 @!p0 $0x0, s1;
	[sflag:s0] =	ssyncset.done @!p0 $0x0  }
0x49e: {  	[sflag:s0] =	ssyncadd.s32 @!p0 s1  }
0x49f: {  	[bflag:$0x3] =	sbarrier.arrive $0xFFFF  }
0x4a0: {  	_ =	shalt  }

</sc_bundles>
